<compile_context>
chip_gen: v7x
topology: tpu7x:2x2x1
jax: 0.10.2.dev20260603
libtpu: 0.0.44.dev20260713+nightly
codegen_flags: <defaults>
</compile_context>

<pallas_src>
import functools

import jax
import jax.numpy as jnp
from jax import lax
from jax.experimental import pallas as pl
from jax.experimental.pallas import tpu as pltpu
from jax.experimental.pallas import tpu_sc as plsc

N_NODES = 10000
N_EDGES = 320000
D = 128
N_CLASS = 10

NC = 2
NS = 16
NW = NC * NS

NPAD = 10240
ROWS_PER_SUB = NPAD // NS
CHUNK = 128
CH_PER_W = 80
EROWS = NW * CH_PER_W
EPAD = EROWS * CHUNK
DH = D // 2
G = 8

_MESH = dict(core_axis_name="c", subcore_axis_name="s")


def _sc_degrees(edges3, ones8, zeros8):
    @functools.partial(
        pl.kernel,
        out_type=jax.ShapeDtypeStruct((NC, 2, NPAD, 8), jnp.float32),
        mesh=plsc.VectorSubcoreMesh(**_MESH),
        compiler_params=pltpu.CompilerParams(use_tc_tiling_on_sc=False),
        scratch_types=(
            [pltpu.VMEM((2, CHUNK), jnp.int32) for _ in range(G)]
            + [
                pltpu.VMEM((CHUNK, 8), jnp.float32),
                pltpu.VMEM((ROWS_PER_SUB, 8), jnp.float32),
                pltpu.VMEM_SHARED((NPAD, 8), jnp.float32),
                pltpu.VMEM_SHARED((NPAD, 8), jnp.float32),
                pltpu.SemaphoreType.DMA,
                pltpu.SemaphoreType.DMA,
            ]
        ),
    )
    def deg_kernel(edg_h, ones_h, zer_h, out_h, *scr):
        idx = scr[0:G]
        ones_v, zer_v, acc_s, acc_d, sem_i, sem_p = scr[G:]
        c = lax.axis_index("c")
        s = lax.axis_index("s")
        wid = s * NC + c
        pltpu.sync_copy(zer_h, zer_v)
        pltpu.sync_copy(zer_v, acc_s.at[pl.ds(s * ROWS_PER_SUB, ROWS_PER_SUB)])
        pltpu.sync_copy(zer_v, acc_d.at[pl.ds(s * ROWS_PER_SUB, ROWS_PER_SUB)])
        pltpu.sync_copy(ones_h, ones_v)
        plsc.subcore_barrier()

        def body(i, carry):
            base = wid * CH_PER_W + i * G
            loads = [
                pltpu.async_copy(edg_h.at[base + j], idx[j], sem_i)
                for j in range(G)
            ]
            for d in loads:
                d.wait()
            puts = []
            for j in range(G):
                puts.append(
                    pltpu.async_copy(ones_v, acc_s.at[idx[j].at[0]], sem_p,
                                     add=True))
                puts.append(
                    pltpu.async_copy(ones_v, acc_d.at[idx[j].at[1]], sem_p,
                                     add=True))
            for d in puts:
                d.wait()
            return carry

        lax.fori_loop(0, CH_PER_W // G, body, 0)
        plsc.subcore_barrier()
        sl = pl.ds(s * ROWS_PER_SUB, ROWS_PER_SUB)
        pltpu.sync_copy(acc_s.at[sl], out_h.at[c, 0, sl])
        pltpu.sync_copy(acc_d.at[sl], out_h.at[c, 1, sl])

    return deg_kernel(edges3, ones8, zeros8)


RPS = EROWS // NS


def _sc_scatter(h, edges3, zerosD):
    @functools.partial(
        pl.kernel,
        out_type=jax.ShapeDtypeStruct((NPAD, D), jnp.float32),
        mesh=plsc.VectorSubcoreMesh(**_MESH),
        compiler_params=pltpu.CompilerParams(use_tc_tiling_on_sc=False),
        scratch_types=(
            [pltpu.VMEM((2, CHUNK), jnp.int32) for _ in range(G)]
            + [pltpu.VMEM((CHUNK,), jnp.int32) for _ in range(G)]
            + [pltpu.VMEM((CHUNK, DH), jnp.float32) for _ in range(G)]
            + [
                pltpu.VMEM((CHUNK, DH), jnp.float32),
                pltpu.VMEM_SHARED((NPAD, DH), jnp.float32),
                pltpu.SemaphoreType.DMA,
                pltpu.SemaphoreType.DMA,
            ]
            + [pltpu.SemaphoreType.DMA for _ in range(G)]
        ),
    )
    def mp_kernel(h_h, edg_h, zer_h, out_h, *scr):
        idx = scr[0:G]
        idx2 = scr[G:2 * G]
        rows = scr[2 * G:3 * G]
        zer_v = scr[3 * G]
        acc = scr[3 * G + 1]
        sem_i = scr[3 * G + 2]
        sem_p = scr[3 * G + 3]
        sem_g = scr[3 * G + 4:3 * G + 4 + G]
        c = lax.axis_index("c")
        s = lax.axis_index("s")
        pltpu.sync_copy(zer_h, zer_v)
        for k in range(ROWS_PER_SUB // CHUNK):
            pltpu.sync_copy(
                zer_v, acc.at[pl.ds(s * ROWS_PER_SUB + k * CHUNK, CHUNK)])
        plsc.subcore_barrier()

        def body(i, carry):
            base = s * RPS + i * G
            loads = [
                pltpu.async_copy(edg_h.at[base + j], idx[j], sem_i)
                for j in range(G)
            ]
            for d in loads:
                d.wait()
            for j in range(G):
                for k in range(CHUNK // 16):
                    sl16 = pl.ds(k * 16, 16)
                    idx2[j][sl16] = idx[j][0, sl16] * 2 + c
            gets = [
                pltpu.async_copy(h_h.at[idx2[j]], rows[j], sem_g[j])
                for j in range(G)
            ]
            puts = []
            for j in range(G):
                gets[j].wait()
                puts.append(
                    pltpu.async_copy(
                        rows[j], acc.at[idx[j].at[1]], sem_p, add=True))
            for d in puts:
                d.wait()
            return carry

        lax.fori_loop(0, RPS // G, body, 0)
        plsc.subcore_barrier()
        sl = pl.ds(s * ROWS_PER_SUB, ROWS_PER_SUB)
        pltpu.sync_copy(acc.at[sl], out_h.at[sl, pl.ds(c * DH, DH)])

    return mp_kernel(h, edges3, zerosD)


_BLK = 1024
_GRID = NPAD // _BLK


def _norms(degp_blk):
    d_out = degp_blk[0, 0] + degp_blk[1, 0]
    d_in = degp_blk[0, 1] + degp_blk[1, 1]
    n_src = lax.rsqrt(jnp.where(d_out > 0.0, d_out, 1.0))[:, 0:1]
    n_dst = lax.rsqrt(jnp.where(d_in > 0.0, d_in, 1.0))[:, 0:1]
    return n_src, n_dst


def _tc_scale(featsp, degp):
    def body(f_ref, dg_ref, o_ref, ns_ref, nd_ref):
        n_src, n_dst = _norms(dg_ref[...])
        o_ref[...] = f_ref[...] * n_src
        ns_ref[...] = jnp.broadcast_to(n_src, (_BLK, D))
        nd_ref[...] = jnp.broadcast_to(n_dst, (_BLK, D))

    return pl.pallas_call(
        body,
        grid=(_GRID,),
        in_specs=[
            pl.BlockSpec((_BLK, D), lambda i: (i, 0)),
            pl.BlockSpec((NC, 2, _BLK, 8), lambda i: (0, 0, i, 0)),
        ],
        out_specs=[pl.BlockSpec((_BLK, D), lambda i: (i, 0))] * 3,
        out_shape=[jax.ShapeDtypeStruct((NPAD, D), jnp.float32)] * 3,
    )(featsp, degp)


def _tc_layer(part, nsrc, ndst, W, b):
    def body(p_ref, ns_ref, nd_ref, w_ref, b_ref, o_ref):
        i = pl.program_id(0)
        agg = p_ref[...] * nd_ref[...]
        h = jnp.dot(agg, w_ref[...], preferred_element_type=jnp.float32)
        h = jnp.maximum(h + b_ref[...], 0.0)
        rows = i * _BLK + lax.broadcasted_iota(jnp.int32, (_BLK, 1), 0)
        h = jnp.where(rows < N_NODES, h, 0.0)
        o_ref[...] = h * ns_ref[...]

    return pl.pallas_call(
        body,
        grid=(_GRID,),
        in_specs=[
            pl.BlockSpec((_BLK, D), lambda i: (i, 0)),
            pl.BlockSpec((_BLK, D), lambda i: (i, 0)),
            pl.BlockSpec((_BLK, D), lambda i: (i, 0)),
            pl.BlockSpec((D, D), lambda i: (0, 0)),
            pl.BlockSpec((1, D), lambda i: (0, 0)),
        ],
        out_specs=pl.BlockSpec((_BLK, D), lambda i: (i, 0)),
        out_shape=jax.ShapeDtypeStruct((NPAD, D), jnp.float32),
    )(part, nsrc, ndst, W, b)


def _tc_final(part, ndst, W, b, Wf1, bf1, Wf2, bf2):
    def body(p_ref, nd_ref, w_ref, b_ref, w1_ref, b1_ref, w2_ref, b2_ref,
             o_ref, acc_ref):
        i = pl.program_id(0)
        agg = p_ref[...] * nd_ref[...]
        h = jnp.dot(agg, w_ref[...], preferred_element_type=jnp.float32)
        h = jnp.maximum(h + b_ref[...], 0.0)
        rows = i * _BLK + lax.broadcasted_iota(jnp.int32, (_BLK, 1), 0)
        h = jnp.where(rows < N_NODES, h, 0.0)

        @pl.when(i == 0)
        def _():
            acc_ref[...] = jnp.zeros_like(acc_ref)
            o_ref[...] = jnp.zeros_like(o_ref)

        acc_ref[...] += jnp.sum(h, axis=0, keepdims=True)

        @pl.when(i == _GRID - 1)
        def _():
            g = acc_ref[...] * (1.0 / N_NODES)
            x = jnp.dot(g, w1_ref[...], preferred_element_type=jnp.float32)
            x = jnp.maximum(x + b1_ref[...], 0.0)
            l = jnp.dot(x, w2_ref[...], preferred_element_type=jnp.float32)
            l = l + b2_ref[...]
            m = jnp.max(l, axis=1, keepdims=True)
            e = jnp.exp(l - m)
            o_ref[...] = e / jnp.sum(e, axis=1, keepdims=True)

    return pl.pallas_call(
        body,
        grid=(_GRID,),
        in_specs=[
            pl.BlockSpec((_BLK, D), lambda i: (i, 0)),
            pl.BlockSpec((_BLK, D), lambda i: (i, 0)),
            pl.BlockSpec((D, D), lambda i: (0, 0)),
            pl.BlockSpec((1, D), lambda i: (0, 0)),
            pl.BlockSpec((D, N_CLASS), lambda i: (0, 0)),
            pl.BlockSpec((1, N_CLASS), lambda i: (0, 0)),
            pl.BlockSpec((N_CLASS, N_CLASS), lambda i: (0, 0)),
            pl.BlockSpec((1, N_CLASS), lambda i: (0, 0)),
        ],
        out_specs=pl.BlockSpec((1, N_CLASS), lambda i: (0, 0)),
        out_shape=jax.ShapeDtypeStruct((1, N_CLASS), jnp.float32),
        scratch_shapes=[pltpu.VMEM((1, D), jnp.float32)],
    )(part, ndst, W, b, Wf1, bf1, Wf2, bf2)


def kernel(feats, edge_index, W1, b1, W2, b2, Wf1, bf1, Wf2, bf2):
    src = edge_index[0].astype(jnp.int32)
    dst = edge_index[1].astype(jnp.int32)
    pad = N_NODES + jnp.arange(EPAD - N_EDGES, dtype=jnp.int32) % (
        NPAD - N_NODES)
    src2 = jnp.concatenate([src, pad]).reshape(EROWS, CHUNK)
    dst2 = jnp.concatenate([dst, pad]).reshape(EROWS, CHUNK)
    edges3 = jnp.stack([src2, dst2], axis=1)
    featsp = jnp.pad(feats, ((0, NPAD - N_NODES), (0, 0)))

    ones8 = jnp.ones((CHUNK, 8), jnp.float32)
    zeros8 = jnp.zeros((ROWS_PER_SUB, 8), jnp.float32)
    zerosD = jnp.zeros((CHUNK, DH), jnp.float32)

    degp = _sc_degrees(edges3, ones8, zeros8)
    h0s, nsrc, ndst = _tc_scale(featsp, degp)
    p1 = _sc_scatter(h0s.reshape(2 * NPAD, DH), edges3, zerosD)
    h1s = _tc_layer(p1, nsrc, ndst, W1, b1.reshape(1, D))
    p2 = _sc_scatter(h1s.reshape(2 * NPAD, DH), edges3, zerosD)
    return _tc_final(p2, ndst, W2, b2.reshape(1, D),
                     Wf1, bf1.reshape(1, N_CLASS), Wf2,
                     bf2.reshape(1, N_CLASS))

# --- scband reference (transcript-rebuilt; emitter-appended) ---
"""Pipeline reference for scband-model-16045997818200 (READ-ONLY COPY).

The authoritative reference and input builder live on the scoring server;
editing this copy changes nothing except your own understanding.
"""

import jax, jax.numpy as jnp
import numpy as np

N_NODES = 10000
N_EDGES = 320000
D_IN = 128
D_H = 128
D_OUT = 128
N_CLASS = 10


def graph_conv(x, src, dst, W, b):
    # DGL GraphConv with norm='both': symmetric degree normalization
    ones = jnp.ones((src.shape[0],), dtype=x.dtype)
    deg_out = jax.ops.segment_sum(ones, src, num_segments=N_NODES)
    deg_in = jax.ops.segment_sum(ones, dst, num_segments=N_NODES)
    norm_src = jnp.where(deg_out > 0, deg_out, 1.0) ** -0.5
    norm_dst = jnp.where(deg_in > 0, deg_in, 1.0) ** -0.5
    h = x * norm_src[:, None]
    msgs = jnp.take(h, src, axis=0)
    agg = jax.ops.segment_sum(msgs, dst, num_segments=N_NODES)
    h = agg * norm_dst[:, None]
    return h @ W + b


def setup_inputs(seed: int = 0) -> dict:
    key = jax.random.key(seed)
    ks = jax.random.split(key, 12)
    feats = jax.random.normal(ks[0], (N_NODES, D_IN), dtype=jnp.float32)
    edge_index = jax.random.randint(ks[1], (2, N_EDGES), 0, N_NODES, dtype=jnp.int32)
    W1 = jax.random.normal(ks[2], (D_IN, D_H), dtype=jnp.float32) * 0.05
    b1 = jnp.zeros((D_H,), dtype=jnp.float32)
    W2 = jax.random.normal(ks[3], (D_H, D_OUT), dtype=jnp.float32) * 0.05
    b2 = jnp.zeros((D_OUT,), dtype=jnp.float32)
    Wf1 = jax.random.normal(ks[4], (D_OUT, 10), dtype=jnp.float32) * 0.05
    bf1 = jnp.zeros((10,), dtype=jnp.float32)
    Wf2 = jax.random.normal(ks[5], (10, N_CLASS), dtype=jnp.float32) * 0.05
    bf2 = jnp.zeros((N_CLASS,), dtype=jnp.float32)
    return {"feats": feats, "edge_index": edge_index, "W1": W1, "b1": b1,
            "W2": W2, "b2": b2, "Wf1": Wf1, "bf1": bf1, "Wf2": Wf2, "bf2": bf2}


def reference(feats, edge_index, W1, b1, W2, b2, Wf1, bf1, Wf2, bf2):
    src = edge_index[0]
    dst = edge_index[1]
    # GCN: two GraphConv layers with ReLU, then mean over all nodes (dgl.mean_nodes, single graph)
    h = jax.nn.relu(graph_conv(feats, src, dst, W1, b1))
    h = jax.nn.relu(graph_conv(h, src, dst, W2, b2))
    g_readout = jnp.mean(h, axis=0, keepdims=True)  # [1, D_OUT]
    # MLP head
    x = jax.nn.relu(g_readout @ Wf1 + bf1)
    out = jax.nn.softmax(x @ Wf2 + bf2, axis=1)
    return out

if __name__ == "__main__":
    import jax
    _d = setup_inputs()
    print(jax.jit(kernel)(*tuple(_d.values())))

</pallas_src>

<mosaic_0001>
#map = affine_map<(d0, d1) -> (0, 0)>
#map1 = affine_map<(d0, d1) -> (0, 0, 0)>
module attributes {stable_mosaic.version = 14 : i64} {
  func.func @mp_kernel(%arg0: i32, %arg1: i32, %arg2: memref<20480x64xf32, #tpu.memory_space<hbm>>, %arg3: memref<2560x2x128xi32, #tpu.memory_space<hbm>>, %arg4: memref<128x64xf32, #tpu.memory_space<hbm>>, %arg5: memref<10240x128xf32, #tpu.memory_space<hbm>>, %arg6: memref<2x128xi32, #tpu.memory_space<vmem>>, %arg7: memref<2x128xi32, #tpu.memory_space<vmem>>, %arg8: memref<2x128xi32, #tpu.memory_space<vmem>>, %arg9: memref<2x128xi32, #tpu.memory_space<vmem>>, %arg10: memref<2x128xi32, #tpu.memory_space<vmem>>, %arg11: memref<2x128xi32, #tpu.memory_space<vmem>>, %arg12: memref<2x128xi32, #tpu.memory_space<vmem>>, %arg13: memref<2x128xi32, #tpu.memory_space<vmem>>, %arg14: memref<128xi32, #tpu.memory_space<vmem>>, %arg15: memref<128xi32, #tpu.memory_space<vmem>>, %arg16: memref<128xi32, #tpu.memory_space<vmem>>, %arg17: memref<128xi32, #tpu.memory_space<vmem>>, %arg18: memref<128xi32, #tpu.memory_space<vmem>>, %arg19: memref<128xi32, #tpu.memory_space<vmem>>, %arg20: memref<128xi32, #tpu.memory_space<vmem>>, %arg21: memref<128xi32, #tpu.memory_space<vmem>>, %arg22: memref<128x64xf32, #tpu.memory_space<vmem>>, %arg23: memref<128x64xf32, #tpu.memory_space<vmem>>, %arg24: memref<128x64xf32, #tpu.memory_space<vmem>>, %arg25: memref<128x64xf32, #tpu.memory_space<vmem>>, %arg26: memref<128x64xf32, #tpu.memory_space<vmem>>, %arg27: memref<128x64xf32, #tpu.memory_space<vmem>>, %arg28: memref<128x64xf32, #tpu.memory_space<vmem>>, %arg29: memref<128x64xf32, #tpu.memory_space<vmem>>, %arg30: memref<128x64xf32, #tpu.memory_space<vmem>>, %arg31: memref<10240x64xf32, #tpu.memory_space<vmem_shared>>, %arg32: memref<!tpu.dma_semaphore, #tpu.memory_space<semaphore_mem>>, %arg33: memref<!tpu.dma_semaphore, #tpu.memory_space<semaphore_mem>>, %arg34: memref<!tpu.dma_semaphore, #tpu.memory_space<semaphore_mem>>, %arg35: memref<!tpu.dma_semaphore, #tpu.memory_space<semaphore_mem>>, %arg36: memref<!tpu.dma_semaphore, #tpu.memory_space<semaphore_mem>>, %arg37: memref<!tpu.dma_semaphore, #tpu.memory_space<semaphore_mem>>, %arg38: memref<!tpu.dma_semaphore, #tpu.memory_space<semaphore_mem>>, %arg39: memref<!tpu.dma_semaphore, #tpu.memory_space<semaphore_mem>>, %arg40: memref<!tpu.dma_semaphore, #tpu.memory_space<semaphore_mem>>, %arg41: memref<!tpu.dma_semaphore, #tpu.memory_space<semaphore_mem>>) attributes {dimension_semantics = [#tpu.dimension_semantics<core_parallel>, #tpu.dimension_semantics<subcore_parallel>], iteration_bounds = array<i64: 2, 16>, scalar_prefetch = 0 : i64, scratch_operands = 36 : i64, tpu.core_type = #tpu.core_type<sc_vector_subcore>, window_params = [{transform_indices = #map}, {transform_indices = #map1}, {transform_indices = #map}, {transform_indices = #map}]} {
    "tpu.region"() ({
      %run_scoped3A = tpu.sem_alloc : memref<!tpu.dma_semaphore, #tpu.memory_space<semaphore_mem>>
      tpu.enqueue_dma source(%arg4 : memref<128x64xf32, #tpu.memory_space<hbm>>) target(%arg30 : memref<128x64xf32, #tpu.memory_space<vmem>>) target_semaphore(%run_scoped3A : memref<!tpu.dma_semaphore, #tpu.memory_space<semaphore_mem>>)
      tpu.wait_dma2 semaphore(%run_scoped3A : memref<!tpu.dma_semaphore, #tpu.memory_space<semaphore_mem>>) src(%arg4 : memref<128x64xf32, #tpu.memory_space<hbm>>) dst(%arg30 : memref<128x64xf32, #tpu.memory_space<vmem>>)
      tpu.yield
    }) : () -> ()
    %mul3A = arith.constant 640 : i32
    %mul3A_0 = arith.muli %arg1, %mul3A : i32
    %add3A = arith.constant 0 : i32
    %add3A_1 = arith.addi %mul3A_0, %add3A : i32
    "tpu.region"() ({
      %run_scoped3A = tpu.sem_alloc : memref<!tpu.dma_semaphore, #tpu.memory_space<semaphore_mem>>
      %dma_start3A = arith.constant 0 : i32
      %dma_start3A_28 = tpu.memref_slice %arg31[%add3A_1, %dma_start3A] : memref<10240x64xf32, #tpu.memory_space<vmem_shared>> -> memref<128x64xf32, #tpu.memory_space<vmem_shared>>
      %dma_start3A_29 = arith.constant 0 : i32
      %dma_start3A_30 = tpu.memref_slice %arg31[%add3A_1, %dma_start3A_29] : memref<10240x64xf32, #tpu.memory_space<vmem_shared>> -> memref<128x64xf32, #tpu.memory_space<vmem_shared>>
      tpu.enqueue_dma source(%arg30 : memref<128x64xf32, #tpu.memory_space<vmem>>) target(%dma_start3A_30 : memref<128x64xf32, #tpu.memory_space<vmem_shared>>) target_semaphore(%run_scoped3A : memref<!tpu.dma_semaphore, #tpu.memory_space<semaphore_mem>>)
      %dma_wait3A = arith.constant 0 : i32
      %dma_wait3A_31 = tpu.memref_slice %arg31[%add3A_1, %dma_wait3A] : memref<10240x64xf32, #tpu.memory_space<vmem_shared>> -> memref<128x64xf32, #tpu.memory_space<vmem_shared>>
      %dma_wait3A_32 = arith.constant 0 : i32
      %dma_wait3A_33 = tpu.memref_slice %arg31[%add3A_1, %dma_wait3A_32] : memref<10240x64xf32, #tpu.memory_space<vmem_shared>> -> memref<128x64xf32, #tpu.memory_space<vmem_shared>>
      tpu.wait_dma2 semaphore(%run_scoped3A : memref<!tpu.dma_semaphore, #tpu.memory_space<semaphore_mem>>) src(%arg30 : memref<128x64xf32, #tpu.memory_space<vmem>>) dst(%dma_wait3A_33 : memref<128x64xf32, #tpu.memory_space<vmem_shared>>)
      tpu.yield
    }) : () -> ()
    %mul3A_2 = arith.constant 640 : i32
    %mul3A_3 = arith.muli %arg1, %mul3A_2 : i32
    %add3A_4 = arith.constant 128 : i32
    %add3A_5 = arith.addi %mul3A_3, %add3A_4 : i32
    "tpu.region"() ({
      %run_scoped3A = tpu.sem_alloc : memref<!tpu.dma_semaphore, #tpu.memory_space<semaphore_mem>>
      %dma_start3A = arith.constant 0 : i32
      %dma_start3A_28 = tpu.memref_slice %arg31[%add3A_5, %dma_start3A] : memref<10240x64xf32, #tpu.memory_space<vmem_shared>> -> memref<128x64xf32, #tpu.memory_space<vmem_shared>>
      %dma_start3A_29 = arith.constant 0 : i32
      %dma_start3A_30 = tpu.memref_slice %arg31[%add3A_5, %dma_start3A_29] : memref<10240x64xf32, #tpu.memory_space<vmem_shared>> -> memref<128x64xf32, #tpu.memory_space<vmem_shared>>
      tpu.enqueue_dma source(%arg30 : memref<128x64xf32, #tpu.memory_space<vmem>>) target(%dma_start3A_30 : memref<128x64xf32, #tpu.memory_space<vmem_shared>>) target_semaphore(%run_scoped3A : memref<!tpu.dma_semaphore, #tpu.memory_space<semaphore_mem>>)
      %dma_wait3A = arith.constant 0 : i32
      %dma_wait3A_31 = tpu.memref_slice %arg31[%add3A_5, %dma_wait3A] : memref<10240x64xf32, #tpu.memory_space<vmem_shared>> -> memref<128x64xf32, #tpu.memory_space<vmem_shared>>
      %dma_wait3A_32 = arith.constant 0 : i32
      %dma_wait3A_33 = tpu.memref_slice %arg31[%add3A_5, %dma_wait3A_32] : memref<10240x64xf32, #tpu.memory_space<vmem_shared>> -> memref<128x64xf32, #tpu.memory_space<vmem_shared>>
      tpu.wait_dma2 semaphore(%run_scoped3A : memref<!tpu.dma_semaphore, #tpu.memory_space<semaphore_mem>>) src(%arg30 : memref<128x64xf32, #tpu.memory_space<vmem>>) dst(%dma_wait3A_33 : memref<128x64xf32, #tpu.memory_space<vmem_shared>>)
      tpu.yield
    }) : () -> ()
    %mul3A_6 = arith.constant 640 : i32
    %mul3A_7 = arith.muli %arg1, %mul3A_6 : i32
    %add3A_8 = arith.constant 256 : i32
    %add3A_9 = arith.addi %mul3A_7, %add3A_8 : i32
    "tpu.region"() ({
      %run_scoped3A = tpu.sem_alloc : memref<!tpu.dma_semaphore, #tpu.memory_space<semaphore_mem>>
      %dma_start3A = arith.constant 0 : i32
      %dma_start3A_28 = tpu.memref_slice %arg31[%add3A_9, %dma_start3A] : memref<10240x64xf32, #tpu.memory_space<vmem_shared>> -> memref<128x64xf32, #tpu.memory_space<vmem_shared>>
      %dma_start3A_29 = arith.constant 0 : i32
      %dma_start3A_30 = tpu.memref_slice %arg31[%add3A_9, %dma_start3A_29] : memref<10240x64xf32, #tpu.memory_space<vmem_shared>> -> memref<128x64xf32, #tpu.memory_space<vmem_shared>>
      tpu.enqueue_dma source(%arg30 : memref<128x64xf32, #tpu.memory_space<vmem>>) target(%dma_start3A_30 : memref<128x64xf32, #tpu.memory_space<vmem_shared>>) target_semaphore(%run_scoped3A : memref<!tpu.dma_semaphore, #tpu.memory_space<semaphore_mem>>)
      %dma_wait3A = arith.constant 0 : i32
      %dma_wait3A_31 = tpu.memref_slice %arg31[%add3A_9, %dma_wait3A] : memref<10240x64xf32, #tpu.memory_space<vmem_shared>> -> memref<128x64xf32, #tpu.memory_space<vmem_shared>>
      %dma_wait3A_32 = arith.constant 0 : i32
      %dma_wait3A_33 = tpu.memref_slice %arg31[%add3A_9, %dma_wait3A_32] : memref<10240x64xf32, #tpu.memory_space<vmem_shared>> -> memref<128x64xf32, #tpu.memory_space<vmem_shared>>
      tpu.wait_dma2 semaphore(%run_scoped3A : memref<!tpu.dma_semaphore, #tpu.memory_space<semaphore_mem>>) src(%arg30 : memref<128x64xf32, #tpu.memory_space<vmem>>) dst(%dma_wait3A_33 : memref<128x64xf32, #tpu.memory_space<vmem_shared>>)
      tpu.yield
    }) : () -> ()
    %mul3A_10 = arith.constant 640 : i32
    %mul3A_11 = arith.muli %arg1, %mul3A_10 : i32
    %add3A_12 = arith.constant 384 : i32
    %add3A_13 = arith.addi %mul3A_11, %add3A_12 : i32
    "tpu.region"() ({
      %run_scoped3A = tpu.sem_alloc : memref<!tpu.dma_semaphore, #tpu.memory_space<semaphore_mem>>
      %dma_start3A = arith.constant 0 : i32
      %dma_start3A_28 = tpu.memref_slice %arg31[%add3A_13, %dma_start3A] : memref<10240x64xf32, #tpu.memory_space<vmem_shared>> -> memref<128x64xf32, #tpu.memory_space<vmem_shared>>
      %dma_start3A_29 = arith.constant 0 : i32
      %dma_start3A_30 = tpu.memref_slice %arg31[%add3A_13, %dma_start3A_29] : memref<10240x64xf32, #tpu.memory_space<vmem_shared>> -> memref<128x64xf32, #tpu.memory_space<vmem_shared>>
      tpu.enqueue_dma source(%arg30 : memref<128x64xf32, #tpu.memory_space<vmem>>) target(%dma_start3A_30 : memref<128x64xf32, #tpu.memory_space<vmem_shared>>) target_semaphore(%run_scoped3A : memref<!tpu.dma_semaphore, #tpu.memory_space<semaphore_mem>>)
      %dma_wait3A = arith.constant 0 : i32
      %dma_wait3A_31 = tpu.memref_slice %arg31[%add3A_13, %dma_wait3A] : memref<10240x64xf32, #tpu.memory_space<vmem_shared>> -> memref<128x64xf32, #tpu.memory_space<vmem_shared>>
      %dma_wait3A_32 = arith.constant 0 : i32
      %dma_wait3A_33 = tpu.memref_slice %arg31[%add3A_13, %dma_wait3A_32] : memref<10240x64xf32, #tpu.memory_space<vmem_shared>> -> memref<128x64xf32, #tpu.memory_space<vmem_shared>>
      tpu.wait_dma2 semaphore(%run_scoped3A : memref<!tpu.dma_semaphore, #tpu.memory_space<semaphore_mem>>) src(%arg30 : memref<128x64xf32, #tpu.memory_space<vmem>>) dst(%dma_wait3A_33 : memref<128x64xf32, #tpu.memory_space<vmem_shared>>)
      tpu.yield
    }) : () -> ()
    %mul3A_14 = arith.constant 640 : i32
    %mul3A_15 = arith.muli %arg1, %mul3A_14 : i32
    %add3A_16 = arith.constant 512 : i32
    %add3A_17 = arith.addi %mul3A_15, %add3A_16 : i32
    "tpu.region"() ({
      %run_scoped3A = tpu.sem_alloc : memref<!tpu.dma_semaphore, #tpu.memory_space<semaphore_mem>>
      %dma_start3A = arith.constant 0 : i32
      %dma_start3A_28 = tpu.memref_slice %arg31[%add3A_17, %dma_start3A] : memref<10240x64xf32, #tpu.memory_space<vmem_shared>> -> memref<128x64xf32, #tpu.memory_space<vmem_shared>>
      %dma_start3A_29 = arith.constant 0 : i32
      %dma_start3A_30 = tpu.memref_slice %arg31[%add3A_17, %dma_start3A_29] : memref<10240x64xf32, #tpu.memory_space<vmem_shared>> -> memref<128x64xf32, #tpu.memory_space<vmem_shared>>
      tpu.enqueue_dma source(%arg30 : memref<128x64xf32, #tpu.memory_space<vmem>>) target(%dma_start3A_30 : memref<128x64xf32, #tpu.memory_space<vmem_shared>>) target_semaphore(%run_scoped3A : memref<!tpu.dma_semaphore, #tpu.memory_space<semaphore_mem>>)
      %dma_wait3A = arith.constant 0 : i32
      %dma_wait3A_31 = tpu.memref_slice %arg31[%add3A_17, %dma_wait3A] : memref<10240x64xf32, #tpu.memory_space<vmem_shared>> -> memref<128x64xf32, #tpu.memory_space<vmem_shared>>
      %dma_wait3A_32 = arith.constant 0 : i32
      %dma_wait3A_33 = tpu.memref_slice %arg31[%add3A_17, %dma_wait3A_32] : memref<10240x64xf32, #tpu.memory_space<vmem_shared>> -> memref<128x64xf32, #tpu.memory_space<vmem_shared>>
      tpu.wait_dma2 semaphore(%run_scoped3A : memref<!tpu.dma_semaphore, #tpu.memory_space<semaphore_mem>>) src(%arg30 : memref<128x64xf32, #tpu.memory_space<vmem>>) dst(%dma_wait3A_33 : memref<128x64xf32, #tpu.memory_space<vmem_shared>>)
      tpu.yield
    }) : () -> ()
    %barrier3A = arith.constant 0 : index
    tpu.barrier barrier_id(%barrier3A)
    %scan3A = arith.constant 0 : i32
    %scan3A_18 = arith.constant 0 : i32
    %scan3A_19 = arith.constant 20 : i32
    %scan3A_20 = arith.addi %scan3A_18, %scan3A_19 : i32
    %scan3A_21 = arith.constant 1 : i32
    scf.for %scan3A_28 = %scan3A_18 to %scan3A_20 step %scan3A_21  : i32 {
      %mul3A_29 = arith.constant 160 : i32
      %mul3A_30 = arith.muli %arg1, %mul3A_29 : i32
      %mul3A_31 = arith.constant 8 : i32
      %mul3A_32 = arith.muli %scan3A_28, %mul3A_31 : i32
      %add3A_33 = arith.addi %mul3A_30, %mul3A_32 : i32
      %add3A_34 = arith.constant 0 : i32
      %add3A_35 = arith.addi %add3A_33, %add3A_34 : i32
      %dma_start3A = arith.constant 0 : i32
      %dma_start3A_36 = arith.constant 0 : i32
      %dma_start3A_37 = tpu.memref_slice %arg3[%add3A_35, %dma_start3A, %dma_start3A_36] : memref<2560x2x128xi32, #tpu.memory_space<hbm>> -> memref<1x2x128xi32, #tpu.memory_space<hbm>>
      %dma_start3A_38 = tpu.memref_squeeze %dma_start3A_37 : memref<1x2x128xi32, #tpu.memory_space<hbm>> -> memref<2x128xi32, #tpu.memory_space<hbm>>
      %dma_start3A_39 = arith.constant 0 : i32
      %dma_start3A_40 = arith.constant 0 : i32
      %dma_start3A_41 = tpu.memref_slice %arg3[%add3A_35, %dma_start3A_39, %dma_start3A_40] : memref<2560x2x128xi32, #tpu.memory_space<hbm>> -> memref<1x2x128xi32, #tpu.memory_space<hbm>>
      %dma_start3A_42 = tpu.memref_squeeze %dma_start3A_41 : memref<1x2x128xi32, #tpu.memory_space<hbm>> -> memref<2x128xi32, #tpu.memory_space<hbm>>
      tpu.enqueue_dma source(%dma_start3A_42 : memref<2x128xi32, #tpu.memory_space<hbm>>) target(%arg6 : memref<2x128xi32, #tpu.memory_space<vmem>>) target_semaphore(%arg32 : memref<!tpu.dma_semaphore, #tpu.memory_space<semaphore_mem>>)
      %add3A_43 = arith.constant 1 : i32
      %add3A_44 = arith.addi %add3A_33, %add3A_43 : i32
      %dma_start3A_45 = arith.constant 0 : i32
      %dma_start3A_46 = arith.constant 0 : i32
      %dma_start3A_47 = tpu.memref_slice %arg3[%add3A_44, %dma_start3A_45, %dma_start3A_46] : memref<2560x2x128xi32, #tpu.memory_space<hbm>> -> memref<1x2x128xi32, #tpu.memory_space<hbm>>
      %dma_start3A_48 = tpu.memref_squeeze %dma_start3A_47 : memref<1x2x128xi32, #tpu.memory_space<hbm>> -> memref<2x128xi32, #tpu.memory_space<hbm>>
      %dma_start3A_49 = arith.constant 0 : i32
      %dma_start3A_50 = arith.constant 0 : i32
      %dma_start3A_51 = tpu.memref_slice %arg3[%add3A_44, %dma_start3A_49, %dma_start3A_50] : memref<2560x2x128xi32, #tpu.memory_space<hbm>> -> memref<1x2x128xi32, #tpu.memory_space<hbm>>
      %dma_start3A_52 = tpu.memref_squeeze %dma_start3A_51 : memref<1x2x128xi32, #tpu.memory_space<hbm>> -> memref<2x128xi32, #tpu.memory_space<hbm>>
      tpu.enqueue_dma source(%dma_start3A_52 : memref<2x128xi32, #tpu.memory_space<hbm>>) target(%arg7 : memref<2x128xi32, #tpu.memory_space<vmem>>) target_semaphore(%arg32 : memref<!tpu.dma_semaphore, #tpu.memory_space<semaphore_mem>>)
      %add3A_53 = arith.constant 2 : i32
      %add3A_54 = arith.addi %add3A_33, %add3A_53 : i32
      %dma_start3A_55 = arith.constant 0 : i32
      %dma_start3A_56 = arith.constant 0 : i32
      %dma_start3A_57 = tpu.memref_slice %arg3[%add3A_54, %dma_start3A_55, %dma_start3A_56] : memref<2560x2x128xi32, #tpu.memory_space<hbm>> -> memref<1x2x128xi32, #tpu.memory_space<hbm>>
      %dma_start3A_58 = tpu.memref_squeeze %dma_start3A_57 : memref<1x2x128xi32, #tpu.memory_space<hbm>> -> memref<2x128xi32, #tpu.memory_space<hbm>>
      %dma_start3A_59 = arith.constant 0 : i32
      %dma_start3A_60 = arith.constant 0 : i32
      %dma_start3A_61 = tpu.memref_slice %arg3[%add3A_54, %dma_start3A_59, %dma_start3A_60] : memref<2560x2x128xi32, #tpu.memory_space<hbm>> -> memref<1x2x128xi32, #tpu.memory_space<hbm>>
      %dma_start3A_62 = tpu.memref_squeeze %dma_start3A_61 : memref<1x2x128xi32, #tpu.memory_space<hbm>> -> memref<2x128xi32, #tpu.memory_space<hbm>>
      tpu.enqueue_dma source(%dma_start3A_62 : memref<2x128xi32, #tpu.memory_space<hbm>>) target(%arg8 : memref<2x128xi32, #tpu.memory_space<vmem>>) target_semaphore(%arg32 : memref<!tpu.dma_semaphore, #tpu.memory_space<semaphore_mem>>)
      %add3A_63 = arith.constant 3 : i32
      %add3A_64 = arith.addi %add3A_33, %add3A_63 : i32
      %dma_start3A_65 = arith.constant 0 : i32
      %dma_start3A_66 = arith.constant 0 : i32
      %dma_start3A_67 = tpu.memref_slice %arg3[%add3A_64, %dma_start3A_65, %dma_start3A_66] : memref<2560x2x128xi32, #tpu.memory_space<hbm>> -> memref<1x2x128xi32, #tpu.memory_space<hbm>>
      %dma_start3A_68 = tpu.memref_squeeze %dma_start3A_67 : memref<1x2x128xi32, #tpu.memory_space<hbm>> -> memref<2x128xi32, #tpu.memory_space<hbm>>
      %dma_start3A_69 = arith.constant 0 : i32
      %dma_start3A_70 = arith.constant 0 : i32
      %dma_start3A_71 = tpu.memref_slice %arg3[%add3A_64, %dma_start3A_69, %dma_start3A_70] : memref<2560x2x128xi32, #tpu.memory_space<hbm>> -> memref<1x2x128xi32, #tpu.memory_space<hbm>>
      %dma_start3A_72 = tpu.memref_squeeze %dma_start3A_71 : memref<1x2x128xi32, #tpu.memory_space<hbm>> -> memref<2x128xi32, #tpu.memory_space<hbm>>
      tpu.enqueue_dma source(%dma_start3A_72 : memref<2x128xi32, #tpu.memory_space<hbm>>) target(%arg9 : memref<2x128xi32, #tpu.memory_space<vmem>>) target_semaphore(%arg32 : memref<!tpu.dma_semaphore, #tpu.memory_space<semaphore_mem>>)
      %add3A_73 = arith.constant 4 : i32
      %add3A_74 = arith.addi %add3A_33, %add3A_73 : i32
      %dma_start3A_75 = arith.constant 0 : i32
      %dma_start3A_76 = arith.constant 0 : i32
      %dma_start3A_77 = tpu.memref_slice %arg3[%add3A_74, %dma_start3A_75, %dma_start3A_76] : memref<2560x2x128xi32, #tpu.memory_space<hbm>> -> memref<1x2x128xi32, #tpu.memory_space<hbm>>
      %dma_start3A_78 = tpu.memref_squeeze %dma_start3A_77 : memref<1x2x128xi32, #tpu.memory_space<hbm>> -> memref<2x128xi32, #tpu.memory_space<hbm>>
      %dma_start3A_79 = arith.constant 0 : i32
      %dma_start3A_80 = arith.constant 0 : i32
      %dma_start3A_81 = tpu.memref_slice %arg3[%add3A_74, %dma_start3A_79, %dma_start3A_80] : memref<2560x2x128xi32, #tpu.memory_space<hbm>> -> memref<1x2x128xi32, #tpu.memory_space<hbm>>
      %dma_start3A_82 = tpu.memref_squeeze %dma_start3A_81 : memref<1x2x128xi32, #tpu.memory_space<hbm>> -> memref<2x128xi32, #tpu.memory_space<hbm>>
      tpu.enqueue_dma source(%dma_start3A_82 : memref<2x128xi32, #tpu.memory_space<hbm>>) target(%arg10 : memref<2x128xi32, #tpu.memory_space<vmem>>) target_semaphore(%arg32 : memref<!tpu.dma_semaphore, #tpu.memory_space<semaphore_mem>>)
      %add3A_83 = arith.constant 5 : i32
      %add3A_84 = arith.addi %add3A_33, %add3A_83 : i32
      %dma_start3A_85 = arith.constant 0 : i32
      %dma_start3A_86 = arith.constant 0 : i32
      %dma_start3A_87 = tpu.memref_slice %arg3[%add3A_84, %dma_start3A_85, %dma_start3A_86] : memref<2560x2x128xi32, #tpu.memory_space<hbm>> -> memref<1x2x128xi32, #tpu.memory_space<hbm>>
      %dma_start3A_88 = tpu.memref_squeeze %dma_start3A_87 : memref<1x2x128xi32, #tpu.memory_space<hbm>> -> memref<2x128xi32, #tpu.memory_space<hbm>>
      %dma_start3A_89 = arith.constant 0 : i32
      %dma_start3A_90 = arith.constant 0 : i32
      %dma_start3A_91 = tpu.memref_slice %arg3[%add3A_84, %dma_start3A_89, %dma_start3A_90] : memref<2560x2x128xi32, #tpu.memory_space<hbm>> -> memref<1x2x128xi32, #tpu.memory_space<hbm>>
      %dma_start3A_92 = tpu.memref_squeeze %dma_start3A_91 : memref<1x2x128xi32, #tpu.memory_space<hbm>> -> memref<2x128xi32, #tpu.memory_space<hbm>>
      tpu.enqueue_dma source(%dma_start3A_92 : memref<2x128xi32, #tpu.memory_space<hbm>>) target(%arg11 : memref<2x128xi32, #tpu.memory_space<vmem>>) target_semaphore(%arg32 : memref<!tpu.dma_semaphore, #tpu.memory_space<semaphore_mem>>)
      %add3A_93 = arith.constant 6 : i32
      %add3A_94 = arith.addi %add3A_33, %add3A_93 : i32
      %dma_start3A_95 = arith.constant 0 : i32
      %dma_start3A_96 = arith.constant 0 : i32
      %dma_start3A_97 = tpu.memref_slice %arg3[%add3A_94, %dma_start3A_95, %dma_start3A_96] : memref<2560x2x128xi32, #tpu.memory_space<hbm>> -> memref<1x2x128xi32, #tpu.memory_space<hbm>>
      %dma_start3A_98 = tpu.memref_squeeze %dma_start3A_97 : memref<1x2x128xi32, #tpu.memory_space<hbm>> -> memref<2x128xi32, #tpu.memory_space<hbm>>
      %dma_start3A_99 = arith.constant 0 : i32
      %dma_start3A_100 = arith.constant 0 : i32
      %dma_start3A_101 = tpu.memref_slice %arg3[%add3A_94, %dma_start3A_99, %dma_start3A_100] : memref<2560x2x128xi32, #tpu.memory_space<hbm>> -> memref<1x2x128xi32, #tpu.memory_space<hbm>>
      %dma_start3A_102 = tpu.memref_squeeze %dma_start3A_101 : memref<1x2x128xi32, #tpu.memory_space<hbm>> -> memref<2x128xi32, #tpu.memory_space<hbm>>
      tpu.enqueue_dma source(%dma_start3A_102 : memref<2x128xi32, #tpu.memory_space<hbm>>) target(%arg12 : memref<2x128xi32, #tpu.memory_space<vmem>>) target_semaphore(%arg32 : memref<!tpu.dma_semaphore, #tpu.memory_space<semaphore_mem>>)
      %add3A_103 = arith.constant 7 : i32
      %add3A_104 = arith.addi %add3A_33, %add3A_103 : i32
      %dma_start3A_105 = arith.constant 0 : i32
      %dma_start3A_106 = arith.constant 0 : i32
      %dma_start3A_107 = tpu.memref_slice %arg3[%add3A_104, %dma_start3A_105, %dma_start3A_106] : memref<2560x2x128xi32, #tpu.memory_space<hbm>> -> memref<1x2x128xi32, #tpu.memory_space<hbm>>
      %dma_start3A_108 = tpu.memref_squeeze %dma_start3A_107 : memref<1x2x128xi32, #tpu.memory_space<hbm>> -> memref<2x128xi32, #tpu.memory_space<hbm>>
      %dma_start3A_109 = arith.constant 0 : i32
      %dma_start3A_110 = arith.constant 0 : i32
      %dma_start3A_111 = tpu.memref_slice %arg3[%add3A_104, %dma_start3A_109, %dma_start3A_110] : memref<2560x2x128xi32, #tpu.memory_space<hbm>> -> memref<1x2x128xi32, #tpu.memory_space<hbm>>
      %dma_start3A_112 = tpu.memref_squeeze %dma_start3A_111 : memref<1x2x128xi32, #tpu.memory_space<hbm>> -> memref<2x128xi32, #tpu.memory_space<hbm>>
      tpu.enqueue_dma source(%dma_start3A_112 : memref<2x128xi32, #tpu.memory_space<hbm>>) target(%arg13 : memref<2x128xi32, #tpu.memory_space<vmem>>) target_semaphore(%arg32 : memref<!tpu.dma_semaphore, #tpu.memory_space<semaphore_mem>>)
      %dma_wait3A = arith.constant 0 : i32
      %dma_wait3A_113 = arith.constant 0 : i32
      %dma_wait3A_114 = tpu.memref_slice %arg3[%add3A_35, %dma_wait3A, %dma_wait3A_113] : memref<2560x2x128xi32, #tpu.memory_space<hbm>> -> memref<1x2x128xi32, #tpu.memory_space<hbm>>
      %dma_wait3A_115 = tpu.memref_squeeze %dma_wait3A_114 : memref<1x2x128xi32, #tpu.memory_space<hbm>> -> memref<2x128xi32, #tpu.memory_space<hbm>>
      %dma_wait3A_116 = arith.constant 0 : i32
      %dma_wait3A_117 = arith.constant 0 : i32
      %dma_wait3A_118 = tpu.memref_slice %arg3[%add3A_35, %dma_wait3A_116, %dma_wait3A_117] : memref<2560x2x128xi32, #tpu.memory_space<hbm>> -> memref<1x2x128xi32, #tpu.memory_space<hbm>>
      %dma_wait3A_119 = tpu.memref_squeeze %dma_wait3A_118 : memref<1x2x128xi32, #tpu.memory_space<hbm>> -> memref<2x128xi32, #tpu.memory_space<hbm>>
      tpu.wait_dma2 semaphore(%arg32 : memref<!tpu.dma_semaphore, #tpu.memory_space<semaphore_mem>>) src(%dma_wait3A_119 : memref<2x128xi32, #tpu.memory_space<hbm>>) dst(%arg6 : memref<2x128xi32, #tpu.memory_space<vmem>>)
      %dma_wait3A_120 = arith.constant 0 : i32
      %dma_wait3A_121 = arith.constant 0 : i32
      %dma_wait3A_122 = tpu.memref_slice %arg3[%add3A_44, %dma_wait3A_120, %dma_wait3A_121] : memref<2560x2x128xi32, #tpu.memory_space<hbm>> -> memref<1x2x128xi32, #tpu.memory_space<hbm>>
      %dma_wait3A_123 = tpu.memref_squeeze %dma_wait3A_122 : memref<1x2x128xi32, #tpu.memory_space<hbm>> -> memref<2x128xi32, #tpu.memory_space<hbm>>
      %dma_wait3A_124 = arith.constant 0 : i32
      %dma_wait3A_125 = arith.constant 0 : i32
      %dma_wait3A_126 = tpu.memref_slice %arg3[%add3A_44, %dma_wait3A_124, %dma_wait3A_125] : memref<2560x2x128xi32, #tpu.memory_space<hbm>> -> memref<1x2x128xi32, #tpu.memory_space<hbm>>
      %dma_wait3A_127 = tpu.memref_squeeze %dma_wait3A_126 : memref<1x2x128xi32, #tpu.memory_space<hbm>> -> memref<2x128xi32, #tpu.memory_space<hbm>>
      tpu.wait_dma2 semaphore(%arg32 : memref<!tpu.dma_semaphore, #tpu.memory_space<semaphore_mem>>) src(%dma_wait3A_127 : memref<2x128xi32, #tpu.memory_space<hbm>>) dst(%arg7 : memref<2x128xi32, #tpu.memory_space<vmem>>)
      %dma_wait3A_128 = arith.constant 0 : i32
      %dma_wait3A_129 = arith.constant 0 : i32
      %dma_wait3A_130 = tpu.memref_slice %arg3[%add3A_54, %dma_wait3A_128, %dma_wait3A_129] : memref<2560x2x128xi32, #tpu.memory_space<hbm>> -> memref<1x2x128xi32, #tpu.memory_space<hbm>>
      %dma_wait3A_131 = tpu.memref_squeeze %dma_wait3A_130 : memref<1x2x128xi32, #tpu.memory_space<hbm>> -> memref<2x128xi32, #tpu.memory_space<hbm>>
      %dma_wait3A_132 = arith.constant 0 : i32
      %dma_wait3A_133 = arith.constant 0 : i32
      %dma_wait3A_134 = tpu.memref_slice %arg3[%add3A_54, %dma_wait3A_132, %dma_wait3A_133] : memref<2560x2x128xi32, #tpu.memory_space<hbm>> -> memref<1x2x128xi32, #tpu.memory_space<hbm>>
      %dma_wait3A_135 = tpu.memref_squeeze %dma_wait3A_134 : memref<1x2x128xi32, #tpu.memory_space<hbm>> -> memref<2x128xi32, #tpu.memory_space<hbm>>
      tpu.wait_dma2 semaphore(%arg32 : memref<!tpu.dma_semaphore, #tpu.memory_space<semaphore_mem>>) src(%dma_wait3A_135 : memref<2x128xi32, #tpu.memory_space<hbm>>) dst(%arg8 : memref<2x128xi32, #tpu.memory_space<vmem>>)
      %dma_wait3A_136 = arith.constant 0 : i32
      %dma_wait3A_137 = arith.constant 0 : i32
      %dma_wait3A_138 = tpu.memref_slice %arg3[%add3A_64, %dma_wait3A_136, %dma_wait3A_137] : memref<2560x2x128xi32, #tpu.memory_space<hbm>> -> memref<1x2x128xi32, #tpu.memory_space<hbm>>
      %dma_wait3A_139 = tpu.memref_squeeze %dma_wait3A_138 : memref<1x2x128xi32, #tpu.memory_space<hbm>> -> memref<2x128xi32, #tpu.memory_space<hbm>>
      %dma_wait3A_140 = arith.constant 0 : i32
      %dma_wait3A_141 = arith.constant 0 : i32
      %dma_wait3A_142 = tpu.memref_slice %arg3[%add3A_64, %dma_wait3A_140, %dma_wait3A_141] : memref<2560x2x128xi32, #tpu.memory_space<hbm>> -> memref<1x2x128xi32, #tpu.memory_space<hbm>>
      %dma_wait3A_143 = tpu.memref_squeeze %dma_wait3A_142 : memref<1x2x128xi32, #tpu.memory_space<hbm>> -> memref<2x128xi32, #tpu.memory_space<hbm>>
      tpu.wait_dma2 semaphore(%arg32 : memref<!tpu.dma_semaphore, #tpu.memory_space<semaphore_mem>>) src(%dma_wait3A_143 : memref<2x128xi32, #tpu.memory_space<hbm>>) dst(%arg9 : memref<2x128xi32, #tpu.memory_space<vmem>>)
      %dma_wait3A_144 = arith.constant 0 : i32
      %dma_wait3A_145 = arith.constant 0 : i32
      %dma_wait3A_146 = tpu.memref_slice %arg3[%add3A_74, %dma_wait3A_144, %dma_wait3A_145] : memref<2560x2x128xi32, #tpu.memory_space<hbm>> -> memref<1x2x128xi32, #tpu.memory_space<hbm>>
      %dma_wait3A_147 = tpu.memref_squeeze %dma_wait3A_146 : memref<1x2x128xi32, #tpu.memory_space<hbm>> -> memref<2x128xi32, #tpu.memory_space<hbm>>
      %dma_wait3A_148 = arith.constant 0 : i32
      %dma_wait3A_149 = arith.constant 0 : i32
      %dma_wait3A_150 = tpu.memref_slice %arg3[%add3A_74, %dma_wait3A_148, %dma_wait3A_149] : memref<2560x2x128xi32, #tpu.memory_space<hbm>> -> memref<1x2x128xi32, #tpu.memory_space<hbm>>
      %dma_wait3A_151 = tpu.memref_squeeze %dma_wait3A_150 : memref<1x2x128xi32, #tpu.memory_space<hbm>> -> memref<2x128xi32, #tpu.memory_space<hbm>>
      tpu.wait_dma2 semaphore(%arg32 : memref<!tpu.dma_semaphore, #tpu.memory_space<semaphore_mem>>) src(%dma_wait3A_151 : memref<2x128xi32, #tpu.memory_space<hbm>>) dst(%arg10 : memref<2x128xi32, #tpu.memory_space<vmem>>)
      %dma_wait3A_152 = arith.constant 0 : i32
      %dma_wait3A_153 = arith.constant 0 : i32
      %dma_wait3A_154 = tpu.memref_slice %arg3[%add3A_84, %dma_wait3A_152, %dma_wait3A_153] : memref<2560x2x128xi32, #tpu.memory_space<hbm>> -> memref<1x2x128xi32, #tpu.memory_space<hbm>>
      %dma_wait3A_155 = tpu.memref_squeeze %dma_wait3A_154 : memref<1x2x128xi32, #tpu.memory_space<hbm>> -> memref<2x128xi32, #tpu.memory_space<hbm>>
      %dma_wait3A_156 = arith.constant 0 : i32
      %dma_wait3A_157 = arith.constant 0 : i32
      %dma_wait3A_158 = tpu.memref_slice %arg3[%add3A_84, %dma_wait3A_156, %dma_wait3A_157] : memref<2560x2x128xi32, #tpu.memory_space<hbm>> -> memref<1x2x128xi32, #tpu.memory_space<hbm>>
      %dma_wait3A_159 = tpu.memref_squeeze %dma_wait3A_158 : memref<1x2x128xi32, #tpu.memory_space<hbm>> -> memref<2x128xi32, #tpu.memory_space<hbm>>
      tpu.wait_dma2 semaphore(%arg32 : memref<!tpu.dma_semaphore, #tpu.memory_space<semaphore_mem>>) src(%dma_wait3A_159 : memref<2x128xi32, #tpu.memory_space<hbm>>) dst(%arg11 : memref<2x128xi32, #tpu.memory_space<vmem>>)
      %dma_wait3A_160 = arith.constant 0 : i32
      %dma_wait3A_161 = arith.constant 0 : i32
      %dma_wait3A_162 = tpu.memref_slice %arg3[%add3A_94, %dma_wait3A_160, %dma_wait3A_161] : memref<2560x2x128xi32, #tpu.memory_space<hbm>> -> memref<1x2x128xi32, #tpu.memory_space<hbm>>
      %dma_wait3A_163 = tpu.memref_squeeze %dma_wait3A_162 : memref<1x2x128xi32, #tpu.memory_space<hbm>> -> memref<2x128xi32, #tpu.memory_space<hbm>>
      %dma_wait3A_164 = arith.constant 0 : i32
      %dma_wait3A_165 = arith.constant 0 : i32
      %dma_wait3A_166 = tpu.memref_slice %arg3[%add3A_94, %dma_wait3A_164, %dma_wait3A_165] : memref<2560x2x128xi32, #tpu.memory_space<hbm>> -> memref<1x2x128xi32, #tpu.memory_space<hbm>>
      %dma_wait3A_167 = tpu.memref_squeeze %dma_wait3A_166 : memref<1x2x128xi32, #tpu.memory_space<hbm>> -> memref<2x128xi32, #tpu.memory_space<hbm>>
      tpu.wait_dma2 semaphore(%arg32 : memref<!tpu.dma_semaphore, #tpu.memory_space<semaphore_mem>>) src(%dma_wait3A_167 : memref<2x128xi32, #tpu.memory_space<hbm>>) dst(%arg12 : memref<2x128xi32, #tpu.memory_space<vmem>>)
      %dma_wait3A_168 = arith.constant 0 : i32
      %dma_wait3A_169 = arith.constant 0 : i32
      %dma_wait3A_170 = tpu.memref_slice %arg3[%add3A_104, %dma_wait3A_168, %dma_wait3A_169] : memref<2560x2x128xi32, #tpu.memory_space<hbm>> -> memref<1x2x128xi32, #tpu.memory_space<hbm>>
      %dma_wait3A_171 = tpu.memref_squeeze %dma_wait3A_170 : memref<1x2x128xi32, #tpu.memory_space<hbm>> -> memref<2x128xi32, #tpu.memory_space<hbm>>
      %dma_wait3A_172 = arith.constant 0 : i32
      %dma_wait3A_173 = arith.constant 0 : i32
      %dma_wait3A_174 = tpu.memref_slice %arg3[%add3A_104, %dma_wait3A_172, %dma_wait3A_173] : memref<2560x2x128xi32, #tpu.memory_space<hbm>> -> memref<1x2x128xi32, #tpu.memory_space<hbm>>
      %dma_wait3A_175 = tpu.memref_squeeze %dma_wait3A_174 : memref<1x2x128xi32, #tpu.memory_space<hbm>> -> memref<2x128xi32, #tpu.memory_space<hbm>>
      tpu.wait_dma2 semaphore(%arg32 : memref<!tpu.dma_semaphore, #tpu.memory_space<semaphore_mem>>) src(%dma_wait3A_175 : memref<2x128xi32, #tpu.memory_space<hbm>>) dst(%arg13 : memref<2x128xi32, #tpu.memory_space<vmem>>)
      %get3A = arith.constant 0 : i32
      %get3A_176 = arith.index_cast %get3A : i32 to index
      %get3A_177 = arith.constant 0 : index
      %get3A_178 = tpu.vector_load %arg6[%get3A_176, %get3A_177] {strides = array<i32>} : memref<2x128xi32, #tpu.memory_space<vmem>>, vector<1x16xi32>,
      %get3A_179 = vector.shape_cast %get3A_178 : vector<1x16xi32> to vector<16xi32>
      %mul3A_180 = arith.constant 2 : i32
      %mul3A_181 = vector.broadcast %mul3A_180 : i32 to vector<16xi32>
      %mul3A_182 = arith.muli %get3A_179, %mul3A_181 : vector<16xi32>
      %add3A_183 = vector.broadcast %arg0 : i32 to vector<16xi32>
      %add3A_184 = arith.addi %mul3A_182, %add3A_183 : vector<16xi32>
      %swap3A = arith.constant 0 : index
      %swap3A_185 = tpu.vector_load %arg14[%swap3A] {strides = array<i32>} : memref<128xi32, #tpu.memory_space<vmem>>, vector<16xi32>,
      %swap3A_186 = vector.shape_cast %swap3A_185 : vector<16xi32> to vector<16xi32>
      %swap3A_187 = vector.shape_cast %add3A_184 : vector<16xi32> to vector<16xi32>
      tpu.vector_store %arg14[%swap3A], %swap3A_187 {strides = array<i32>} : memref<128xi32, #tpu.memory_space<vmem>>, vector<16xi32>,
      %get3A_188 = arith.constant 0 : i32
      %get3A_189 = arith.index_cast %get3A_188 : i32 to index
      %get3A_190 = arith.constant 16 : index
      %get3A_191 = tpu.vector_load %arg6[%get3A_189, %get3A_190] {strides = array<i32>} : memref<2x128xi32, #tpu.memory_space<vmem>>, vector<1x16xi32>,
      %get3A_192 = vector.shape_cast %get3A_191 : vector<1x16xi32> to vector<16xi32>
      %mul3A_193 = arith.constant 2 : i32
      %mul3A_194 = vector.broadcast %mul3A_193 : i32 to vector<16xi32>
      %mul3A_195 = arith.muli %get3A_192, %mul3A_194 : vector<16xi32>
      %add3A_196 = vector.broadcast %arg0 : i32 to vector<16xi32>
      %add3A_197 = arith.addi %mul3A_195, %add3A_196 : vector<16xi32>
      %swap3A_198 = arith.constant 16 : index
      %swap3A_199 = tpu.vector_load %arg14[%swap3A_198] {strides = array<i32>} : memref<128xi32, #tpu.memory_space<vmem>>, vector<16xi32>,
      %swap3A_200 = vector.shape_cast %swap3A_199 : vector<16xi32> to vector<16xi32>
      %swap3A_201 = vector.shape_cast %add3A_197 : vector<16xi32> to vector<16xi32>
      tpu.vector_store %arg14[%swap3A_198], %swap3A_201 {strides = array<i32>} : memref<128xi32, #tpu.memory_space<vmem>>, vector<16xi32>,
      %get3A_202 = arith.constant 0 : i32
      %get3A_203 = arith.index_cast %get3A_202 : i32 to index
      %get3A_204 = arith.constant 32 : index
      %get3A_205 = tpu.vector_load %arg6[%get3A_203, %get3A_204] {strides = array<i32>} : memref<2x128xi32, #tpu.memory_space<vmem>>, vector<1x16xi32>,
      %get3A_206 = vector.shape_cast %get3A_205 : vector<1x16xi32> to vector<16xi32>
      %mul3A_207 = arith.constant 2 : i32
      %mul3A_208 = vector.broadcast %mul3A_207 : i32 to vector<16xi32>
      %mul3A_209 = arith.muli %get3A_206, %mul3A_208 : vector<16xi32>
      %add3A_210 = vector.broadcast %arg0 : i32 to vector<16xi32>
      %add3A_211 = arith.addi %mul3A_209, %add3A_210 : vector<16xi32>
      %swap3A_212 = arith.constant 32 : index
      %swap3A_213 = tpu.vector_load %arg14[%swap3A_212] {strides = array<i32>} : memref<128xi32, #tpu.memory_space<vmem>>, vector<16xi32>,
      %swap3A_214 = vector.shape_cast %swap3A_213 : vector<16xi32> to vector<16xi32>
      %swap3A_215 = vector.shape_cast %add3A_211 : vector<16xi32> to vector<16xi32>
      tpu.vector_store %arg14[%swap3A_212], %swap3A_215 {strides = array<i32>} : memref<128xi32, #tpu.memory_space<vmem>>, vector<16xi32>,
      %get3A_216 = arith.constant 0 : i32
      %get3A_217 = arith.index_cast %get3A_216 : i32 to index
      %get3A_218 = arith.constant 48 : index
      %get3A_219 = tpu.vector_load %arg6[%get3A_217, %get3A_218] {strides = array<i32>} : memref<2x128xi32, #tpu.memory_space<vmem>>, vector<1x16xi32>,
      %get3A_220 = vector.shape_cast %get3A_219 : vector<1x16xi32> to vector<16xi32>
      %mul3A_221 = arith.constant 2 : i32
      %mul3A_222 = vector.broadcast %mul3A_221 : i32 to vector<16xi32>
      %mul3A_223 = arith.muli %get3A_220, %mul3A_222 : vector<16xi32>
      %add3A_224 = vector.broadcast %arg0 : i32 to vector<16xi32>
      %add3A_225 = arith.addi %mul3A_223, %add3A_224 : vector<16xi32>
      %swap3A_226 = arith.constant 48 : index
      %swap3A_227 = tpu.vector_load %arg14[%swap3A_226] {strides = array<i32>} : memref<128xi32, #tpu.memory_space<vmem>>, vector<16xi32>,
      %swap3A_228 = vector.shape_cast %swap3A_227 : vector<16xi32> to vector<16xi32>
      %swap3A_229 = vector.shape_cast %add3A_225 : vector<16xi32> to vector<16xi32>
      tpu.vector_store %arg14[%swap3A_226], %swap3A_229 {strides = array<i32>} : memref<128xi32, #tpu.memory_space<vmem>>, vector<16xi32>,
      %get3A_230 = arith.constant 0 : i32
      %get3A_231 = arith.index_cast %get3A_230 : i32 to index
      %get3A_232 = arith.constant 64 : index
      %get3A_233 = tpu.vector_load %arg6[%get3A_231, %get3A_232] {strides = array<i32>} : memref<2x128xi32, #tpu.memory_space<vmem>>, vector<1x16xi32>,
      %get3A_234 = vector.shape_cast %get3A_233 : vector<1x16xi32> to vector<16xi32>
      %mul3A_235 = arith.constant 2 : i32
      %mul3A_236 = vector.broadcast %mul3A_235 : i32 to vector<16xi32>
      %mul3A_237 = arith.muli %get3A_234, %mul3A_236 : vector<16xi32>
      %add3A_238 = vector.broadcast %arg0 : i32 to vector<16xi32>
      %add3A_239 = arith.addi %mul3A_237, %add3A_238 : vector<16xi32>
      %swap3A_240 = arith.constant 64 : index
      %swap3A_241 = tpu.vector_load %arg14[%swap3A_240] {strides = array<i32>} : memref<128xi32, #tpu.memory_space<vmem>>, vector<16xi32>,
      %swap3A_242 = vector.shape_cast %swap3A_241 : vector<16xi32> to vector<16xi32>
      %swap3A_243 = vector.shape_cast %add3A_239 : vector<16xi32> to vector<16xi32>
      tpu.vector_store %arg14[%swap3A_240], %swap3A_243 {strides = array<i32>} : memref<128xi32, #tpu.memory_space<vmem>>, vector<16xi32>,
      %get3A_244 = arith.constant 0 : i32
      %get3A_245 = arith.index_cast %get3A_244 : i32 to index
      %get3A_246 = arith.constant 80 : index
      %get3A_247 = tpu.vector_load %arg6[%get3A_245, %get3A_246] {strides = array<i32>} : memref<2x128xi32, #tpu.memory_space<vmem>>, vector<1x16xi32>,
      %get3A_248 = vector.shape_cast %get3A_247 : vector<1x16xi32> to vector<16xi32>
      %mul3A_249 = arith.constant 2 : i32
      %mul3A_250 = vector.broadcast %mul3A_249 : i32 to vector<16xi32>
      %mul3A_251 = arith.muli %get3A_248, %mul3A_250 : vector<16xi32>
      %add3A_252 = vector.broadcast %arg0 : i32 to vector<16xi32>
      %add3A_253 = arith.addi %mul3A_251, %add3A_252 : vector<16xi32>
      %swap3A_254 = arith.constant 80 : index
      %swap3A_255 = tpu.vector_load %arg14[%swap3A_254] {strides = array<i32>} : memref<128xi32, #tpu.memory_space<vmem>>, vector<16xi32>,
      %swap3A_256 = vector.shape_cast %swap3A_255 : vector<16xi32> to vector<16xi32>
      %swap3A_257 = vector.shape_cast %add3A_253 : vector<16xi32> to vector<16xi32>
      tpu.vector_store %arg14[%swap3A_254], %swap3A_257 {strides = array<i32>} : memref<128xi32, #tpu.memory_space<vmem>>, vector<16xi32>,
      %get3A_258 = arith.constant 0 : i32
      %get3A_259 = arith.index_cast %get3A_258 : i32 to index
      %get3A_260 = arith.constant 96 : index
      %get3A_261 = tpu.vector_load %arg6[%get3A_259, %get3A_260] {strides = array<i32>} : memref<2x128xi32, #tpu.memory_space<vmem>>, vector<1x16xi32>,
      %get3A_262 = vector.shape_cast %get3A_261 : vector<1x16xi32> to vector<16xi32>
      %mul3A_263 = arith.constant 2 : i32
      %mul3A_264 = vector.broadcast %mul3A_263 : i32 to vector<16xi32>
      %mul3A_265 = arith.muli %get3A_262, %mul3A_264 : vector<16xi32>
      %add3A_266 = vector.broadcast %arg0 : i32 to vector<16xi32>
      %add3A_267 = arith.addi %mul3A_265, %add3A_266 : vector<16xi32>
      %swap3A_268 = arith.constant 96 : index
      %swap3A_269 = tpu.vector_load %arg14[%swap3A_268] {strides = array<i32>} : memref<128xi32, #tpu.memory_space<vmem>>, vector<16xi32>,
      %swap3A_270 = vector.shape_cast %swap3A_269 : vector<16xi32> to vector<16xi32>
      %swap3A_271 = vector.shape_cast %add3A_267 : vector<16xi32> to vector<16xi32>
      tpu.vector_store %arg14[%swap3A_268], %swap3A_271 {strides = array<i32>} : memref<128xi32, #tpu.memory_space<vmem>>, vector<16xi32>,
      %get3A_272 = arith.constant 0 : i32
      %get3A_273 = arith.index_cast %get3A_272 : i32 to index
      %get3A_274 = arith.constant 112 : index
      %get3A_275 = tpu.vector_load %arg6[%get3A_273, %get3A_274] {strides = array<i32>} : memref<2x128xi32, #tpu.memory_space<vmem>>, vector<1x16xi32>,
      %get3A_276 = vector.shape_cast %get3A_275 : vector<1x16xi32> to vector<16xi32>
      %mul3A_277 = arith.constant 2 : i32
      %mul3A_278 = vector.broadcast %mul3A_277 : i32 to vector<16xi32>
      %mul3A_279 = arith.muli %get3A_276, %mul3A_278 : vector<16xi32>
      %add3A_280 = vector.broadcast %arg0 : i32 to vector<16xi32>
      %add3A_281 = arith.addi %mul3A_279, %add3A_280 : vector<16xi32>
      %swap3A_282 = arith.constant 112 : index
      %swap3A_283 = tpu.vector_load %arg14[%swap3A_282] {strides = array<i32>} : memref<128xi32, #tpu.memory_space<vmem>>, vector<16xi32>,
      %swap3A_284 = vector.shape_cast %swap3A_283 : vector<16xi32> to vector<16xi32>
      %swap3A_285 = vector.shape_cast %add3A_281 : vector<16xi32> to vector<16xi32>
      tpu.vector_store %arg14[%swap3A_282], %swap3A_285 {strides = array<i32>} : memref<128xi32, #tpu.memory_space<vmem>>, vector<16xi32>,
      %get3A_286 = arith.constant 0 : i32
      %get3A_287 = arith.index_cast %get3A_286 : i32 to index
      %get3A_288 = arith.constant 0 : index
      %get3A_289 = tpu.vector_load %arg7[%get3A_287, %get3A_288] {strides = array<i32>} : memref<2x128xi32, #tpu.memory_space<vmem>>, vector<1x16xi32>,
      %get3A_290 = vector.shape_cast %get3A_289 : vector<1x16xi32> to vector<16xi32>
      %mul3A_291 = arith.constant 2 : i32
      %mul3A_292 = vector.broadcast %mul3A_291 : i32 to vector<16xi32>
      %mul3A_293 = arith.muli %get3A_290, %mul3A_292 : vector<16xi32>
      %add3A_294 = vector.broadcast %arg0 : i32 to vector<16xi32>
      %add3A_295 = arith.addi %mul3A_293, %add3A_294 : vector<16xi32>
      %swap3A_296 = arith.constant 0 : index
      %swap3A_297 = tpu.vector_load %arg15[%swap3A_296] {strides = array<i32>} : memref<128xi32, #tpu.memory_space<vmem>>, vector<16xi32>,
      %swap3A_298 = vector.shape_cast %swap3A_297 : vector<16xi32> to vector<16xi32>
      %swap3A_299 = vector.shape_cast %add3A_295 : vector<16xi32> to vector<16xi32>
      tpu.vector_store %arg15[%swap3A_296], %swap3A_299 {strides = array<i32>} : memref<128xi32, #tpu.memory_space<vmem>>, vector<16xi32>,
      %get3A_300 = arith.constant 0 : i32
      %get3A_301 = arith.index_cast %get3A_300 : i32 to index
      %get3A_302 = arith.constant 16 : index
      %get3A_303 = tpu.vector_load %arg7[%get3A_301, %get3A_302] {strides = array<i32>} : memref<2x128xi32, #tpu.memory_space<vmem>>, vector<1x16xi32>,
      %get3A_304 = vector.shape_cast %get3A_303 : vector<1x16xi32> to vector<16xi32>
      %mul3A_305 = arith.constant 2 : i32
      %mul3A_306 = vector.broadcast %mul3A_305 : i32 to vector<16xi32>
      %mul3A_307 = arith.muli %get3A_304, %mul3A_306 : vector<16xi32>
      %add3A_308 = vector.broadcast %arg0 : i32 to vector<16xi32>
      %add3A_309 = arith.addi %mul3A_307, %add3A_308 : vector<16xi32>
      %swap3A_310 = arith.constant 16 : index
      %swap3A_311 = tpu.vector_load %arg15[%swap3A_310] {strides = array<i32>} : memref<128xi32, #tpu.memory_space<vmem>>, vector<16xi32>,
      %swap3A_312 = vector.shape_cast %swap3A_311 : vector<16xi32> to vector<16xi32>
      %swap3A_313 = vector.shape_cast %add3A_309 : vector<16xi32> to vector<16xi32>
      tpu.vector_store %arg15[%swap3A_310], %swap3A_313 {strides = array<i32>} : memref<128xi32, #tpu.memory_space<vmem>>, vector<16xi32>,
      %get3A_314 = arith.constant 0 : i32
      %get3A_315 = arith.index_cast %get3A_314 : i32 to index
      %get3A_316 = arith.constant 32 : index
      %get3A_317 = tpu.vector_load %arg7[%get3A_315, %get3A_316] {strides = array<i32>} : memref<2x128xi32, #tpu.memory_space<vmem>>, vector<1x16xi32>,
      %get3A_318 = vector.shape_cast %get3A_317 : vector<1x16xi32> to vector<16xi32>
      %mul3A_319 = arith.constant 2 : i32
      %mul3A_320 = vector.broadcast %mul3A_319 : i32 to vector<16xi32>
      %mul3A_321 = arith.muli %get3A_318, %mul3A_320 : vector<16xi32>
      %add3A_322 = vector.broadcast %arg0 : i32 to vector<16xi32>
      %add3A_323 = arith.addi %mul3A_321, %add3A_322 : vector<16xi32>
      %swap3A_324 = arith.constant 32 : index
      %swap3A_325 = tpu.vector_load %arg15[%swap3A_324] {strides = array<i32>} : memref<128xi32, #tpu.memory_space<vmem>>, vector<16xi32>,
      %swap3A_326 = vector.shape_cast %swap3A_325 : vector<16xi32> to vector<16xi32>
      %swap3A_327 = vector.shape_cast %add3A_323 : vector<16xi32> to vector<16xi32>
      tpu.vector_store %arg15[%swap3A_324], %swap3A_327 {strides = array<i32>} : memref<128xi32, #tpu.memory_space<vmem>>, vector<16xi32>,
      %get3A_328 = arith.constant 0 : i32
      %get3A_329 = arith.index_cast %get3A_328 : i32 to index
      %get3A_330 = arith.constant 48 : index
      %get3A_331 = tpu.vector_load %arg7[%get3A_329, %get3A_330] {strides = array<i32>} : memref<2x128xi32, #tpu.memory_space<vmem>>, vector<1x16xi32>,
      %get3A_332 = vector.shape_cast %get3A_331 : vector<1x16xi32> to vector<16xi32>
      %mul3A_333 = arith.constant 2 : i32
      %mul3A_334 = vector.broadcast %mul3A_333 : i32 to vector<16xi32>
      %mul3A_335 = arith.muli %get3A_332, %mul3A_334 : vector<16xi32>
      %add3A_336 = vector.broadcast %arg0 : i32 to vector<16xi32>
      %add3A_337 = arith.addi %mul3A_335, %add3A_336 : vector<16xi32>
      %swap3A_338 = arith.constant 48 : index
      %swap3A_339 = tpu.vector_load %arg15[%swap3A_338] {strides = array<i32>} : memref<128xi32, #tpu.memory_space<vmem>>, vector<16xi32>,
      %swap3A_340 = vector.shape_cast %swap3A_339 : vector<16xi32> to vector<16xi32>
      %swap3A_341 = vector.shape_cast %add3A_337 : vector<16xi32> to vector<16xi32>
      tpu.vector_store %arg15[%swap3A_338], %swap3A_341 {strides = array<i32>} : memref<128xi32, #tpu.memory_space<vmem>>, vector<16xi32>,
      %get3A_342 = arith.constant 0 : i32
      %get3A_343 = arith.index_cast %get3A_342 : i32 to index
      %get3A_344 = arith.constant 64 : index
      %get3A_345 = tpu.vector_load %arg7[%get3A_343, %get3A_344] {strides = array<i32>} : memref<2x128xi32, #tpu.memory_space<vmem>>, vector<1x16xi32>,
      %get3A_346 = vector.shape_cast %get3A_345 : vector<1x16xi32> to vector<16xi32>
      %mul3A_347 = arith.constant 2 : i32
      %mul3A_348 = vector.broadcast %mul3A_347 : i32 to vector<16xi32>
      %mul3A_349 = arith.muli %get3A_346, %mul3A_348 : vector<16xi32>
      %add3A_350 = vector.broadcast %arg0 : i32 to vector<16xi32>
      %add3A_351 = arith.addi %mul3A_349, %add3A_350 : vector<16xi32>
      %swap3A_352 = arith.constant 64 : index
      %swap3A_353 = tpu.vector_load %arg15[%swap3A_352] {strides = array<i32>} : memref<128xi32, #tpu.memory_space<vmem>>, vector<16xi32>,
      %swap3A_354 = vector.shape_cast %swap3A_353 : vector<16xi32> to vector<16xi32>
      %swap3A_355 = vector.shape_cast %add3A_351 : vector<16xi32> to vector<16xi32>
      tpu.vector_store %arg15[%swap3A_352], %swap3A_355 {strides = array<i32>} : memref<128xi32, #tpu.memory_space<vmem>>, vector<16xi32>,
      %get3A_356 = arith.constant 0 : i32
      %get3A_357 = arith.index_cast %get3A_356 : i32 to index
      %get3A_358 = arith.constant 80 : index
      %get3A_359 = tpu.vector_load %arg7[%get3A_357, %get3A_358] {strides = array<i32>} : memref<2x128xi32, #tpu.memory_space<vmem>>, vector<1x16xi32>,
      %get3A_360 = vector.shape_cast %get3A_359 : vector<1x16xi32> to vector<16xi32>
      %mul3A_361 = arith.constant 2 : i32
      %mul3A_362 = vector.broadcast %mul3A_361 : i32 to vector<16xi32>
      %mul3A_363 = arith.muli %get3A_360, %mul3A_362 : vector<16xi32>
      %add3A_364 = vector.broadcast %arg0 : i32 to vector<16xi32>
      %add3A_365 = arith.addi %mul3A_363, %add3A_364 : vector<16xi32>
      %swap3A_366 = arith.constant 80 : index
      %swap3A_367 = tpu.vector_load %arg15[%swap3A_366] {strides = array<i32>} : memref<128xi32, #tpu.memory_space<vmem>>, vector<16xi32>,
      %swap3A_368 = vector.shape_cast %swap3A_367 : vector<16xi32> to vector<16xi32>
      %swap3A_369 = vector.shape_cast %add3A_365 : vector<16xi32> to vector<16xi32>
      tpu.vector_store %arg15[%swap3A_366], %swap3A_369 {strides = array<i32>} : memref<128xi32, #tpu.memory_space<vmem>>, vector<16xi32>,
      %get3A_370 = arith.constant 0 : i32
      %get3A_371 = arith.index_cast %get3A_370 : i32 to index
      %get3A_372 = arith.constant 96 : index
      %get3A_373 = tpu.vector_load %arg7[%get3A_371, %get3A_372] {strides = array<i32>} : memref<2x128xi32, #tpu.memory_space<vmem>>, vector<1x16xi32>,
      %get3A_374 = vector.shape_cast %get3A_373 : vector<1x16xi32> to vector<16xi32>
      %mul3A_375 = arith.constant 2 : i32
      %mul3A_376 = vector.broadcast %mul3A_375 : i32 to vector<16xi32>
      %mul3A_377 = arith.muli %get3A_374, %mul3A_376 : vector<16xi32>
      %add3A_378 = vector.broadcast %arg0 : i32 to vector<16xi32>
      %add3A_379 = arith.addi %mul3A_377, %add3A_378 : vector<16xi32>
      %swap3A_380 = arith.constant 96 : index
      %swap3A_381 = tpu.vector_load %arg15[%swap3A_380] {strides = array<i32>} : memref<128xi32, #tpu.memory_space<vmem>>, vector<16xi32>,
      %swap3A_382 = vector.shape_cast %swap3A_381 : vector<16xi32> to vector<16xi32>
      %swap3A_383 = vector.shape_cast %add3A_379 : vector<16xi32> to vector<16xi32>
      tpu.vector_store %arg15[%swap3A_380], %swap3A_383 {strides = array<i32>} : memref<128xi32, #tpu.memory_space<vmem>>, vector<16xi32>,
      %get3A_384 = arith.constant 0 : i32
      %get3A_385 = arith.index_cast %get3A_384 : i32 to index
      %get3A_386 = arith.constant 112 : index
      %get3A_387 = tpu.vector_load %arg7[%get3A_385, %get3A_386] {strides = array<i32>} : memref<2x128xi32, #tpu.memory_space<vmem>>, vector<1x16xi32>,
      %get3A_388 = vector.shape_cast %get3A_387 : vector<1x16xi32> to vector<16xi32>
      %mul3A_389 = arith.constant 2 : i32
      %mul3A_390 = vector.broadcast %mul3A_389 : i32 to vector<16xi32>
      %mul3A_391 = arith.muli %get3A_388, %mul3A_390 : vector<16xi32>
      %add3A_392 = vector.broadcast %arg0 : i32 to vector<16xi32>
      %add3A_393 = arith.addi %mul3A_391, %add3A_392 : vector<16xi32>
      %swap3A_394 = arith.constant 112 : index
      %swap3A_395 = tpu.vector_load %arg15[%swap3A_394] {strides = array<i32>} : memref<128xi32, #tpu.memory_space<vmem>>, vector<16xi32>,
      %swap3A_396 = vector.shape_cast %swap3A_395 : vector<16xi32> to vector<16xi32>
      %swap3A_397 = vector.shape_cast %add3A_393 : vector<16xi32> to vector<16xi32>
      tpu.vector_store %arg15[%swap3A_394], %swap3A_397 {strides = array<i32>} : memref<128xi32, #tpu.memory_space<vmem>>, vector<16xi32>,
      %get3A_398 = arith.constant 0 : i32
      %get3A_399 = arith.index_cast %get3A_398 : i32 to index
      %get3A_400 = arith.constant 0 : index
      %get3A_401 = tpu.vector_load %arg8[%get3A_399, %get3A_400] {strides = array<i32>} : memref<2x128xi32, #tpu.memory_space<vmem>>, vector<1x16xi32>,
      %get3A_402 = vector.shape_cast %get3A_401 : vector<1x16xi32> to vector<16xi32>
      %mul3A_403 = arith.constant 2 : i32
      %mul3A_404 = vector.broadcast %mul3A_403 : i32 to vector<16xi32>
      %mul3A_405 = arith.muli %get3A_402, %mul3A_404 : vector<16xi32>
      %add3A_406 = vector.broadcast %arg0 : i32 to vector<16xi32>
      %add3A_407 = arith.addi %mul3A_405, %add3A_406 : vector<16xi32>
      %swap3A_408 = arith.constant 0 : index
      %swap3A_409 = tpu.vector_load %arg16[%swap3A_408] {strides = array<i32>} : memref<128xi32, #tpu.memory_space<vmem>>, vector<16xi32>,
      %swap3A_410 = vector.shape_cast %swap3A_409 : vector<16xi32> to vector<16xi32>
      %swap3A_411 = vector.shape_cast %add3A_407 : vector<16xi32> to vector<16xi32>
      tpu.vector_store %arg16[%swap3A_408], %swap3A_411 {strides = array<i32>} : memref<128xi32, #tpu.memory_space<vmem>>, vector<16xi32>,
      %get3A_412 = arith.constant 0 : i32
      %get3A_413 = arith.index_cast %get3A_412 : i32 to index
      %get3A_414 = arith.constant 16 : index
      %get3A_415 = tpu.vector_load %arg8[%get3A_413, %get3A_414] {strides = array<i32>} : memref<2x128xi32, #tpu.memory_space<vmem>>, vector<1x16xi32>,
      %get3A_416 = vector.shape_cast %get3A_415 : vector<1x16xi32> to vector<16xi32>
      %mul3A_417 = arith.constant 2 : i32
      %mul3A_418 = vector.broadcast %mul3A_417 : i32 to vector<16xi32>
      %mul3A_419 = arith.muli %get3A_416, %mul3A_418 : vector<16xi32>
      %add3A_420 = vector.broadcast %arg0 : i32 to vector<16xi32>
      %add3A_421 = arith.addi %mul3A_419, %add3A_420 : vector<16xi32>
      %swap3A_422 = arith.constant 16 : index
      %swap3A_423 = tpu.vector_load %arg16[%swap3A_422] {strides = array<i32>} : memref<128xi32, #tpu.memory_space<vmem>>, vector<16xi32>,
      %swap3A_424 = vector.shape_cast %swap3A_423 : vector<16xi32> to vector<16xi32>
      %swap3A_425 = vector.shape_cast %add3A_421 : vector<16xi32> to vector<16xi32>
      tpu.vector_store %arg16[%swap3A_422], %swap3A_425 {strides = array<i32>} : memref<128xi32, #tpu.memory_space<vmem>>, vector<16xi32>,
      %get3A_426 = arith.constant 0 : i32
      %get3A_427 = arith.index_cast %get3A_426 : i32 to index
      %get3A_428 = arith.constant 32 : index
      %get3A_429 = tpu.vector_load %arg8[%get3A_427, %get3A_428] {strides = array<i32>} : memref<2x128xi32, #tpu.memory_space<vmem>>, vector<1x16xi32>,
      %get3A_430 = vector.shape_cast %get3A_429 : vector<1x16xi32> to vector<16xi32>
      %mul3A_431 = arith.constant 2 : i32
      %mul3A_432 = vector.broadcast %mul3A_431 : i32 to vector<16xi32>
      %mul3A_433 = arith.muli %get3A_430, %mul3A_432 : vector<16xi32>
      %add3A_434 = vector.broadcast %arg0 : i32 to vector<16xi32>
      %add3A_435 = arith.addi %mul3A_433, %add3A_434 : vector<16xi32>
      %swap3A_436 = arith.constant 32 : index
      %swap3A_437 = tpu.vector_load %arg16[%swap3A_436] {strides = array<i32>} : memref<128xi32, #tpu.memory_space<vmem>>, vector<16xi32>,
      %swap3A_438 = vector.shape_cast %swap3A_437 : vector<16xi32> to vector<16xi32>
      %swap3A_439 = vector.shape_cast %add3A_435 : vector<16xi32> to vector<16xi32>
      tpu.vector_store %arg16[%swap3A_436], %swap3A_439 {strides = array<i32>} : memref<128xi32, #tpu.memory_space<vmem>>, vector<16xi32>,
      %get3A_440 = arith.constant 0 : i32
      %get3A_441 = arith.index_cast %get3A_440 : i32 to index
      %get3A_442 = arith.constant 48 : index
      %get3A_443 = tpu.vector_load %arg8[%get3A_441, %get3A_442] {strides = array<i32>} : memref<2x128xi32, #tpu.memory_space<vmem>>, vector<1x16xi32>,
      %get3A_444 = vector.shape_cast %get3A_443 : vector<1x16xi32> to vector<16xi32>
      %mul3A_445 = arith.constant 2 : i32
      %mul3A_446 = vector.broadcast %mul3A_445 : i32 to vector<16xi32>
      %mul3A_447 = arith.muli %get3A_444, %mul3A_446 : vector<16xi32>
      %add3A_448 = vector.broadcast %arg0 : i32 to vector<16xi32>
      %add3A_449 = arith.addi %mul3A_447, %add3A_448 : vector<16xi32>
      %swap3A_450 = arith.constant 48 : index
      %swap3A_451 = tpu.vector_load %arg16[%swap3A_450] {strides = array<i32>} : memref<128xi32, #tpu.memory_space<vmem>>, vector<16xi32>,
      %swap3A_452 = vector.shape_cast %swap3A_451 : vector<16xi32> to vector<16xi32>
      %swap3A_453 = vector.shape_cast %add3A_449 : vector<16xi32> to vector<16xi32>
      tpu.vector_store %arg16[%swap3A_450], %swap3A_453 {strides = array<i32>} : memref<128xi32, #tpu.memory_space<vmem>>, vector<16xi32>,
      %get3A_454 = arith.constant 0 : i32
      %get3A_455 = arith.index_cast %get3A_454 : i32 to index
      %get3A_456 = arith.constant 64 : index
      %get3A_457 = tpu.vector_load %arg8[%get3A_455, %get3A_456] {strides = array<i32>} : memref<2x128xi32, #tpu.memory_space<vmem>>, vector<1x16xi32>,
      %get3A_458 = vector.shape_cast %get3A_457 : vector<1x16xi32> to vector<16xi32>
      %mul3A_459 = arith.constant 2 : i32
      %mul3A_460 = vector.broadcast %mul3A_459 : i32 to vector<16xi32>
      %mul3A_461 = arith.muli %get3A_458, %mul3A_460 : vector<16xi32>
      %add3A_462 = vector.broadcast %arg0 : i32 to vector<16xi32>
      %add3A_463 = arith.addi %mul3A_461, %add3A_462 : vector<16xi32>
      %swap3A_464 = arith.constant 64 : index
      %swap3A_465 = tpu.vector_load %arg16[%swap3A_464] {strides = array<i32>} : memref<128xi32, #tpu.memory_space<vmem>>, vector<16xi32>,
      %swap3A_466 = vector.shape_cast %swap3A_465 : vector<16xi32> to vector<16xi32>
      %swap3A_467 = vector.shape_cast %add3A_463 : vector<16xi32> to vector<16xi32>
      tpu.vector_store %arg16[%swap3A_464], %swap3A_467 {strides = array<i32>} : memref<128xi32, #tpu.memory_space<vmem>>, vector<16xi32>,
      %get3A_468 = arith.constant 0 : i32
      %get3A_469 = arith.index_cast %get3A_468 : i32 to index
      %get3A_470 = arith.constant 80 : index
      %get3A_471 = tpu.vector_load %arg8[%get3A_469, %get3A_470] {strides = array<i32>} : memref<2x128xi32, #tpu.memory_space<vmem>>, vector<1x16xi32>,
      %get3A_472 = vector.shape_cast %get3A_471 : vector<1x16xi32> to vector<16xi32>
      %mul3A_473 = arith.constant 2 : i32
      %mul3A_474 = vector.broadcast %mul3A_473 : i32 to vector<16xi32>
      %mul3A_475 = arith.muli %get3A_472, %mul3A_474 : vector<16xi32>
      %add3A_476 = vector.broadcast %arg0 : i32 to vector<16xi32>
      %add3A_477 = arith.addi %mul3A_475, %add3A_476 : vector<16xi32>
      %swap3A_478 = arith.constant 80 : index
      %swap3A_479 = tpu.vector_load %arg16[%swap3A_478] {strides = array<i32>} : memref<128xi32, #tpu.memory_space<vmem>>, vector<16xi32>,
      %swap3A_480 = vector.shape_cast %swap3A_479 : vector<16xi32> to vector<16xi32>
      %swap3A_481 = vector.shape_cast %add3A_477 : vector<16xi32> to vector<16xi32>
      tpu.vector_store %arg16[%swap3A_478], %swap3A_481 {strides = array<i32>} : memref<128xi32, #tpu.memory_space<vmem>>, vector<16xi32>,
      %get3A_482 = arith.constant 0 : i32
      %get3A_483 = arith.index_cast %get3A_482 : i32 to index
      %get3A_484 = arith.constant 96 : index
      %get3A_485 = tpu.vector_load %arg8[%get3A_483, %get3A_484] {strides = array<i32>} : memref<2x128xi32, #tpu.memory_space<vmem>>, vector<1x16xi32>,
      %get3A_486 = vector.shape_cast %get3A_485 : vector<1x16xi32> to vector<16xi32>
      %mul3A_487 = arith.constant 2 : i32
      %mul3A_488 = vector.broadcast %mul3A_487 : i32 to vector<16xi32>
      %mul3A_489 = arith.muli %get3A_486, %mul3A_488 : vector<16xi32>
      %add3A_490 = vector.broadcast %arg0 : i32 to vector<16xi32>
      %add3A_491 = arith.addi %mul3A_489, %add3A_490 : vector<16xi32>
      %swap3A_492 = arith.constant 96 : index
      %swap3A_493 = tpu.vector_load %arg16[%swap3A_492] {strides = array<i32>} : memref<128xi32, #tpu.memory_space<vmem>>, vector<16xi32>,
      %swap3A_494 = vector.shape_cast %swap3A_493 : vector<16xi32> to vector<16xi32>
      %swap3A_495 = vector.shape_cast %add3A_491 : vector<16xi32> to vector<16xi32>
      tpu.vector_store %arg16[%swap3A_492], %swap3A_495 {strides = array<i32>} : memref<128xi32, #tpu.memory_space<vmem>>, vector<16xi32>,
      %get3A_496 = arith.constant 0 : i32
      %get3A_497 = arith.index_cast %get3A_496 : i32 to index
      %get3A_498 = arith.constant 112 : index
      %get3A_499 = tpu.vector_load %arg8[%get3A_497, %get3A_498] {strides = array<i32>} : memref<2x128xi32, #tpu.memory_space<vmem>>, vector<1x16xi32>,
      %get3A_500 = vector.shape_cast %get3A_499 : vector<1x16xi32> to vector<16xi32>
      %mul3A_501 = arith.constant 2 : i32
      %mul3A_502 = vector.broadcast %mul3A_501 : i32 to vector<16xi32>
      %mul3A_503 = arith.muli %get3A_500, %mul3A_502 : vector<16xi32>
      %add3A_504 = vector.broadcast %arg0 : i32 to vector<16xi32>
      %add3A_505 = arith.addi %mul3A_503, %add3A_504 : vector<16xi32>
      %swap3A_506 = arith.constant 112 : index
      %swap3A_507 = tpu.vector_load %arg16[%swap3A_506] {strides = array<i32>} : memref<128xi32, #tpu.memory_space<vmem>>, vector<16xi32>,
      %swap3A_508 = vector.shape_cast %swap3A_507 : vector<16xi32> to vector<16xi32>
      %swap3A_509 = vector.shape_cast %add3A_505 : vector<16xi32> to vector<16xi32>
      tpu.vector_store %arg16[%swap3A_506], %swap3A_509 {strides = array<i32>} : memref<128xi32, #tpu.memory_space<vmem>>, vector<16xi32>,
      %get3A_510 = arith.constant 0 : i32
      %get3A_511 = arith.index_cast %get3A_510 : i32 to index
      %get3A_512 = arith.constant 0 : index
      %get3A_513 = tpu.vector_load %arg9[%get3A_511, %get3A_512] {strides = array<i32>} : memref<2x128xi32, #tpu.memory_space<vmem>>, vector<1x16xi32>,
      %get3A_514 = vector.shape_cast %get3A_513 : vector<1x16xi32> to vector<16xi32>
      %mul3A_515 = arith.constant 2 : i32
      %mul3A_516 = vector.broadcast %mul3A_515 : i32 to vector<16xi32>
      %mul3A_517 = arith.muli %get3A_514, %mul3A_516 : vector<16xi32>
      %add3A_518 = vector.broadcast %arg0 : i32 to vector<16xi32>
      %add3A_519 = arith.addi %mul3A_517, %add3A_518 : vector<16xi32>
      %swap3A_520 = arith.constant 0 : index
      %swap3A_521 = tpu.vector_load %arg17[%swap3A_520] {strides = array<i32>} : memref<128xi32, #tpu.memory_space<vmem>>, vector<16xi32>,
      %swap3A_522 = vector.shape_cast %swap3A_521 : vector<16xi32> to vector<16xi32>
      %swap3A_523 = vector.shape_cast %add3A_519 : vector<16xi32> to vector<16xi32>
      tpu.vector_store %arg17[%swap3A_520], %swap3A_523 {strides = array<i32>} : memref<128xi32, #tpu.memory_space<vmem>>, vector<16xi32>,
      %get3A_524 = arith.constant 0 : i32
      %get3A_525 = arith.index_cast %get3A_524 : i32 to index
      %get3A_526 = arith.constant 16 : index
      %get3A_527 = tpu.vector_load %arg9[%get3A_525, %get3A_526] {strides = array<i32>} : memref<2x128xi32, #tpu.memory_space<vmem>>, vector<1x16xi32>,
      %get3A_528 = vector.shape_cast %get3A_527 : vector<1x16xi32> to vector<16xi32>
      %mul3A_529 = arith.constant 2 : i32
      %mul3A_530 = vector.broadcast %mul3A_529 : i32 to vector<16xi32>
      %mul3A_531 = arith.muli %get3A_528, %mul3A_530 : vector<16xi32>
      %add3A_532 = vector.broadcast %arg0 : i32 to vector<16xi32>
      %add3A_533 = arith.addi %mul3A_531, %add3A_532 : vector<16xi32>
      %swap3A_534 = arith.constant 16 : index
      %swap3A_535 = tpu.vector_load %arg17[%swap3A_534] {strides = array<i32>} : memref<128xi32, #tpu.memory_space<vmem>>, vector<16xi32>,
      %swap3A_536 = vector.shape_cast %swap3A_535 : vector<16xi32> to vector<16xi32>
      %swap3A_537 = vector.shape_cast %add3A_533 : vector<16xi32> to vector<16xi32>
      tpu.vector_store %arg17[%swap3A_534], %swap3A_537 {strides = array<i32>} : memref<128xi32, #tpu.memory_space<vmem>>, vector<16xi32>,
      %get3A_538 = arith.constant 0 : i32
      %get3A_539 = arith.index_cast %get3A_538 : i32 to index
      %get3A_540 = arith.constant 32 : index
      %get3A_541 = tpu.vector_load %arg9[%get3A_539, %get3A_540] {strides = array<i32>} : memref<2x128xi32, #tpu.memory_space<vmem>>, vector<1x16xi32>,
      %get3A_542 = vector.shape_cast %get3A_541 : vector<1x16xi32> to vector<16xi32>
      %mul3A_543 = arith.constant 2 : i32
      %mul3A_544 = vector.broadcast %mul3A_543 : i32 to vector<16xi32>
      %mul3A_545 = arith.muli %get3A_542, %mul3A_544 : vector<16xi32>
      %add3A_546 = vector.broadcast %arg0 : i32 to vector<16xi32>
      %add3A_547 = arith.addi %mul3A_545, %add3A_546 : vector<16xi32>
      %swap3A_548 = arith.constant 32 : index
      %swap3A_549 = tpu.vector_load %arg17[%swap3A_548] {strides = array<i32>} : memref<128xi32, #tpu.memory_space<vmem>>, vector<16xi32>,
      %swap3A_550 = vector.shape_cast %swap3A_549 : vector<16xi32> to vector<16xi32>
      %swap3A_551 = vector.shape_cast %add3A_547 : vector<16xi32> to vector<16xi32>
      tpu.vector_store %arg17[%swap3A_548], %swap3A_551 {strides = array<i32>} : memref<128xi32, #tpu.memory_space<vmem>>, vector<16xi32>,
      %get3A_552 = arith.constant 0 : i32
      %get3A_553 = arith.index_cast %get3A_552 : i32 to index
      %get3A_554 = arith.constant 48 : index
      %get3A_555 = tpu.vector_load %arg9[%get3A_553, %get3A_554] {strides = array<i32>} : memref<2x128xi32, #tpu.memory_space<vmem>>, vector<1x16xi32>,
      %get3A_556 = vector.shape_cast %get3A_555 : vector<1x16xi32> to vector<16xi32>
      %mul3A_557 = arith.constant 2 : i32
      %mul3A_558 = vector.broadcast %mul3A_557 : i32 to vector<16xi32>
      %mul3A_559 = arith.muli %get3A_556, %mul3A_558 : vector<16xi32>
      %add3A_560 = vector.broadcast %arg0 : i32 to vector<16xi32>
      %add3A_561 = arith.addi %mul3A_559, %add3A_560 : vector<16xi32>
      %swap3A_562 = arith.constant 48 : index
      %swap3A_563 = tpu.vector_load %arg17[%swap3A_562] {strides = array<i32>} : memref<128xi32, #tpu.memory_space<vmem>>, vector<16xi32>,
      %swap3A_564 = vector.shape_cast %swap3A_563 : vector<16xi32> to vector<16xi32>
      %swap3A_565 = vector.shape_cast %add3A_561 : vector<16xi32> to vector<16xi32>
      tpu.vector_store %arg17[%swap3A_562], %swap3A_565 {strides = array<i32>} : memref<128xi32, #tpu.memory_space<vmem>>, vector<16xi32>,
      %get3A_566 = arith.constant 0 : i32
      %get3A_567 = arith.index_cast %get3A_566 : i32 to index
      %get3A_568 = arith.constant 64 : index
      %get3A_569 = tpu.vector_load %arg9[%get3A_567, %get3A_568] {strides = array<i32>} : memref<2x128xi32, #tpu.memory_space<vmem>>, vector<1x16xi32>,
      %get3A_570 = vector.shape_cast %get3A_569 : vector<1x16xi32> to vector<16xi32>
      %mul3A_571 = arith.constant 2 : i32
      %mul3A_572 = vector.broadcast %mul3A_571 : i32 to vector<16xi32>
      %mul3A_573 = arith.muli %get3A_570, %mul3A_572 : vector<16xi32>
      %add3A_574 = vector.broadcast %arg0 : i32 to vector<16xi32>
      %add3A_575 = arith.addi %mul3A_573, %add3A_574 : vector<16xi32>
      %swap3A_576 = arith.constant 64 : index
      %swap3A_577 = tpu.vector_load %arg17[%swap3A_576] {strides = array<i32>} : memref<128xi32, #tpu.memory_space<vmem>>, vector<16xi32>,
      %swap3A_578 = vector.shape_cast %swap3A_577 : vector<16xi32> to vector<16xi32>
      %swap3A_579 = vector.shape_cast %add3A_575 : vector<16xi32> to vector<16xi32>
      tpu.vector_store %arg17[%swap3A_576], %swap3A_579 {strides = array<i32>} : memref<128xi32, #tpu.memory_space<vmem>>, vector<16xi32>,
      %get3A_580 = arith.constant 0 : i32
      %get3A_581 = arith.index_cast %get3A_580 : i32 to index
      %get3A_582 = arith.constant 80 : index
      %get3A_583 = tpu.vector_load %arg9[%get3A_581, %get3A_582] {strides = array<i32>} : memref<2x128xi32, #tpu.memory_space<vmem>>, vector<1x16xi32>,
      %get3A_584 = vector.shape_cast %get3A_583 : vector<1x16xi32> to vector<16xi32>
      %mul3A_585 = arith.constant 2 : i32
      %mul3A_586 = vector.broadcast %mul3A_585 : i32 to vector<16xi32>
      %mul3A_587 = arith.muli %get3A_584, %mul3A_586 : vector<16xi32>
      %add3A_588 = vector.broadcast %arg0 : i32 to vector<16xi32>
      %add3A_589 = arith.addi %mul3A_587, %add3A_588 : vector<16xi32>
      %swap3A_590 = arith.constant 80 : index
      %swap3A_591 = tpu.vector_load %arg17[%swap3A_590] {strides = array<i32>} : memref<128xi32, #tpu.memory_space<vmem>>, vector<16xi32>,
      %swap3A_592 = vector.shape_cast %swap3A_591 : vector<16xi32> to vector<16xi32>
      %swap3A_593 = vector.shape_cast %add3A_589 : vector<16xi32> to vector<16xi32>
      tpu.vector_store %arg17[%swap3A_590], %swap3A_593 {strides = array<i32>} : memref<128xi32, #tpu.memory_space<vmem>>, vector<16xi32>,
      %get3A_594 = arith.constant 0 : i32
      %get3A_595 = arith.index_cast %get3A_594 : i32 to index
      %get3A_596 = arith.constant 96 : index
      %get3A_597 = tpu.vector_load %arg9[%get3A_595, %get3A_596] {strides = array<i32>} : memref<2x128xi32, #tpu.memory_space<vmem>>, vector<1x16xi32>,
      %get3A_598 = vector.shape_cast %get3A_597 : vector<1x16xi32> to vector<16xi32>
      %mul3A_599 = arith.constant 2 : i32
      %mul3A_600 = vector.broadcast %mul3A_599 : i32 to vector<16xi32>
      %mul3A_601 = arith.muli %get3A_598, %mul3A_600 : vector<16xi32>
      %add3A_602 = vector.broadcast %arg0 : i32 to vector<16xi32>
      %add3A_603 = arith.addi %mul3A_601, %add3A_602 : vector<16xi32>
      %swap3A_604 = arith.constant 96 : index
      %swap3A_605 = tpu.vector_load %arg17[%swap3A_604] {strides = array<i32>} : memref<128xi32, #tpu.memory_space<vmem>>, vector<16xi32>,
      %swap3A_606 = vector.shape_cast %swap3A_605 : vector<16xi32> to vector<16xi32>
      %swap3A_607 = vector.shape_cast %add3A_603 : vector<16xi32> to vector<16xi32>
      tpu.vector_store %arg17[%swap3A_604], %swap3A_607 {strides = array<i32>} : memref<128xi32, #tpu.memory_space<vmem>>, vector<16xi32>,
      %get3A_608 = arith.constant 0 : i32
      %get3A_609 = arith.index_cast %get3A_608 : i32 to index
      %get3A_610 = arith.constant 112 : index
      %get3A_611 = tpu.vector_load %arg9[%get3A_609, %get3A_610] {strides = array<i32>} : memref<2x128xi32, #tpu.memory_space<vmem>>, vector<1x16xi32>,
      %get3A_612 = vector.shape_cast %get3A_611 : vector<1x16xi32> to vector<16xi32>
      %mul3A_613 = arith.constant 2 : i32
      %mul3A_614 = vector.broadcast %mul3A_613 : i32 to vector<16xi32>
      %mul3A_615 = arith.muli %get3A_612, %mul3A_614 : vector<16xi32>
      %add3A_616 = vector.broadcast %arg0 : i32 to vector<16xi32>
      %add3A_617 = arith.addi %mul3A_615, %add3A_616 : vector<16xi32>
      %swap3A_618 = arith.constant 112 : index
      %swap3A_619 = tpu.vector_load %arg17[%swap3A_618] {strides = array<i32>} : memref<128xi32, #tpu.memory_space<vmem>>, vector<16xi32>,
      %swap3A_620 = vector.shape_cast %swap3A_619 : vector<16xi32> to vector<16xi32>
      %swap3A_621 = vector.shape_cast %add3A_617 : vector<16xi32> to vector<16xi32>
      tpu.vector_store %arg17[%swap3A_618], %swap3A_621 {strides = array<i32>} : memref<128xi32, #tpu.memory_space<vmem>>, vector<16xi32>,
      %get3A_622 = arith.constant 0 : i32
      %get3A_623 = arith.index_cast %get3A_622 : i32 to index
      %get3A_624 = arith.constant 0 : index
      %get3A_625 = tpu.vector_load %arg10[%get3A_623, %get3A_624] {strides = array<i32>} : memref<2x128xi32, #tpu.memory_space<vmem>>, vector<1x16xi32>,
      %get3A_626 = vector.shape_cast %get3A_625 : vector<1x16xi32> to vector<16xi32>
      %mul3A_627 = arith.constant 2 : i32
      %mul3A_628 = vector.broadcast %mul3A_627 : i32 to vector<16xi32>
      %mul3A_629 = arith.muli %get3A_626, %mul3A_628 : vector<16xi32>
      %add3A_630 = vector.broadcast %arg0 : i32 to vector<16xi32>
      %add3A_631 = arith.addi %mul3A_629, %add3A_630 : vector<16xi32>
      %swap3A_632 = arith.constant 0 : index
      %swap3A_633 = tpu.vector_load %arg18[%swap3A_632] {strides = array<i32>} : memref<128xi32, #tpu.memory_space<vmem>>, vector<16xi32>,
      %swap3A_634 = vector.shape_cast %swap3A_633 : vector<16xi32> to vector<16xi32>
      %swap3A_635 = vector.shape_cast %add3A_631 : vector<16xi32> to vector<16xi32>
      tpu.vector_store %arg18[%swap3A_632], %swap3A_635 {strides = array<i32>} : memref<128xi32, #tpu.memory_space<vmem>>, vector<16xi32>,
      %get3A_636 = arith.constant 0 : i32
      %get3A_637 = arith.index_cast %get3A_636 : i32 to index
      %get3A_638 = arith.constant 16 : index
      %get3A_639 = tpu.vector_load %arg10[%get3A_637, %get3A_638] {strides = array<i32>} : memref<2x128xi32, #tpu.memory_space<vmem>>, vector<1x16xi32>,
      %get3A_640 = vector.shape_cast %get3A_639 : vector<1x16xi32> to vector<16xi32>
      %mul3A_641 = arith.constant 2 : i32
      %mul3A_642 = vector.broadcast %mul3A_641 : i32 to vector<16xi32>
      %mul3A_643 = arith.muli %get3A_640, %mul3A_642 : vector<16xi32>
      %add3A_644 = vector.broadcast %arg0 : i32 to vector<16xi32>
      %add3A_645 = arith.addi %mul3A_643, %add3A_644 : vector<16xi32>
      %swap3A_646 = arith.constant 16 : index
      %swap3A_647 = tpu.vector_load %arg18[%swap3A_646] {strides = array<i32>} : memref<128xi32, #tpu.memory_space<vmem>>, vector<16xi32>,
      %swap3A_648 = vector.shape_cast %swap3A_647 : vector<16xi32> to vector<16xi32>
      %swap3A_649 = vector.shape_cast %add3A_645 : vector<16xi32> to vector<16xi32>
      tpu.vector_store %arg18[%swap3A_646], %swap3A_649 {strides = array<i32>} : memref<128xi32, #tpu.memory_space<vmem>>, vector<16xi32>,
      %get3A_650 = arith.constant 0 : i32
      %get3A_651 = arith.index_cast %get3A_650 : i32 to index
      %get3A_652 = arith.constant 32 : index
      %get3A_653 = tpu.vector_load %arg10[%get3A_651, %get3A_652] {strides = array<i32>} : memref<2x128xi32, #tpu.memory_space<vmem>>, vector<1x16xi32>,
      %get3A_654 = vector.shape_cast %get3A_653 : vector<1x16xi32> to vector<16xi32>
      %mul3A_655 = arith.constant 2 : i32
      %mul3A_656 = vector.broadcast %mul3A_655 : i32 to vector<16xi32>
      %mul3A_657 = arith.muli %get3A_654, %mul3A_656 : vector<16xi32>
      %add3A_658 = vector.broadcast %arg0 : i32 to vector<16xi32>
      %add3A_659 = arith.addi %mul3A_657, %add3A_658 : vector<16xi32>
      %swap3A_660 = arith.constant 32 : index
      %swap3A_661 = tpu.vector_load %arg18[%swap3A_660] {strides = array<i32>} : memref<128xi32, #tpu.memory_space<vmem>>, vector<16xi32>,
      %swap3A_662 = vector.shape_cast %swap3A_661 : vector<16xi32> to vector<16xi32>
      %swap3A_663 = vector.shape_cast %add3A_659 : vector<16xi32> to vector<16xi32>
      tpu.vector_store %arg18[%swap3A_660], %swap3A_663 {strides = array<i32>} : memref<128xi32, #tpu.memory_space<vmem>>, vector<16xi32>,
      %get3A_664 = arith.constant 0 : i32
      %get3A_665 = arith.index_cast %get3A_664 : i32 to index
      %get3A_666 = arith.constant 48 : index
      %get3A_667 = tpu.vector_load %arg10[%get3A_665, %get3A_666] {strides = array<i32>} : memref<2x128xi32, #tpu.memory_space<vmem>>, vector<1x16xi32>,
      %get3A_668 = vector.shape_cast %get3A_667 : vector<1x16xi32> to vector<16xi32>
      %mul3A_669 = arith.constant 2 : i32
      %mul3A_670 = vector.broadcast %mul3A_669 : i32 to vector<16xi32>
      %mul3A_671 = arith.muli %get3A_668, %mul3A_670 : vector<16xi32>
      %add3A_672 = vector.broadcast %arg0 : i32 to vector<16xi32>
      %add3A_673 = arith.addi %mul3A_671, %add3A_672 : vector<16xi32>
      %swap3A_674 = arith.constant 48 : index
      %swap3A_675 = tpu.vector_load %arg18[%swap3A_674] {strides = array<i32>} : memref<128xi32, #tpu.memory_space<vmem>>, vector<16xi32>,
      %swap3A_676 = vector.shape_cast %swap3A_675 : vector<16xi32> to vector<16xi32>
      %swap3A_677 = vector.shape_cast %add3A_673 : vector<16xi32> to vector<16xi32>
      tpu.vector_store %arg18[%swap3A_674], %swap3A_677 {strides = array<i32>} : memref<128xi32, #tpu.memory_space<vmem>>, vector<16xi32>,
      %get3A_678 = arith.constant 0 : i32
      %get3A_679 = arith.index_cast %get3A_678 : i32 to index
      %get3A_680 = arith.constant 64 : index
      %get3A_681 = tpu.vector_load %arg10[%get3A_679, %get3A_680] {strides = array<i32>} : memref<2x128xi32, #tpu.memory_space<vmem>>, vector<1x16xi32>,
      %get3A_682 = vector.shape_cast %get3A_681 : vector<1x16xi32> to vector<16xi32>
      %mul3A_683 = arith.constant 2 : i32
      %mul3A_684 = vector.broadcast %mul3A_683 : i32 to vector<16xi32>
      %mul3A_685 = arith.muli %get3A_682, %mul3A_684 : vector<16xi32>
      %add3A_686 = vector.broadcast %arg0 : i32 to vector<16xi32>
      %add3A_687 = arith.addi %mul3A_685, %add3A_686 : vector<16xi32>
      %swap3A_688 = arith.constant 64 : index
      %swap3A_689 = tpu.vector_load %arg18[%swap3A_688] {strides = array<i32>} : memref<128xi32, #tpu.memory_space<vmem>>, vector<16xi32>,
      %swap3A_690 = vector.shape_cast %swap3A_689 : vector<16xi32> to vector<16xi32>
      %swap3A_691 = vector.shape_cast %add3A_687 : vector<16xi32> to vector<16xi32>
      tpu.vector_store %arg18[%swap3A_688], %swap3A_691 {strides = array<i32>} : memref<128xi32, #tpu.memory_space<vmem>>, vector<16xi32>,
      %get3A_692 = arith.constant 0 : i32
      %get3A_693 = arith.index_cast %get3A_692 : i32 to index
      %get3A_694 = arith.constant 80 : index
      %get3A_695 = tpu.vector_load %arg10[%get3A_693, %get3A_694] {strides = array<i32>} : memref<2x128xi32, #tpu.memory_space<vmem>>, vector<1x16xi32>,
      %get3A_696 = vector.shape_cast %get3A_695 : vector<1x16xi32> to vector<16xi32>
      %mul3A_697 = arith.constant 2 : i32
      %mul3A_698 = vector.broadcast %mul3A_697 : i32 to vector<16xi32>
      %mul3A_699 = arith.muli %get3A_696, %mul3A_698 : vector<16xi32>
      %add3A_700 = vector.broadcast %arg0 : i32 to vector<16xi32>
      %add3A_701 = arith.addi %mul3A_699, %add3A_700 : vector<16xi32>
      %swap3A_702 = arith.constant 80 : index
      %swap3A_703 = tpu.vector_load %arg18[%swap3A_702] {strides = array<i32>} : memref<128xi32, #tpu.memory_space<vmem>>, vector<16xi32>,
      %swap3A_704 = vector.shape_cast %swap3A_703 : vector<16xi32> to vector<16xi32>
      %swap3A_705 = vector.shape_cast %add3A_701 : vector<16xi32> to vector<16xi32>
      tpu.vector_store %arg18[%swap3A_702], %swap3A_705 {strides = array<i32>} : memref<128xi32, #tpu.memory_space<vmem>>, vector<16xi32>,
      %get3A_706 = arith.constant 0 : i32
      %get3A_707 = arith.index_cast %get3A_706 : i32 to index
      %get3A_708 = arith.constant 96 : index
      %get3A_709 = tpu.vector_load %arg10[%get3A_707, %get3A_708] {strides = array<i32>} : memref<2x128xi32, #tpu.memory_space<vmem>>, vector<1x16xi32>,
      %get3A_710 = vector.shape_cast %get3A_709 : vector<1x16xi32> to vector<16xi32>
      %mul3A_711 = arith.constant 2 : i32
      %mul3A_712 = vector.broadcast %mul3A_711 : i32 to vector<16xi32>
      %mul3A_713 = arith.muli %get3A_710, %mul3A_712 : vector<16xi32>
      %add3A_714 = vector.broadcast %arg0 : i32 to vector<16xi32>
      %add3A_715 = arith.addi %mul3A_713, %add3A_714 : vector<16xi32>
      %swap3A_716 = arith.constant 96 : index
      %swap3A_717 = tpu.vector_load %arg18[%swap3A_716] {strides = array<i32>} : memref<128xi32, #tpu.memory_space<vmem>>, vector<16xi32>,
      %swap3A_718 = vector.shape_cast %swap3A_717 : vector<16xi32> to vector<16xi32>
      %swap3A_719 = vector.shape_cast %add3A_715 : vector<16xi32> to vector<16xi32>
      tpu.vector_store %arg18[%swap3A_716], %swap3A_719 {strides = array<i32>} : memref<128xi32, #tpu.memory_space<vmem>>, vector<16xi32>,
      %get3A_720 = arith.constant 0 : i32
      %get3A_721 = arith.index_cast %get3A_720 : i32 to index
      %get3A_722 = arith.constant 112 : index
      %get3A_723 = tpu.vector_load %arg10[%get3A_721, %get3A_722] {strides = array<i32>} : memref<2x128xi32, #tpu.memory_space<vmem>>, vector<1x16xi32>,
      %get3A_724 = vector.shape_cast %get3A_723 : vector<1x16xi32> to vector<16xi32>
      %mul3A_725 = arith.constant 2 : i32
      %mul3A_726 = vector.broadcast %mul3A_725 : i32 to vector<16xi32>
      %mul3A_727 = arith.muli %get3A_724, %mul3A_726 : vector<16xi32>
      %add3A_728 = vector.broadcast %arg0 : i32 to vector<16xi32>
      %add3A_729 = arith.addi %mul3A_727, %add3A_728 : vector<16xi32>
      %swap3A_730 = arith.constant 112 : index
      %swap3A_731 = tpu.vector_load %arg18[%swap3A_730] {strides = array<i32>} : memref<128xi32, #tpu.memory_space<vmem>>, vector<16xi32>,
      %swap3A_732 = vector.shape_cast %swap3A_731 : vector<16xi32> to vector<16xi32>
      %swap3A_733 = vector.shape_cast %add3A_729 : vector<16xi32> to vector<16xi32>
      tpu.vector_store %arg18[%swap3A_730], %swap3A_733 {strides = array<i32>} : memref<128xi32, #tpu.memory_space<vmem>>, vector<16xi32>,
      %get3A_734 = arith.constant 0 : i32
      %get3A_735 = arith.index_cast %get3A_734 : i32 to index
      %get3A_736 = arith.constant 0 : index
      %get3A_737 = tpu.vector_load %arg11[%get3A_735, %get3A_736] {strides = array<i32>} : memref<2x128xi32, #tpu.memory_space<vmem>>, vector<1x16xi32>,
      %get3A_738 = vector.shape_cast %get3A_737 : vector<1x16xi32> to vector<16xi32>
      %mul3A_739 = arith.constant 2 : i32
      %mul3A_740 = vector.broadcast %mul3A_739 : i32 to vector<16xi32>
      %mul3A_741 = arith.muli %get3A_738, %mul3A_740 : vector<16xi32>
      %add3A_742 = vector.broadcast %arg0 : i32 to vector<16xi32>
      %add3A_743 = arith.addi %mul3A_741, %add3A_742 : vector<16xi32>
      %swap3A_744 = arith.constant 0 : index
      %swap3A_745 = tpu.vector_load %arg19[%swap3A_744] {strides = array<i32>} : memref<128xi32, #tpu.memory_space<vmem>>, vector<16xi32>,
      %swap3A_746 = vector.shape_cast %swap3A_745 : vector<16xi32> to vector<16xi32>
      %swap3A_747 = vector.shape_cast %add3A_743 : vector<16xi32> to vector<16xi32>
      tpu.vector_store %arg19[%swap3A_744], %swap3A_747 {strides = array<i32>} : memref<128xi32, #tpu.memory_space<vmem>>, vector<16xi32>,
      %get3A_748 = arith.constant 0 : i32
      %get3A_749 = arith.index_cast %get3A_748 : i32 to index
      %get3A_750 = arith.constant 16 : index
      %get3A_751 = tpu.vector_load %arg11[%get3A_749, %get3A_750] {strides = array<i32>} : memref<2x128xi32, #tpu.memory_space<vmem>>, vector<1x16xi32>,
      %get3A_752 = vector.shape_cast %get3A_751 : vector<1x16xi32> to vector<16xi32>
      %mul3A_753 = arith.constant 2 : i32
      %mul3A_754 = vector.broadcast %mul3A_753 : i32 to vector<16xi32>
      %mul3A_755 = arith.muli %get3A_752, %mul3A_754 : vector<16xi32>
      %add3A_756 = vector.broadcast %arg0 : i32 to vector<16xi32>
      %add3A_757 = arith.addi %mul3A_755, %add3A_756 : vector<16xi32>
      %swap3A_758 = arith.constant 16 : index
      %swap3A_759 = tpu.vector_load %arg19[%swap3A_758] {strides = array<i32>} : memref<128xi32, #tpu.memory_space<vmem>>, vector<16xi32>,
      %swap3A_760 = vector.shape_cast %swap3A_759 : vector<16xi32> to vector<16xi32>
      %swap3A_761 = vector.shape_cast %add3A_757 : vector<16xi32> to vector<16xi32>
      tpu.vector_store %arg19[%swap3A_758], %swap3A_761 {strides = array<i32>} : memref<128xi32, #tpu.memory_space<vmem>>, vector<16xi32>,
      %get3A_762 = arith.constant 0 : i32
      %get3A_763 = arith.index_cast %get3A_762 : i32 to index
      %get3A_764 = arith.constant 32 : index
      %get3A_765 = tpu.vector_load %arg11[%get3A_763, %get3A_764] {strides = array<i32>} : memref<2x128xi32, #tpu.memory_space<vmem>>, vector<1x16xi32>,
      %get3A_766 = vector.shape_cast %get3A_765 : vector<1x16xi32> to vector<16xi32>
      %mul3A_767 = arith.constant 2 : i32
      %mul3A_768 = vector.broadcast %mul3A_767 : i32 to vector<16xi32>
      %mul3A_769 = arith.muli %get3A_766, %mul3A_768 : vector<16xi32>
      %add3A_770 = vector.broadcast %arg0 : i32 to vector<16xi32>
      %add3A_771 = arith.addi %mul3A_769, %add3A_770 : vector<16xi32>
      %swap3A_772 = arith.constant 32 : index
      %swap3A_773 = tpu.vector_load %arg19[%swap3A_772] {strides = array<i32>} : memref<128xi32, #tpu.memory_space<vmem>>, vector<16xi32>,
      %swap3A_774 = vector.shape_cast %swap3A_773 : vector<16xi32> to vector<16xi32>
      %swap3A_775 = vector.shape_cast %add3A_771 : vector<16xi32> to vector<16xi32>
      tpu.vector_store %arg19[%swap3A_772], %swap3A_775 {strides = array<i32>} : memref<128xi32, #tpu.memory_space<vmem>>, vector<16xi32>,
      %get3A_776 = arith.constant 0 : i32
      %get3A_777 = arith.index_cast %get3A_776 : i32 to index
      %get3A_778 = arith.constant 48 : index
      %get3A_779 = tpu.vector_load %arg11[%get3A_777, %get3A_778] {strides = array<i32>} : memref<2x128xi32, #tpu.memory_space<vmem>>, vector<1x16xi32>,
      %get3A_780 = vector.shape_cast %get3A_779 : vector<1x16xi32> to vector<16xi32>
      %mul3A_781 = arith.constant 2 : i32
      %mul3A_782 = vector.broadcast %mul3A_781 : i32 to vector<16xi32>
      %mul3A_783 = arith.muli %get3A_780, %mul3A_782 : vector<16xi32>
      %add3A_784 = vector.broadcast %arg0 : i32 to vector<16xi32>
      %add3A_785 = arith.addi %mul3A_783, %add3A_784 : vector<16xi32>
      %swap3A_786 = arith.constant 48 : index
      %swap3A_787 = tpu.vector_load %arg19[%swap3A_786] {strides = array<i32>} : memref<128xi32, #tpu.memory_space<vmem>>, vector<16xi32>,
      %swap3A_788 = vector.shape_cast %swap3A_787 : vector<16xi32> to vector<16xi32>
      %swap3A_789 = vector.shape_cast %add3A_785 : vector<16xi32> to vector<16xi32>
      tpu.vector_store %arg19[%swap3A_786], %swap3A_789 {strides = array<i32>} : memref<128xi32, #tpu.memory_space<vmem>>, vector<16xi32>,
      %get3A_790 = arith.constant 0 : i32
      %get3A_791 = arith.index_cast %get3A_790 : i32 to index
      %get3A_792 = arith.constant 64 : index
      %get3A_793 = tpu.vector_load %arg11[%get3A_791, %get3A_792] {strides = array<i32>} : memref<2x128xi32, #tpu.memory_space<vmem>>, vector<1x16xi32>,
      %get3A_794 = vector.shape_cast %get3A_793 : vector<1x16xi32> to vector<16xi32>
      %mul3A_795 = arith.constant 2 : i32
      %mul3A_796 = vector.broadcast %mul3A_795 : i32 to vector<16xi32>
      %mul3A_797 = arith.muli %get3A_794, %mul3A_796 : vector<16xi32>
      %add3A_798 = vector.broadcast %arg0 : i32 to vector<16xi32>
      %add3A_799 = arith.addi %mul3A_797, %add3A_798 : vector<16xi32>
      %swap3A_800 = arith.constant 64 : index
      %swap3A_801 = tpu.vector_load %arg19[%swap3A_800] {strides = array<i32>} : memref<128xi32, #tpu.memory_space<vmem>>, vector<16xi32>,
      %swap3A_802 = vector.shape_cast %swap3A_801 : vector<16xi32> to vector<16xi32>
      %swap3A_803 = vector.shape_cast %add3A_799 : vector<16xi32> to vector<16xi32>
      tpu.vector_store %arg19[%swap3A_800], %swap3A_803 {strides = array<i32>} : memref<128xi32, #tpu.memory_space<vmem>>, vector<16xi32>,
      %get3A_804 = arith.constant 0 : i32
      %get3A_805 = arith.index_cast %get3A_804 : i32 to index
      %get3A_806 = arith.constant 80 : index
      %get3A_807 = tpu.vector_load %arg11[%get3A_805, %get3A_806] {strides = array<i32>} : memref<2x128xi32, #tpu.memory_space<vmem>>, vector<1x16xi32>,
      %get3A_808 = vector.shape_cast %get3A_807 : vector<1x16xi32> to vector<16xi32>
      %mul3A_809 = arith.constant 2 : i32
      %mul3A_810 = vector.broadcast %mul3A_809 : i32 to vector<16xi32>
      %mul3A_811 = arith.muli %get3A_808, %mul3A_810 : vector<16xi32>
      %add3A_812 = vector.broadcast %arg0 : i32 to vector<16xi32>
      %add3A_813 = arith.addi %mul3A_811, %add3A_812 : vector<16xi32>
      %swap3A_814 = arith.constant 80 : index
      %swap3A_815 = tpu.vector_load %arg19[%swap3A_814] {strides = array<i32>} : memref<128xi32, #tpu.memory_space<vmem>>, vector<16xi32>,
      %swap3A_816 = vector.shape_cast %swap3A_815 : vector<16xi32> to vector<16xi32>
      %swap3A_817 = vector.shape_cast %add3A_813 : vector<16xi32> to vector<16xi32>
      tpu.vector_store %arg19[%swap3A_814], %swap3A_817 {strides = array<i32>} : memref<128xi32, #tpu.memory_space<vmem>>, vector<16xi32>,
      %get3A_818 = arith.constant 0 : i32
      %get3A_819 = arith.index_cast %get3A_818 : i32 to index
      %get3A_820 = arith.constant 96 : index
      %get3A_821 = tpu.vector_load %arg11[%get3A_819, %get3A_820] {strides = array<i32>} : memref<2x128xi32, #tpu.memory_space<vmem>>, vector<1x16xi32>,
      %get3A_822 = vector.shape_cast %get3A_821 : vector<1x16xi32> to vector<16xi32>
      %mul3A_823 = arith.constant 2 : i32
      %mul3A_824 = vector.broadcast %mul3A_823 : i32 to vector<16xi32>
      %mul3A_825 = arith.muli %get3A_822, %mul3A_824 : vector<16xi32>
      %add3A_826 = vector.broadcast %arg0 : i32 to vector<16xi32>
      %add3A_827 = arith.addi %mul3A_825, %add3A_826 : vector<16xi32>
      %swap3A_828 = arith.constant 96 : index
      %swap3A_829 = tpu.vector_load %arg19[%swap3A_828] {strides = array<i32>} : memref<128xi32, #tpu.memory_space<vmem>>, vector<16xi32>,
      %swap3A_830 = vector.shape_cast %swap3A_829 : vector<16xi32> to vector<16xi32>
      %swap3A_831 = vector.shape_cast %add3A_827 : vector<16xi32> to vector<16xi32>
      tpu.vector_store %arg19[%swap3A_828], %swap3A_831 {strides = array<i32>} : memref<128xi32, #tpu.memory_space<vmem>>, vector<16xi32>,
      %get3A_832 = arith.constant 0 : i32
      %get3A_833 = arith.index_cast %get3A_832 : i32 to index
      %get3A_834 = arith.constant 112 : index
      %get3A_835 = tpu.vector_load %arg11[%get3A_833, %get3A_834] {strides = array<i32>} : memref<2x128xi32, #tpu.memory_space<vmem>>, vector<1x16xi32>,
      %get3A_836 = vector.shape_cast %get3A_835 : vector<1x16xi32> to vector<16xi32>
      %mul3A_837 = arith.constant 2 : i32
      %mul3A_838 = vector.broadcast %mul3A_837 : i32 to vector<16xi32>
      %mul3A_839 = arith.muli %get3A_836, %mul3A_838 : vector<16xi32>
      %add3A_840 = vector.broadcast %arg0 : i32 to vector<16xi32>
      %add3A_841 = arith.addi %mul3A_839, %add3A_840 : vector<16xi32>
      %swap3A_842 = arith.constant 112 : index
      %swap3A_843 = tpu.vector_load %arg19[%swap3A_842] {strides = array<i32>} : memref<128xi32, #tpu.memory_space<vmem>>, vector<16xi32>,
      %swap3A_844 = vector.shape_cast %swap3A_843 : vector<16xi32> to vector<16xi32>
      %swap3A_845 = vector.shape_cast %add3A_841 : vector<16xi32> to vector<16xi32>
      tpu.vector_store %arg19[%swap3A_842], %swap3A_845 {strides = array<i32>} : memref<128xi32, #tpu.memory_space<vmem>>, vector<16xi32>,
      %get3A_846 = arith.constant 0 : i32
      %get3A_847 = arith.index_cast %get3A_846 : i32 to index
      %get3A_848 = arith.constant 0 : index
      %get3A_849 = tpu.vector_load %arg12[%get3A_847, %get3A_848] {strides = array<i32>} : memref<2x128xi32, #tpu.memory_space<vmem>>, vector<1x16xi32>,
      %get3A_850 = vector.shape_cast %get3A_849 : vector<1x16xi32> to vector<16xi32>
      %mul3A_851 = arith.constant 2 : i32
      %mul3A_852 = vector.broadcast %mul3A_851 : i32 to vector<16xi32>
      %mul3A_853 = arith.muli %get3A_850, %mul3A_852 : vector<16xi32>
      %add3A_854 = vector.broadcast %arg0 : i32 to vector<16xi32>
      %add3A_855 = arith.addi %mul3A_853, %add3A_854 : vector<16xi32>
      %swap3A_856 = arith.constant 0 : index
      %swap3A_857 = tpu.vector_load %arg20[%swap3A_856] {strides = array<i32>} : memref<128xi32, #tpu.memory_space<vmem>>, vector<16xi32>,
      %swap3A_858 = vector.shape_cast %swap3A_857 : vector<16xi32> to vector<16xi32>
      %swap3A_859 = vector.shape_cast %add3A_855 : vector<16xi32> to vector<16xi32>
      tpu.vector_store %arg20[%swap3A_856], %swap3A_859 {strides = array<i32>} : memref<128xi32, #tpu.memory_space<vmem>>, vector<16xi32>,
      %get3A_860 = arith.constant 0 : i32
      %get3A_861 = arith.index_cast %get3A_860 : i32 to index
      %get3A_862 = arith.constant 16 : index
      %get3A_863 = tpu.vector_load %arg12[%get3A_861, %get3A_862] {strides = array<i32>} : memref<2x128xi32, #tpu.memory_space<vmem>>, vector<1x16xi32>,
      %get3A_864 = vector.shape_cast %get3A_863 : vector<1x16xi32> to vector<16xi32>
      %mul3A_865 = arith.constant 2 : i32
      %mul3A_866 = vector.broadcast %mul3A_865 : i32 to vector<16xi32>
      %mul3A_867 = arith.muli %get3A_864, %mul3A_866 : vector<16xi32>
      %add3A_868 = vector.broadcast %arg0 : i32 to vector<16xi32>
      %add3A_869 = arith.addi %mul3A_867, %add3A_868 : vector<16xi32>
      %swap3A_870 = arith.constant 16 : index
      %swap3A_871 = tpu.vector_load %arg20[%swap3A_870] {strides = array<i32>} : memref<128xi32, #tpu.memory_space<vmem>>, vector<16xi32>,
      %swap3A_872 = vector.shape_cast %swap3A_871 : vector<16xi32> to vector<16xi32>
      %swap3A_873 = vector.shape_cast %add3A_869 : vector<16xi32> to vector<16xi32>
      tpu.vector_store %arg20[%swap3A_870], %swap3A_873 {strides = array<i32>} : memref<128xi32, #tpu.memory_space<vmem>>, vector<16xi32>,
      %get3A_874 = arith.constant 0 : i32
      %get3A_875 = arith.index_cast %get3A_874 : i32 to index
      %get3A_876 = arith.constant 32 : index
      %get3A_877 = tpu.vector_load %arg12[%get3A_875, %get3A_876] {strides = array<i32>} : memref<2x128xi32, #tpu.memory_space<vmem>>, vector<1x16xi32>,
      %get3A_878 = vector.shape_cast %get3A_877 : vector<1x16xi32> to vector<16xi32>
      %mul3A_879 = arith.constant 2 : i32
      %mul3A_880 = vector.broadcast %mul3A_879 : i32 to vector<16xi32>
      %mul3A_881 = arith.muli %get3A_878, %mul3A_880 : vector<16xi32>
      %add3A_882 = vector.broadcast %arg0 : i32 to vector<16xi32>
      %add3A_883 = arith.addi %mul3A_881, %add3A_882 : vector<16xi32>
      %swap3A_884 = arith.constant 32 : index
      %swap3A_885 = tpu.vector_load %arg20[%swap3A_884] {strides = array<i32>} : memref<128xi32, #tpu.memory_space<vmem>>, vector<16xi32>,
      %swap3A_886 = vector.shape_cast %swap3A_885 : vector<16xi32> to vector<16xi32>
      %swap3A_887 = vector.shape_cast %add3A_883 : vector<16xi32> to vector<16xi32>
      tpu.vector_store %arg20[%swap3A_884], %swap3A_887 {strides = array<i32>} : memref<128xi32, #tpu.memory_space<vmem>>, vector<16xi32>,
      %get3A_888 = arith.constant 0 : i32
      %get3A_889 = arith.index_cast %get3A_888 : i32 to index
      %get3A_890 = arith.constant 48 : index
      %get3A_891 = tpu.vector_load %arg12[%get3A_889, %get3A_890] {strides = array<i32>} : memref<2x128xi32, #tpu.memory_space<vmem>>, vector<1x16xi32>,
      %get3A_892 = vector.shape_cast %get3A_891 : vector<1x16xi32> to vector<16xi32>
      %mul3A_893 = arith.constant 2 : i32
      %mul3A_894 = vector.broadcast %mul3A_893 : i32 to vector<16xi32>
      %mul3A_895 = arith.muli %get3A_892, %mul3A_894 : vector<16xi32>
      %add3A_896 = vector.broadcast %arg0 : i32 to vector<16xi32>
      %add3A_897 = arith.addi %mul3A_895, %add3A_896 : vector<16xi32>
      %swap3A_898 = arith.constant 48 : index
      %swap3A_899 = tpu.vector_load %arg20[%swap3A_898] {strides = array<i32>} : memref<128xi32, #tpu.memory_space<vmem>>, vector<16xi32>,
      %swap3A_900 = vector.shape_cast %swap3A_899 : vector<16xi32> to vector<16xi32>
      %swap3A_901 = vector.shape_cast %add3A_897 : vector<16xi32> to vector<16xi32>
      tpu.vector_store %arg20[%swap3A_898], %swap3A_901 {strides = array<i32>} : memref<128xi32, #tpu.memory_space<vmem>>, vector<16xi32>,
      %get3A_902 = arith.constant 0 : i32
      %get3A_903 = arith.index_cast %get3A_902 : i32 to index
      %get3A_904 = arith.constant 64 : index
      %get3A_905 = tpu.vector_load %arg12[%get3A_903, %get3A_904] {strides = array<i32>} : memref<2x128xi32, #tpu.memory_space<vmem>>, vector<1x16xi32>,
      %get3A_906 = vector.shape_cast %get3A_905 : vector<1x16xi32> to vector<16xi32>
      %mul3A_907 = arith.constant 2 : i32
      %mul3A_908 = vector.broadcast %mul3A_907 : i32 to vector<16xi32>
      %mul3A_909 = arith.muli %get3A_906, %mul3A_908 : vector<16xi32>
      %add3A_910 = vector.broadcast %arg0 : i32 to vector<16xi32>
      %add3A_911 = arith.addi %mul3A_909, %add3A_910 : vector<16xi32>
      %swap3A_912 = arith.constant 64 : index
      %swap3A_913 = tpu.vector_load %arg20[%swap3A_912] {strides = array<i32>} : memref<128xi32, #tpu.memory_space<vmem>>, vector<16xi32>,
      %swap3A_914 = vector.shape_cast %swap3A_913 : vector<16xi32> to vector<16xi32>
      %swap3A_915 = vector.shape_cast %add3A_911 : vector<16xi32> to vector<16xi32>
      tpu.vector_store %arg20[%swap3A_912], %swap3A_915 {strides = array<i32>} : memref<128xi32, #tpu.memory_space<vmem>>, vector<16xi32>,
      %get3A_916 = arith.constant 0 : i32
      %get3A_917 = arith.index_cast %get3A_916 : i32 to index
      %get3A_918 = arith.constant 80 : index
      %get3A_919 = tpu.vector_load %arg12[%get3A_917, %get3A_918] {strides = array<i32>} : memref<2x128xi32, #tpu.memory_space<vmem>>, vector<1x16xi32>,
      %get3A_920 = vector.shape_cast %get3A_919 : vector<1x16xi32> to vector<16xi32>
      %mul3A_921 = arith.constant 2 : i32
      %mul3A_922 = vector.broadcast %mul3A_921 : i32 to vector<16xi32>
      %mul3A_923 = arith.muli %get3A_920, %mul3A_922 : vector<16xi32>
      %add3A_924 = vector.broadcast %arg0 : i32 to vector<16xi32>
      %add3A_925 = arith.addi %mul3A_923, %add3A_924 : vector<16xi32>
      %swap3A_926 = arith.constant 80 : index
      %swap3A_927 = tpu.vector_load %arg20[%swap3A_926] {strides = array<i32>} : memref<128xi32, #tpu.memory_space<vmem>>, vector<16xi32>,
      %swap3A_928 = vector.shape_cast %swap3A_927 : vector<16xi32> to vector<16xi32>
      %swap3A_929 = vector.shape_cast %add3A_925 : vector<16xi32> to vector<16xi32>
      tpu.vector_store %arg20[%swap3A_926], %swap3A_929 {strides = array<i32>} : memref<128xi32, #tpu.memory_space<vmem>>, vector<16xi32>,
      %get3A_930 = arith.constant 0 : i32
      %get3A_931 = arith.index_cast %get3A_930 : i32 to index
      %get3A_932 = arith.constant 96 : index
      %get3A_933 = tpu.vector_load %arg12[%get3A_931, %get3A_932] {strides = array<i32>} : memref<2x128xi32, #tpu.memory_space<vmem>>, vector<1x16xi32>,
      %get3A_934 = vector.shape_cast %get3A_933 : vector<1x16xi32> to vector<16xi32>
      %mul3A_935 = arith.constant 2 : i32
      %mul3A_936 = vector.broadcast %mul3A_935 : i32 to vector<16xi32>
      %mul3A_937 = arith.muli %get3A_934, %mul3A_936 : vector<16xi32>
      %add3A_938 = vector.broadcast %arg0 : i32 to vector<16xi32>
      %add3A_939 = arith.addi %mul3A_937, %add3A_938 : vector<16xi32>
      %swap3A_940 = arith.constant 96 : index
      %swap3A_941 = tpu.vector_load %arg20[%swap3A_940] {strides = array<i32>} : memref<128xi32, #tpu.memory_space<vmem>>, vector<16xi32>,
      %swap3A_942 = vector.shape_cast %swap3A_941 : vector<16xi32> to vector<16xi32>
      %swap3A_943 = vector.shape_cast %add3A_939 : vector<16xi32> to vector<16xi32>
      tpu.vector_store %arg20[%swap3A_940], %swap3A_943 {strides = array<i32>} : memref<128xi32, #tpu.memory_space<vmem>>, vector<16xi32>,
      %get3A_944 = arith.constant 0 : i32
      %get3A_945 = arith.index_cast %get3A_944 : i32 to index
      %get3A_946 = arith.constant 112 : index
      %get3A_947 = tpu.vector_load %arg12[%get3A_945, %get3A_946] {strides = array<i32>} : memref<2x128xi32, #tpu.memory_space<vmem>>, vector<1x16xi32>,
      %get3A_948 = vector.shape_cast %get3A_947 : vector<1x16xi32> to vector<16xi32>
      %mul3A_949 = arith.constant 2 : i32
      %mul3A_950 = vector.broadcast %mul3A_949 : i32 to vector<16xi32>
      %mul3A_951 = arith.muli %get3A_948, %mul3A_950 : vector<16xi32>
      %add3A_952 = vector.broadcast %arg0 : i32 to vector<16xi32>
      %add3A_953 = arith.addi %mul3A_951, %add3A_952 : vector<16xi32>
      %swap3A_954 = arith.constant 112 : index
      %swap3A_955 = tpu.vector_load %arg20[%swap3A_954] {strides = array<i32>} : memref<128xi32, #tpu.memory_space<vmem>>, vector<16xi32>,
      %swap3A_956 = vector.shape_cast %swap3A_955 : vector<16xi32> to vector<16xi32>
      %swap3A_957 = vector.shape_cast %add3A_953 : vector<16xi32> to vector<16xi32>
      tpu.vector_store %arg20[%swap3A_954], %swap3A_957 {strides = array<i32>} : memref<128xi32, #tpu.memory_space<vmem>>, vector<16xi32>,
      %get3A_958 = arith.constant 0 : i32
      %get3A_959 = arith.index_cast %get3A_958 : i32 to index
      %get3A_960 = arith.constant 0 : index
      %get3A_961 = tpu.vector_load %arg13[%get3A_959, %get3A_960] {strides = array<i32>} : memref<2x128xi32, #tpu.memory_space<vmem>>, vector<1x16xi32>,
      %get3A_962 = vector.shape_cast %get3A_961 : vector<1x16xi32> to vector<16xi32>
      %mul3A_963 = arith.constant 2 : i32
      %mul3A_964 = vector.broadcast %mul3A_963 : i32 to vector<16xi32>
      %mul3A_965 = arith.muli %get3A_962, %mul3A_964 : vector<16xi32>
      %add3A_966 = vector.broadcast %arg0 : i32 to vector<16xi32>
      %add3A_967 = arith.addi %mul3A_965, %add3A_966 : vector<16xi32>
      %swap3A_968 = arith.constant 0 : index
      %swap3A_969 = tpu.vector_load %arg21[%swap3A_968] {strides = array<i32>} : memref<128xi32, #tpu.memory_space<vmem>>, vector<16xi32>,
      %swap3A_970 = vector.shape_cast %swap3A_969 : vector<16xi32> to vector<16xi32>
      %swap3A_971 = vector.shape_cast %add3A_967 : vector<16xi32> to vector<16xi32>
      tpu.vector_store %arg21[%swap3A_968], %swap3A_971 {strides = array<i32>} : memref<128xi32, #tpu.memory_space<vmem>>, vector<16xi32>,
      %get3A_972 = arith.constant 0 : i32
      %get3A_973 = arith.index_cast %get3A_972 : i32 to index
      %get3A_974 = arith.constant 16 : index
      %get3A_975 = tpu.vector_load %arg13[%get3A_973, %get3A_974] {strides = array<i32>} : memref<2x128xi32, #tpu.memory_space<vmem>>, vector<1x16xi32>,
      %get3A_976 = vector.shape_cast %get3A_975 : vector<1x16xi32> to vector<16xi32>
      %mul3A_977 = arith.constant 2 : i32
      %mul3A_978 = vector.broadcast %mul3A_977 : i32 to vector<16xi32>
      %mul3A_979 = arith.muli %get3A_976, %mul3A_978 : vector<16xi32>
      %add3A_980 = vector.broadcast %arg0 : i32 to vector<16xi32>
      %add3A_981 = arith.addi %mul3A_979, %add3A_980 : vector<16xi32>
      %swap3A_982 = arith.constant 16 : index
      %swap3A_983 = tpu.vector_load %arg21[%swap3A_982] {strides = array<i32>} : memref<128xi32, #tpu.memory_space<vmem>>, vector<16xi32>,
      %swap3A_984 = vector.shape_cast %swap3A_983 : vector<16xi32> to vector<16xi32>
      %swap3A_985 = vector.shape_cast %add3A_981 : vector<16xi32> to vector<16xi32>
      tpu.vector_store %arg21[%swap3A_982], %swap3A_985 {strides = array<i32>} : memref<128xi32, #tpu.memory_space<vmem>>, vector<16xi32>,
      %get3A_986 = arith.constant 0 : i32
      %get3A_987 = arith.index_cast %get3A_986 : i32 to index
      %get3A_988 = arith.constant 32 : index
      %get3A_989 = tpu.vector_load %arg13[%get3A_987, %get3A_988] {strides = array<i32>} : memref<2x128xi32, #tpu.memory_space<vmem>>, vector<1x16xi32>,
      %get3A_990 = vector.shape_cast %get3A_989 : vector<1x16xi32> to vector<16xi32>
      %mul3A_991 = arith.constant 2 : i32
      %mul3A_992 = vector.broadcast %mul3A_991 : i32 to vector<16xi32>
      %mul3A_993 = arith.muli %get3A_990, %mul3A_992 : vector<16xi32>
      %add3A_994 = vector.broadcast %arg0 : i32 to vector<16xi32>
      %add3A_995 = arith.addi %mul3A_993, %add3A_994 : vector<16xi32>
      %swap3A_996 = arith.constant 32 : index
      %swap3A_997 = tpu.vector_load %arg21[%swap3A_996] {strides = array<i32>} : memref<128xi32, #tpu.memory_space<vmem>>, vector<16xi32>,
      %swap3A_998 = vector.shape_cast %swap3A_997 : vector<16xi32> to vector<16xi32>
      %swap3A_999 = vector.shape_cast %add3A_995 : vector<16xi32> to vector<16xi32>
      tpu.vector_store %arg21[%swap3A_996], %swap3A_999 {strides = array<i32>} : memref<128xi32, #tpu.memory_space<vmem>>, vector<16xi32>,
      %get3A_1000 = arith.constant 0 : i32
      %get3A_1001 = arith.index_cast %get3A_1000 : i32 to index
      %get3A_1002 = arith.constant 48 : index
      %get3A_1003 = tpu.vector_load %arg13[%get3A_1001, %get3A_1002] {strides = array<i32>} : memref<2x128xi32, #tpu.memory_space<vmem>>, vector<1x16xi32>,
      %get3A_1004 = vector.shape_cast %get3A_1003 : vector<1x16xi32> to vector<16xi32>
      %mul3A_1005 = arith.constant 2 : i32
      %mul3A_1006 = vector.broadcast %mul3A_1005 : i32 to vector<16xi32>
      %mul3A_1007 = arith.muli %get3A_1004, %mul3A_1006 : vector<16xi32>
      %add3A_1008 = vector.broadcast %arg0 : i32 to vector<16xi32>
      %add3A_1009 = arith.addi %mul3A_1007, %add3A_1008 : vector<16xi32>
      %swap3A_1010 = arith.constant 48 : index
      %swap3A_1011 = tpu.vector_load %arg21[%swap3A_1010] {strides = array<i32>} : memref<128xi32, #tpu.memory_space<vmem>>, vector<16xi32>,
      %swap3A_1012 = vector.shape_cast %swap3A_1011 : vector<16xi32> to vector<16xi32>
      %swap3A_1013 = vector.shape_cast %add3A_1009 : vector<16xi32> to vector<16xi32>
      tpu.vector_store %arg21[%swap3A_1010], %swap3A_1013 {strides = array<i32>} : memref<128xi32, #tpu.memory_space<vmem>>, vector<16xi32>,
      %get3A_1014 = arith.constant 0 : i32
      %get3A_1015 = arith.index_cast %get3A_1014 : i32 to index
      %get3A_1016 = arith.constant 64 : index
      %get3A_1017 = tpu.vector_load %arg13[%get3A_1015, %get3A_1016] {strides = array<i32>} : memref<2x128xi32, #tpu.memory_space<vmem>>, vector<1x16xi32>,
      %get3A_1018 = vector.shape_cast %get3A_1017 : vector<1x16xi32> to vector<16xi32>
      %mul3A_1019 = arith.constant 2 : i32
      %mul3A_1020 = vector.broadcast %mul3A_1019 : i32 to vector<16xi32>
      %mul3A_1021 = arith.muli %get3A_1018, %mul3A_1020 : vector<16xi32>
      %add3A_1022 = vector.broadcast %arg0 : i32 to vector<16xi32>
      %add3A_1023 = arith.addi %mul3A_1021, %add3A_1022 : vector<16xi32>
      %swap3A_1024 = arith.constant 64 : index
      %swap3A_1025 = tpu.vector_load %arg21[%swap3A_1024] {strides = array<i32>} : memref<128xi32, #tpu.memory_space<vmem>>, vector<16xi32>,
      %swap3A_1026 = vector.shape_cast %swap3A_1025 : vector<16xi32> to vector<16xi32>
      %swap3A_1027 = vector.shape_cast %add3A_1023 : vector<16xi32> to vector<16xi32>
      tpu.vector_store %arg21[%swap3A_1024], %swap3A_1027 {strides = array<i32>} : memref<128xi32, #tpu.memory_space<vmem>>, vector<16xi32>,
      %get3A_1028 = arith.constant 0 : i32
      %get3A_1029 = arith.index_cast %get3A_1028 : i32 to index
      %get3A_1030 = arith.constant 80 : index
      %get3A_1031 = tpu.vector_load %arg13[%get3A_1029, %get3A_1030] {strides = array<i32>} : memref<2x128xi32, #tpu.memory_space<vmem>>, vector<1x16xi32>,
      %get3A_1032 = vector.shape_cast %get3A_1031 : vector<1x16xi32> to vector<16xi32>
      %mul3A_1033 = arith.constant 2 : i32
      %mul3A_1034 = vector.broadcast %mul3A_1033 : i32 to vector<16xi32>
      %mul3A_1035 = arith.muli %get3A_1032, %mul3A_1034 : vector<16xi32>
      %add3A_1036 = vector.broadcast %arg0 : i32 to vector<16xi32>
      %add3A_1037 = arith.addi %mul3A_1035, %add3A_1036 : vector<16xi32>
      %swap3A_1038 = arith.constant 80 : index
      %swap3A_1039 = tpu.vector_load %arg21[%swap3A_1038] {strides = array<i32>} : memref<128xi32, #tpu.memory_space<vmem>>, vector<16xi32>,
      %swap3A_1040 = vector.shape_cast %swap3A_1039 : vector<16xi32> to vector<16xi32>
      %swap3A_1041 = vector.shape_cast %add3A_1037 : vector<16xi32> to vector<16xi32>
      tpu.vector_store %arg21[%swap3A_1038], %swap3A_1041 {strides = array<i32>} : memref<128xi32, #tpu.memory_space<vmem>>, vector<16xi32>,
      %get3A_1042 = arith.constant 0 : i32
      %get3A_1043 = arith.index_cast %get3A_1042 : i32 to index
      %get3A_1044 = arith.constant 96 : index
      %get3A_1045 = tpu.vector_load %arg13[%get3A_1043, %get3A_1044] {strides = array<i32>} : memref<2x128xi32, #tpu.memory_space<vmem>>, vector<1x16xi32>,
      %get3A_1046 = vector.shape_cast %get3A_1045 : vector<1x16xi32> to vector<16xi32>
      %mul3A_1047 = arith.constant 2 : i32
      %mul3A_1048 = vector.broadcast %mul3A_1047 : i32 to vector<16xi32>
      %mul3A_1049 = arith.muli %get3A_1046, %mul3A_1048 : vector<16xi32>
      %add3A_1050 = vector.broadcast %arg0 : i32 to vector<16xi32>
      %add3A_1051 = arith.addi %mul3A_1049, %add3A_1050 : vector<16xi32>
      %swap3A_1052 = arith.constant 96 : index
      %swap3A_1053 = tpu.vector_load %arg21[%swap3A_1052] {strides = array<i32>} : memref<128xi32, #tpu.memory_space<vmem>>, vector<16xi32>,
      %swap3A_1054 = vector.shape_cast %swap3A_1053 : vector<16xi32> to vector<16xi32>
      %swap3A_1055 = vector.shape_cast %add3A_1051 : vector<16xi32> to vector<16xi32>
      tpu.vector_store %arg21[%swap3A_1052], %swap3A_1055 {strides = array<i32>} : memref<128xi32, #tpu.memory_space<vmem>>, vector<16xi32>,
      %get3A_1056 = arith.constant 0 : i32
      %get3A_1057 = arith.index_cast %get3A_1056 : i32 to index
      %get3A_1058 = arith.constant 112 : index
      %get3A_1059 = tpu.vector_load %arg13[%get3A_1057, %get3A_1058] {strides = array<i32>} : memref<2x128xi32, #tpu.memory_space<vmem>>, vector<1x16xi32>,
      %get3A_1060 = vector.shape_cast %get3A_1059 : vector<1x16xi32> to vector<16xi32>
      %mul3A_1061 = arith.constant 2 : i32
      %mul3A_1062 = vector.broadcast %mul3A_1061 : i32 to vector<16xi32>
      %mul3A_1063 = arith.muli %get3A_1060, %mul3A_1062 : vector<16xi32>
      %add3A_1064 = vector.broadcast %arg0 : i32 to vector<16xi32>
      %add3A_1065 = arith.addi %mul3A_1063, %add3A_1064 : vector<16xi32>
      %swap3A_1066 = arith.constant 112 : index
      %swap3A_1067 = tpu.vector_load %arg21[%swap3A_1066] {strides = array<i32>} : memref<128xi32, #tpu.memory_space<vmem>>, vector<16xi32>,
      %swap3A_1068 = vector.shape_cast %swap3A_1067 : vector<16xi32> to vector<16xi32>
      %swap3A_1069 = vector.shape_cast %add3A_1065 : vector<16xi32> to vector<16xi32>
      tpu.vector_store %arg21[%swap3A_1066], %swap3A_1069 {strides = array<i32>} : memref<128xi32, #tpu.memory_space<vmem>>, vector<16xi32>,
      %dma_start3A_1070 = arith.constant 0 : i32
      %dma_start3A_1071 = arith.constant 0 : i32
      %dma_start3A_1072 = tpu.memref_slice %arg2[%dma_start3A_1070, %dma_start3A_1071] : memref<20480x64xf32, #tpu.memory_space<hbm>> -> memref<20480x64xf32, #tpu.memory_space<hbm>>
      tpu.enqueue_indirect_dma source(%dma_start3A_1072 : memref<20480x64xf32, #tpu.memory_space<hbm>>) target(%arg22 : memref<128x64xf32, #tpu.memory_space<vmem>>) offsets(%arg14 : memref<128xi32, #tpu.memory_space<vmem>>) semaphore(%arg34 : memref<!tpu.dma_semaphore, #tpu.memory_space<semaphore_mem>>)
      %dma_start3A_1073 = arith.constant 0 : i32
      %dma_start3A_1074 = arith.constant 0 : i32
      %dma_start3A_1075 = tpu.memref_slice %arg2[%dma_start3A_1073, %dma_start3A_1074] : memref<20480x64xf32, #tpu.memory_space<hbm>> -> memref<20480x64xf32, #tpu.memory_space<hbm>>
      tpu.enqueue_indirect_dma source(%dma_start3A_1075 : memref<20480x64xf32, #tpu.memory_space<hbm>>) target(%arg23 : memref<128x64xf32, #tpu.memory_space<vmem>>) offsets(%arg15 : memref<128xi32, #tpu.memory_space<vmem>>) semaphore(%arg35 : memref<!tpu.dma_semaphore, #tpu.memory_space<semaphore_mem>>)
      %dma_start3A_1076 = arith.constant 0 : i32
      %dma_start3A_1077 = arith.constant 0 : i32
      %dma_start3A_1078 = tpu.memref_slice %arg2[%dma_start3A_1076, %dma_start3A_1077] : memref<20480x64xf32, #tpu.memory_space<hbm>> -> memref<20480x64xf32, #tpu.memory_space<hbm>>
      tpu.enqueue_indirect_dma source(%dma_start3A_1078 : memref<20480x64xf32, #tpu.memory_space<hbm>>) target(%arg24 : memref<128x64xf32, #tpu.memory_space<vmem>>) offsets(%arg16 : memref<128xi32, #tpu.memory_space<vmem>>) semaphore(%arg36 : memref<!tpu.dma_semaphore, #tpu.memory_space<semaphore_mem>>)
      %dma_start3A_1079 = arith.constant 0 : i32
      %dma_start3A_1080 = arith.constant 0 : i32
      %dma_start3A_1081 = tpu.memref_slice %arg2[%dma_start3A_1079, %dma_start3A_1080] : memref<20480x64xf32, #tpu.memory_space<hbm>> -> memref<20480x64xf32, #tpu.memory_space<hbm>>
      tpu.enqueue_indirect_dma source(%dma_start3A_1081 : memref<20480x64xf32, #tpu.memory_space<hbm>>) target(%arg25 : memref<128x64xf32, #tpu.memory_space<vmem>>) offsets(%arg17 : memref<128xi32, #tpu.memory_space<vmem>>) semaphore(%arg37 : memref<!tpu.dma_semaphore, #tpu.memory_space<semaphore_mem>>)
      %dma_start3A_1082 = arith.constant 0 : i32
      %dma_start3A_1083 = arith.constant 0 : i32
      %dma_start3A_1084 = tpu.memref_slice %arg2[%dma_start3A_1082, %dma_start3A_1083] : memref<20480x64xf32, #tpu.memory_space<hbm>> -> memref<20480x64xf32, #tpu.memory_space<hbm>>
      tpu.enqueue_indirect_dma source(%dma_start3A_1084 : memref<20480x64xf32, #tpu.memory_space<hbm>>) target(%arg26 : memref<128x64xf32, #tpu.memory_space<vmem>>) offsets(%arg18 : memref<128xi32, #tpu.memory_space<vmem>>) semaphore(%arg38 : memref<!tpu.dma_semaphore, #tpu.memory_space<semaphore_mem>>)
      %dma_start3A_1085 = arith.constant 0 : i32
      %dma_start3A_1086 = arith.constant 0 : i32
      %dma_start3A_1087 = tpu.memref_slice %arg2[%dma_start3A_1085, %dma_start3A_1086] : memref<20480x64xf32, #tpu.memory_space<hbm>> -> memref<20480x64xf32, #tpu.memory_space<hbm>>
      tpu.enqueue_indirect_dma source(%dma_start3A_1087 : memref<20480x64xf32, #tpu.memory_space<hbm>>) target(%arg27 : memref<128x64xf32, #tpu.memory_space<vmem>>) offsets(%arg19 : memref<128xi32, #tpu.memory_space<vmem>>) semaphore(%arg39 : memref<!tpu.dma_semaphore, #tpu.memory_space<semaphore_mem>>)
      %dma_start3A_1088 = arith.constant 0 : i32
      %dma_start3A_1089 = arith.constant 0 : i32
      %dma_start3A_1090 = tpu.memref_slice %arg2[%dma_start3A_1088, %dma_start3A_1089] : memref<20480x64xf32, #tpu.memory_space<hbm>> -> memref<20480x64xf32, #tpu.memory_space<hbm>>
      tpu.enqueue_indirect_dma source(%dma_start3A_1090 : memref<20480x64xf32, #tpu.memory_space<hbm>>) target(%arg28 : memref<128x64xf32, #tpu.memory_space<vmem>>) offsets(%arg20 : memref<128xi32, #tpu.memory_space<vmem>>) semaphore(%arg40 : memref<!tpu.dma_semaphore, #tpu.memory_space<semaphore_mem>>)
      %dma_start3A_1091 = arith.constant 0 : i32
      %dma_start3A_1092 = arith.constant 0 : i32
      %dma_start3A_1093 = tpu.memref_slice %arg2[%dma_start3A_1091, %dma_start3A_1092] : memref<20480x64xf32, #tpu.memory_space<hbm>> -> memref<20480x64xf32, #tpu.memory_space<hbm>>
      tpu.enqueue_indirect_dma source(%dma_start3A_1093 : memref<20480x64xf32, #tpu.memory_space<hbm>>) target(%arg29 : memref<128x64xf32, #tpu.memory_space<vmem>>) offsets(%arg21 : memref<128xi32, #tpu.memory_space<vmem>>) semaphore(%arg41 : memref<!tpu.dma_semaphore, #tpu.memory_space<semaphore_mem>>)
      %dma_wait3A_1094 = arith.constant 0 : i32
      %dma_wait3A_1095 = arith.constant 0 : i32
      %dma_wait3A_1096 = tpu.memref_slice %arg2[%dma_wait3A_1094, %dma_wait3A_1095] : memref<20480x64xf32, #tpu.memory_space<hbm>> -> memref<20480x64xf32, #tpu.memory_space<hbm>>
      tpu.wait_indirect_dma semaphore(%arg34 : memref<!tpu.dma_semaphore, #tpu.memory_space<semaphore_mem>>) src(%dma_wait3A_1096 : memref<20480x64xf32, #tpu.memory_space<hbm>>) dst(%arg22 : memref<128x64xf32, #tpu.memory_space<vmem>>)
      %dma_start3A_1097 = arith.constant 1 : i32
      %dma_start3A_1098 = arith.constant 0 : i32
      %dma_start3A_1099 = tpu.memref_slice %arg6[%dma_start3A_1097, %dma_start3A_1098] : memref<2x128xi32, #tpu.memory_space<vmem>> -> memref<1x128xi32, #tpu.memory_space<vmem>>
      %dma_start3A_1100 = tpu.memref_squeeze %dma_start3A_1099 : memref<1x128xi32, #tpu.memory_space<vmem>> -> memref<128xi32, #tpu.memory_space<vmem>>
      %dma_start3A_1101 = arith.constant 0 : i32
      %dma_start3A_1102 = arith.constant 0 : i32
      %dma_start3A_1103 = tpu.memref_slice %arg31[%dma_start3A_1101, %dma_start3A_1102] : memref<10240x64xf32, #tpu.memory_space<vmem_shared>> -> memref<10240x64xf32, #tpu.memory_space<vmem_shared>>
      tpu.enqueue_indirect_dma source(%arg22 : memref<128x64xf32, #tpu.memory_space<vmem>>) target(%dma_start3A_1103 : memref<10240x64xf32, #tpu.memory_space<vmem_shared>>) offsets(%dma_start3A_1100 : memref<128xi32, #tpu.memory_space<vmem>>) semaphore(%arg33 : memref<!tpu.dma_semaphore, #tpu.memory_space<semaphore_mem>>) {add = true}
      %dma_wait3A_1104 = arith.constant 0 : i32
      %dma_wait3A_1105 = arith.constant 0 : i32
      %dma_wait3A_1106 = tpu.memref_slice %arg2[%dma_wait3A_1104, %dma_wait3A_1105] : memref<20480x64xf32, #tpu.memory_space<hbm>> -> memref<20480x64xf32, #tpu.memory_space<hbm>>
      tpu.wait_indirect_dma semaphore(%arg35 : memref<!tpu.dma_semaphore, #tpu.memory_space<semaphore_mem>>) src(%dma_wait3A_1106 : memref<20480x64xf32, #tpu.memory_space<hbm>>) dst(%arg23 : memref<128x64xf32, #tpu.memory_space<vmem>>)
      %dma_start3A_1107 = arith.constant 1 : i32
      %dma_start3A_1108 = arith.constant 0 : i32
      %dma_start3A_1109 = tpu.memref_slice %arg7[%dma_start3A_1107, %dma_start3A_1108] : memref<2x128xi32, #tpu.memory_space<vmem>> -> memref<1x128xi32, #tpu.memory_space<vmem>>
      %dma_start3A_1110 = tpu.memref_squeeze %dma_start3A_1109 : memref<1x128xi32, #tpu.memory_space<vmem>> -> memref<128xi32, #tpu.memory_space<vmem>>
      %dma_start3A_1111 = arith.constant 0 : i32
      %dma_start3A_1112 = arith.constant 0 : i32
      %dma_start3A_1113 = tpu.memref_slice %arg31[%dma_start3A_1111, %dma_start3A_1112] : memref<10240x64xf32, #tpu.memory_space<vmem_shared>> -> memref<10240x64xf32, #tpu.memory_space<vmem_shared>>
      tpu.enqueue_indirect_dma source(%arg23 : memref<128x64xf32, #tpu.memory_space<vmem>>) target(%dma_start3A_1113 : memref<10240x64xf32, #tpu.memory_space<vmem_shared>>) offsets(%dma_start3A_1110 : memref<128xi32, #tpu.memory_space<vmem>>) semaphore(%arg33 : memref<!tpu.dma_semaphore, #tpu.memory_space<semaphore_mem>>) {add = true}
      %dma_wait3A_1114 = arith.constant 0 : i32
      %dma_wait3A_1115 = arith.constant 0 : i32
      %dma_wait3A_1116 = tpu.memref_slice %arg2[%dma_wait3A_1114, %dma_wait3A_1115] : memref<20480x64xf32, #tpu.memory_space<hbm>> -> memref<20480x64xf32, #tpu.memory_space<hbm>>
      tpu.wait_indirect_dma semaphore(%arg36 : memref<!tpu.dma_semaphore, #tpu.memory_space<semaphore_mem>>) src(%dma_wait3A_1116 : memref<20480x64xf32, #tpu.memory_space<hbm>>) dst(%arg24 : memref<128x64xf32, #tpu.memory_space<vmem>>)
      %dma_start3A_1117 = arith.constant 1 : i32
      %dma_start3A_1118 = arith.constant 0 : i32
      %dma_start3A_1119 = tpu.memref_slice %arg8[%dma_start3A_1117, %dma_start3A_1118] : memref<2x128xi32, #tpu.memory_space<vmem>> -> memref<1x128xi32, #tpu.memory_space<vmem>>
      %dma_start3A_1120 = tpu.memref_squeeze %dma_start3A_1119 : memref<1x128xi32, #tpu.memory_space<vmem>> -> memref<128xi32, #tpu.memory_space<vmem>>
      %dma_start3A_1121 = arith.constant 0 : i32
      %dma_start3A_1122 = arith.constant 0 : i32
      %dma_start3A_1123 = tpu.memref_slice %arg31[%dma_start3A_1121, %dma_start3A_1122] : memref<10240x64xf32, #tpu.memory_space<vmem_shared>> -> memref<10240x64xf32, #tpu.memory_space<vmem_shared>>
      tpu.enqueue_indirect_dma source(%arg24 : memref<128x64xf32, #tpu.memory_space<vmem>>) target(%dma_start3A_1123 : memref<10240x64xf32, #tpu.memory_space<vmem_shared>>) offsets(%dma_start3A_1120 : memref<128xi32, #tpu.memory_space<vmem>>) semaphore(%arg33 : memref<!tpu.dma_semaphore, #tpu.memory_space<semaphore_mem>>) {add = true}
      %dma_wait3A_1124 = arith.constant 0 : i32
      %dma_wait3A_1125 = arith.constant 0 : i32
      %dma_wait3A_1126 = tpu.memref_slice %arg2[%dma_wait3A_1124, %dma_wait3A_1125] : memref<20480x64xf32, #tpu.memory_space<hbm>> -> memref<20480x64xf32, #tpu.memory_space<hbm>>
      tpu.wait_indirect_dma semaphore(%arg37 : memref<!tpu.dma_semaphore, #tpu.memory_space<semaphore_mem>>) src(%dma_wait3A_1126 : memref<20480x64xf32, #tpu.memory_space<hbm>>) dst(%arg25 : memref<128x64xf32, #tpu.memory_space<vmem>>)
      %dma_start3A_1127 = arith.constant 1 : i32
      %dma_start3A_1128 = arith.constant 0 : i32
      %dma_start3A_1129 = tpu.memref_slice %arg9[%dma_start3A_1127, %dma_start3A_1128] : memref<2x128xi32, #tpu.memory_space<vmem>> -> memref<1x128xi32, #tpu.memory_space<vmem>>
      %dma_start3A_1130 = tpu.memref_squeeze %dma_start3A_1129 : memref<1x128xi32, #tpu.memory_space<vmem>> -> memref<128xi32, #tpu.memory_space<vmem>>
      %dma_start3A_1131 = arith.constant 0 : i32
      %dma_start3A_1132 = arith.constant 0 : i32
      %dma_start3A_1133 = tpu.memref_slice %arg31[%dma_start3A_1131, %dma_start3A_1132] : memref<10240x64xf32, #tpu.memory_space<vmem_shared>> -> memref<10240x64xf32, #tpu.memory_space<vmem_shared>>
      tpu.enqueue_indirect_dma source(%arg25 : memref<128x64xf32, #tpu.memory_space<vmem>>) target(%dma_start3A_1133 : memref<10240x64xf32, #tpu.memory_space<vmem_shared>>) offsets(%dma_start3A_1130 : memref<128xi32, #tpu.memory_space<vmem>>) semaphore(%arg33 : memref<!tpu.dma_semaphore, #tpu.memory_space<semaphore_mem>>) {add = true}
      %dma_wait3A_1134 = arith.constant 0 : i32
      %dma_wait3A_1135 = arith.constant 0 : i32
      %dma_wait3A_1136 = tpu.memref_slice %arg2[%dma_wait3A_1134, %dma_wait3A_1135] : memref<20480x64xf32, #tpu.memory_space<hbm>> -> memref<20480x64xf32, #tpu.memory_space<hbm>>
      tpu.wait_indirect_dma semaphore(%arg38 : memref<!tpu.dma_semaphore, #tpu.memory_space<semaphore_mem>>) src(%dma_wait3A_1136 : memref<20480x64xf32, #tpu.memory_space<hbm>>) dst(%arg26 : memref<128x64xf32, #tpu.memory_space<vmem>>)
      %dma_start3A_1137 = arith.constant 1 : i32
      %dma_start3A_1138 = arith.constant 0 : i32
      %dma_start3A_1139 = tpu.memref_slice %arg10[%dma_start3A_1137, %dma_start3A_1138] : memref<2x128xi32, #tpu.memory_space<vmem>> -> memref<1x128xi32, #tpu.memory_space<vmem>>
      %dma_start3A_1140 = tpu.memref_squeeze %dma_start3A_1139 : memref<1x128xi32, #tpu.memory_space<vmem>> -> memref<128xi32, #tpu.memory_space<vmem>>
      %dma_start3A_1141 = arith.constant 0 : i32
      %dma_start3A_1142 = arith.constant 0 : i32
      %dma_start3A_1143 = tpu.memref_slice %arg31[%dma_start3A_1141, %dma_start3A_1142] : memref<10240x64xf32, #tpu.memory_space<vmem_shared>> -> memref<10240x64xf32, #tpu.memory_space<vmem_shared>>
      tpu.enqueue_indirect_dma source(%arg26 : memref<128x64xf32, #tpu.memory_space<vmem>>) target(%dma_start3A_1143 : memref<10240x64xf32, #tpu.memory_space<vmem_shared>>) offsets(%dma_start3A_1140 : memref<128xi32, #tpu.memory_space<vmem>>) semaphore(%arg33 : memref<!tpu.dma_semaphore, #tpu.memory_space<semaphore_mem>>) {add = true}
      %dma_wait3A_1144 = arith.constant 0 : i32
      %dma_wait3A_1145 = arith.constant 0 : i32
      %dma_wait3A_1146 = tpu.memref_slice %arg2[%dma_wait3A_1144, %dma_wait3A_1145] : memref<20480x64xf32, #tpu.memory_space<hbm>> -> memref<20480x64xf32, #tpu.memory_space<hbm>>
      tpu.wait_indirect_dma semaphore(%arg39 : memref<!tpu.dma_semaphore, #tpu.memory_space<semaphore_mem>>) src(%dma_wait3A_1146 : memref<20480x64xf32, #tpu.memory_space<hbm>>) dst(%arg27 : memref<128x64xf32, #tpu.memory_space<vmem>>)
      %dma_start3A_1147 = arith.constant 1 : i32
      %dma_start3A_1148 = arith.constant 0 : i32
      %dma_start3A_1149 = tpu.memref_slice %arg11[%dma_start3A_1147, %dma_start3A_1148] : memref<2x128xi32, #tpu.memory_space<vmem>> -> memref<1x128xi32, #tpu.memory_space<vmem>>
      %dma_start3A_1150 = tpu.memref_squeeze %dma_start3A_1149 : memref<1x128xi32, #tpu.memory_space<vmem>> -> memref<128xi32, #tpu.memory_space<vmem>>
      %dma_start3A_1151 = arith.constant 0 : i32
      %dma_start3A_1152 = arith.constant 0 : i32
      %dma_start3A_1153 = tpu.memref_slice %arg31[%dma_start3A_1151, %dma_start3A_1152] : memref<10240x64xf32, #tpu.memory_space<vmem_shared>> -> memref<10240x64xf32, #tpu.memory_space<vmem_shared>>
      tpu.enqueue_indirect_dma source(%arg27 : memref<128x64xf32, #tpu.memory_space<vmem>>) target(%dma_start3A_1153 : memref<10240x64xf32, #tpu.memory_space<vmem_shared>>) offsets(%dma_start3A_1150 : memref<128xi32, #tpu.memory_space<vmem>>) semaphore(%arg33 : memref<!tpu.dma_semaphore, #tpu.memory_space<semaphore_mem>>) {add = true}
      %dma_wait3A_1154 = arith.constant 0 : i32
      %dma_wait3A_1155 = arith.constant 0 : i32
      %dma_wait3A_1156 = tpu.memref_slice %arg2[%dma_wait3A_1154, %dma_wait3A_1155] : memref<20480x64xf32, #tpu.memory_space<hbm>> -> memref<20480x64xf32, #tpu.memory_space<hbm>>
      tpu.wait_indirect_dma semaphore(%arg40 : memref<!tpu.dma_semaphore, #tpu.memory_space<semaphore_mem>>) src(%dma_wait3A_1156 : memref<20480x64xf32, #tpu.memory_space<hbm>>) dst(%arg28 : memref<128x64xf32, #tpu.memory_space<vmem>>)
      %dma_start3A_1157 = arith.constant 1 : i32
      %dma_start3A_1158 = arith.constant 0 : i32
      %dma_start3A_1159 = tpu.memref_slice %arg12[%dma_start3A_1157, %dma_start3A_1158] : memref<2x128xi32, #tpu.memory_space<vmem>> -> memref<1x128xi32, #tpu.memory_space<vmem>>
      %dma_start3A_1160 = tpu.memref_squeeze %dma_start3A_1159 : memref<1x128xi32, #tpu.memory_space<vmem>> -> memref<128xi32, #tpu.memory_space<vmem>>
      %dma_start3A_1161 = arith.constant 0 : i32
      %dma_start3A_1162 = arith.constant 0 : i32
      %dma_start3A_1163 = tpu.memref_slice %arg31[%dma_start3A_1161, %dma_start3A_1162] : memref<10240x64xf32, #tpu.memory_space<vmem_shared>> -> memref<10240x64xf32, #tpu.memory_space<vmem_shared>>
      tpu.enqueue_indirect_dma source(%arg28 : memref<128x64xf32, #tpu.memory_space<vmem>>) target(%dma_start3A_1163 : memref<10240x64xf32, #tpu.memory_space<vmem_shared>>) offsets(%dma_start3A_1160 : memref<128xi32, #tpu.memory_space<vmem>>) semaphore(%arg33 : memref<!tpu.dma_semaphore, #tpu.memory_space<semaphore_mem>>) {add = true}
      %dma_wait3A_1164 = arith.constant 0 : i32
      %dma_wait3A_1165 = arith.constant 0 : i32
      %dma_wait3A_1166 = tpu.memref_slice %arg2[%dma_wait3A_1164, %dma_wait3A_1165] : memref<20480x64xf32, #tpu.memory_space<hbm>> -> memref<20480x64xf32, #tpu.memory_space<hbm>>
      tpu.wait_indirect_dma semaphore(%arg41 : memref<!tpu.dma_semaphore, #tpu.memory_space<semaphore_mem>>) src(%dma_wait3A_1166 : memref<20480x64xf32, #tpu.memory_space<hbm>>) dst(%arg29 : memref<128x64xf32, #tpu.memory_space<vmem>>)
      %dma_start3A_1167 = arith.constant 1 : i32
      %dma_start3A_1168 = arith.constant 0 : i32
      %dma_start3A_1169 = tpu.memref_slice %arg13[%dma_start3A_1167, %dma_start3A_1168] : memref<2x128xi32, #tpu.memory_space<vmem>> -> memref<1x128xi32, #tpu.memory_space<vmem>>
      %dma_start3A_1170 = tpu.memref_squeeze %dma_start3A_1169 : memref<1x128xi32, #tpu.memory_space<vmem>> -> memref<128xi32, #tpu.memory_space<vmem>>
      %dma_start3A_1171 = arith.constant 0 : i32
      %dma_start3A_1172 = arith.constant 0 : i32
      %dma_start3A_1173 = tpu.memref_slice %arg31[%dma_start3A_1171, %dma_start3A_1172] : memref<10240x64xf32, #tpu.memory_space<vmem_shared>> -> memref<10240x64xf32, #tpu.memory_space<vmem_shared>>
      tpu.enqueue_indirect_dma source(%arg29 : memref<128x64xf32, #tpu.memory_space<vmem>>) target(%dma_start3A_1173 : memref<10240x64xf32, #tpu.memory_space<vmem_shared>>) offsets(%dma_start3A_1170 : memref<128xi32, #tpu.memory_space<vmem>>) semaphore(%arg33 : memref<!tpu.dma_semaphore, #tpu.memory_space<semaphore_mem>>) {add = true}
      %dma_wait3A_1174 = arith.constant 1 : i32
      %dma_wait3A_1175 = arith.constant 0 : i32
      %dma_wait3A_1176 = tpu.memref_slice %arg6[%dma_wait3A_1174, %dma_wait3A_1175] : memref<2x128xi32, #tpu.memory_space<vmem>> -> memref<1x128xi32, #tpu.memory_space<vmem>>
      %dma_wait3A_1177 = tpu.memref_squeeze %dma_wait3A_1176 : memref<1x128xi32, #tpu.memory_space<vmem>> -> memref<128xi32, #tpu.memory_space<vmem>>
      %dma_wait3A_1178 = arith.constant 0 : i32
      %dma_wait3A_1179 = arith.constant 0 : i32
      %dma_wait3A_1180 = tpu.memref_slice %arg31[%dma_wait3A_1178, %dma_wait3A_1179] : memref<10240x64xf32, #tpu.memory_space<vmem_shared>> -> memref<10240x64xf32, #tpu.memory_space<vmem_shared>>
      tpu.wait_indirect_dma semaphore(%arg33 : memref<!tpu.dma_semaphore, #tpu.memory_space<semaphore_mem>>) src(%arg22 : memref<128x64xf32, #tpu.memory_space<vmem>>) dst(%dma_wait3A_1180 : memref<10240x64xf32, #tpu.memory_space<vmem_shared>>)
      %dma_wait3A_1181 = arith.constant 1 : i32
      %dma_wait3A_1182 = arith.constant 0 : i32
      %dma_wait3A_1183 = tpu.memref_slice %arg7[%dma_wait3A_1181, %dma_wait3A_1182] : memref<2x128xi32, #tpu.memory_space<vmem>> -> memref<1x128xi32, #tpu.memory_space<vmem>>
      %dma_wait3A_1184 = tpu.memref_squeeze %dma_wait3A_1183 : memref<1x128xi32, #tpu.memory_space<vmem>> -> memref<128xi32, #tpu.memory_space<vmem>>
      %dma_wait3A_1185 = arith.constant 0 : i32
      %dma_wait3A_1186 = arith.constant 0 : i32
      %dma_wait3A_1187 = tpu.memref_slice %arg31[%dma_wait3A_1185, %dma_wait3A_1186] : memref<10240x64xf32, #tpu.memory_space<vmem_shared>> -> memref<10240x64xf32, #tpu.memory_space<vmem_shared>>
      tpu.wait_indirect_dma semaphore(%arg33 : memref<!tpu.dma_semaphore, #tpu.memory_space<semaphore_mem>>) src(%arg23 : memref<128x64xf32, #tpu.memory_space<vmem>>) dst(%dma_wait3A_1187 : memref<10240x64xf32, #tpu.memory_space<vmem_shared>>)
      %dma_wait3A_1188 = arith.constant 1 : i32
      %dma_wait3A_1189 = arith.constant 0 : i32
      %dma_wait3A_1190 = tpu.memref_slice %arg8[%dma_wait3A_1188, %dma_wait3A_1189] : memref<2x128xi32, #tpu.memory_space<vmem>> -> memref<1x128xi32, #tpu.memory_space<vmem>>
      %dma_wait3A_1191 = tpu.memref_squeeze %dma_wait3A_1190 : memref<1x128xi32, #tpu.memory_space<vmem>> -> memref<128xi32, #tpu.memory_space<vmem>>
      %dma_wait3A_1192 = arith.constant 0 : i32
      %dma_wait3A_1193 = arith.constant 0 : i32
      %dma_wait3A_1194 = tpu.memref_slice %arg31[%dma_wait3A_1192, %dma_wait3A_1193] : memref<10240x64xf32, #tpu.memory_space<vmem_shared>> -> memref<10240x64xf32, #tpu.memory_space<vmem_shared>>
      tpu.wait_indirect_dma semaphore(%arg33 : memref<!tpu.dma_semaphore, #tpu.memory_space<semaphore_mem>>) src(%arg24 : memref<128x64xf32, #tpu.memory_space<vmem>>) dst(%dma_wait3A_1194 : memref<10240x64xf32, #tpu.memory_space<vmem_shared>>)
      %dma_wait3A_1195 = arith.constant 1 : i32
      %dma_wait3A_1196 = arith.constant 0 : i32
      %dma_wait3A_1197 = tpu.memref_slice %arg9[%dma_wait3A_1195, %dma_wait3A_1196] : memref<2x128xi32, #tpu.memory_space<vmem>> -> memref<1x128xi32, #tpu.memory_space<vmem>>
      %dma_wait3A_1198 = tpu.memref_squeeze %dma_wait3A_1197 : memref<1x128xi32, #tpu.memory_space<vmem>> -> memref<128xi32, #tpu.memory_space<vmem>>
      %dma_wait3A_1199 = arith.constant 0 : i32
      %dma_wait3A_1200 = arith.constant 0 : i32
      %dma_wait3A_1201 = tpu.memref_slice %arg31[%dma_wait3A_1199, %dma_wait3A_1200] : memref<10240x64xf32, #tpu.memory_space<vmem_shared>> -> memref<10240x64xf32, #tpu.memory_space<vmem_shared>>
      tpu.wait_indirect_dma semaphore(%arg33 : memref<!tpu.dma_semaphore, #tpu.memory_space<semaphore_mem>>) src(%arg25 : memref<128x64xf32, #tpu.memory_space<vmem>>) dst(%dma_wait3A_1201 : memref<10240x64xf32, #tpu.memory_space<vmem_shared>>)
      %dma_wait3A_1202 = arith.constant 1 : i32
      %dma_wait3A_1203 = arith.constant 0 : i32
      %dma_wait3A_1204 = tpu.memref_slice %arg10[%dma_wait3A_1202, %dma_wait3A_1203] : memref<2x128xi32, #tpu.memory_space<vmem>> -> memref<1x128xi32, #tpu.memory_space<vmem>>
      %dma_wait3A_1205 = tpu.memref_squeeze %dma_wait3A_1204 : memref<1x128xi32, #tpu.memory_space<vmem>> -> memref<128xi32, #tpu.memory_space<vmem>>
      %dma_wait3A_1206 = arith.constant 0 : i32
      %dma_wait3A_1207 = arith.constant 0 : i32
      %dma_wait3A_1208 = tpu.memref_slice %arg31[%dma_wait3A_1206, %dma_wait3A_1207] : memref<10240x64xf32, #tpu.memory_space<vmem_shared>> -> memref<10240x64xf32, #tpu.memory_space<vmem_shared>>
      tpu.wait_indirect_dma semaphore(%arg33 : memref<!tpu.dma_semaphore, #tpu.memory_space<semaphore_mem>>) src(%arg26 : memref<128x64xf32, #tpu.memory_space<vmem>>) dst(%dma_wait3A_1208 : memref<10240x64xf32, #tpu.memory_space<vmem_shared>>)
      %dma_wait3A_1209 = arith.constant 1 : i32
      %dma_wait3A_1210 = arith.constant 0 : i32
      %dma_wait3A_1211 = tpu.memref_slice %arg11[%dma_wait3A_1209, %dma_wait3A_1210] : memref<2x128xi32, #tpu.memory_space<vmem>> -> memref<1x128xi32, #tpu.memory_space<vmem>>
      %dma_wait3A_1212 = tpu.memref_squeeze %dma_wait3A_1211 : memref<1x128xi32, #tpu.memory_space<vmem>> -> memref<128xi32, #tpu.memory_space<vmem>>
      %dma_wait3A_1213 = arith.constant 0 : i32
      %dma_wait3A_1214 = arith.constant 0 : i32
      %dma_wait3A_1215 = tpu.memref_slice %arg31[%dma_wait3A_1213, %dma_wait3A_1214] : memref<10240x64xf32, #tpu.memory_space<vmem_shared>> -> memref<10240x64xf32, #tpu.memory_space<vmem_shared>>
      tpu.wait_indirect_dma semaphore(%arg33 : memref<!tpu.dma_semaphore, #tpu.memory_space<semaphore_mem>>) src(%arg27 : memref<128x64xf32, #tpu.memory_space<vmem>>) dst(%dma_wait3A_1215 : memref<10240x64xf32, #tpu.memory_space<vmem_shared>>)
      %dma_wait3A_1216 = arith.constant 1 : i32
      %dma_wait3A_1217 = arith.constant 0 : i32
      %dma_wait3A_1218 = tpu.memref_slice %arg12[%dma_wait3A_1216, %dma_wait3A_1217] : memref<2x128xi32, #tpu.memory_space<vmem>> -> memref<1x128xi32, #tpu.memory_space<vmem>>
      %dma_wait3A_1219 = tpu.memref_squeeze %dma_wait3A_1218 : memref<1x128xi32, #tpu.memory_space<vmem>> -> memref<128xi32, #tpu.memory_space<vmem>>
      %dma_wait3A_1220 = arith.constant 0 : i32
      %dma_wait3A_1221 = arith.constant 0 : i32
      %dma_wait3A_1222 = tpu.memref_slice %arg31[%dma_wait3A_1220, %dma_wait3A_1221] : memref<10240x64xf32, #tpu.memory_space<vmem_shared>> -> memref<10240x64xf32, #tpu.memory_space<vmem_shared>>
      tpu.wait_indirect_dma semaphore(%arg33 : memref<!tpu.dma_semaphore, #tpu.memory_space<semaphore_mem>>) src(%arg28 : memref<128x64xf32, #tpu.memory_space<vmem>>) dst(%dma_wait3A_1222 : memref<10240x64xf32, #tpu.memory_space<vmem_shared>>)
      %dma_wait3A_1223 = arith.constant 1 : i32
      %dma_wait3A_1224 = arith.constant 0 : i32
      %dma_wait3A_1225 = tpu.memref_slice %arg13[%dma_wait3A_1223, %dma_wait3A_1224] : memref<2x128xi32, #tpu.memory_space<vmem>> -> memref<1x128xi32, #tpu.memory_space<vmem>>
      %dma_wait3A_1226 = tpu.memref_squeeze %dma_wait3A_1225 : memref<1x128xi32, #tpu.memory_space<vmem>> -> memref<128xi32, #tpu.memory_space<vmem>>
      %dma_wait3A_1227 = arith.constant 0 : i32
      %dma_wait3A_1228 = arith.constant 0 : i32
      %dma_wait3A_1229 = tpu.memref_slice %arg31[%dma_wait3A_1227, %dma_wait3A_1228] : memref<10240x64xf32, #tpu.memory_space<vmem_shared>> -> memref<10240x64xf32, #tpu.memory_space<vmem_shared>>
      tpu.wait_indirect_dma semaphore(%arg33 : memref<!tpu.dma_semaphore, #tpu.memory_space<semaphore_mem>>) src(%arg29 : memref<128x64xf32, #tpu.memory_space<vmem>>) dst(%dma_wait3A_1229 : memref<10240x64xf32, #tpu.memory_space<vmem_shared>>)
    }
    %scan3A_22 = arith.constant 20 : i32
    %barrier3A_23 = arith.constant 0 : index
    tpu.barrier barrier_id(%barrier3A_23)
    %mul3A_24 = arith.constant 640 : i32
    %mul3A_25 = arith.muli %arg1, %mul3A_24 : i32
    %mul3A_26 = arith.constant 64 : i32
    %mul3A_27 = arith.muli %arg0, %mul3A_26 : i32
    "tpu.region"() ({
      %run_scoped3A = tpu.sem_alloc : memref<!tpu.dma_semaphore, #tpu.memory_space<semaphore_mem>>
      %dma_start3A = tpu.memref_slice %arg5[%mul3A_25, %mul3A_27] : memref<10240x128xf32, #tpu.memory_space<hbm>> -> memref<640x64xf32, #tpu.memory_space<hbm>>
      %dma_start3A_28 = arith.constant 0 : i32
      %dma_start3A_29 = tpu.memref_slice %arg31[%mul3A_25, %dma_start3A_28] : memref<10240x64xf32, #tpu.memory_space<vmem_shared>> -> memref<640x64xf32, #tpu.memory_space<vmem_shared>>
      tpu.enqueue_dma source(%dma_start3A_29 : memref<640x64xf32, #tpu.memory_space<vmem_shared>>) target(%dma_start3A : memref<640x64xf32, #tpu.memory_space<hbm>>) target_semaphore(%run_scoped3A : memref<!tpu.dma_semaphore, #tpu.memory_space<semaphore_mem>>)
      %dma_wait3A = tpu.memref_slice %arg5[%mul3A_25, %mul3A_27] : memref<10240x128xf32, #tpu.memory_space<hbm>> -> memref<640x64xf32, #tpu.memory_space<hbm>>
      %dma_wait3A_30 = arith.constant 0 : i32
      %dma_wait3A_31 = tpu.memref_slice %arg31[%mul3A_25, %dma_wait3A_30] : memref<10240x64xf32, #tpu.memory_space<vmem_shared>> -> memref<640x64xf32, #tpu.memory_space<vmem_shared>>
      tpu.wait_dma2 semaphore(%run_scoped3A : memref<!tpu.dma_semaphore, #tpu.memory_space<semaphore_mem>>) src(%dma_wait3A_31 : memref<640x64xf32, #tpu.memory_space<vmem_shared>>) dst(%dma_wait3A : memref<640x64xf32, #tpu.memory_space<hbm>>)
      tpu.yield
    }) : () -> ()
    return
  }
}

#map = affine_map<(d0, d1) -> (0, 0, 0)>
#map1 = affine_map<(d0, d1) -> (0, 0)>
#map2 = affine_map<(d0, d1) -> (0, 0, 0, 0)>
module attributes {stable_mosaic.version = 14 : i64} {
  func.func @deg_kernel(%arg0: i32, %arg1: i32, %arg2: memref<2560x2x128xi32, #tpu.memory_space<hbm>>, %arg3: memref<128x8xf32, #tpu.memory_space<hbm>>, %arg4: memref<640x8xf32, #tpu.memory_space<hbm>>, %arg5: memref<2x2x10240x8xf32, #tpu.memory_space<hbm>>, %arg6: memref<2x128xi32, #tpu.memory_space<vmem>>, %arg7: memref<2x128xi32, #tpu.memory_space<vmem>>, %arg8: memref<2x128xi32, #tpu.memory_space<vmem>>, %arg9: memref<2x128xi32, #tpu.memory_space<vmem>>, %arg10: memref<2x128xi32, #tpu.memory_space<vmem>>, %arg11: memref<2x128xi32, #tpu.memory_space<vmem>>, %arg12: memref<2x128xi32, #tpu.memory_space<vmem>>, %arg13: memref<2x128xi32, #tpu.memory_space<vmem>>, %arg14: memref<128x8xf32, #tpu.memory_space<vmem>>, %arg15: memref<640x8xf32, #tpu.memory_space<vmem>>, %arg16: memref<10240x8xf32, #tpu.memory_space<vmem_shared>>, %arg17: memref<10240x8xf32, #tpu.memory_space<vmem_shared>>, %arg18: memref<!tpu.dma_semaphore, #tpu.memory_space<semaphore_mem>>, %arg19: memref<!tpu.dma_semaphore, #tpu.memory_space<semaphore_mem>>) attributes {dimension_semantics = [#tpu.dimension_semantics<core_parallel>, #tpu.dimension_semantics<subcore_parallel>], iteration_bounds = array<i64: 2, 16>, scalar_prefetch = 0 : i64, scratch_operands = 14 : i64, tpu.core_type = #tpu.core_type<sc_vector_subcore>, window_params = [{transform_indices = #map}, {transform_indices = #map1}, {transform_indices = #map1}, {transform_indices = #map2}]} {
    %mul3A = arith.constant 2 : i32
    %mul3A_0 = arith.muli %arg1, %mul3A : i32
    %add3A = arith.addi %mul3A_0, %arg0 : i32
    "tpu.region"() ({
      %run_scoped3A_14 = tpu.sem_alloc : memref<!tpu.dma_semaphore, #tpu.memory_space<semaphore_mem>>
      tpu.enqueue_dma source(%arg4 : memref<640x8xf32, #tpu.memory_space<hbm>>) target(%arg15 : memref<640x8xf32, #tpu.memory_space<vmem>>) target_semaphore(%run_scoped3A_14 : memref<!tpu.dma_semaphore, #tpu.memory_space<semaphore_mem>>)
      tpu.wait_dma2 semaphore(%run_scoped3A_14 : memref<!tpu.dma_semaphore, #tpu.memory_space<semaphore_mem>>) src(%arg4 : memref<640x8xf32, #tpu.memory_space<hbm>>) dst(%arg15 : memref<640x8xf32, #tpu.memory_space<vmem>>)
      tpu.yield
    }) : () -> ()
    %mul3A_1 = arith.constant 640 : i32
    %mul3A_2 = arith.muli %arg1, %mul3A_1 : i32
    "tpu.region"() ({
      %run_scoped3A_14 = tpu.sem_alloc : memref<!tpu.dma_semaphore, #tpu.memory_space<semaphore_mem>>
      %dma_start3A = arith.constant 0 : i32
      %dma_start3A_15 = tpu.memref_slice %arg16[%mul3A_2, %dma_start3A] : memref<10240x8xf32, #tpu.memory_space<vmem_shared>> -> memref<640x8xf32, #tpu.memory_space<vmem_shared>>
      %dma_start3A_16 = arith.constant 0 : i32
      %dma_start3A_17 = tpu.memref_slice %arg16[%mul3A_2, %dma_start3A_16] : memref<10240x8xf32, #tpu.memory_space<vmem_shared>> -> memref<640x8xf32, #tpu.memory_space<vmem_shared>>
      tpu.enqueue_dma source(%arg15 : memref<640x8xf32, #tpu.memory_space<vmem>>) target(%dma_start3A_17 : memref<640x8xf32, #tpu.memory_space<vmem_shared>>) target_semaphore(%run_scoped3A_14 : memref<!tpu.dma_semaphore, #tpu.memory_space<semaphore_mem>>)
      %dma_wait3A = arith.constant 0 : i32
      %dma_wait3A_18 = tpu.memref_slice %arg16[%mul3A_2, %dma_wait3A] : memref<10240x8xf32, #tpu.memory_space<vmem_shared>> -> memref<640x8xf32, #tpu.memory_space<vmem_shared>>
      %dma_wait3A_19 = arith.constant 0 : i32
      %dma_wait3A_20 = tpu.memref_slice %arg16[%mul3A_2, %dma_wait3A_19] : memref<10240x8xf32, #tpu.memory_space<vmem_shared>> -> memref<640x8xf32, #tpu.memory_space<vmem_shared>>
      tpu.wait_dma2 semaphore(%run_scoped3A_14 : memref<!tpu.dma_semaphore, #tpu.memory_space<semaphore_mem>>) src(%arg15 : memref<640x8xf32, #tpu.memory_space<vmem>>) dst(%dma_wait3A_20 : memref<640x8xf32, #tpu.memory_space<vmem_shared>>)
      tpu.yield
    }) : () -> ()
    %mul3A_3 = arith.constant 640 : i32
    %mul3A_4 = arith.muli %arg1, %mul3A_3 : i32
    "tpu.region"() ({
      %run_scoped3A_14 = tpu.sem_alloc : memref<!tpu.dma_semaphore, #tpu.memory_space<semaphore_mem>>
      %dma_start3A = arith.constant 0 : i32
      %dma_start3A_15 = tpu.memref_slice %arg17[%mul3A_4, %dma_start3A] : memref<10240x8xf32, #tpu.memory_space<vmem_shared>> -> memref<640x8xf32, #tpu.memory_space<vmem_shared>>
      %dma_start3A_16 = arith.constant 0 : i32
      %dma_start3A_17 = tpu.memref_slice %arg17[%mul3A_4, %dma_start3A_16] : memref<10240x8xf32, #tpu.memory_space<vmem_shared>> -> memref<640x8xf32, #tpu.memory_space<vmem_shared>>
      tpu.enqueue_dma source(%arg15 : memref<640x8xf32, #tpu.memory_space<vmem>>) target(%dma_start3A_17 : memref<640x8xf32, #tpu.memory_space<vmem_shared>>) target_semaphore(%run_scoped3A_14 : memref<!tpu.dma_semaphore, #tpu.memory_space<semaphore_mem>>)
      %dma_wait3A = arith.constant 0 : i32
      %dma_wait3A_18 = tpu.memref_slice %arg17[%mul3A_4, %dma_wait3A] : memref<10240x8xf32, #tpu.memory_space<vmem_shared>> -> memref<640x8xf32, #tpu.memory_space<vmem_shared>>
      %dma_wait3A_19 = arith.constant 0 : i32
      %dma_wait3A_20 = tpu.memref_slice %arg17[%mul3A_4, %dma_wait3A_19] : memref<10240x8xf32, #tpu.memory_space<vmem_shared>> -> memref<640x8xf32, #tpu.memory_space<vmem_shared>>
      tpu.wait_dma2 semaphore(%run_scoped3A_14 : memref<!tpu.dma_semaphore, #tpu.memory_space<semaphore_mem>>) src(%arg15 : memref<640x8xf32, #tpu.memory_space<vmem>>) dst(%dma_wait3A_20 : memref<640x8xf32, #tpu.memory_space<vmem_shared>>)
      tpu.yield
    }) : () -> ()
    "tpu.region"() ({
      %run_scoped3A_14 = tpu.sem_alloc : memref<!tpu.dma_semaphore, #tpu.memory_space<semaphore_mem>>
      tpu.enqueue_dma source(%arg3 : memref<128x8xf32, #tpu.memory_space<hbm>>) target(%arg14 : memref<128x8xf32, #tpu.memory_space<vmem>>) target_semaphore(%run_scoped3A_14 : memref<!tpu.dma_semaphore, #tpu.memory_space<semaphore_mem>>)
      tpu.wait_dma2 semaphore(%run_scoped3A_14 : memref<!tpu.dma_semaphore, #tpu.memory_space<semaphore_mem>>) src(%arg3 : memref<128x8xf32, #tpu.memory_space<hbm>>) dst(%arg14 : memref<128x8xf32, #tpu.memory_space<vmem>>)
      tpu.yield
    }) : () -> ()
    %barrier3A = arith.constant 0 : index
    tpu.barrier barrier_id(%barrier3A)
    %scan3A = arith.constant 0 : i32
    %scan3A_5 = arith.constant 0 : i32
    %scan3A_6 = arith.constant 10 : i32
    %scan3A_7 = arith.addi %scan3A_5, %scan3A_6 : i32
    %scan3A_8 = arith.constant 1 : i32
    scf.for %scan3A_14 = %scan3A_5 to %scan3A_7 step %scan3A_8  : i32 {
      %mul3A_15 = arith.constant 80 : i32
      %mul3A_16 = arith.muli %add3A, %mul3A_15 : i32
      %mul3A_17 = arith.constant 8 : i32
      %mul3A_18 = arith.muli %scan3A_14, %mul3A_17 : i32
      %add3A_19 = arith.addi %mul3A_16, %mul3A_18 : i32
      %add3A_20 = arith.constant 0 : i32
      %add3A_21 = arith.addi %add3A_19, %add3A_20 : i32
      %dma_start3A = arith.constant 0 : i32
      %dma_start3A_22 = arith.constant 0 : i32
      %dma_start3A_23 = tpu.memref_slice %arg2[%add3A_21, %dma_start3A, %dma_start3A_22] : memref<2560x2x128xi32, #tpu.memory_space<hbm>> -> memref<1x2x128xi32, #tpu.memory_space<hbm>>
      %dma_start3A_24 = tpu.memref_squeeze %dma_start3A_23 : memref<1x2x128xi32, #tpu.memory_space<hbm>> -> memref<2x128xi32, #tpu.memory_space<hbm>>
      %dma_start3A_25 = arith.constant 0 : i32
      %dma_start3A_26 = arith.constant 0 : i32
      %dma_start3A_27 = tpu.memref_slice %arg2[%add3A_21, %dma_start3A_25, %dma_start3A_26] : memref<2560x2x128xi32, #tpu.memory_space<hbm>> -> memref<1x2x128xi32, #tpu.memory_space<hbm>>
      %dma_start3A_28 = tpu.memref_squeeze %dma_start3A_27 : memref<1x2x128xi32, #tpu.memory_space<hbm>> -> memref<2x128xi32, #tpu.memory_space<hbm>>
      tpu.enqueue_dma source(%dma_start3A_28 : memref<2x128xi32, #tpu.memory_space<hbm>>) target(%arg6 : memref<2x128xi32, #tpu.memory_space<vmem>>) target_semaphore(%arg18 : memref<!tpu.dma_semaphore, #tpu.memory_space<semaphore_mem>>)
      %add3A_29 = arith.constant 1 : i32
      %add3A_30 = arith.addi %add3A_19, %add3A_29 : i32
      %dma_start3A_31 = arith.constant 0 : i32
      %dma_start3A_32 = arith.constant 0 : i32
      %dma_start3A_33 = tpu.memref_slice %arg2[%add3A_30, %dma_start3A_31, %dma_start3A_32] : memref<2560x2x128xi32, #tpu.memory_space<hbm>> -> memref<1x2x128xi32, #tpu.memory_space<hbm>>
      %dma_start3A_34 = tpu.memref_squeeze %dma_start3A_33 : memref<1x2x128xi32, #tpu.memory_space<hbm>> -> memref<2x128xi32, #tpu.memory_space<hbm>>
      %dma_start3A_35 = arith.constant 0 : i32
      %dma_start3A_36 = arith.constant 0 : i32
      %dma_start3A_37 = tpu.memref_slice %arg2[%add3A_30, %dma_start3A_35, %dma_start3A_36] : memref<2560x2x128xi32, #tpu.memory_space<hbm>> -> memref<1x2x128xi32, #tpu.memory_space<hbm>>
      %dma_start3A_38 = tpu.memref_squeeze %dma_start3A_37 : memref<1x2x128xi32, #tpu.memory_space<hbm>> -> memref<2x128xi32, #tpu.memory_space<hbm>>
      tpu.enqueue_dma source(%dma_start3A_38 : memref<2x128xi32, #tpu.memory_space<hbm>>) target(%arg7 : memref<2x128xi32, #tpu.memory_space<vmem>>) target_semaphore(%arg18 : memref<!tpu.dma_semaphore, #tpu.memory_space<semaphore_mem>>)
      %add3A_39 = arith.constant 2 : i32
      %add3A_40 = arith.addi %add3A_19, %add3A_39 : i32
      %dma_start3A_41 = arith.constant 0 : i32
      %dma_start3A_42 = arith.constant 0 : i32
      %dma_start3A_43 = tpu.memref_slice %arg2[%add3A_40, %dma_start3A_41, %dma_start3A_42] : memref<2560x2x128xi32, #tpu.memory_space<hbm>> -> memref<1x2x128xi32, #tpu.memory_space<hbm>>
      %dma_start3A_44 = tpu.memref_squeeze %dma_start3A_43 : memref<1x2x128xi32, #tpu.memory_space<hbm>> -> memref<2x128xi32, #tpu.memory_space<hbm>>
      %dma_start3A_45 = arith.constant 0 : i32
      %dma_start3A_46 = arith.constant 0 : i32
      %dma_start3A_47 = tpu.memref_slice %arg2[%add3A_40, %dma_start3A_45, %dma_start3A_46] : memref<2560x2x128xi32, #tpu.memory_space<hbm>> -> memref<1x2x128xi32, #tpu.memory_space<hbm>>
      %dma_start3A_48 = tpu.memref_squeeze %dma_start3A_47 : memref<1x2x128xi32, #tpu.memory_space<hbm>> -> memref<2x128xi32, #tpu.memory_space<hbm>>
      tpu.enqueue_dma source(%dma_start3A_48 : memref<2x128xi32, #tpu.memory_space<hbm>>) target(%arg8 : memref<2x128xi32, #tpu.memory_space<vmem>>) target_semaphore(%arg18 : memref<!tpu.dma_semaphore, #tpu.memory_space<semaphore_mem>>)
      %add3A_49 = arith.constant 3 : i32
      %add3A_50 = arith.addi %add3A_19, %add3A_49 : i32
      %dma_start3A_51 = arith.constant 0 : i32
      %dma_start3A_52 = arith.constant 0 : i32
      %dma_start3A_53 = tpu.memref_slice %arg2[%add3A_50, %dma_start3A_51, %dma_start3A_52] : memref<2560x2x128xi32, #tpu.memory_space<hbm>> -> memref<1x2x128xi32, #tpu.memory_space<hbm>>
      %dma_start3A_54 = tpu.memref_squeeze %dma_start3A_53 : memref<1x2x128xi32, #tpu.memory_space<hbm>> -> memref<2x128xi32, #tpu.memory_space<hbm>>
      %dma_start3A_55 = arith.constant 0 : i32
      %dma_start3A_56 = arith.constant 0 : i32
      %dma_start3A_57 = tpu.memref_slice %arg2[%add3A_50, %dma_start3A_55, %dma_start3A_56] : memref<2560x2x128xi32, #tpu.memory_space<hbm>> -> memref<1x2x128xi32, #tpu.memory_space<hbm>>
      %dma_start3A_58 = tpu.memref_squeeze %dma_start3A_57 : memref<1x2x128xi32, #tpu.memory_space<hbm>> -> memref<2x128xi32, #tpu.memory_space<hbm>>
      tpu.enqueue_dma source(%dma_start3A_58 : memref<2x128xi32, #tpu.memory_space<hbm>>) target(%arg9 : memref<2x128xi32, #tpu.memory_space<vmem>>) target_semaphore(%arg18 : memref<!tpu.dma_semaphore, #tpu.memory_space<semaphore_mem>>)
      %add3A_59 = arith.constant 4 : i32
      %add3A_60 = arith.addi %add3A_19, %add3A_59 : i32
      %dma_start3A_61 = arith.constant 0 : i32
      %dma_start3A_62 = arith.constant 0 : i32
      %dma_start3A_63 = tpu.memref_slice %arg2[%add3A_60, %dma_start3A_61, %dma_start3A_62] : memref<2560x2x128xi32, #tpu.memory_space<hbm>> -> memref<1x2x128xi32, #tpu.memory_space<hbm>>
      %dma_start3A_64 = tpu.memref_squeeze %dma_start3A_63 : memref<1x2x128xi32, #tpu.memory_space<hbm>> -> memref<2x128xi32, #tpu.memory_space<hbm>>
      %dma_start3A_65 = arith.constant 0 : i32
      %dma_start3A_66 = arith.constant 0 : i32
      %dma_start3A_67 = tpu.memref_slice %arg2[%add3A_60, %dma_start3A_65, %dma_start3A_66] : memref<2560x2x128xi32, #tpu.memory_space<hbm>> -> memref<1x2x128xi32, #tpu.memory_space<hbm>>
      %dma_start3A_68 = tpu.memref_squeeze %dma_start3A_67 : memref<1x2x128xi32, #tpu.memory_space<hbm>> -> memref<2x128xi32, #tpu.memory_space<hbm>>
      tpu.enqueue_dma source(%dma_start3A_68 : memref<2x128xi32, #tpu.memory_space<hbm>>) target(%arg10 : memref<2x128xi32, #tpu.memory_space<vmem>>) target_semaphore(%arg18 : memref<!tpu.dma_semaphore, #tpu.memory_space<semaphore_mem>>)
      %add3A_69 = arith.constant 5 : i32
      %add3A_70 = arith.addi %add3A_19, %add3A_69 : i32
      %dma_start3A_71 = arith.constant 0 : i32
      %dma_start3A_72 = arith.constant 0 : i32
      %dma_start3A_73 = tpu.memref_slice %arg2[%add3A_70, %dma_start3A_71, %dma_start3A_72] : memref<2560x2x128xi32, #tpu.memory_space<hbm>> -> memref<1x2x128xi32, #tpu.memory_space<hbm>>
      %dma_start3A_74 = tpu.memref_squeeze %dma_start3A_73 : memref<1x2x128xi32, #tpu.memory_space<hbm>> -> memref<2x128xi32, #tpu.memory_space<hbm>>
      %dma_start3A_75 = arith.constant 0 : i32
      %dma_start3A_76 = arith.constant 0 : i32
      %dma_start3A_77 = tpu.memref_slice %arg2[%add3A_70, %dma_start3A_75, %dma_start3A_76] : memref<2560x2x128xi32, #tpu.memory_space<hbm>> -> memref<1x2x128xi32, #tpu.memory_space<hbm>>
      %dma_start3A_78 = tpu.memref_squeeze %dma_start3A_77 : memref<1x2x128xi32, #tpu.memory_space<hbm>> -> memref<2x128xi32, #tpu.memory_space<hbm>>
      tpu.enqueue_dma source(%dma_start3A_78 : memref<2x128xi32, #tpu.memory_space<hbm>>) target(%arg11 : memref<2x128xi32, #tpu.memory_space<vmem>>) target_semaphore(%arg18 : memref<!tpu.dma_semaphore, #tpu.memory_space<semaphore_mem>>)
      %add3A_79 = arith.constant 6 : i32
      %add3A_80 = arith.addi %add3A_19, %add3A_79 : i32
      %dma_start3A_81 = arith.constant 0 : i32
      %dma_start3A_82 = arith.constant 0 : i32
      %dma_start3A_83 = tpu.memref_slice %arg2[%add3A_80, %dma_start3A_81, %dma_start3A_82] : memref<2560x2x128xi32, #tpu.memory_space<hbm>> -> memref<1x2x128xi32, #tpu.memory_space<hbm>>
      %dma_start3A_84 = tpu.memref_squeeze %dma_start3A_83 : memref<1x2x128xi32, #tpu.memory_space<hbm>> -> memref<2x128xi32, #tpu.memory_space<hbm>>
      %dma_start3A_85 = arith.constant 0 : i32
      %dma_start3A_86 = arith.constant 0 : i32
      %dma_start3A_87 = tpu.memref_slice %arg2[%add3A_80, %dma_start3A_85, %dma_start3A_86] : memref<2560x2x128xi32, #tpu.memory_space<hbm>> -> memref<1x2x128xi32, #tpu.memory_space<hbm>>
      %dma_start3A_88 = tpu.memref_squeeze %dma_start3A_87 : memref<1x2x128xi32, #tpu.memory_space<hbm>> -> memref<2x128xi32, #tpu.memory_space<hbm>>
      tpu.enqueue_dma source(%dma_start3A_88 : memref<2x128xi32, #tpu.memory_space<hbm>>) target(%arg12 : memref<2x128xi32, #tpu.memory_space<vmem>>) target_semaphore(%arg18 : memref<!tpu.dma_semaphore, #tpu.memory_space<semaphore_mem>>)
      %add3A_89 = arith.constant 7 : i32
      %add3A_90 = arith.addi %add3A_19, %add3A_89 : i32
      %dma_start3A_91 = arith.constant 0 : i32
      %dma_start3A_92 = arith.constant 0 : i32
      %dma_start3A_93 = tpu.memref_slice %arg2[%add3A_90, %dma_start3A_91, %dma_start3A_92] : memref<2560x2x128xi32, #tpu.memory_space<hbm>> -> memref<1x2x128xi32, #tpu.memory_space<hbm>>
      %dma_start3A_94 = tpu.memref_squeeze %dma_start3A_93 : memref<1x2x128xi32, #tpu.memory_space<hbm>> -> memref<2x128xi32, #tpu.memory_space<hbm>>
      %dma_start3A_95 = arith.constant 0 : i32
      %dma_start3A_96 = arith.constant 0 : i32
      %dma_start3A_97 = tpu.memref_slice %arg2[%add3A_90, %dma_start3A_95, %dma_start3A_96] : memref<2560x2x128xi32, #tpu.memory_space<hbm>> -> memref<1x2x128xi32, #tpu.memory_space<hbm>>
      %dma_start3A_98 = tpu.memref_squeeze %dma_start3A_97 : memref<1x2x128xi32, #tpu.memory_space<hbm>> -> memref<2x128xi32, #tpu.memory_space<hbm>>
      tpu.enqueue_dma source(%dma_start3A_98 : memref<2x128xi32, #tpu.memory_space<hbm>>) target(%arg13 : memref<2x128xi32, #tpu.memory_space<vmem>>) target_semaphore(%arg18 : memref<!tpu.dma_semaphore, #tpu.memory_space<semaphore_mem>>)
      %dma_wait3A = arith.constant 0 : i32
      %dma_wait3A_99 = arith.constant 0 : i32
      %dma_wait3A_100 = tpu.memref_slice %arg2[%add3A_21, %dma_wait3A, %dma_wait3A_99] : memref<2560x2x128xi32, #tpu.memory_space<hbm>> -> memref<1x2x128xi32, #tpu.memory_space<hbm>>
      %dma_wait3A_101 = tpu.memref_squeeze %dma_wait3A_100 : memref<1x2x128xi32, #tpu.memory_space<hbm>> -> memref<2x128xi32, #tpu.memory_space<hbm>>
      %dma_wait3A_102 = arith.constant 0 : i32
      %dma_wait3A_103 = arith.constant 0 : i32
      %dma_wait3A_104 = tpu.memref_slice %arg2[%add3A_21, %dma_wait3A_102, %dma_wait3A_103] : memref<2560x2x128xi32, #tpu.memory_space<hbm>> -> memref<1x2x128xi32, #tpu.memory_space<hbm>>
      %dma_wait3A_105 = tpu.memref_squeeze %dma_wait3A_104 : memref<1x2x128xi32, #tpu.memory_space<hbm>> -> memref<2x128xi32, #tpu.memory_space<hbm>>
      tpu.wait_dma2 semaphore(%arg18 : memref<!tpu.dma_semaphore, #tpu.memory_space<semaphore_mem>>) src(%dma_wait3A_105 : memref<2x128xi32, #tpu.memory_space<hbm>>) dst(%arg6 : memref<2x128xi32, #tpu.memory_space<vmem>>)
      %dma_wait3A_106 = arith.constant 0 : i32
      %dma_wait3A_107 = arith.constant 0 : i32
      %dma_wait3A_108 = tpu.memref_slice %arg2[%add3A_30, %dma_wait3A_106, %dma_wait3A_107] : memref<2560x2x128xi32, #tpu.memory_space<hbm>> -> memref<1x2x128xi32, #tpu.memory_space<hbm>>
      %dma_wait3A_109 = tpu.memref_squeeze %dma_wait3A_108 : memref<1x2x128xi32, #tpu.memory_space<hbm>> -> memref<2x128xi32, #tpu.memory_space<hbm>>
      %dma_wait3A_110 = arith.constant 0 : i32
      %dma_wait3A_111 = arith.constant 0 : i32
      %dma_wait3A_112 = tpu.memref_slice %arg2[%add3A_30, %dma_wait3A_110, %dma_wait3A_111] : memref<2560x2x128xi32, #tpu.memory_space<hbm>> -> memref<1x2x128xi32, #tpu.memory_space<hbm>>
      %dma_wait3A_113 = tpu.memref_squeeze %dma_wait3A_112 : memref<1x2x128xi32, #tpu.memory_space<hbm>> -> memref<2x128xi32, #tpu.memory_space<hbm>>
      tpu.wait_dma2 semaphore(%arg18 : memref<!tpu.dma_semaphore, #tpu.memory_space<semaphore_mem>>) src(%dma_wait3A_113 : memref<2x128xi32, #tpu.memory_space<hbm>>) dst(%arg7 : memref<2x128xi32, #tpu.memory_space<vmem>>)
      %dma_wait3A_114 = arith.constant 0 : i32
      %dma_wait3A_115 = arith.constant 0 : i32
      %dma_wait3A_116 = tpu.memref_slice %arg2[%add3A_40, %dma_wait3A_114, %dma_wait3A_115] : memref<2560x2x128xi32, #tpu.memory_space<hbm>> -> memref<1x2x128xi32, #tpu.memory_space<hbm>>
      %dma_wait3A_117 = tpu.memref_squeeze %dma_wait3A_116 : memref<1x2x128xi32, #tpu.memory_space<hbm>> -> memref<2x128xi32, #tpu.memory_space<hbm>>
      %dma_wait3A_118 = arith.constant 0 : i32
      %dma_wait3A_119 = arith.constant 0 : i32
      %dma_wait3A_120 = tpu.memref_slice %arg2[%add3A_40, %dma_wait3A_118, %dma_wait3A_119] : memref<2560x2x128xi32, #tpu.memory_space<hbm>> -> memref<1x2x128xi32, #tpu.memory_space<hbm>>
      %dma_wait3A_121 = tpu.memref_squeeze %dma_wait3A_120 : memref<1x2x128xi32, #tpu.memory_space<hbm>> -> memref<2x128xi32, #tpu.memory_space<hbm>>
      tpu.wait_dma2 semaphore(%arg18 : memref<!tpu.dma_semaphore, #tpu.memory_space<semaphore_mem>>) src(%dma_wait3A_121 : memref<2x128xi32, #tpu.memory_space<hbm>>) dst(%arg8 : memref<2x128xi32, #tpu.memory_space<vmem>>)
      %dma_wait3A_122 = arith.constant 0 : i32
      %dma_wait3A_123 = arith.constant 0 : i32
      %dma_wait3A_124 = tpu.memref_slice %arg2[%add3A_50, %dma_wait3A_122, %dma_wait3A_123] : memref<2560x2x128xi32, #tpu.memory_space<hbm>> -> memref<1x2x128xi32, #tpu.memory_space<hbm>>
      %dma_wait3A_125 = tpu.memref_squeeze %dma_wait3A_124 : memref<1x2x128xi32, #tpu.memory_space<hbm>> -> memref<2x128xi32, #tpu.memory_space<hbm>>
      %dma_wait3A_126 = arith.constant 0 : i32
      %dma_wait3A_127 = arith.constant 0 : i32
      %dma_wait3A_128 = tpu.memref_slice %arg2[%add3A_50, %dma_wait3A_126, %dma_wait3A_127] : memref<2560x2x128xi32, #tpu.memory_space<hbm>> -> memref<1x2x128xi32, #tpu.memory_space<hbm>>
      %dma_wait3A_129 = tpu.memref_squeeze %dma_wait3A_128 : memref<1x2x128xi32, #tpu.memory_space<hbm>> -> memref<2x128xi32, #tpu.memory_space<hbm>>
      tpu.wait_dma2 semaphore(%arg18 : memref<!tpu.dma_semaphore, #tpu.memory_space<semaphore_mem>>) src(%dma_wait3A_129 : memref<2x128xi32, #tpu.memory_space<hbm>>) dst(%arg9 : memref<2x128xi32, #tpu.memory_space<vmem>>)
      %dma_wait3A_130 = arith.constant 0 : i32
      %dma_wait3A_131 = arith.constant 0 : i32
      %dma_wait3A_132 = tpu.memref_slice %arg2[%add3A_60, %dma_wait3A_130, %dma_wait3A_131] : memref<2560x2x128xi32, #tpu.memory_space<hbm>> -> memref<1x2x128xi32, #tpu.memory_space<hbm>>
      %dma_wait3A_133 = tpu.memref_squeeze %dma_wait3A_132 : memref<1x2x128xi32, #tpu.memory_space<hbm>> -> memref<2x128xi32, #tpu.memory_space<hbm>>
      %dma_wait3A_134 = arith.constant 0 : i32
      %dma_wait3A_135 = arith.constant 0 : i32
      %dma_wait3A_136 = tpu.memref_slice %arg2[%add3A_60, %dma_wait3A_134, %dma_wait3A_135] : memref<2560x2x128xi32, #tpu.memory_space<hbm>> -> memref<1x2x128xi32, #tpu.memory_space<hbm>>
      %dma_wait3A_137 = tpu.memref_squeeze %dma_wait3A_136 : memref<1x2x128xi32, #tpu.memory_space<hbm>> -> memref<2x128xi32, #tpu.memory_space<hbm>>
      tpu.wait_dma2 semaphore(%arg18 : memref<!tpu.dma_semaphore, #tpu.memory_space<semaphore_mem>>) src(%dma_wait3A_137 : memref<2x128xi32, #tpu.memory_space<hbm>>) dst(%arg10 : memref<2x128xi32, #tpu.memory_space<vmem>>)
      %dma_wait3A_138 = arith.constant 0 : i32
      %dma_wait3A_139 = arith.constant 0 : i32
      %dma_wait3A_140 = tpu.memref_slice %arg2[%add3A_70, %dma_wait3A_138, %dma_wait3A_139] : memref<2560x2x128xi32, #tpu.memory_space<hbm>> -> memref<1x2x128xi32, #tpu.memory_space<hbm>>
      %dma_wait3A_141 = tpu.memref_squeeze %dma_wait3A_140 : memref<1x2x128xi32, #tpu.memory_space<hbm>> -> memref<2x128xi32, #tpu.memory_space<hbm>>
      %dma_wait3A_142 = arith.constant 0 : i32
      %dma_wait3A_143 = arith.constant 0 : i32
      %dma_wait3A_144 = tpu.memref_slice %arg2[%add3A_70, %dma_wait3A_142, %dma_wait3A_143] : memref<2560x2x128xi32, #tpu.memory_space<hbm>> -> memref<1x2x128xi32, #tpu.memory_space<hbm>>
      %dma_wait3A_145 = tpu.memref_squeeze %dma_wait3A_144 : memref<1x2x128xi32, #tpu.memory_space<hbm>> -> memref<2x128xi32, #tpu.memory_space<hbm>>
      tpu.wait_dma2 semaphore(%arg18 : memref<!tpu.dma_semaphore, #tpu.memory_space<semaphore_mem>>) src(%dma_wait3A_145 : memref<2x128xi32, #tpu.memory_space<hbm>>) dst(%arg11 : memref<2x128xi32, #tpu.memory_space<vmem>>)
      %dma_wait3A_146 = arith.constant 0 : i32
      %dma_wait3A_147 = arith.constant 0 : i32
      %dma_wait3A_148 = tpu.memref_slice %arg2[%add3A_80, %dma_wait3A_146, %dma_wait3A_147] : memref<2560x2x128xi32, #tpu.memory_space<hbm>> -> memref<1x2x128xi32, #tpu.memory_space<hbm>>
      %dma_wait3A_149 = tpu.memref_squeeze %dma_wait3A_148 : memref<1x2x128xi32, #tpu.memory_space<hbm>> -> memref<2x128xi32, #tpu.memory_space<hbm>>
      %dma_wait3A_150 = arith.constant 0 : i32
      %dma_wait3A_151 = arith.constant 0 : i32
      %dma_wait3A_152 = tpu.memref_slice %arg2[%add3A_80, %dma_wait3A_150, %dma_wait3A_151] : memref<2560x2x128xi32, #tpu.memory_space<hbm>> -> memref<1x2x128xi32, #tpu.memory_space<hbm>>
      %dma_wait3A_153 = tpu.memref_squeeze %dma_wait3A_152 : memref<1x2x128xi32, #tpu.memory_space<hbm>> -> memref<2x128xi32, #tpu.memory_space<hbm>>
      tpu.wait_dma2 semaphore(%arg18 : memref<!tpu.dma_semaphore, #tpu.memory_space<semaphore_mem>>) src(%dma_wait3A_153 : memref<2x128xi32, #tpu.memory_space<hbm>>) dst(%arg12 : memref<2x128xi32, #tpu.memory_space<vmem>>)
      %dma_wait3A_154 = arith.constant 0 : i32
      %dma_wait3A_155 = arith.constant 0 : i32
      %dma_wait3A_156 = tpu.memref_slice %arg2[%add3A_90, %dma_wait3A_154, %dma_wait3A_155] : memref<2560x2x128xi32, #tpu.memory_space<hbm>> -> memref<1x2x128xi32, #tpu.memory_space<hbm>>
      %dma_wait3A_157 = tpu.memref_squeeze %dma_wait3A_156 : memref<1x2x128xi32, #tpu.memory_space<hbm>> -> memref<2x128xi32, #tpu.memory_space<hbm>>
      %dma_wait3A_158 = arith.constant 0 : i32
      %dma_wait3A_159 = arith.constant 0 : i32
      %dma_wait3A_160 = tpu.memref_slice %arg2[%add3A_90, %dma_wait3A_158, %dma_wait3A_159] : memref<2560x2x128xi32, #tpu.memory_space<hbm>> -> memref<1x2x128xi32, #tpu.memory_space<hbm>>
      %dma_wait3A_161 = tpu.memref_squeeze %dma_wait3A_160 : memref<1x2x128xi32, #tpu.memory_space<hbm>> -> memref<2x128xi32, #tpu.memory_space<hbm>>
      tpu.wait_dma2 semaphore(%arg18 : memref<!tpu.dma_semaphore, #tpu.memory_space<semaphore_mem>>) src(%dma_wait3A_161 : memref<2x128xi32, #tpu.memory_space<hbm>>) dst(%arg13 : memref<2x128xi32, #tpu.memory_space<vmem>>)
      %dma_start3A_162 = arith.constant 0 : i32
      %dma_start3A_163 = arith.constant 0 : i32
      %dma_start3A_164 = tpu.memref_slice %arg6[%dma_start3A_162, %dma_start3A_163] : memref<2x128xi32, #tpu.memory_space<vmem>> -> memref<1x128xi32, #tpu.memory_space<vmem>>
      %dma_start3A_165 = tpu.memref_squeeze %dma_start3A_164 : memref<1x128xi32, #tpu.memory_space<vmem>> -> memref<128xi32, #tpu.memory_space<vmem>>
      %dma_start3A_166 = arith.constant 0 : i32
      %dma_start3A_167 = arith.constant 0 : i32
      %dma_start3A_168 = tpu.memref_slice %arg16[%dma_start3A_166, %dma_start3A_167] : memref<10240x8xf32, #tpu.memory_space<vmem_shared>> -> memref<10240x8xf32, #tpu.memory_space<vmem_shared>>
      tpu.enqueue_indirect_dma source(%arg14 : memref<128x8xf32, #tpu.memory_space<vmem>>) target(%dma_start3A_168 : memref<10240x8xf32, #tpu.memory_space<vmem_shared>>) offsets(%dma_start3A_165 : memref<128xi32, #tpu.memory_space<vmem>>) semaphore(%arg19 : memref<!tpu.dma_semaphore, #tpu.memory_space<semaphore_mem>>) {add = true}
      %dma_start3A_169 = arith.constant 1 : i32
      %dma_start3A_170 = arith.constant 0 : i32
      %dma_start3A_171 = tpu.memref_slice %arg6[%dma_start3A_169, %dma_start3A_170] : memref<2x128xi32, #tpu.memory_space<vmem>> -> memref<1x128xi32, #tpu.memory_space<vmem>>
      %dma_start3A_172 = tpu.memref_squeeze %dma_start3A_171 : memref<1x128xi32, #tpu.memory_space<vmem>> -> memref<128xi32, #tpu.memory_space<vmem>>
      %dma_start3A_173 = arith.constant 0 : i32
      %dma_start3A_174 = arith.constant 0 : i32
      %dma_start3A_175 = tpu.memref_slice %arg17[%dma_start3A_173, %dma_start3A_174] : memref<10240x8xf32, #tpu.memory_space<vmem_shared>> -> memref<10240x8xf32, #tpu.memory_space<vmem_shared>>
      tpu.enqueue_indirect_dma source(%arg14 : memref<128x8xf32, #tpu.memory_space<vmem>>) target(%dma_start3A_175 : memref<10240x8xf32, #tpu.memory_space<vmem_shared>>) offsets(%dma_start3A_172 : memref<128xi32, #tpu.memory_space<vmem>>) semaphore(%arg19 : memref<!tpu.dma_semaphore, #tpu.memory_space<semaphore_mem>>) {add = true}
      %dma_start3A_176 = arith.constant 0 : i32
      %dma_start3A_177 = arith.constant 0 : i32
      %dma_start3A_178 = tpu.memref_slice %arg7[%dma_start3A_176, %dma_start3A_177] : memref<2x128xi32, #tpu.memory_space<vmem>> -> memref<1x128xi32, #tpu.memory_space<vmem>>
      %dma_start3A_179 = tpu.memref_squeeze %dma_start3A_178 : memref<1x128xi32, #tpu.memory_space<vmem>> -> memref<128xi32, #tpu.memory_space<vmem>>
      %dma_start3A_180 = arith.constant 0 : i32
      %dma_start3A_181 = arith.constant 0 : i32
      %dma_start3A_182 = tpu.memref_slice %arg16[%dma_start3A_180, %dma_start3A_181] : memref<10240x8xf32, #tpu.memory_space<vmem_shared>> -> memref<10240x8xf32, #tpu.memory_space<vmem_shared>>
      tpu.enqueue_indirect_dma source(%arg14 : memref<128x8xf32, #tpu.memory_space<vmem>>) target(%dma_start3A_182 : memref<10240x8xf32, #tpu.memory_space<vmem_shared>>) offsets(%dma_start3A_179 : memref<128xi32, #tpu.memory_space<vmem>>) semaphore(%arg19 : memref<!tpu.dma_semaphore, #tpu.memory_space<semaphore_mem>>) {add = true}
      %dma_start3A_183 = arith.constant 1 : i32
      %dma_start3A_184 = arith.constant 0 : i32
      %dma_start3A_185 = tpu.memref_slice %arg7[%dma_start3A_183, %dma_start3A_184] : memref<2x128xi32, #tpu.memory_space<vmem>> -> memref<1x128xi32, #tpu.memory_space<vmem>>
      %dma_start3A_186 = tpu.memref_squeeze %dma_start3A_185 : memref<1x128xi32, #tpu.memory_space<vmem>> -> memref<128xi32, #tpu.memory_space<vmem>>
      %dma_start3A_187 = arith.constant 0 : i32
      %dma_start3A_188 = arith.constant 0 : i32
      %dma_start3A_189 = tpu.memref_slice %arg17[%dma_start3A_187, %dma_start3A_188] : memref<10240x8xf32, #tpu.memory_space<vmem_shared>> -> memref<10240x8xf32, #tpu.memory_space<vmem_shared>>
      tpu.enqueue_indirect_dma source(%arg14 : memref<128x8xf32, #tpu.memory_space<vmem>>) target(%dma_start3A_189 : memref<10240x8xf32, #tpu.memory_space<vmem_shared>>) offsets(%dma_start3A_186 : memref<128xi32, #tpu.memory_space<vmem>>) semaphore(%arg19 : memref<!tpu.dma_semaphore, #tpu.memory_space<semaphore_mem>>) {add = true}
      %dma_start3A_190 = arith.constant 0 : i32
      %dma_start3A_191 = arith.constant 0 : i32
      %dma_start3A_192 = tpu.memref_slice %arg8[%dma_start3A_190, %dma_start3A_191] : memref<2x128xi32, #tpu.memory_space<vmem>> -> memref<1x128xi32, #tpu.memory_space<vmem>>
      %dma_start3A_193 = tpu.memref_squeeze %dma_start3A_192 : memref<1x128xi32, #tpu.memory_space<vmem>> -> memref<128xi32, #tpu.memory_space<vmem>>
      %dma_start3A_194 = arith.constant 0 : i32
      %dma_start3A_195 = arith.constant 0 : i32
      %dma_start3A_196 = tpu.memref_slice %arg16[%dma_start3A_194, %dma_start3A_195] : memref<10240x8xf32, #tpu.memory_space<vmem_shared>> -> memref<10240x8xf32, #tpu.memory_space<vmem_shared>>
      tpu.enqueue_indirect_dma source(%arg14 : memref<128x8xf32, #tpu.memory_space<vmem>>) target(%dma_start3A_196 : memref<10240x8xf32, #tpu.memory_space<vmem_shared>>) offsets(%dma_start3A_193 : memref<128xi32, #tpu.memory_space<vmem>>) semaphore(%arg19 : memref<!tpu.dma_semaphore, #tpu.memory_space<semaphore_mem>>) {add = true}
      %dma_start3A_197 = arith.constant 1 : i32
      %dma_start3A_198 = arith.constant 0 : i32
      %dma_start3A_199 = tpu.memref_slice %arg8[%dma_start3A_197, %dma_start3A_198] : memref<2x128xi32, #tpu.memory_space<vmem>> -> memref<1x128xi32, #tpu.memory_space<vmem>>
      %dma_start3A_200 = tpu.memref_squeeze %dma_start3A_199 : memref<1x128xi32, #tpu.memory_space<vmem>> -> memref<128xi32, #tpu.memory_space<vmem>>
      %dma_start3A_201 = arith.constant 0 : i32
      %dma_start3A_202 = arith.constant 0 : i32
      %dma_start3A_203 = tpu.memref_slice %arg17[%dma_start3A_201, %dma_start3A_202] : memref<10240x8xf32, #tpu.memory_space<vmem_shared>> -> memref<10240x8xf32, #tpu.memory_space<vmem_shared>>
      tpu.enqueue_indirect_dma source(%arg14 : memref<128x8xf32, #tpu.memory_space<vmem>>) target(%dma_start3A_203 : memref<10240x8xf32, #tpu.memory_space<vmem_shared>>) offsets(%dma_start3A_200 : memref<128xi32, #tpu.memory_space<vmem>>) semaphore(%arg19 : memref<!tpu.dma_semaphore, #tpu.memory_space<semaphore_mem>>) {add = true}
      %dma_start3A_204 = arith.constant 0 : i32
      %dma_start3A_205 = arith.constant 0 : i32
      %dma_start3A_206 = tpu.memref_slice %arg9[%dma_start3A_204, %dma_start3A_205] : memref<2x128xi32, #tpu.memory_space<vmem>> -> memref<1x128xi32, #tpu.memory_space<vmem>>
      %dma_start3A_207 = tpu.memref_squeeze %dma_start3A_206 : memref<1x128xi32, #tpu.memory_space<vmem>> -> memref<128xi32, #tpu.memory_space<vmem>>
      %dma_start3A_208 = arith.constant 0 : i32
      %dma_start3A_209 = arith.constant 0 : i32
      %dma_start3A_210 = tpu.memref_slice %arg16[%dma_start3A_208, %dma_start3A_209] : memref<10240x8xf32, #tpu.memory_space<vmem_shared>> -> memref<10240x8xf32, #tpu.memory_space<vmem_shared>>
      tpu.enqueue_indirect_dma source(%arg14 : memref<128x8xf32, #tpu.memory_space<vmem>>) target(%dma_start3A_210 : memref<10240x8xf32, #tpu.memory_space<vmem_shared>>) offsets(%dma_start3A_207 : memref<128xi32, #tpu.memory_space<vmem>>) semaphore(%arg19 : memref<!tpu.dma_semaphore, #tpu.memory_space<semaphore_mem>>) {add = true}
      %dma_start3A_211 = arith.constant 1 : i32
      %dma_start3A_212 = arith.constant 0 : i32
      %dma_start3A_213 = tpu.memref_slice %arg9[%dma_start3A_211, %dma_start3A_212] : memref<2x128xi32, #tpu.memory_space<vmem>> -> memref<1x128xi32, #tpu.memory_space<vmem>>
      %dma_start3A_214 = tpu.memref_squeeze %dma_start3A_213 : memref<1x128xi32, #tpu.memory_space<vmem>> -> memref<128xi32, #tpu.memory_space<vmem>>
      %dma_start3A_215 = arith.constant 0 : i32
      %dma_start3A_216 = arith.constant 0 : i32
      %dma_start3A_217 = tpu.memref_slice %arg17[%dma_start3A_215, %dma_start3A_216] : memref<10240x8xf32, #tpu.memory_space<vmem_shared>> -> memref<10240x8xf32, #tpu.memory_space<vmem_shared>>
      tpu.enqueue_indirect_dma source(%arg14 : memref<128x8xf32, #tpu.memory_space<vmem>>) target(%dma_start3A_217 : memref<10240x8xf32, #tpu.memory_space<vmem_shared>>) offsets(%dma_start3A_214 : memref<128xi32, #tpu.memory_space<vmem>>) semaphore(%arg19 : memref<!tpu.dma_semaphore, #tpu.memory_space<semaphore_mem>>) {add = true}
      %dma_start3A_218 = arith.constant 0 : i32
      %dma_start3A_219 = arith.constant 0 : i32
      %dma_start3A_220 = tpu.memref_slice %arg10[%dma_start3A_218, %dma_start3A_219] : memref<2x128xi32, #tpu.memory_space<vmem>> -> memref<1x128xi32, #tpu.memory_space<vmem>>
      %dma_start3A_221 = tpu.memref_squeeze %dma_start3A_220 : memref<1x128xi32, #tpu.memory_space<vmem>> -> memref<128xi32, #tpu.memory_space<vmem>>
      %dma_start3A_222 = arith.constant 0 : i32
      %dma_start3A_223 = arith.constant 0 : i32
      %dma_start3A_224 = tpu.memref_slice %arg16[%dma_start3A_222, %dma_start3A_223] : memref<10240x8xf32, #tpu.memory_space<vmem_shared>> -> memref<10240x8xf32, #tpu.memory_space<vmem_shared>>
      tpu.enqueue_indirect_dma source(%arg14 : memref<128x8xf32, #tpu.memory_space<vmem>>) target(%dma_start3A_224 : memref<10240x8xf32, #tpu.memory_space<vmem_shared>>) offsets(%dma_start3A_221 : memref<128xi32, #tpu.memory_space<vmem>>) semaphore(%arg19 : memref<!tpu.dma_semaphore, #tpu.memory_space<semaphore_mem>>) {add = true}
      %dma_start3A_225 = arith.constant 1 : i32
      %dma_start3A_226 = arith.constant 0 : i32
      %dma_start3A_227 = tpu.memref_slice %arg10[%dma_start3A_225, %dma_start3A_226] : memref<2x128xi32, #tpu.memory_space<vmem>> -> memref<1x128xi32, #tpu.memory_space<vmem>>
      %dma_start3A_228 = tpu.memref_squeeze %dma_start3A_227 : memref<1x128xi32, #tpu.memory_space<vmem>> -> memref<128xi32, #tpu.memory_space<vmem>>
      %dma_start3A_229 = arith.constant 0 : i32
      %dma_start3A_230 = arith.constant 0 : i32
      %dma_start3A_231 = tpu.memref_slice %arg17[%dma_start3A_229, %dma_start3A_230] : memref<10240x8xf32, #tpu.memory_space<vmem_shared>> -> memref<10240x8xf32, #tpu.memory_space<vmem_shared>>
      tpu.enqueue_indirect_dma source(%arg14 : memref<128x8xf32, #tpu.memory_space<vmem>>) target(%dma_start3A_231 : memref<10240x8xf32, #tpu.memory_space<vmem_shared>>) offsets(%dma_start3A_228 : memref<128xi32, #tpu.memory_space<vmem>>) semaphore(%arg19 : memref<!tpu.dma_semaphore, #tpu.memory_space<semaphore_mem>>) {add = true}
      %dma_start3A_232 = arith.constant 0 : i32
      %dma_start3A_233 = arith.constant 0 : i32
      %dma_start3A_234 = tpu.memref_slice %arg11[%dma_start3A_232, %dma_start3A_233] : memref<2x128xi32, #tpu.memory_space<vmem>> -> memref<1x128xi32, #tpu.memory_space<vmem>>
      %dma_start3A_235 = tpu.memref_squeeze %dma_start3A_234 : memref<1x128xi32, #tpu.memory_space<vmem>> -> memref<128xi32, #tpu.memory_space<vmem>>
      %dma_start3A_236 = arith.constant 0 : i32
      %dma_start3A_237 = arith.constant 0 : i32
      %dma_start3A_238 = tpu.memref_slice %arg16[%dma_start3A_236, %dma_start3A_237] : memref<10240x8xf32, #tpu.memory_space<vmem_shared>> -> memref<10240x8xf32, #tpu.memory_space<vmem_shared>>
      tpu.enqueue_indirect_dma source(%arg14 : memref<128x8xf32, #tpu.memory_space<vmem>>) target(%dma_start3A_238 : memref<10240x8xf32, #tpu.memory_space<vmem_shared>>) offsets(%dma_start3A_235 : memref<128xi32, #tpu.memory_space<vmem>>) semaphore(%arg19 : memref<!tpu.dma_semaphore, #tpu.memory_space<semaphore_mem>>) {add = true}
      %dma_start3A_239 = arith.constant 1 : i32
      %dma_start3A_240 = arith.constant 0 : i32
      %dma_start3A_241 = tpu.memref_slice %arg11[%dma_start3A_239, %dma_start3A_240] : memref<2x128xi32, #tpu.memory_space<vmem>> -> memref<1x128xi32, #tpu.memory_space<vmem>>
      %dma_start3A_242 = tpu.memref_squeeze %dma_start3A_241 : memref<1x128xi32, #tpu.memory_space<vmem>> -> memref<128xi32, #tpu.memory_space<vmem>>
      %dma_start3A_243 = arith.constant 0 : i32
      %dma_start3A_244 = arith.constant 0 : i32
      %dma_start3A_245 = tpu.memref_slice %arg17[%dma_start3A_243, %dma_start3A_244] : memref<10240x8xf32, #tpu.memory_space<vmem_shared>> -> memref<10240x8xf32, #tpu.memory_space<vmem_shared>>
      tpu.enqueue_indirect_dma source(%arg14 : memref<128x8xf32, #tpu.memory_space<vmem>>) target(%dma_start3A_245 : memref<10240x8xf32, #tpu.memory_space<vmem_shared>>) offsets(%dma_start3A_242 : memref<128xi32, #tpu.memory_space<vmem>>) semaphore(%arg19 : memref<!tpu.dma_semaphore, #tpu.memory_space<semaphore_mem>>) {add = true}
      %dma_start3A_246 = arith.constant 0 : i32
      %dma_start3A_247 = arith.constant 0 : i32
      %dma_start3A_248 = tpu.memref_slice %arg12[%dma_start3A_246, %dma_start3A_247] : memref<2x128xi32, #tpu.memory_space<vmem>> -> memref<1x128xi32, #tpu.memory_space<vmem>>
      %dma_start3A_249 = tpu.memref_squeeze %dma_start3A_248 : memref<1x128xi32, #tpu.memory_space<vmem>> -> memref<128xi32, #tpu.memory_space<vmem>>
      %dma_start3A_250 = arith.constant 0 : i32
      %dma_start3A_251 = arith.constant 0 : i32
      %dma_start3A_252 = tpu.memref_slice %arg16[%dma_start3A_250, %dma_start3A_251] : memref<10240x8xf32, #tpu.memory_space<vmem_shared>> -> memref<10240x8xf32, #tpu.memory_space<vmem_shared>>
      tpu.enqueue_indirect_dma source(%arg14 : memref<128x8xf32, #tpu.memory_space<vmem>>) target(%dma_start3A_252 : memref<10240x8xf32, #tpu.memory_space<vmem_shared>>) offsets(%dma_start3A_249 : memref<128xi32, #tpu.memory_space<vmem>>) semaphore(%arg19 : memref<!tpu.dma_semaphore, #tpu.memory_space<semaphore_mem>>) {add = true}
      %dma_start3A_253 = arith.constant 1 : i32
      %dma_start3A_254 = arith.constant 0 : i32
      %dma_start3A_255 = tpu.memref_slice %arg12[%dma_start3A_253, %dma_start3A_254] : memref<2x128xi32, #tpu.memory_space<vmem>> -> memref<1x128xi32, #tpu.memory_space<vmem>>
      %dma_start3A_256 = tpu.memref_squeeze %dma_start3A_255 : memref<1x128xi32, #tpu.memory_space<vmem>> -> memref<128xi32, #tpu.memory_space<vmem>>
      %dma_start3A_257 = arith.constant 0 : i32
      %dma_start3A_258 = arith.constant 0 : i32
      %dma_start3A_259 = tpu.memref_slice %arg17[%dma_start3A_257, %dma_start3A_258] : memref<10240x8xf32, #tpu.memory_space<vmem_shared>> -> memref<10240x8xf32, #tpu.memory_space<vmem_shared>>
      tpu.enqueue_indirect_dma source(%arg14 : memref<128x8xf32, #tpu.memory_space<vmem>>) target(%dma_start3A_259 : memref<10240x8xf32, #tpu.memory_space<vmem_shared>>) offsets(%dma_start3A_256 : memref<128xi32, #tpu.memory_space<vmem>>) semaphore(%arg19 : memref<!tpu.dma_semaphore, #tpu.memory_space<semaphore_mem>>) {add = true}
      %dma_start3A_260 = arith.constant 0 : i32
      %dma_start3A_261 = arith.constant 0 : i32
      %dma_start3A_262 = tpu.memref_slice %arg13[%dma_start3A_260, %dma_start3A_261] : memref<2x128xi32, #tpu.memory_space<vmem>> -> memref<1x128xi32, #tpu.memory_space<vmem>>
      %dma_start3A_263 = tpu.memref_squeeze %dma_start3A_262 : memref<1x128xi32, #tpu.memory_space<vmem>> -> memref<128xi32, #tpu.memory_space<vmem>>
      %dma_start3A_264 = arith.constant 0 : i32
      %dma_start3A_265 = arith.constant 0 : i32
      %dma_start3A_266 = tpu.memref_slice %arg16[%dma_start3A_264, %dma_start3A_265] : memref<10240x8xf32, #tpu.memory_space<vmem_shared>> -> memref<10240x8xf32, #tpu.memory_space<vmem_shared>>
      tpu.enqueue_indirect_dma source(%arg14 : memref<128x8xf32, #tpu.memory_space<vmem>>) target(%dma_start3A_266 : memref<10240x8xf32, #tpu.memory_space<vmem_shared>>) offsets(%dma_start3A_263 : memref<128xi32, #tpu.memory_space<vmem>>) semaphore(%arg19 : memref<!tpu.dma_semaphore, #tpu.memory_space<semaphore_mem>>) {add = true}
      %dma_start3A_267 = arith.constant 1 : i32
      %dma_start3A_268 = arith.constant 0 : i32
      %dma_start3A_269 = tpu.memref_slice %arg13[%dma_start3A_267, %dma_start3A_268] : memref<2x128xi32, #tpu.memory_space<vmem>> -> memref<1x128xi32, #tpu.memory_space<vmem>>
      %dma_start3A_270 = tpu.memref_squeeze %dma_start3A_269 : memref<1x128xi32, #tpu.memory_space<vmem>> -> memref<128xi32, #tpu.memory_space<vmem>>
      %dma_start3A_271 = arith.constant 0 : i32
      %dma_start3A_272 = arith.constant 0 : i32
      %dma_start3A_273 = tpu.memref_slice %arg17[%dma_start3A_271, %dma_start3A_272] : memref<10240x8xf32, #tpu.memory_space<vmem_shared>> -> memref<10240x8xf32, #tpu.memory_space<vmem_shared>>
      tpu.enqueue_indirect_dma source(%arg14 : memref<128x8xf32, #tpu.memory_space<vmem>>) target(%dma_start3A_273 : memref<10240x8xf32, #tpu.memory_space<vmem_shared>>) offsets(%dma_start3A_270 : memref<128xi32, #tpu.memory_space<vmem>>) semaphore(%arg19 : memref<!tpu.dma_semaphore, #tpu.memory_space<semaphore_mem>>) {add = true}
      %dma_wait3A_274 = arith.constant 0 : i32
      %dma_wait3A_275 = arith.constant 0 : i32
      %dma_wait3A_276 = tpu.memref_slice %arg6[%dma_wait3A_274, %dma_wait3A_275] : memref<2x128xi32, #tpu.memory_space<vmem>> -> memref<1x128xi32, #tpu.memory_space<vmem>>
      %dma_wait3A_277 = tpu.memref_squeeze %dma_wait3A_276 : memref<1x128xi32, #tpu.memory_space<vmem>> -> memref<128xi32, #tpu.memory_space<vmem>>
      %dma_wait3A_278 = arith.constant 0 : i32
      %dma_wait3A_279 = arith.constant 0 : i32
      %dma_wait3A_280 = tpu.memref_slice %arg16[%dma_wait3A_278, %dma_wait3A_279] : memref<10240x8xf32, #tpu.memory_space<vmem_shared>> -> memref<10240x8xf32, #tpu.memory_space<vmem_shared>>
      tpu.wait_indirect_dma semaphore(%arg19 : memref<!tpu.dma_semaphore, #tpu.memory_space<semaphore_mem>>) src(%arg14 : memref<128x8xf32, #tpu.memory_space<vmem>>) dst(%dma_wait3A_280 : memref<10240x8xf32, #tpu.memory_space<vmem_shared>>)
      %dma_wait3A_281 = arith.constant 1 : i32
      %dma_wait3A_282 = arith.constant 0 : i32
      %dma_wait3A_283 = tpu.memref_slice %arg6[%dma_wait3A_281, %dma_wait3A_282] : memref<2x128xi32, #tpu.memory_space<vmem>> -> memref<1x128xi32, #tpu.memory_space<vmem>>
      %dma_wait3A_284 = tpu.memref_squeeze %dma_wait3A_283 : memref<1x128xi32, #tpu.memory_space<vmem>> -> memref<128xi32, #tpu.memory_space<vmem>>
      %dma_wait3A_285 = arith.constant 0 : i32
      %dma_wait3A_286 = arith.constant 0 : i32
      %dma_wait3A_287 = tpu.memref_slice %arg17[%dma_wait3A_285, %dma_wait3A_286] : memref<10240x8xf32, #tpu.memory_space<vmem_shared>> -> memref<10240x8xf32, #tpu.memory_space<vmem_shared>>
      tpu.wait_indirect_dma semaphore(%arg19 : memref<!tpu.dma_semaphore, #tpu.memory_space<semaphore_mem>>) src(%arg14 : memref<128x8xf32, #tpu.memory_space<vmem>>) dst(%dma_wait3A_287 : memref<10240x8xf32, #tpu.memory_space<vmem_shared>>)
      %dma_wait3A_288 = arith.constant 0 : i32
      %dma_wait3A_289 = arith.constant 0 : i32
      %dma_wait3A_290 = tpu.memref_slice %arg7[%dma_wait3A_288, %dma_wait3A_289] : memref<2x128xi32, #tpu.memory_space<vmem>> -> memref<1x128xi32, #tpu.memory_space<vmem>>
      %dma_wait3A_291 = tpu.memref_squeeze %dma_wait3A_290 : memref<1x128xi32, #tpu.memory_space<vmem>> -> memref<128xi32, #tpu.memory_space<vmem>>
      %dma_wait3A_292 = arith.constant 0 : i32
      %dma_wait3A_293 = arith.constant 0 : i32
      %dma_wait3A_294 = tpu.memref_slice %arg16[%dma_wait3A_292, %dma_wait3A_293] : memref<10240x8xf32, #tpu.memory_space<vmem_shared>> -> memref<10240x8xf32, #tpu.memory_space<vmem_shared>>
      tpu.wait_indirect_dma semaphore(%arg19 : memref<!tpu.dma_semaphore, #tpu.memory_space<semaphore_mem>>) src(%arg14 : memref<128x8xf32, #tpu.memory_space<vmem>>) dst(%dma_wait3A_294 : memref<10240x8xf32, #tpu.memory_space<vmem_shared>>)
      %dma_wait3A_295 = arith.constant 1 : i32
      %dma_wait3A_296 = arith.constant 0 : i32
      %dma_wait3A_297 = tpu.memref_slice %arg7[%dma_wait3A_295, %dma_wait3A_296] : memref<2x128xi32, #tpu.memory_space<vmem>> -> memref<1x128xi32, #tpu.memory_space<vmem>>
      %dma_wait3A_298 = tpu.memref_squeeze %dma_wait3A_297 : memref<1x128xi32, #tpu.memory_space<vmem>> -> memref<128xi32, #tpu.memory_space<vmem>>
      %dma_wait3A_299 = arith.constant 0 : i32
      %dma_wait3A_300 = arith.constant 0 : i32
      %dma_wait3A_301 = tpu.memref_slice %arg17[%dma_wait3A_299, %dma_wait3A_300] : memref<10240x8xf32, #tpu.memory_space<vmem_shared>> -> memref<10240x8xf32, #tpu.memory_space<vmem_shared>>
      tpu.wait_indirect_dma semaphore(%arg19 : memref<!tpu.dma_semaphore, #tpu.memory_space<semaphore_mem>>) src(%arg14 : memref<128x8xf32, #tpu.memory_space<vmem>>) dst(%dma_wait3A_301 : memref<10240x8xf32, #tpu.memory_space<vmem_shared>>)
      %dma_wait3A_302 = arith.constant 0 : i32
      %dma_wait3A_303 = arith.constant 0 : i32
      %dma_wait3A_304 = tpu.memref_slice %arg8[%dma_wait3A_302, %dma_wait3A_303] : memref<2x128xi32, #tpu.memory_space<vmem>> -> memref<1x128xi32, #tpu.memory_space<vmem>>
      %dma_wait3A_305 = tpu.memref_squeeze %dma_wait3A_304 : memref<1x128xi32, #tpu.memory_space<vmem>> -> memref<128xi32, #tpu.memory_space<vmem>>
      %dma_wait3A_306 = arith.constant 0 : i32
      %dma_wait3A_307 = arith.constant 0 : i32
      %dma_wait3A_308 = tpu.memref_slice %arg16[%dma_wait3A_306, %dma_wait3A_307] : memref<10240x8xf32, #tpu.memory_space<vmem_shared>> -> memref<10240x8xf32, #tpu.memory_space<vmem_shared>>
      tpu.wait_indirect_dma semaphore(%arg19 : memref<!tpu.dma_semaphore, #tpu.memory_space<semaphore_mem>>) src(%arg14 : memref<128x8xf32, #tpu.memory_space<vmem>>) dst(%dma_wait3A_308 : memref<10240x8xf32, #tpu.memory_space<vmem_shared>>)
      %dma_wait3A_309 = arith.constant 1 : i32
      %dma_wait3A_310 = arith.constant 0 : i32
      %dma_wait3A_311 = tpu.memref_slice %arg8[%dma_wait3A_309, %dma_wait3A_310] : memref<2x128xi32, #tpu.memory_space<vmem>> -> memref<1x128xi32, #tpu.memory_space<vmem>>
      %dma_wait3A_312 = tpu.memref_squeeze %dma_wait3A_311 : memref<1x128xi32, #tpu.memory_space<vmem>> -> memref<128xi32, #tpu.memory_space<vmem>>
      %dma_wait3A_313 = arith.constant 0 : i32
      %dma_wait3A_314 = arith.constant 0 : i32
      %dma_wait3A_315 = tpu.memref_slice %arg17[%dma_wait3A_313, %dma_wait3A_314] : memref<10240x8xf32, #tpu.memory_space<vmem_shared>> -> memref<10240x8xf32, #tpu.memory_space<vmem_shared>>
      tpu.wait_indirect_dma semaphore(%arg19 : memref<!tpu.dma_semaphore, #tpu.memory_space<semaphore_mem>>) src(%arg14 : memref<128x8xf32, #tpu.memory_space<vmem>>) dst(%dma_wait3A_315 : memref<10240x8xf32, #tpu.memory_space<vmem_shared>>)
      %dma_wait3A_316 = arith.constant 0 : i32
      %dma_wait3A_317 = arith.constant 0 : i32
      %dma_wait3A_318 = tpu.memref_slice %arg9[%dma_wait3A_316, %dma_wait3A_317] : memref<2x128xi32, #tpu.memory_space<vmem>> -> memref<1x128xi32, #tpu.memory_space<vmem>>
      %dma_wait3A_319 = tpu.memref_squeeze %dma_wait3A_318 : memref<1x128xi32, #tpu.memory_space<vmem>> -> memref<128xi32, #tpu.memory_space<vmem>>
      %dma_wait3A_320 = arith.constant 0 : i32
      %dma_wait3A_321 = arith.constant 0 : i32
      %dma_wait3A_322 = tpu.memref_slice %arg16[%dma_wait3A_320, %dma_wait3A_321] : memref<10240x8xf32, #tpu.memory_space<vmem_shared>> -> memref<10240x8xf32, #tpu.memory_space<vmem_shared>>
      tpu.wait_indirect_dma semaphore(%arg19 : memref<!tpu.dma_semaphore, #tpu.memory_space<semaphore_mem>>) src(%arg14 : memref<128x8xf32, #tpu.memory_space<vmem>>) dst(%dma_wait3A_322 : memref<10240x8xf32, #tpu.memory_space<vmem_shared>>)
      %dma_wait3A_323 = arith.constant 1 : i32
      %dma_wait3A_324 = arith.constant 0 : i32
      %dma_wait3A_325 = tpu.memref_slice %arg9[%dma_wait3A_323, %dma_wait3A_324] : memref<2x128xi32, #tpu.memory_space<vmem>> -> memref<1x128xi32, #tpu.memory_space<vmem>>
      %dma_wait3A_326 = tpu.memref_squeeze %dma_wait3A_325 : memref<1x128xi32, #tpu.memory_space<vmem>> -> memref<128xi32, #tpu.memory_space<vmem>>
      %dma_wait3A_327 = arith.constant 0 : i32
      %dma_wait3A_328 = arith.constant 0 : i32
      %dma_wait3A_329 = tpu.memref_slice %arg17[%dma_wait3A_327, %dma_wait3A_328] : memref<10240x8xf32, #tpu.memory_space<vmem_shared>> -> memref<10240x8xf32, #tpu.memory_space<vmem_shared>>
      tpu.wait_indirect_dma semaphore(%arg19 : memref<!tpu.dma_semaphore, #tpu.memory_space<semaphore_mem>>) src(%arg14 : memref<128x8xf32, #tpu.memory_space<vmem>>) dst(%dma_wait3A_329 : memref<10240x8xf32, #tpu.memory_space<vmem_shared>>)
      %dma_wait3A_330 = arith.constant 0 : i32
      %dma_wait3A_331 = arith.constant 0 : i32
      %dma_wait3A_332 = tpu.memref_slice %arg10[%dma_wait3A_330, %dma_wait3A_331] : memref<2x128xi32, #tpu.memory_space<vmem>> -> memref<1x128xi32, #tpu.memory_space<vmem>>
      %dma_wait3A_333 = tpu.memref_squeeze %dma_wait3A_332 : memref<1x128xi32, #tpu.memory_space<vmem>> -> memref<128xi32, #tpu.memory_space<vmem>>
      %dma_wait3A_334 = arith.constant 0 : i32
      %dma_wait3A_335 = arith.constant 0 : i32
      %dma_wait3A_336 = tpu.memref_slice %arg16[%dma_wait3A_334, %dma_wait3A_335] : memref<10240x8xf32, #tpu.memory_space<vmem_shared>> -> memref<10240x8xf32, #tpu.memory_space<vmem_shared>>
      tpu.wait_indirect_dma semaphore(%arg19 : memref<!tpu.dma_semaphore, #tpu.memory_space<semaphore_mem>>) src(%arg14 : memref<128x8xf32, #tpu.memory_space<vmem>>) dst(%dma_wait3A_336 : memref<10240x8xf32, #tpu.memory_space<vmem_shared>>)
      %dma_wait3A_337 = arith.constant 1 : i32
      %dma_wait3A_338 = arith.constant 0 : i32
      %dma_wait3A_339 = tpu.memref_slice %arg10[%dma_wait3A_337, %dma_wait3A_338] : memref<2x128xi32, #tpu.memory_space<vmem>> -> memref<1x128xi32, #tpu.memory_space<vmem>>
      %dma_wait3A_340 = tpu.memref_squeeze %dma_wait3A_339 : memref<1x128xi32, #tpu.memory_space<vmem>> -> memref<128xi32, #tpu.memory_space<vmem>>
      %dma_wait3A_341 = arith.constant 0 : i32
      %dma_wait3A_342 = arith.constant 0 : i32
      %dma_wait3A_343 = tpu.memref_slice %arg17[%dma_wait3A_341, %dma_wait3A_342] : memref<10240x8xf32, #tpu.memory_space<vmem_shared>> -> memref<10240x8xf32, #tpu.memory_space<vmem_shared>>
      tpu.wait_indirect_dma semaphore(%arg19 : memref<!tpu.dma_semaphore, #tpu.memory_space<semaphore_mem>>) src(%arg14 : memref<128x8xf32, #tpu.memory_space<vmem>>) dst(%dma_wait3A_343 : memref<10240x8xf32, #tpu.memory_space<vmem_shared>>)
      %dma_wait3A_344 = arith.constant 0 : i32
      %dma_wait3A_345 = arith.constant 0 : i32
      %dma_wait3A_346 = tpu.memref_slice %arg11[%dma_wait3A_344, %dma_wait3A_345] : memref<2x128xi32, #tpu.memory_space<vmem>> -> memref<1x128xi32, #tpu.memory_space<vmem>>
      %dma_wait3A_347 = tpu.memref_squeeze %dma_wait3A_346 : memref<1x128xi32, #tpu.memory_space<vmem>> -> memref<128xi32, #tpu.memory_space<vmem>>
      %dma_wait3A_348 = arith.constant 0 : i32
      %dma_wait3A_349 = arith.constant 0 : i32
      %dma_wait3A_350 = tpu.memref_slice %arg16[%dma_wait3A_348, %dma_wait3A_349] : memref<10240x8xf32, #tpu.memory_space<vmem_shared>> -> memref<10240x8xf32, #tpu.memory_space<vmem_shared>>
      tpu.wait_indirect_dma semaphore(%arg19 : memref<!tpu.dma_semaphore, #tpu.memory_space<semaphore_mem>>) src(%arg14 : memref<128x8xf32, #tpu.memory_space<vmem>>) dst(%dma_wait3A_350 : memref<10240x8xf32, #tpu.memory_space<vmem_shared>>)
      %dma_wait3A_351 = arith.constant 1 : i32
      %dma_wait3A_352 = arith.constant 0 : i32
      %dma_wait3A_353 = tpu.memref_slice %arg11[%dma_wait3A_351, %dma_wait3A_352] : memref<2x128xi32, #tpu.memory_space<vmem>> -> memref<1x128xi32, #tpu.memory_space<vmem>>
      %dma_wait3A_354 = tpu.memref_squeeze %dma_wait3A_353 : memref<1x128xi32, #tpu.memory_space<vmem>> -> memref<128xi32, #tpu.memory_space<vmem>>
      %dma_wait3A_355 = arith.constant 0 : i32
      %dma_wait3A_356 = arith.constant 0 : i32
      %dma_wait3A_357 = tpu.memref_slice %arg17[%dma_wait3A_355, %dma_wait3A_356] : memref<10240x8xf32, #tpu.memory_space<vmem_shared>> -> memref<10240x8xf32, #tpu.memory_space<vmem_shared>>
      tpu.wait_indirect_dma semaphore(%arg19 : memref<!tpu.dma_semaphore, #tpu.memory_space<semaphore_mem>>) src(%arg14 : memref<128x8xf32, #tpu.memory_space<vmem>>) dst(%dma_wait3A_357 : memref<10240x8xf32, #tpu.memory_space<vmem_shared>>)
      %dma_wait3A_358 = arith.constant 0 : i32
      %dma_wait3A_359 = arith.constant 0 : i32
      %dma_wait3A_360 = tpu.memref_slice %arg12[%dma_wait3A_358, %dma_wait3A_359] : memref<2x128xi32, #tpu.memory_space<vmem>> -> memref<1x128xi32, #tpu.memory_space<vmem>>
      %dma_wait3A_361 = tpu.memref_squeeze %dma_wait3A_360 : memref<1x128xi32, #tpu.memory_space<vmem>> -> memref<128xi32, #tpu.memory_space<vmem>>
      %dma_wait3A_362 = arith.constant 0 : i32
      %dma_wait3A_363 = arith.constant 0 : i32
      %dma_wait3A_364 = tpu.memref_slice %arg16[%dma_wait3A_362, %dma_wait3A_363] : memref<10240x8xf32, #tpu.memory_space<vmem_shared>> -> memref<10240x8xf32, #tpu.memory_space<vmem_shared>>
      tpu.wait_indirect_dma semaphore(%arg19 : memref<!tpu.dma_semaphore, #tpu.memory_space<semaphore_mem>>) src(%arg14 : memref<128x8xf32, #tpu.memory_space<vmem>>) dst(%dma_wait3A_364 : memref<10240x8xf32, #tpu.memory_space<vmem_shared>>)
      %dma_wait3A_365 = arith.constant 1 : i32
      %dma_wait3A_366 = arith.constant 0 : i32
      %dma_wait3A_367 = tpu.memref_slice %arg12[%dma_wait3A_365, %dma_wait3A_366] : memref<2x128xi32, #tpu.memory_space<vmem>> -> memref<1x128xi32, #tpu.memory_space<vmem>>
      %dma_wait3A_368 = tpu.memref_squeeze %dma_wait3A_367 : memref<1x128xi32, #tpu.memory_space<vmem>> -> memref<128xi32, #tpu.memory_space<vmem>>
      %dma_wait3A_369 = arith.constant 0 : i32
      %dma_wait3A_370 = arith.constant 0 : i32
      %dma_wait3A_371 = tpu.memref_slice %arg17[%dma_wait3A_369, %dma_wait3A_370] : memref<10240x8xf32, #tpu.memory_space<vmem_shared>> -> memref<10240x8xf32, #tpu.memory_space<vmem_shared>>
      tpu.wait_indirect_dma semaphore(%arg19 : memref<!tpu.dma_semaphore, #tpu.memory_space<semaphore_mem>>) src(%arg14 : memref<128x8xf32, #tpu.memory_space<vmem>>) dst(%dma_wait3A_371 : memref<10240x8xf32, #tpu.memory_space<vmem_shared>>)
      %dma_wait3A_372 = arith.constant 0 : i32
      %dma_wait3A_373 = arith.constant 0 : i32
      %dma_wait3A_374 = tpu.memref_slice %arg13[%dma_wait3A_372, %dma_wait3A_373] : memref<2x128xi32, #tpu.memory_space<vmem>> -> memref<1x128xi32, #tpu.memory_space<vmem>>
      %dma_wait3A_375 = tpu.memref_squeeze %dma_wait3A_374 : memref<1x128xi32, #tpu.memory_space<vmem>> -> memref<128xi32, #tpu.memory_space<vmem>>
      %dma_wait3A_376 = arith.constant 0 : i32
      %dma_wait3A_377 = arith.constant 0 : i32
      %dma_wait3A_378 = tpu.memref_slice %arg16[%dma_wait3A_376, %dma_wait3A_377] : memref<10240x8xf32, #tpu.memory_space<vmem_shared>> -> memref<10240x8xf32, #tpu.memory_space<vmem_shared>>
      tpu.wait_indirect_dma semaphore(%arg19 : memref<!tpu.dma_semaphore, #tpu.memory_space<semaphore_mem>>) src(%arg14 : memref<128x8xf32, #tpu.memory_space<vmem>>) dst(%dma_wait3A_378 : memref<10240x8xf32, #tpu.memory_space<vmem_shared>>)
      %dma_wait3A_379 = arith.constant 1 : i32
      %dma_wait3A_380 = arith.constant 0 : i32
      %dma_wait3A_381 = tpu.memref_slice %arg13[%dma_wait3A_379, %dma_wait3A_380] : memref<2x128xi32, #tpu.memory_space<vmem>> -> memref<1x128xi32, #tpu.memory_space<vmem>>
      %dma_wait3A_382 = tpu.memref_squeeze %dma_wait3A_381 : memref<1x128xi32, #tpu.memory_space<vmem>> -> memref<128xi32, #tpu.memory_space<vmem>>
      %dma_wait3A_383 = arith.constant 0 : i32
      %dma_wait3A_384 = arith.constant 0 : i32
      %dma_wait3A_385 = tpu.memref_slice %arg17[%dma_wait3A_383, %dma_wait3A_384] : memref<10240x8xf32, #tpu.memory_space<vmem_shared>> -> memref<10240x8xf32, #tpu.memory_space<vmem_shared>>
      tpu.wait_indirect_dma semaphore(%arg19 : memref<!tpu.dma_semaphore, #tpu.memory_space<semaphore_mem>>) src(%arg14 : memref<128x8xf32, #tpu.memory_space<vmem>>) dst(%dma_wait3A_385 : memref<10240x8xf32, #tpu.memory_space<vmem_shared>>)
    }
    %scan3A_9 = arith.constant 10 : i32
    %barrier3A_10 = arith.constant 0 : index
    tpu.barrier barrier_id(%barrier3A_10)
    %mul3A_11 = arith.constant 640 : i32
    %mul3A_12 = arith.muli %arg1, %mul3A_11 : i32
    %run_scoped3A = arith.constant 0 : i32
    "tpu.region"() ({
      %run_scoped3A_14 = tpu.sem_alloc : memref<!tpu.dma_semaphore, #tpu.memory_space<semaphore_mem>>
      %dma_start3A = arith.constant 0 : i32
      %dma_start3A_15 = tpu.memref_slice %arg5[%arg0, %run_scoped3A, %mul3A_12, %dma_start3A] : memref<2x2x10240x8xf32, #tpu.memory_space<hbm>> -> memref<1x1x640x8xf32, #tpu.memory_space<hbm>>
      %dma_start3A_16 = tpu.memref_squeeze %dma_start3A_15 : memref<1x1x640x8xf32, #tpu.memory_space<hbm>> -> memref<640x8xf32, #tpu.memory_space<hbm>>
      %dma_start3A_17 = arith.constant 0 : i32
      %dma_start3A_18 = tpu.memref_slice %arg16[%mul3A_12, %dma_start3A_17] : memref<10240x8xf32, #tpu.memory_space<vmem_shared>> -> memref<640x8xf32, #tpu.memory_space<vmem_shared>>
      tpu.enqueue_dma source(%dma_start3A_18 : memref<640x8xf32, #tpu.memory_space<vmem_shared>>) target(%dma_start3A_16 : memref<640x8xf32, #tpu.memory_space<hbm>>) target_semaphore(%run_scoped3A_14 : memref<!tpu.dma_semaphore, #tpu.memory_space<semaphore_mem>>)
      %dma_wait3A = arith.constant 0 : i32
      %dma_wait3A_19 = tpu.memref_slice %arg5[%arg0, %run_scoped3A, %mul3A_12, %dma_wait3A] : memref<2x2x10240x8xf32, #tpu.memory_space<hbm>> -> memref<1x1x640x8xf32, #tpu.memory_space<hbm>>
      %dma_wait3A_20 = tpu.memref_squeeze %dma_wait3A_19 : memref<1x1x640x8xf32, #tpu.memory_space<hbm>> -> memref<640x8xf32, #tpu.memory_space<hbm>>
      %dma_wait3A_21 = arith.constant 0 : i32
      %dma_wait3A_22 = tpu.memref_slice %arg16[%mul3A_12, %dma_wait3A_21] : memref<10240x8xf32, #tpu.memory_space<vmem_shared>> -> memref<640x8xf32, #tpu.memory_space<vmem_shared>>
      tpu.wait_dma2 semaphore(%run_scoped3A_14 : memref<!tpu.dma_semaphore, #tpu.memory_space<semaphore_mem>>) src(%dma_wait3A_22 : memref<640x8xf32, #tpu.memory_space<vmem_shared>>) dst(%dma_wait3A_20 : memref<640x8xf32, #tpu.memory_space<hbm>>)
      tpu.yield
    }) : () -> ()
    %run_scoped3A_13 = arith.constant 1 : i32
    "tpu.region"() ({
      %run_scoped3A_14 = tpu.sem_alloc : memref<!tpu.dma_semaphore, #tpu.memory_space<semaphore_mem>>
      %dma_start3A = arith.constant 0 : i32
      %dma_start3A_15 = tpu.memref_slice %arg5[%arg0, %run_scoped3A_13, %mul3A_12, %dma_start3A] : memref<2x2x10240x8xf32, #tpu.memory_space<hbm>> -> memref<1x1x640x8xf32, #tpu.memory_space<hbm>>
      %dma_start3A_16 = tpu.memref_squeeze %dma_start3A_15 : memref<1x1x640x8xf32, #tpu.memory_space<hbm>> -> memref<640x8xf32, #tpu.memory_space<hbm>>
      %dma_start3A_17 = arith.constant 0 : i32
      %dma_start3A_18 = tpu.memref_slice %arg17[%mul3A_12, %dma_start3A_17] : memref<10240x8xf32, #tpu.memory_space<vmem_shared>> -> memref<640x8xf32, #tpu.memory_space<vmem_shared>>
      tpu.enqueue_dma source(%dma_start3A_18 : memref<640x8xf32, #tpu.memory_space<vmem_shared>>) target(%dma_start3A_16 : memref<640x8xf32, #tpu.memory_space<hbm>>) target_semaphore(%run_scoped3A_14 : memref<!tpu.dma_semaphore, #tpu.memory_space<semaphore_mem>>)
      %dma_wait3A = arith.constant 0 : i32
      %dma_wait3A_19 = tpu.memref_slice %arg5[%arg0, %run_scoped3A_13, %mul3A_12, %dma_wait3A] : memref<2x2x10240x8xf32, #tpu.memory_space<hbm>> -> memref<1x1x640x8xf32, #tpu.memory_space<hbm>>
      %dma_wait3A_20 = tpu.memref_squeeze %dma_wait3A_19 : memref<1x1x640x8xf32, #tpu.memory_space<hbm>> -> memref<640x8xf32, #tpu.memory_space<hbm>>
      %dma_wait3A_21 = arith.constant 0 : i32
      %dma_wait3A_22 = tpu.memref_slice %arg17[%mul3A_12, %dma_wait3A_21] : memref<10240x8xf32, #tpu.memory_space<vmem_shared>> -> memref<640x8xf32, #tpu.memory_space<vmem_shared>>
      tpu.wait_dma2 semaphore(%run_scoped3A_14 : memref<!tpu.dma_semaphore, #tpu.memory_space<semaphore_mem>>) src(%dma_wait3A_22 : memref<640x8xf32, #tpu.memory_space<vmem_shared>>) dst(%dma_wait3A_20 : memref<640x8xf32, #tpu.memory_space<hbm>>)
      tpu.yield
    }) : () -> ()
    return
  }
}

#map = affine_map<(d0, d1) -> (0, 0)>
#map1 = affine_map<(d0, d1) -> (0, 0, 0)>
module attributes {stable_mosaic.version = 14 : i64} {
  func.func @mp_kernel(%arg0: i32, %arg1: i32, %arg2: memref<20480x64xf32, #tpu.memory_space<hbm>>, %arg3: memref<2560x2x128xi32, #tpu.memory_space<hbm>>, %arg4: memref<128x64xf32, #tpu.memory_space<hbm>>, %arg5: memref<10240x128xf32, #tpu.memory_space<hbm>>, %arg6: memref<2x128xi32, #tpu.memory_space<vmem>>, %arg7: memref<2x128xi32, #tpu.memory_space<vmem>>, %arg8: memref<2x128xi32, #tpu.memory_space<vmem>>, %arg9: memref<2x128xi32, #tpu.memory_space<vmem>>, %arg10: memref<2x128xi32, #tpu.memory_space<vmem>>, %arg11: memref<2x128xi32, #tpu.memory_space<vmem>>, %arg12: memref<2x128xi32, #tpu.memory_space<vmem>>, %arg13: memref<2x128xi32, #tpu.memory_space<vmem>>, %arg14: memref<128xi32, #tpu.memory_space<vmem>>, %arg15: memref<128xi32, #tpu.memory_space<vmem>>, %arg16: memref<128xi32, #tpu.memory_space<vmem>>, %arg17: memref<128xi32, #tpu.memory_space<vmem>>, %arg18: memref<128xi32, #tpu.memory_space<vmem>>, %arg19: memref<128xi32, #tpu.memory_space<vmem>>, %arg20: memref<128xi32, #tpu.memory_space<vmem>>, %arg21: memref<128xi32, #tpu.memory_space<vmem>>, %arg22: memref<128x64xf32, #tpu.memory_space<vmem>>, %arg23: memref<128x64xf32, #tpu.memory_space<vmem>>, %arg24: memref<128x64xf32, #tpu.memory_space<vmem>>, %arg25: memref<128x64xf32, #tpu.memory_space<vmem>>, %arg26: memref<128x64xf32, #tpu.memory_space<vmem>>, %arg27: memref<128x64xf32, #tpu.memory_space<vmem>>, %arg28: memref<128x64xf32, #tpu.memory_space<vmem>>, %arg29: memref<128x64xf32, #tpu.memory_space<vmem>>, %arg30: memref<128x64xf32, #tpu.memory_space<vmem>>, %arg31: memref<10240x64xf32, #tpu.memory_space<vmem_shared>>, %arg32: memref<!tpu.dma_semaphore, #tpu.memory_space<semaphore_mem>>, %arg33: memref<!tpu.dma_semaphore, #tpu.memory_space<semaphore_mem>>, %arg34: memref<!tpu.dma_semaphore, #tpu.memory_space<semaphore_mem>>, %arg35: memref<!tpu.dma_semaphore, #tpu.memory_space<semaphore_mem>>, %arg36: memref<!tpu.dma_semaphore, #tpu.memory_space<semaphore_mem>>, %arg37: memref<!tpu.dma_semaphore, #tpu.memory_space<semaphore_mem>>, %arg38: memref<!tpu.dma_semaphore, #tpu.memory_space<semaphore_mem>>, %arg39: memref<!tpu.dma_semaphore, #tpu.memory_space<semaphore_mem>>, %arg40: memref<!tpu.dma_semaphore, #tpu.memory_space<semaphore_mem>>, %arg41: memref<!tpu.dma_semaphore, #tpu.memory_space<semaphore_mem>>) attributes {dimension_semantics = [#tpu.dimension_semantics<core_parallel>, #tpu.dimension_semantics<subcore_parallel>], iteration_bounds = array<i64: 2, 16>, scalar_prefetch = 0 : i64, scratch_operands = 36 : i64, tpu.core_type = #tpu.core_type<sc_vector_subcore>, window_params = [{transform_indices = #map}, {transform_indices = #map1}, {transform_indices = #map}, {transform_indices = #map}]} {
    "tpu.region"() ({
      %run_scoped3A = tpu.sem_alloc : memref<!tpu.dma_semaphore, #tpu.memory_space<semaphore_mem>>
      tpu.enqueue_dma source(%arg4 : memref<128x64xf32, #tpu.memory_space<hbm>>) target(%arg30 : memref<128x64xf32, #tpu.memory_space<vmem>>) target_semaphore(%run_scoped3A : memref<!tpu.dma_semaphore, #tpu.memory_space<semaphore_mem>>)
      tpu.wait_dma2 semaphore(%run_scoped3A : memref<!tpu.dma_semaphore, #tpu.memory_space<semaphore_mem>>) src(%arg4 : memref<128x64xf32, #tpu.memory_space<hbm>>) dst(%arg30 : memref<128x64xf32, #tpu.memory_space<vmem>>)
      tpu.yield
    }) : () -> ()
    %mul3A = arith.constant 640 : i32
    %mul3A_0 = arith.muli %arg1, %mul3A : i32
    %add3A = arith.constant 0 : i32
    %add3A_1 = arith.addi %mul3A_0, %add3A : i32
    "tpu.region"() ({
      %run_scoped3A = tpu.sem_alloc : memref<!tpu.dma_semaphore, #tpu.memory_space<semaphore_mem>>
      %dma_start3A = arith.constant 0 : i32
      %dma_start3A_28 = tpu.memref_slice %arg31[%add3A_1, %dma_start3A] : memref<10240x64xf32, #tpu.memory_space<vmem_shared>> -> memref<128x64xf32, #tpu.memory_space<vmem_shared>>
      %dma_start3A_29 = arith.constant 0 : i32
      %dma_start3A_30 = tpu.memref_slice %arg31[%add3A_1, %dma_start3A_29] : memref<10240x64xf32, #tpu.memory_space<vmem_shared>> -> memref<128x64xf32, #tpu.memory_space<vmem_shared>>
      tpu.enqueue_dma source(%arg30 : memref<128x64xf32, #tpu.memory_space<vmem>>) target(%dma_start3A_30 : memref<128x64xf32, #tpu.memory_space<vmem_shared>>) target_semaphore(%run_scoped3A : memref<!tpu.dma_semaphore, #tpu.memory_space<semaphore_mem>>)
      %dma_wait3A = arith.constant 0 : i32
      %dma_wait3A_31 = tpu.memref_slice %arg31[%add3A_1, %dma_wait3A] : memref<10240x64xf32, #tpu.memory_space<vmem_shared>> -> memref<128x64xf32, #tpu.memory_space<vmem_shared>>
      %dma_wait3A_32 = arith.constant 0 : i32
      %dma_wait3A_33 = tpu.memref_slice %arg31[%add3A_1, %dma_wait3A_32] : memref<10240x64xf32, #tpu.memory_space<vmem_shared>> -> memref<128x64xf32, #tpu.memory_space<vmem_shared>>
      tpu.wait_dma2 semaphore(%run_scoped3A : memref<!tpu.dma_semaphore, #tpu.memory_space<semaphore_mem>>) src(%arg30 : memref<128x64xf32, #tpu.memory_space<vmem>>) dst(%dma_wait3A_33 : memref<128x64xf32, #tpu.memory_space<vmem_shared>>)
      tpu.yield
    }) : () -> ()
    %mul3A_2 = arith.constant 640 : i32
    %mul3A_3 = arith.muli %arg1, %mul3A_2 : i32
    %add3A_4 = arith.constant 128 : i32
    %add3A_5 = arith.addi %mul3A_3, %add3A_4 : i32
    "tpu.region"() ({
      %run_scoped3A = tpu.sem_alloc : memref<!tpu.dma_semaphore, #tpu.memory_space<semaphore_mem>>
      %dma_start3A = arith.constant 0 : i32
      %dma_start3A_28 = tpu.memref_slice %arg31[%add3A_5, %dma_start3A] : memref<10240x64xf32, #tpu.memory_space<vmem_shared>> -> memref<128x64xf32, #tpu.memory_space<vmem_shared>>
      %dma_start3A_29 = arith.constant 0 : i32
      %dma_start3A_30 = tpu.memref_slice %arg31[%add3A_5, %dma_start3A_29] : memref<10240x64xf32, #tpu.memory_space<vmem_shared>> -> memref<128x64xf32, #tpu.memory_space<vmem_shared>>
      tpu.enqueue_dma source(%arg30 : memref<128x64xf32, #tpu.memory_space<vmem>>) target(%dma_start3A_30 : memref<128x64xf32, #tpu.memory_space<vmem_shared>>) target_semaphore(%run_scoped3A : memref<!tpu.dma_semaphore, #tpu.memory_space<semaphore_mem>>)
      %dma_wait3A = arith.constant 0 : i32
      %dma_wait3A_31 = tpu.memref_slice %arg31[%add3A_5, %dma_wait3A] : memref<10240x64xf32, #tpu.memory_space<vmem_shared>> -> memref<128x64xf32, #tpu.memory_space<vmem_shared>>
      %dma_wait3A_32 = arith.constant 0 : i32
      %dma_wait3A_33 = tpu.memref_slice %arg31[%add3A_5, %dma_wait3A_32] : memref<10240x64xf32, #tpu.memory_space<vmem_shared>> -> memref<128x64xf32, #tpu.memory_space<vmem_shared>>
      tpu.wait_dma2 semaphore(%run_scoped3A : memref<!tpu.dma_semaphore, #tpu.memory_space<semaphore_mem>>) src(%arg30 : memref<128x64xf32, #tpu.memory_space<vmem>>) dst(%dma_wait3A_33 : memref<128x64xf32, #tpu.memory_space<vmem_shared>>)
      tpu.yield
    }) : () -> ()
    %mul3A_6 = arith.constant 640 : i32
    %mul3A_7 = arith.muli %arg1, %mul3A_6 : i32
    %add3A_8 = arith.constant 256 : i32
    %add3A_9 = arith.addi %mul3A_7, %add3A_8 : i32
    "tpu.region"() ({
      %run_scoped3A = tpu.sem_alloc : memref<!tpu.dma_semaphore, #tpu.memory_space<semaphore_mem>>
      %dma_start3A = arith.constant 0 : i32
      %dma_start3A_28 = tpu.memref_slice %arg31[%add3A_9, %dma_start3A] : memref<10240x64xf32, #tpu.memory_space<vmem_shared>> -> memref<128x64xf32, #tpu.memory_space<vmem_shared>>
      %dma_start3A_29 = arith.constant 0 : i32
      %dma_start3A_30 = tpu.memref_slice %arg31[%add3A_9, %dma_start3A_29] : memref<10240x64xf32, #tpu.memory_space<vmem_shared>> -> memref<128x64xf32, #tpu.memory_space<vmem_shared>>
      tpu.enqueue_dma source(%arg30 : memref<128x64xf32, #tpu.memory_space<vmem>>) target(%dma_start3A_30 : memref<128x64xf32, #tpu.memory_space<vmem_shared>>) target_semaphore(%run_scoped3A : memref<!tpu.dma_semaphore, #tpu.memory_space<semaphore_mem>>)
      %dma_wait3A = arith.constant 0 : i32
      %dma_wait3A_31 = tpu.memref_slice %arg31[%add3A_9, %dma_wait3A] : memref<10240x64xf32, #tpu.memory_space<vmem_shared>> -> memref<128x64xf32, #tpu.memory_space<vmem_shared>>
      %dma_wait3A_32 = arith.constant 0 : i32
      %dma_wait3A_33 = tpu.memref_slice %arg31[%add3A_9, %dma_wait3A_32] : memref<10240x64xf32, #tpu.memory_space<vmem_shared>> -> memref<128x64xf32, #tpu.memory_space<vmem_shared>>
      tpu.wait_dma2 semaphore(%run_scoped3A : memref<!tpu.dma_semaphore, #tpu.memory_space<semaphore_mem>>) src(%arg30 : memref<128x64xf32, #tpu.memory_space<vmem>>) dst(%dma_wait3A_33 : memref<128x64xf32, #tpu.memory_space<vmem_shared>>)
      tpu.yield
    }) : () -> ()
    %mul3A_10 = arith.constant 640 : i32
    %mul3A_11 = arith.muli %arg1, %mul3A_10 : i32
    %add3A_12 = arith.constant 384 : i32
    %add3A_13 = arith.addi %mul3A_11, %add3A_12 : i32
    "tpu.region"() ({
      %run_scoped3A = tpu.sem_alloc : memref<!tpu.dma_semaphore, #tpu.memory_space<semaphore_mem>>
      %dma_start3A = arith.constant 0 : i32
      %dma_start3A_28 = tpu.memref_slice %arg31[%add3A_13, %dma_start3A] : memref<10240x64xf32, #tpu.memory_space<vmem_shared>> -> memref<128x64xf32, #tpu.memory_space<vmem_shared>>
      %dma_start3A_29 = arith.constant 0 : i32
      %dma_start3A_30 = tpu.memref_slice %arg31[%add3A_13, %dma_start3A_29] : memref<10240x64xf32, #tpu.memory_space<vmem_shared>> -> memref<128x64xf32, #tpu.memory_space<vmem_shared>>
      tpu.enqueue_dma source(%arg30 : memref<128x64xf32, #tpu.memory_space<vmem>>) target(%dma_start3A_30 : memref<128x64xf32, #tpu.memory_space<vmem_shared>>) target_semaphore(%run_scoped3A : memref<!tpu.dma_semaphore, #tpu.memory_space<semaphore_mem>>)
      %dma_wait3A = arith.constant 0 : i32
      %dma_wait3A_31 = tpu.memref_slice %arg31[%add3A_13, %dma_wait3A] : memref<10240x64xf32, #tpu.memory_space<vmem_shared>> -> memref<128x64xf32, #tpu.memory_space<vmem_shared>>
      %dma_wait3A_32 = arith.constant 0 : i32
      %dma_wait3A_33 = tpu.memref_slice %arg31[%add3A_13, %dma_wait3A_32] : memref<10240x64xf32, #tpu.memory_space<vmem_shared>> -> memref<128x64xf32, #tpu.memory_space<vmem_shared>>
      tpu.wait_dma2 semaphore(%run_scoped3A : memref<!tpu.dma_semaphore, #tpu.memory_space<semaphore_mem>>) src(%arg30 : memref<128x64xf32, #tpu.memory_space<vmem>>) dst(%dma_wait3A_33 : memref<128x64xf32, #tpu.memory_space<vmem_shared>>)
      tpu.yield
    }) : () -> ()
    %mul3A_14 = arith.constant 640 : i32
    %mul3A_15 = arith.muli %arg1, %mul3A_14 : i32
    %add3A_16 = arith.constant 512 : i32
    %add3A_17 = arith.addi %mul3A_15, %add3A_16 : i32
    "tpu.region"() ({
      %run_scoped3A = tpu.sem_alloc : memref<!tpu.dma_semaphore, #tpu.memory_space<semaphore_mem>>
      %dma_start3A = arith.constant 0 : i32
      %dma_start3A_28 = tpu.memref_slice %arg31[%add3A_17, %dma_start3A] : memref<10240x64xf32, #tpu.memory_space<vmem_shared>> -> memref<128x64xf32, #tpu.memory_space<vmem_shared>>
      %dma_start3A_29 = arith.constant 0 : i32
      %dma_start3A_30 = tpu.memref_slice %arg31[%add3A_17, %dma_start3A_29] : memref<10240x64xf32, #tpu.memory_space<vmem_shared>> -> memref<128x64xf32, #tpu.memory_space<vmem_shared>>
      tpu.enqueue_dma source(%arg30 : memref<128x64xf32, #tpu.memory_space<vmem>>) target(%dma_start3A_30 : memref<128x64xf32, #tpu.memory_space<vmem_shared>>) target_semaphore(%run_scoped3A : memref<!tpu.dma_semaphore, #tpu.memory_space<semaphore_mem>>)
      %dma_wait3A = arith.constant 0 : i32
      %dma_wait3A_31 = tpu.memref_slice %arg31[%add3A_17, %dma_wait3A] : memref<10240x64xf32, #tpu.memory_space<vmem_shared>> -> memref<128x64xf32, #tpu.memory_space<vmem_shared>>
      %dma_wait3A_32 = arith.constant 0 : i32
      %dma_wait3A_33 = tpu.memref_slice %arg31[%add3A_17, %dma_wait3A_32] : memref<10240x64xf32, #tpu.memory_space<vmem_shared>> -> memref<128x64xf32, #tpu.memory_space<vmem_shared>>
      tpu.wait_dma2 semaphore(%run_scoped3A : memref<!tpu.dma_semaphore, #tpu.memory_space<semaphore_mem>>) src(%arg30 : memref<128x64xf32, #tpu.memory_space<vmem>>) dst(%dma_wait3A_33 : memref<128x64xf32, #tpu.memory_space<vmem_shared>>)
      tpu.yield
    }) : () -> ()
    %barrier3A = arith.constant 0 : index
    tpu.barrier barrier_id(%barrier3A)
    %scan3A = arith.constant 0 : i32
    %scan3A_18 = arith.constant 0 : i32
    %scan3A_19 = arith.constant 20 : i32
    %scan3A_20 = arith.addi %scan3A_18, %scan3A_19 : i32
    %scan3A_21 = arith.constant 1 : i32
    scf.for %scan3A_28 = %scan3A_18 to %scan3A_20 step %scan3A_21  : i32 {
      %mul3A_29 = arith.constant 160 : i32
      %mul3A_30 = arith.muli %arg1, %mul3A_29 : i32
      %mul3A_31 = arith.constant 8 : i32
      %mul3A_32 = arith.muli %scan3A_28, %mul3A_31 : i32
      %add3A_33 = arith.addi %mul3A_30, %mul3A_32 : i32
      %add3A_34 = arith.constant 0 : i32
      %add3A_35 = arith.addi %add3A_33, %add3A_34 : i32
      %dma_start3A = arith.constant 0 : i32
      %dma_start3A_36 = arith.constant 0 : i32
      %dma_start3A_37 = tpu.memref_slice %arg3[%add3A_35, %dma_start3A, %dma_start3A_36] : memref<2560x2x128xi32, #tpu.memory_space<hbm>> -> memref<1x2x128xi32, #tpu.memory_space<hbm>>
      %dma_start3A_38 = tpu.memref_squeeze %dma_start3A_37 : memref<1x2x128xi32, #tpu.memory_space<hbm>> -> memref<2x128xi32, #tpu.memory_space<hbm>>
      %dma_start3A_39 = arith.constant 0 : i32
      %dma_start3A_40 = arith.constant 0 : i32
      %dma_start3A_41 = tpu.memref_slice %arg3[%add3A_35, %dma_start3A_39, %dma_start3A_40] : memref<2560x2x128xi32, #tpu.memory_space<hbm>> -> memref<1x2x128xi32, #tpu.memory_space<hbm>>
      %dma_start3A_42 = tpu.memref_squeeze %dma_start3A_41 : memref<1x2x128xi32, #tpu.memory_space<hbm>> -> memref<2x128xi32, #tpu.memory_space<hbm>>
      tpu.enqueue_dma source(%dma_start3A_42 : memref<2x128xi32, #tpu.memory_space<hbm>>) target(%arg6 : memref<2x128xi32, #tpu.memory_space<vmem>>) target_semaphore(%arg32 : memref<!tpu.dma_semaphore, #tpu.memory_space<semaphore_mem>>)
      %add3A_43 = arith.constant 1 : i32
      %add3A_44 = arith.addi %add3A_33, %add3A_43 : i32
      %dma_start3A_45 = arith.constant 0 : i32
      %dma_start3A_46 = arith.constant 0 : i32
      %dma_start3A_47 = tpu.memref_slice %arg3[%add3A_44, %dma_start3A_45, %dma_start3A_46] : memref<2560x2x128xi32, #tpu.memory_space<hbm>> -> memref<1x2x128xi32, #tpu.memory_space<hbm>>
      %dma_start3A_48 = tpu.memref_squeeze %dma_start3A_47 : memref<1x2x128xi32, #tpu.memory_space<hbm>> -> memref<2x128xi32, #tpu.memory_space<hbm>>
      %dma_start3A_49 = arith.constant 0 : i32
      %dma_start3A_50 = arith.constant 0 : i32
      %dma_start3A_51 = tpu.memref_slice %arg3[%add3A_44, %dma_start3A_49, %dma_start3A_50] : memref<2560x2x128xi32, #tpu.memory_space<hbm>> -> memref<1x2x128xi32, #tpu.memory_space<hbm>>
      %dma_start3A_52 = tpu.memref_squeeze %dma_start3A_51 : memref<1x2x128xi32, #tpu.memory_space<hbm>> -> memref<2x128xi32, #tpu.memory_space<hbm>>
      tpu.enqueue_dma source(%dma_start3A_52 : memref<2x128xi32, #tpu.memory_space<hbm>>) target(%arg7 : memref<2x128xi32, #tpu.memory_space<vmem>>) target_semaphore(%arg32 : memref<!tpu.dma_semaphore, #tpu.memory_space<semaphore_mem>>)
      %add3A_53 = arith.constant 2 : i32
      %add3A_54 = arith.addi %add3A_33, %add3A_53 : i32
      %dma_start3A_55 = arith.constant 0 : i32
      %dma_start3A_56 = arith.constant 0 : i32
      %dma_start3A_57 = tpu.memref_slice %arg3[%add3A_54, %dma_start3A_55, %dma_start3A_56] : memref<2560x2x128xi32, #tpu.memory_space<hbm>> -> memref<1x2x128xi32, #tpu.memory_space<hbm>>
      %dma_start3A_58 = tpu.memref_squeeze %dma_start3A_57 : memref<1x2x128xi32, #tpu.memory_space<hbm>> -> memref<2x128xi32, #tpu.memory_space<hbm>>
      %dma_start3A_59 = arith.constant 0 : i32
      %dma_start3A_60 = arith.constant 0 : i32
      %dma_start3A_61 = tpu.memref_slice %arg3[%add3A_54, %dma_start3A_59, %dma_start3A_60] : memref<2560x2x128xi32, #tpu.memory_space<hbm>> -> memref<1x2x128xi32, #tpu.memory_space<hbm>>
      %dma_start3A_62 = tpu.memref_squeeze %dma_start3A_61 : memref<1x2x128xi32, #tpu.memory_space<hbm>> -> memref<2x128xi32, #tpu.memory_space<hbm>>
      tpu.enqueue_dma source(%dma_start3A_62 : memref<2x128xi32, #tpu.memory_space<hbm>>) target(%arg8 : memref<2x128xi32, #tpu.memory_space<vmem>>) target_semaphore(%arg32 : memref<!tpu.dma_semaphore, #tpu.memory_space<semaphore_mem>>)
      %add3A_63 = arith.constant 3 : i32
      %add3A_64 = arith.addi %add3A_33, %add3A_63 : i32
      %dma_start3A_65 = arith.constant 0 : i32
      %dma_start3A_66 = arith.constant 0 : i32
      %dma_start3A_67 = tpu.memref_slice %arg3[%add3A_64, %dma_start3A_65, %dma_start3A_66] : memref<2560x2x128xi32, #tpu.memory_space<hbm>> -> memref<1x2x128xi32, #tpu.memory_space<hbm>>
      %dma_start3A_68 = tpu.memref_squeeze %dma_start3A_67 : memref<1x2x128xi32, #tpu.memory_space<hbm>> -> memref<2x128xi32, #tpu.memory_space<hbm>>
      %dma_start3A_69 = arith.constant 0 : i32
      %dma_start3A_70 = arith.constant 0 : i32
      %dma_start3A_71 = tpu.memref_slice %arg3[%add3A_64, %dma_start3A_69, %dma_start3A_70] : memref<2560x2x128xi32, #tpu.memory_space<hbm>> -> memref<1x2x128xi32, #tpu.memory_space<hbm>>
      %dma_start3A_72 = tpu.memref_squeeze %dma_start3A_71 : memref<1x2x128xi32, #tpu.memory_space<hbm>> -> memref<2x128xi32, #tpu.memory_space<hbm>>
      tpu.enqueue_dma source(%dma_start3A_72 : memref<2x128xi32, #tpu.memory_space<hbm>>) target(%arg9 : memref<2x128xi32, #tpu.memory_space<vmem>>) target_semaphore(%arg32 : memref<!tpu.dma_semaphore, #tpu.memory_space<semaphore_mem>>)
      %add3A_73 = arith.constant 4 : i32
      %add3A_74 = arith.addi %add3A_33, %add3A_73 : i32
      %dma_start3A_75 = arith.constant 0 : i32
      %dma_start3A_76 = arith.constant 0 : i32
      %dma_start3A_77 = tpu.memref_slice %arg3[%add3A_74, %dma_start3A_75, %dma_start3A_76] : memref<2560x2x128xi32, #tpu.memory_space<hbm>> -> memref<1x2x128xi32, #tpu.memory_space<hbm>>
      %dma_start3A_78 = tpu.memref_squeeze %dma_start3A_77 : memref<1x2x128xi32, #tpu.memory_space<hbm>> -> memref<2x128xi32, #tpu.memory_space<hbm>>
      %dma_start3A_79 = arith.constant 0 : i32
      %dma_start3A_80 = arith.constant 0 : i32
      %dma_start3A_81 = tpu.memref_slice %arg3[%add3A_74, %dma_start3A_79, %dma_start3A_80] : memref<2560x2x128xi32, #tpu.memory_space<hbm>> -> memref<1x2x128xi32, #tpu.memory_space<hbm>>
      %dma_start3A_82 = tpu.memref_squeeze %dma_start3A_81 : memref<1x2x128xi32, #tpu.memory_space<hbm>> -> memref<2x128xi32, #tpu.memory_space<hbm>>
      tpu.enqueue_dma source(%dma_start3A_82 : memref<2x128xi32, #tpu.memory_space<hbm>>) target(%arg10 : memref<2x128xi32, #tpu.memory_space<vmem>>) target_semaphore(%arg32 : memref<!tpu.dma_semaphore, #tpu.memory_space<semaphore_mem>>)
      %add3A_83 = arith.constant 5 : i32
      %add3A_84 = arith.addi %add3A_33, %add3A_83 : i32
      %dma_start3A_85 = arith.constant 0 : i32
      %dma_start3A_86 = arith.constant 0 : i32
      %dma_start3A_87 = tpu.memref_slice %arg3[%add3A_84, %dma_start3A_85, %dma_start3A_86] : memref<2560x2x128xi32, #tpu.memory_space<hbm>> -> memref<1x2x128xi32, #tpu.memory_space<hbm>>
      %dma_start3A_88 = tpu.memref_squeeze %dma_start3A_87 : memref<1x2x128xi32, #tpu.memory_space<hbm>> -> memref<2x128xi32, #tpu.memory_space<hbm>>
      %dma_start3A_89 = arith.constant 0 : i32
      %dma_start3A_90 = arith.constant 0 : i32
      %dma_start3A_91 = tpu.memref_slice %arg3[%add3A_84, %dma_start3A_89, %dma_start3A_90] : memref<2560x2x128xi32, #tpu.memory_space<hbm>> -> memref<1x2x128xi32, #tpu.memory_space<hbm>>
      %dma_start3A_92 = tpu.memref_squeeze %dma_start3A_91 : memref<1x2x128xi32, #tpu.memory_space<hbm>> -> memref<2x128xi32, #tpu.memory_space<hbm>>
      tpu.enqueue_dma source(%dma_start3A_92 : memref<2x128xi32, #tpu.memory_space<hbm>>) target(%arg11 : memref<2x128xi32, #tpu.memory_space<vmem>>) target_semaphore(%arg32 : memref<!tpu.dma_semaphore, #tpu.memory_space<semaphore_mem>>)
      %add3A_93 = arith.constant 6 : i32
      %add3A_94 = arith.addi %add3A_33, %add3A_93 : i32
      %dma_start3A_95 = arith.constant 0 : i32
      %dma_start3A_96 = arith.constant 0 : i32
      %dma_start3A_97 = tpu.memref_slice %arg3[%add3A_94, %dma_start3A_95, %dma_start3A_96] : memref<2560x2x128xi32, #tpu.memory_space<hbm>> -> memref<1x2x128xi32, #tpu.memory_space<hbm>>
      %dma_start3A_98 = tpu.memref_squeeze %dma_start3A_97 : memref<1x2x128xi32, #tpu.memory_space<hbm>> -> memref<2x128xi32, #tpu.memory_space<hbm>>
      %dma_start3A_99 = arith.constant 0 : i32
      %dma_start3A_100 = arith.constant 0 : i32
      %dma_start3A_101 = tpu.memref_slice %arg3[%add3A_94, %dma_start3A_99, %dma_start3A_100] : memref<2560x2x128xi32, #tpu.memory_space<hbm>> -> memref<1x2x128xi32, #tpu.memory_space<hbm>>
      %dma_start3A_102 = tpu.memref_squeeze %dma_start3A_101 : memref<1x2x128xi32, #tpu.memory_space<hbm>> -> memref<2x128xi32, #tpu.memory_space<hbm>>
      tpu.enqueue_dma source(%dma_start3A_102 : memref<2x128xi32, #tpu.memory_space<hbm>>) target(%arg12 : memref<2x128xi32, #tpu.memory_space<vmem>>) target_semaphore(%arg32 : memref<!tpu.dma_semaphore, #tpu.memory_space<semaphore_mem>>)
      %add3A_103 = arith.constant 7 : i32
      %add3A_104 = arith.addi %add3A_33, %add3A_103 : i32
      %dma_start3A_105 = arith.constant 0 : i32
      %dma_start3A_106 = arith.constant 0 : i32
      %dma_start3A_107 = tpu.memref_slice %arg3[%add3A_104, %dma_start3A_105, %dma_start3A_106] : memref<2560x2x128xi32, #tpu.memory_space<hbm>> -> memref<1x2x128xi32, #tpu.memory_space<hbm>>
      %dma_start3A_108 = tpu.memref_squeeze %dma_start3A_107 : memref<1x2x128xi32, #tpu.memory_space<hbm>> -> memref<2x128xi32, #tpu.memory_space<hbm>>
      %dma_start3A_109 = arith.constant 0 : i32
      %dma_start3A_110 = arith.constant 0 : i32
      %dma_start3A_111 = tpu.memref_slice %arg3[%add3A_104, %dma_start3A_109, %dma_start3A_110] : memref<2560x2x128xi32, #tpu.memory_space<hbm>> -> memref<1x2x128xi32, #tpu.memory_space<hbm>>
      %dma_start3A_112 = tpu.memref_squeeze %dma_start3A_111 : memref<1x2x128xi32, #tpu.memory_space<hbm>> -> memref<2x128xi32, #tpu.memory_space<hbm>>
      tpu.enqueue_dma source(%dma_start3A_112 : memref<2x128xi32, #tpu.memory_space<hbm>>) target(%arg13 : memref<2x128xi32, #tpu.memory_space<vmem>>) target_semaphore(%arg32 : memref<!tpu.dma_semaphore, #tpu.memory_space<semaphore_mem>>)
      %dma_wait3A = arith.constant 0 : i32
      %dma_wait3A_113 = arith.constant 0 : i32
      %dma_wait3A_114 = tpu.memref_slice %arg3[%add3A_35, %dma_wait3A, %dma_wait3A_113] : memref<2560x2x128xi32, #tpu.memory_space<hbm>> -> memref<1x2x128xi32, #tpu.memory_space<hbm>>
      %dma_wait3A_115 = tpu.memref_squeeze %dma_wait3A_114 : memref<1x2x128xi32, #tpu.memory_space<hbm>> -> memref<2x128xi32, #tpu.memory_space<hbm>>
      %dma_wait3A_116 = arith.constant 0 : i32
      %dma_wait3A_117 = arith.constant 0 : i32
      %dma_wait3A_118 = tpu.memref_slice %arg3[%add3A_35, %dma_wait3A_116, %dma_wait3A_117] : memref<2560x2x128xi32, #tpu.memory_space<hbm>> -> memref<1x2x128xi32, #tpu.memory_space<hbm>>
      %dma_wait3A_119 = tpu.memref_squeeze %dma_wait3A_118 : memref<1x2x128xi32, #tpu.memory_space<hbm>> -> memref<2x128xi32, #tpu.memory_space<hbm>>
      tpu.wait_dma2 semaphore(%arg32 : memref<!tpu.dma_semaphore, #tpu.memory_space<semaphore_mem>>) src(%dma_wait3A_119 : memref<2x128xi32, #tpu.memory_space<hbm>>) dst(%arg6 : memref<2x128xi32, #tpu.memory_space<vmem>>)
      %dma_wait3A_120 = arith.constant 0 : i32
      %dma_wait3A_121 = arith.constant 0 : i32
      %dma_wait3A_122 = tpu.memref_slice %arg3[%add3A_44, %dma_wait3A_120, %dma_wait3A_121] : memref<2560x2x128xi32, #tpu.memory_space<hbm>> -> memref<1x2x128xi32, #tpu.memory_space<hbm>>
      %dma_wait3A_123 = tpu.memref_squeeze %dma_wait3A_122 : memref<1x2x128xi32, #tpu.memory_space<hbm>> -> memref<2x128xi32, #tpu.memory_space<hbm>>
      %dma_wait3A_124 = arith.constant 0 : i32
      %dma_wait3A_125 = arith.constant 0 : i32
      %dma_wait3A_126 = tpu.memref_slice %arg3[%add3A_44, %dma_wait3A_124, %dma_wait3A_125] : memref<2560x2x128xi32, #tpu.memory_space<hbm>> -> memref<1x2x128xi32, #tpu.memory_space<hbm>>
      %dma_wait3A_127 = tpu.memref_squeeze %dma_wait3A_126 : memref<1x2x128xi32, #tpu.memory_space<hbm>> -> memref<2x128xi32, #tpu.memory_space<hbm>>
      tpu.wait_dma2 semaphore(%arg32 : memref<!tpu.dma_semaphore, #tpu.memory_space<semaphore_mem>>) src(%dma_wait3A_127 : memref<2x128xi32, #tpu.memory_space<hbm>>) dst(%arg7 : memref<2x128xi32, #tpu.memory_space<vmem>>)
      %dma_wait3A_128 = arith.constant 0 : i32
      %dma_wait3A_129 = arith.constant 0 : i32
      %dma_wait3A_130 = tpu.memref_slice %arg3[%add3A_54, %dma_wait3A_128, %dma_wait3A_129] : memref<2560x2x128xi32, #tpu.memory_space<hbm>> -> memref<1x2x128xi32, #tpu.memory_space<hbm>>
      %dma_wait3A_131 = tpu.memref_squeeze %dma_wait3A_130 : memref<1x2x128xi32, #tpu.memory_space<hbm>> -> memref<2x128xi32, #tpu.memory_space<hbm>>
      %dma_wait3A_132 = arith.constant 0 : i32
      %dma_wait3A_133 = arith.constant 0 : i32
      %dma_wait3A_134 = tpu.memref_slice %arg3[%add3A_54, %dma_wait3A_132, %dma_wait3A_133] : memref<2560x2x128xi32, #tpu.memory_space<hbm>> -> memref<1x2x128xi32, #tpu.memory_space<hbm>>
      %dma_wait3A_135 = tpu.memref_squeeze %dma_wait3A_134 : memref<1x2x128xi32, #tpu.memory_space<hbm>> -> memref<2x128xi32, #tpu.memory_space<hbm>>
      tpu.wait_dma2 semaphore(%arg32 : memref<!tpu.dma_semaphore, #tpu.memory_space<semaphore_mem>>) src(%dma_wait3A_135 : memref<2x128xi32, #tpu.memory_space<hbm>>) dst(%arg8 : memref<2x128xi32, #tpu.memory_space<vmem>>)
      %dma_wait3A_136 = arith.constant 0 : i32
      %dma_wait3A_137 = arith.constant 0 : i32
      %dma_wait3A_138 = tpu.memref_slice %arg3[%add3A_64, %dma_wait3A_136, %dma_wait3A_137] : memref<2560x2x128xi32, #tpu.memory_space<hbm>> -> memref<1x2x128xi32, #tpu.memory_space<hbm>>
      %dma_wait3A_139 = tpu.memref_squeeze %dma_wait3A_138 : memref<1x2x128xi32, #tpu.memory_space<hbm>> -> memref<2x128xi32, #tpu.memory_space<hbm>>
      %dma_wait3A_140 = arith.constant 0 : i32
      %dma_wait3A_141 = arith.constant 0 : i32
      %dma_wait3A_142 = tpu.memref_slice %arg3[%add3A_64, %dma_wait3A_140, %dma_wait3A_141] : memref<2560x2x128xi32, #tpu.memory_space<hbm>> -> memref<1x2x128xi32, #tpu.memory_space<hbm>>
      %dma_wait3A_143 = tpu.memref_squeeze %dma_wait3A_142 : memref<1x2x128xi32, #tpu.memory_space<hbm>> -> memref<2x128xi32, #tpu.memory_space<hbm>>
      tpu.wait_dma2 semaphore(%arg32 : memref<!tpu.dma_semaphore, #tpu.memory_space<semaphore_mem>>) src(%dma_wait3A_143 : memref<2x128xi32, #tpu.memory_space<hbm>>) dst(%arg9 : memref<2x128xi32, #tpu.memory_space<vmem>>)
      %dma_wait3A_144 = arith.constant 0 : i32
      %dma_wait3A_145 = arith.constant 0 : i32
      %dma_wait3A_146 = tpu.memref_slice %arg3[%add3A_74, %dma_wait3A_144, %dma_wait3A_145] : memref<2560x2x128xi32, #tpu.memory_space<hbm>> -> memref<1x2x128xi32, #tpu.memory_space<hbm>>
      %dma_wait3A_147 = tpu.memref_squeeze %dma_wait3A_146 : memref<1x2x128xi32, #tpu.memory_space<hbm>> -> memref<2x128xi32, #tpu.memory_space<hbm>>
      %dma_wait3A_148 = arith.constant 0 : i32
      %dma_wait3A_149 = arith.constant 0 : i32
      %dma_wait3A_150 = tpu.memref_slice %arg3[%add3A_74, %dma_wait3A_148, %dma_wait3A_149] : memref<2560x2x128xi32, #tpu.memory_space<hbm>> -> memref<1x2x128xi32, #tpu.memory_space<hbm>>
      %dma_wait3A_151 = tpu.memref_squeeze %dma_wait3A_150 : memref<1x2x128xi32, #tpu.memory_space<hbm>> -> memref<2x128xi32, #tpu.memory_space<hbm>>
      tpu.wait_dma2 semaphore(%arg32 : memref<!tpu.dma_semaphore, #tpu.memory_space<semaphore_mem>>) src(%dma_wait3A_151 : memref<2x128xi32, #tpu.memory_space<hbm>>) dst(%arg10 : memref<2x128xi32, #tpu.memory_space<vmem>>)
      %dma_wait3A_152 = arith.constant 0 : i32
      %dma_wait3A_153 = arith.constant 0 : i32
      %dma_wait3A_154 = tpu.memref_slice %arg3[%add3A_84, %dma_wait3A_152, %dma_wait3A_153] : memref<2560x2x128xi32, #tpu.memory_space<hbm>> -> memref<1x2x128xi32, #tpu.memory_space<hbm>>
      %dma_wait3A_155 = tpu.memref_squeeze %dma_wait3A_154 : memref<1x2x128xi32, #tpu.memory_space<hbm>> -> memref<2x128xi32, #tpu.memory_space<hbm>>
      %dma_wait3A_156 = arith.constant 0 : i32
      %dma_wait3A_157 = arith.constant 0 : i32
      %dma_wait3A_158 = tpu.memref_slice %arg3[%add3A_84, %dma_wait3A_156, %dma_wait3A_157] : memref<2560x2x128xi32, #tpu.memory_space<hbm>> -> memref<1x2x128xi32, #tpu.memory_space<hbm>>
      %dma_wait3A_159 = tpu.memref_squeeze %dma_wait3A_158 : memref<1x2x128xi32, #tpu.memory_space<hbm>> -> memref<2x128xi32, #tpu.memory_space<hbm>>
      tpu.wait_dma2 semaphore(%arg32 : memref<!tpu.dma_semaphore, #tpu.memory_space<semaphore_mem>>) src(%dma_wait3A_159 : memref<2x128xi32, #tpu.memory_space<hbm>>) dst(%arg11 : memref<2x128xi32, #tpu.memory_space<vmem>>)
      %dma_wait3A_160 = arith.constant 0 : i32
      %dma_wait3A_161 = arith.constant 0 : i32
      %dma_wait3A_162 = tpu.memref_slice %arg3[%add3A_94, %dma_wait3A_160, %dma_wait3A_161] : memref<2560x2x128xi32, #tpu.memory_space<hbm>> -> memref<1x2x128xi32, #tpu.memory_space<hbm>>
      %dma_wait3A_163 = tpu.memref_squeeze %dma_wait3A_162 : memref<1x2x128xi32, #tpu.memory_space<hbm>> -> memref<2x128xi32, #tpu.memory_space<hbm>>
      %dma_wait3A_164 = arith.constant 0 : i32
      %dma_wait3A_165 = arith.constant 0 : i32
      %dma_wait3A_166 = tpu.memref_slice %arg3[%add3A_94, %dma_wait3A_164, %dma_wait3A_165] : memref<2560x2x128xi32, #tpu.memory_space<hbm>> -> memref<1x2x128xi32, #tpu.memory_space<hbm>>
      %dma_wait3A_167 = tpu.memref_squeeze %dma_wait3A_166 : memref<1x2x128xi32, #tpu.memory_space<hbm>> -> memref<2x128xi32, #tpu.memory_space<hbm>>
      tpu.wait_dma2 semaphore(%arg32 : memref<!tpu.dma_semaphore, #tpu.memory_space<semaphore_mem>>) src(%dma_wait3A_167 : memref<2x128xi32, #tpu.memory_space<hbm>>) dst(%arg12 : memref<2x128xi32, #tpu.memory_space<vmem>>)
      %dma_wait3A_168 = arith.constant 0 : i32
      %dma_wait3A_169 = arith.constant 0 : i32
      %dma_wait3A_170 = tpu.memref_slice %arg3[%add3A_104, %dma_wait3A_168, %dma_wait3A_169] : memref<2560x2x128xi32, #tpu.memory_space<hbm>> -> memref<1x2x128xi32, #tpu.memory_space<hbm>>
      %dma_wait3A_171 = tpu.memref_squeeze %dma_wait3A_170 : memref<1x2x128xi32, #tpu.memory_space<hbm>> -> memref<2x128xi32, #tpu.memory_space<hbm>>
      %dma_wait3A_172 = arith.constant 0 : i32
      %dma_wait3A_173 = arith.constant 0 : i32
      %dma_wait3A_174 = tpu.memref_slice %arg3[%add3A_104, %dma_wait3A_172, %dma_wait3A_173] : memref<2560x2x128xi32, #tpu.memory_space<hbm>> -> memref<1x2x128xi32, #tpu.memory_space<hbm>>
      %dma_wait3A_175 = tpu.memref_squeeze %dma_wait3A_174 : memref<1x2x128xi32, #tpu.memory_space<hbm>> -> memref<2x128xi32, #tpu.memory_space<hbm>>
      tpu.wait_dma2 semaphore(%arg32 : memref<!tpu.dma_semaphore, #tpu.memory_space<semaphore_mem>>) src(%dma_wait3A_175 : memref<2x128xi32, #tpu.memory_space<hbm>>) dst(%arg13 : memref<2x128xi32, #tpu.memory_space<vmem>>)
      %get3A = arith.constant 0 : i32
      %get3A_176 = arith.index_cast %get3A : i32 to index
      %get3A_177 = arith.constant 0 : index
      %get3A_178 = tpu.vector_load %arg6[%get3A_176, %get3A_177] {strides = array<i32>} : memref<2x128xi32, #tpu.memory_space<vmem>>, vector<1x16xi32>,
      %get3A_179 = vector.shape_cast %get3A_178 : vector<1x16xi32> to vector<16xi32>
      %mul3A_180 = arith.constant 2 : i32
      %mul3A_181 = vector.broadcast %mul3A_180 : i32 to vector<16xi32>
      %mul3A_182 = arith.muli %get3A_179, %mul3A_181 : vector<16xi32>
      %add3A_183 = vector.broadcast %arg0 : i32 to vector<16xi32>
      %add3A_184 = arith.addi %mul3A_182, %add3A_183 : vector<16xi32>
      %swap3A = arith.constant 0 : index
      %swap3A_185 = tpu.vector_load %arg14[%swap3A] {strides = array<i32>} : memref<128xi32, #tpu.memory_space<vmem>>, vector<16xi32>,
      %swap3A_186 = vector.shape_cast %swap3A_185 : vector<16xi32> to vector<16xi32>
      %swap3A_187 = vector.shape_cast %add3A_184 : vector<16xi32> to vector<16xi32>
      tpu.vector_store %arg14[%swap3A], %swap3A_187 {strides = array<i32>} : memref<128xi32, #tpu.memory_space<vmem>>, vector<16xi32>,
      %get3A_188 = arith.constant 0 : i32
      %get3A_189 = arith.index_cast %get3A_188 : i32 to index
      %get3A_190 = arith.constant 16 : index
      %get3A_191 = tpu.vector_load %arg6[%get3A_189, %get3A_190] {strides = array<i32>} : memref<2x128xi32, #tpu.memory_space<vmem>>, vector<1x16xi32>,
      %get3A_192 = vector.shape_cast %get3A_191 : vector<1x16xi32> to vector<16xi32>
      %mul3A_193 = arith.constant 2 : i32
      %mul3A_194 = vector.broadcast %mul3A_193 : i32 to vector<16xi32>
      %mul3A_195 = arith.muli %get3A_192, %mul3A_194 : vector<16xi32>
      %add3A_196 = vector.broadcast %arg0 : i32 to vector<16xi32>
      %add3A_197 = arith.addi %mul3A_195, %add3A_196 : vector<16xi32>
      %swap3A_198 = arith.constant 16 : index
      %swap3A_199 = tpu.vector_load %arg14[%swap3A_198] {strides = array<i32>} : memref<128xi32, #tpu.memory_space<vmem>>, vector<16xi32>,
      %swap3A_200 = vector.shape_cast %swap3A_199 : vector<16xi32> to vector<16xi32>
      %swap3A_201 = vector.shape_cast %add3A_197 : vector<16xi32> to vector<16xi32>
      tpu.vector_store %arg14[%swap3A_198], %swap3A_201 {strides = array<i32>} : memref<128xi32, #tpu.memory_space<vmem>>, vector<16xi32>,
      %get3A_202 = arith.constant 0 : i32
      %get3A_203 = arith.index_cast %get3A_202 : i32 to index
      %get3A_204 = arith.constant 32 : index
      %get3A_205 = tpu.vector_load %arg6[%get3A_203, %get3A_204] {strides = array<i32>} : memref<2x128xi32, #tpu.memory_space<vmem>>, vector<1x16xi32>,
      %get3A_206 = vector.shape_cast %get3A_205 : vector<1x16xi32> to vector<16xi32>
      %mul3A_207 = arith.constant 2 : i32
      %mul3A_208 = vector.broadcast %mul3A_207 : i32 to vector<16xi32>
      %mul3A_209 = arith.muli %get3A_206, %mul3A_208 : vector<16xi32>
      %add3A_210 = vector.broadcast %arg0 : i32 to vector<16xi32>
      %add3A_211 = arith.addi %mul3A_209, %add3A_210 : vector<16xi32>
      %swap3A_212 = arith.constant 32 : index
      %swap3A_213 = tpu.vector_load %arg14[%swap3A_212] {strides = array<i32>} : memref<128xi32, #tpu.memory_space<vmem>>, vector<16xi32>,
      %swap3A_214 = vector.shape_cast %swap3A_213 : vector<16xi32> to vector<16xi32>
      %swap3A_215 = vector.shape_cast %add3A_211 : vector<16xi32> to vector<16xi32>
      tpu.vector_store %arg14[%swap3A_212], %swap3A_215 {strides = array<i32>} : memref<128xi32, #tpu.memory_space<vmem>>, vector<16xi32>,
      %get3A_216 = arith.constant 0 : i32
      %get3A_217 = arith.index_cast %get3A_216 : i32 to index
      %get3A_218 = arith.constant 48 : index
      %get3A_219 = tpu.vector_load %arg6[%get3A_217, %get3A_218] {strides = array<i32>} : memref<2x128xi32, #tpu.memory_space<vmem>>, vector<1x16xi32>,
      %get3A_220 = vector.shape_cast %get3A_219 : vector<1x16xi32> to vector<16xi32>
      %mul3A_221 = arith.constant 2 : i32
      %mul3A_222 = vector.broadcast %mul3A_221 : i32 to vector<16xi32>
      %mul3A_223 = arith.muli %get3A_220, %mul3A_222 : vector<16xi32>
      %add3A_224 = vector.broadcast %arg0 : i32 to vector<16xi32>
      %add3A_225 = arith.addi %mul3A_223, %add3A_224 : vector<16xi32>
      %swap3A_226 = arith.constant 48 : index
      %swap3A_227 = tpu.vector_load %arg14[%swap3A_226] {strides = array<i32>} : memref<128xi32, #tpu.memory_space<vmem>>, vector<16xi32>,
      %swap3A_228 = vector.shape_cast %swap3A_227 : vector<16xi32> to vector<16xi32>
      %swap3A_229 = vector.shape_cast %add3A_225 : vector<16xi32> to vector<16xi32>
      tpu.vector_store %arg14[%swap3A_226], %swap3A_229 {strides = array<i32>} : memref<128xi32, #tpu.memory_space<vmem>>, vector<16xi32>,
      %get3A_230 = arith.constant 0 : i32
      %get3A_231 = arith.index_cast %get3A_230 : i32 to index
      %get3A_232 = arith.constant 64 : index
      %get3A_233 = tpu.vector_load %arg6[%get3A_231, %get3A_232] {strides = array<i32>} : memref<2x128xi32, #tpu.memory_space<vmem>>, vector<1x16xi32>,
      %get3A_234 = vector.shape_cast %get3A_233 : vector<1x16xi32> to vector<16xi32>
      %mul3A_235 = arith.constant 2 : i32
      %mul3A_236 = vector.broadcast %mul3A_235 : i32 to vector<16xi32>
      %mul3A_237 = arith.muli %get3A_234, %mul3A_236 : vector<16xi32>
      %add3A_238 = vector.broadcast %arg0 : i32 to vector<16xi32>
      %add3A_239 = arith.addi %mul3A_237, %add3A_238 : vector<16xi32>
      %swap3A_240 = arith.constant 64 : index
      %swap3A_241 = tpu.vector_load %arg14[%swap3A_240] {strides = array<i32>} : memref<128xi32, #tpu.memory_space<vmem>>, vector<16xi32>,
      %swap3A_242 = vector.shape_cast %swap3A_241 : vector<16xi32> to vector<16xi32>
      %swap3A_243 = vector.shape_cast %add3A_239 : vector<16xi32> to vector<16xi32>
      tpu.vector_store %arg14[%swap3A_240], %swap3A_243 {strides = array<i32>} : memref<128xi32, #tpu.memory_space<vmem>>, vector<16xi32>,
      %get3A_244 = arith.constant 0 : i32
      %get3A_245 = arith.index_cast %get3A_244 : i32 to index
      %get3A_246 = arith.constant 80 : index
      %get3A_247 = tpu.vector_load %arg6[%get3A_245, %get3A_246] {strides = array<i32>} : memref<2x128xi32, #tpu.memory_space<vmem>>, vector<1x16xi32>,
      %get3A_248 = vector.shape_cast %get3A_247 : vector<1x16xi32> to vector<16xi32>
      %mul3A_249 = arith.constant 2 : i32
      %mul3A_250 = vector.broadcast %mul3A_249 : i32 to vector<16xi32>
      %mul3A_251 = arith.muli %get3A_248, %mul3A_250 : vector<16xi32>
      %add3A_252 = vector.broadcast %arg0 : i32 to vector<16xi32>
      %add3A_253 = arith.addi %mul3A_251, %add3A_252 : vector<16xi32>
      %swap3A_254 = arith.constant 80 : index
      %swap3A_255 = tpu.vector_load %arg14[%swap3A_254] {strides = array<i32>} : memref<128xi32, #tpu.memory_space<vmem>>, vector<16xi32>,
      %swap3A_256 = vector.shape_cast %swap3A_255 : vector<16xi32> to vector<16xi32>
      %swap3A_257 = vector.shape_cast %add3A_253 : vector<16xi32> to vector<16xi32>
      tpu.vector_store %arg14[%swap3A_254], %swap3A_257 {strides = array<i32>} : memref<128xi32, #tpu.memory_space<vmem>>, vector<16xi32>,
      %get3A_258 = arith.constant 0 : i32
      %get3A_259 = arith.index_cast %get3A_258 : i32 to index
      %get3A_260 = arith.constant 96 : index
      %get3A_261 = tpu.vector_load %arg6[%get3A_259, %get3A_260] {strides = array<i32>} : memref<2x128xi32, #tpu.memory_space<vmem>>, vector<1x16xi32>,
      %get3A_262 = vector.shape_cast %get3A_261 : vector<1x16xi32> to vector<16xi32>
      %mul3A_263 = arith.constant 2 : i32
      %mul3A_264 = vector.broadcast %mul3A_263 : i32 to vector<16xi32>
      %mul3A_265 = arith.muli %get3A_262, %mul3A_264 : vector<16xi32>
      %add3A_266 = vector.broadcast %arg0 : i32 to vector<16xi32>
      %add3A_267 = arith.addi %mul3A_265, %add3A_266 : vector<16xi32>
      %swap3A_268 = arith.constant 96 : index
      %swap3A_269 = tpu.vector_load %arg14[%swap3A_268] {strides = array<i32>} : memref<128xi32, #tpu.memory_space<vmem>>, vector<16xi32>,
      %swap3A_270 = vector.shape_cast %swap3A_269 : vector<16xi32> to vector<16xi32>
      %swap3A_271 = vector.shape_cast %add3A_267 : vector<16xi32> to vector<16xi32>
      tpu.vector_store %arg14[%swap3A_268], %swap3A_271 {strides = array<i32>} : memref<128xi32, #tpu.memory_space<vmem>>, vector<16xi32>,
      %get3A_272 = arith.constant 0 : i32
      %get3A_273 = arith.index_cast %get3A_272 : i32 to index
      %get3A_274 = arith.constant 112 : index
      %get3A_275 = tpu.vector_load %arg6[%get3A_273, %get3A_274] {strides = array<i32>} : memref<2x128xi32, #tpu.memory_space<vmem>>, vector<1x16xi32>,
      %get3A_276 = vector.shape_cast %get3A_275 : vector<1x16xi32> to vector<16xi32>
      %mul3A_277 = arith.constant 2 : i32
      %mul3A_278 = vector.broadcast %mul3A_277 : i32 to vector<16xi32>
      %mul3A_279 = arith.muli %get3A_276, %mul3A_278 : vector<16xi32>
      %add3A_280 = vector.broadcast %arg0 : i32 to vector<16xi32>
      %add3A_281 = arith.addi %mul3A_279, %add3A_280 : vector<16xi32>
      %swap3A_282 = arith.constant 112 : index
      %swap3A_283 = tpu.vector_load %arg14[%swap3A_282] {strides = array<i32>} : memref<128xi32, #tpu.memory_space<vmem>>, vector<16xi32>,
      %swap3A_284 = vector.shape_cast %swap3A_283 : vector<16xi32> to vector<16xi32>
      %swap3A_285 = vector.shape_cast %add3A_281 : vector<16xi32> to vector<16xi32>
      tpu.vector_store %arg14[%swap3A_282], %swap3A_285 {strides = array<i32>} : memref<128xi32, #tpu.memory_space<vmem>>, vector<16xi32>,
      %get3A_286 = arith.constant 0 : i32
      %get3A_287 = arith.index_cast %get3A_286 : i32 to index
      %get3A_288 = arith.constant 0 : index
      %get3A_289 = tpu.vector_load %arg7[%get3A_287, %get3A_288] {strides = array<i32>} : memref<2x128xi32, #tpu.memory_space<vmem>>, vector<1x16xi32>,
      %get3A_290 = vector.shape_cast %get3A_289 : vector<1x16xi32> to vector<16xi32>
      %mul3A_291 = arith.constant 2 : i32
      %mul3A_292 = vector.broadcast %mul3A_291 : i32 to vector<16xi32>
      %mul3A_293 = arith.muli %get3A_290, %mul3A_292 : vector<16xi32>
      %add3A_294 = vector.broadcast %arg0 : i32 to vector<16xi32>
      %add3A_295 = arith.addi %mul3A_293, %add3A_294 : vector<16xi32>
      %swap3A_296 = arith.constant 0 : index
      %swap3A_297 = tpu.vector_load %arg15[%swap3A_296] {strides = array<i32>} : memref<128xi32, #tpu.memory_space<vmem>>, vector<16xi32>,
      %swap3A_298 = vector.shape_cast %swap3A_297 : vector<16xi32> to vector<16xi32>
      %swap3A_299 = vector.shape_cast %add3A_295 : vector<16xi32> to vector<16xi32>
      tpu.vector_store %arg15[%swap3A_296], %swap3A_299 {strides = array<i32>} : memref<128xi32, #tpu.memory_space<vmem>>, vector<16xi32>,
      %get3A_300 = arith.constant 0 : i32
      %get3A_301 = arith.index_cast %get3A_300 : i32 to index
      %get3A_302 = arith.constant 16 : index
      %get3A_303 = tpu.vector_load %arg7[%get3A_301, %get3A_302] {strides = array<i32>} : memref<2x128xi32, #tpu.memory_space<vmem>>, vector<1x16xi32>,
      %get3A_304 = vector.shape_cast %get3A_303 : vector<1x16xi32> to vector<16xi32>
      %mul3A_305 = arith.constant 2 : i32
      %mul3A_306 = vector.broadcast %mul3A_305 : i32 to vector<16xi32>
      %mul3A_307 = arith.muli %get3A_304, %mul3A_306 : vector<16xi32>
      %add3A_308 = vector.broadcast %arg0 : i32 to vector<16xi32>
      %add3A_309 = arith.addi %mul3A_307, %add3A_308 : vector<16xi32>
      %swap3A_310 = arith.constant 16 : index
      %swap3A_311 = tpu.vector_load %arg15[%swap3A_310] {strides = array<i32>} : memref<128xi32, #tpu.memory_space<vmem>>, vector<16xi32>,
      %swap3A_312 = vector.shape_cast %swap3A_311 : vector<16xi32> to vector<16xi32>
      %swap3A_313 = vector.shape_cast %add3A_309 : vector<16xi32> to vector<16xi32>
      tpu.vector_store %arg15[%swap3A_310], %swap3A_313 {strides = array<i32>} : memref<128xi32, #tpu.memory_space<vmem>>, vector<16xi32>,
      %get3A_314 = arith.constant 0 : i32
      %get3A_315 = arith.index_cast %get3A_314 : i32 to index
      %get3A_316 = arith.constant 32 : index
      %get3A_317 = tpu.vector_load %arg7[%get3A_315, %get3A_316] {strides = array<i32>} : memref<2x128xi32, #tpu.memory_space<vmem>>, vector<1x16xi32>,
      %get3A_318 = vector.shape_cast %get3A_317 : vector<1x16xi32> to vector<16xi32>
      %mul3A_319 = arith.constant 2 : i32
      %mul3A_320 = vector.broadcast %mul3A_319 : i32 to vector<16xi32>
      %mul3A_321 = arith.muli %get3A_318, %mul3A_320 : vector<16xi32>
      %add3A_322 = vector.broadcast %arg0 : i32 to vector<16xi32>
      %add3A_323 = arith.addi %mul3A_321, %add3A_322 : vector<16xi32>
      %swap3A_324 = arith.constant 32 : index
      %swap3A_325 = tpu.vector_load %arg15[%swap3A_324] {strides = array<i32>} : memref<128xi32, #tpu.memory_space<vmem>>, vector<16xi32>,
      %swap3A_326 = vector.shape_cast %swap3A_325 : vector<16xi32> to vector<16xi32>
      %swap3A_327 = vector.shape_cast %add3A_323 : vector<16xi32> to vector<16xi32>
      tpu.vector_store %arg15[%swap3A_324], %swap3A_327 {strides = array<i32>} : memref<128xi32, #tpu.memory_space<vmem>>, vector<16xi32>,
      %get3A_328 = arith.constant 0 : i32
      %get3A_329 = arith.index_cast %get3A_328 : i32 to index
      %get3A_330 = arith.constant 48 : index
      %get3A_331 = tpu.vector_load %arg7[%get3A_329, %get3A_330] {strides = array<i32>} : memref<2x128xi32, #tpu.memory_space<vmem>>, vector<1x16xi32>,
      %get3A_332 = vector.shape_cast %get3A_331 : vector<1x16xi32> to vector<16xi32>
      %mul3A_333 = arith.constant 2 : i32
      %mul3A_334 = vector.broadcast %mul3A_333 : i32 to vector<16xi32>
      %mul3A_335 = arith.muli %get3A_332, %mul3A_334 : vector<16xi32>
      %add3A_336 = vector.broadcast %arg0 : i32 to vector<16xi32>
      %add3A_337 = arith.addi %mul3A_335, %add3A_336 : vector<16xi32>
      %swap3A_338 = arith.constant 48 : index
      %swap3A_339 = tpu.vector_load %arg15[%swap3A_338] {strides = array<i32>} : memref<128xi32, #tpu.memory_space<vmem>>, vector<16xi32>,
      %swap3A_340 = vector.shape_cast %swap3A_339 : vector<16xi32> to vector<16xi32>
      %swap3A_341 = vector.shape_cast %add3A_337 : vector<16xi32> to vector<16xi32>
      tpu.vector_store %arg15[%swap3A_338], %swap3A_341 {strides = array<i32>} : memref<128xi32, #tpu.memory_space<vmem>>, vector<16xi32>,
      %get3A_342 = arith.constant 0 : i32
      %get3A_343 = arith.index_cast %get3A_342 : i32 to index
      %get3A_344 = arith.constant 64 : index
      %get3A_345 = tpu.vector_load %arg7[%get3A_343, %get3A_344] {strides = array<i32>} : memref<2x128xi32, #tpu.memory_space<vmem>>, vector<1x16xi32>,
      %get3A_346 = vector.shape_cast %get3A_345 : vector<1x16xi32> to vector<16xi32>
      %mul3A_347 = arith.constant 2 : i32
      %mul3A_348 = vector.broadcast %mul3A_347 : i32 to vector<16xi32>
      %mul3A_349 = arith.muli %get3A_346, %mul3A_348 : vector<16xi32>
      %add3A_350 = vector.broadcast %arg0 : i32 to vector<16xi32>
      %add3A_351 = arith.addi %mul3A_349, %add3A_350 : vector<16xi32>
      %swap3A_352 = arith.constant 64 : index
      %swap3A_353 = tpu.vector_load %arg15[%swap3A_352] {strides = array<i32>} : memref<128xi32, #tpu.memory_space<vmem>>, vector<16xi32>,
      %swap3A_354 = vector.shape_cast %swap3A_353 : vector<16xi32> to vector<16xi32>
      %swap3A_355 = vector.shape_cast %add3A_351 : vector<16xi32> to vector<16xi32>
      tpu.vector_store %arg15[%swap3A_352], %swap3A_355 {strides = array<i32>} : memref<128xi32, #tpu.memory_space<vmem>>, vector<16xi32>,
      %get3A_356 = arith.constant 0 : i32
      %get3A_357 = arith.index_cast %get3A_356 : i32 to index
      %get3A_358 = arith.constant 80 : index
      %get3A_359 = tpu.vector_load %arg7[%get3A_357, %get3A_358] {strides = array<i32>} : memref<2x128xi32, #tpu.memory_space<vmem>>, vector<1x16xi32>,
      %get3A_360 = vector.shape_cast %get3A_359 : vector<1x16xi32> to vector<16xi32>
      %mul3A_361 = arith.constant 2 : i32
      %mul3A_362 = vector.broadcast %mul3A_361 : i32 to vector<16xi32>
      %mul3A_363 = arith.muli %get3A_360, %mul3A_362 : vector<16xi32>
      %add3A_364 = vector.broadcast %arg0 : i32 to vector<16xi32>
      %add3A_365 = arith.addi %mul3A_363, %add3A_364 : vector<16xi32>
      %swap3A_366 = arith.constant 80 : index
      %swap3A_367 = tpu.vector_load %arg15[%swap3A_366] {strides = array<i32>} : memref<128xi32, #tpu.memory_space<vmem>>, vector<16xi32>,
      %swap3A_368 = vector.shape_cast %swap3A_367 : vector<16xi32> to vector<16xi32>
      %swap3A_369 = vector.shape_cast %add3A_365 : vector<16xi32> to vector<16xi32>
      tpu.vector_store %arg15[%swap3A_366], %swap3A_369 {strides = array<i32>} : memref<128xi32, #tpu.memory_space<vmem>>, vector<16xi32>,
      %get3A_370 = arith.constant 0 : i32
      %get3A_371 = arith.index_cast %get3A_370 : i32 to index
      %get3A_372 = arith.constant 96 : index
      %get3A_373 = tpu.vector_load %arg7[%get3A_371, %get3A_372] {strides = array<i32>} : memref<2x128xi32, #tpu.memory_space<vmem>>, vector<1x16xi32>,
      %get3A_374 = vector.shape_cast %get3A_373 : vector<1x16xi32> to vector<16xi32>
      %mul3A_375 = arith.constant 2 : i32
      %mul3A_376 = vector.broadcast %mul3A_375 : i32 to vector<16xi32>
      %mul3A_377 = arith.muli %get3A_374, %mul3A_376 : vector<16xi32>
      %add3A_378 = vector.broadcast %arg0 : i32 to vector<16xi32>
      %add3A_379 = arith.addi %mul3A_377, %add3A_378 : vector<16xi32>
      %swap3A_380 = arith.constant 96 : index
      %swap3A_381 = tpu.vector_load %arg15[%swap3A_380] {strides = array<i32>} : memref<128xi32, #tpu.memory_space<vmem>>, vector<16xi32>,
      %swap3A_382 = vector.shape_cast %swap3A_381 : vector<16xi32> to vector<16xi32>
      %swap3A_383 = vector.shape_cast %add3A_379 : vector<16xi32> to vector<16xi32>
      tpu.vector_store %arg15[%swap3A_380], %swap3A_383 {strides = array<i32>} : memref<128xi32, #tpu.memory_space<vmem>>, vector<16xi32>,
      %get3A_384 = arith.constant 0 : i32
      %get3A_385 = arith.index_cast %get3A_384 : i32 to index
      %get3A_386 = arith.constant 112 : index
      %get3A_387 = tpu.vector_load %arg7[%get3A_385, %get3A_386] {strides = array<i32>} : memref<2x128xi32, #tpu.memory_space<vmem>>, vector<1x16xi32>,
      %get3A_388 = vector.shape_cast %get3A_387 : vector<1x16xi32> to vector<16xi32>
      %mul3A_389 = arith.constant 2 : i32
      %mul3A_390 = vector.broadcast %mul3A_389 : i32 to vector<16xi32>
      %mul3A_391 = arith.muli %get3A_388, %mul3A_390 : vector<16xi32>
      %add3A_392 = vector.broadcast %arg0 : i32 to vector<16xi32>
      %add3A_393 = arith.addi %mul3A_391, %add3A_392 : vector<16xi32>
      %swap3A_394 = arith.constant 112 : index
      %swap3A_395 = tpu.vector_load %arg15[%swap3A_394] {strides = array<i32>} : memref<128xi32, #tpu.memory_space<vmem>>, vector<16xi32>,
      %swap3A_396 = vector.shape_cast %swap3A_395 : vector<16xi32> to vector<16xi32>
      %swap3A_397 = vector.shape_cast %add3A_393 : vector<16xi32> to vector<16xi32>
      tpu.vector_store %arg15[%swap3A_394], %swap3A_397 {strides = array<i32>} : memref<128xi32, #tpu.memory_space<vmem>>, vector<16xi32>,
      %get3A_398 = arith.constant 0 : i32
      %get3A_399 = arith.index_cast %get3A_398 : i32 to index
      %get3A_400 = arith.constant 0 : index
      %get3A_401 = tpu.vector_load %arg8[%get3A_399, %get3A_400] {strides = array<i32>} : memref<2x128xi32, #tpu.memory_space<vmem>>, vector<1x16xi32>,
      %get3A_402 = vector.shape_cast %get3A_401 : vector<1x16xi32> to vector<16xi32>
      %mul3A_403 = arith.constant 2 : i32
      %mul3A_404 = vector.broadcast %mul3A_403 : i32 to vector<16xi32>
      %mul3A_405 = arith.muli %get3A_402, %mul3A_404 : vector<16xi32>
      %add3A_406 = vector.broadcast %arg0 : i32 to vector<16xi32>
      %add3A_407 = arith.addi %mul3A_405, %add3A_406 : vector<16xi32>
      %swap3A_408 = arith.constant 0 : index
      %swap3A_409 = tpu.vector_load %arg16[%swap3A_408] {strides = array<i32>} : memref<128xi32, #tpu.memory_space<vmem>>, vector<16xi32>,
      %swap3A_410 = vector.shape_cast %swap3A_409 : vector<16xi32> to vector<16xi32>
      %swap3A_411 = vector.shape_cast %add3A_407 : vector<16xi32> to vector<16xi32>
      tpu.vector_store %arg16[%swap3A_408], %swap3A_411 {strides = array<i32>} : memref<128xi32, #tpu.memory_space<vmem>>, vector<16xi32>,
      %get3A_412 = arith.constant 0 : i32
      %get3A_413 = arith.index_cast %get3A_412 : i32 to index
      %get3A_414 = arith.constant 16 : index
      %get3A_415 = tpu.vector_load %arg8[%get3A_413, %get3A_414] {strides = array<i32>} : memref<2x128xi32, #tpu.memory_space<vmem>>, vector<1x16xi32>,
      %get3A_416 = vector.shape_cast %get3A_415 : vector<1x16xi32> to vector<16xi32>
      %mul3A_417 = arith.constant 2 : i32
      %mul3A_418 = vector.broadcast %mul3A_417 : i32 to vector<16xi32>
      %mul3A_419 = arith.muli %get3A_416, %mul3A_418 : vector<16xi32>
      %add3A_420 = vector.broadcast %arg0 : i32 to vector<16xi32>
      %add3A_421 = arith.addi %mul3A_419, %add3A_420 : vector<16xi32>
      %swap3A_422 = arith.constant 16 : index
      %swap3A_423 = tpu.vector_load %arg16[%swap3A_422] {strides = array<i32>} : memref<128xi32, #tpu.memory_space<vmem>>, vector<16xi32>,
      %swap3A_424 = vector.shape_cast %swap3A_423 : vector<16xi32> to vector<16xi32>
      %swap3A_425 = vector.shape_cast %add3A_421 : vector<16xi32> to vector<16xi32>
      tpu.vector_store %arg16[%swap3A_422], %swap3A_425 {strides = array<i32>} : memref<128xi32, #tpu.memory_space<vmem>>, vector<16xi32>,
      %get3A_426 = arith.constant 0 : i32
      %get3A_427 = arith.index_cast %get3A_426 : i32 to index
      %get3A_428 = arith.constant 32 : index
      %get3A_429 = tpu.vector_load %arg8[%get3A_427, %get3A_428] {strides = array<i32>} : memref<2x128xi32, #tpu.memory_space<vmem>>, vector<1x16xi32>,
      %get3A_430 = vector.shape_cast %get3A_429 : vector<1x16xi32> to vector<16xi32>
      %mul3A_431 = arith.constant 2 : i32
      %mul3A_432 = vector.broadcast %mul3A_431 : i32 to vector<16xi32>
      %mul3A_433 = arith.muli %get3A_430, %mul3A_432 : vector<16xi32>
      %add3A_434 = vector.broadcast %arg0 : i32 to vector<16xi32>
      %add3A_435 = arith.addi %mul3A_433, %add3A_434 : vector<16xi32>
      %swap3A_436 = arith.constant 32 : index
      %swap3A_437 = tpu.vector_load %arg16[%swap3A_436] {strides = array<i32>} : memref<128xi32, #tpu.memory_space<vmem>>, vector<16xi32>,
      %swap3A_438 = vector.shape_cast %swap3A_437 : vector<16xi32> to vector<16xi32>
      %swap3A_439 = vector.shape_cast %add3A_435 : vector<16xi32> to vector<16xi32>
      tpu.vector_store %arg16[%swap3A_436], %swap3A_439 {strides = array<i32>} : memref<128xi32, #tpu.memory_space<vmem>>, vector<16xi32>,
      %get3A_440 = arith.constant 0 : i32
      %get3A_441 = arith.index_cast %get3A_440 : i32 to index
      %get3A_442 = arith.constant 48 : index
      %get3A_443 = tpu.vector_load %arg8[%get3A_441, %get3A_442] {strides = array<i32>} : memref<2x128xi32, #tpu.memory_space<vmem>>, vector<1x16xi32>,
      %get3A_444 = vector.shape_cast %get3A_443 : vector<1x16xi32> to vector<16xi32>
      %mul3A_445 = arith.constant 2 : i32
      %mul3A_446 = vector.broadcast %mul3A_445 : i32 to vector<16xi32>
      %mul3A_447 = arith.muli %get3A_444, %mul3A_446 : vector<16xi32>
      %add3A_448 = vector.broadcast %arg0 : i32 to vector<16xi32>
      %add3A_449 = arith.addi %mul3A_447, %add3A_448 : vector<16xi32>
      %swap3A_450 = arith.constant 48 : index
      %swap3A_451 = tpu.vector_load %arg16[%swap3A_450] {strides = array<i32>} : memref<128xi32, #tpu.memory_space<vmem>>, vector<16xi32>,
      %swap3A_452 = vector.shape_cast %swap3A_451 : vector<16xi32> to vector<16xi32>
      %swap3A_453 = vector.shape_cast %add3A_449 : vector<16xi32> to vector<16xi32>
      tpu.vector_store %arg16[%swap3A_450], %swap3A_453 {strides = array<i32>} : memref<128xi32, #tpu.memory_space<vmem>>, vector<16xi32>,
      %get3A_454 = arith.constant 0 : i32
      %get3A_455 = arith.index_cast %get3A_454 : i32 to index
      %get3A_456 = arith.constant 64 : index
      %get3A_457 = tpu.vector_load %arg8[%get3A_455, %get3A_456] {strides = array<i32>} : memref<2x128xi32, #tpu.memory_space<vmem>>, vector<1x16xi32>,
      %get3A_458 = vector.shape_cast %get3A_457 : vector<1x16xi32> to vector<16xi32>
      %mul3A_459 = arith.constant 2 : i32
      %mul3A_460 = vector.broadcast %mul3A_459 : i32 to vector<16xi32>
      %mul3A_461 = arith.muli %get3A_458, %mul3A_460 : vector<16xi32>
      %add3A_462 = vector.broadcast %arg0 : i32 to vector<16xi32>
      %add3A_463 = arith.addi %mul3A_461, %add3A_462 : vector<16xi32>
      %swap3A_464 = arith.constant 64 : index
      %swap3A_465 = tpu.vector_load %arg16[%swap3A_464] {strides = array<i32>} : memref<128xi32, #tpu.memory_space<vmem>>, vector<16xi32>,
      %swap3A_466 = vector.shape_cast %swap3A_465 : vector<16xi32> to vector<16xi32>
      %swap3A_467 = vector.shape_cast %add3A_463 : vector<16xi32> to vector<16xi32>
      tpu.vector_store %arg16[%swap3A_464], %swap3A_467 {strides = array<i32>} : memref<128xi32, #tpu.memory_space<vmem>>, vector<16xi32>,
      %get3A_468 = arith.constant 0 : i32
      %get3A_469 = arith.index_cast %get3A_468 : i32 to index
      %get3A_470 = arith.constant 80 : index
      %get3A_471 = tpu.vector_load %arg8[%get3A_469, %get3A_470] {strides = array<i32>} : memref<2x128xi32, #tpu.memory_space<vmem>>, vector<1x16xi32>,
      %get3A_472 = vector.shape_cast %get3A_471 : vector<1x16xi32> to vector<16xi32>
      %mul3A_473 = arith.constant 2 : i32
      %mul3A_474 = vector.broadcast %mul3A_473 : i32 to vector<16xi32>
      %mul3A_475 = arith.muli %get3A_472, %mul3A_474 : vector<16xi32>
      %add3A_476 = vector.broadcast %arg0 : i32 to vector<16xi32>
      %add3A_477 = arith.addi %mul3A_475, %add3A_476 : vector<16xi32>
      %swap3A_478 = arith.constant 80 : index
      %swap3A_479 = tpu.vector_load %arg16[%swap3A_478] {strides = array<i32>} : memref<128xi32, #tpu.memory_space<vmem>>, vector<16xi32>,
      %swap3A_480 = vector.shape_cast %swap3A_479 : vector<16xi32> to vector<16xi32>
      %swap3A_481 = vector.shape_cast %add3A_477 : vector<16xi32> to vector<16xi32>
      tpu.vector_store %arg16[%swap3A_478], %swap3A_481 {strides = array<i32>} : memref<128xi32, #tpu.memory_space<vmem>>, vector<16xi32>,
      %get3A_482 = arith.constant 0 : i32
      %get3A_483 = arith.index_cast %get3A_482 : i32 to index
      %get3A_484 = arith.constant 96 : index
      %get3A_485 = tpu.vector_load %arg8[%get3A_483, %get3A_484] {strides = array<i32>} : memref<2x128xi32, #tpu.memory_space<vmem>>, vector<1x16xi32>,
      %get3A_486 = vector.shape_cast %get3A_485 : vector<1x16xi32> to vector<16xi32>
      %mul3A_487 = arith.constant 2 : i32
      %mul3A_488 = vector.broadcast %mul3A_487 : i32 to vector<16xi32>
      %mul3A_489 = arith.muli %get3A_486, %mul3A_488 : vector<16xi32>
      %add3A_490 = vector.broadcast %arg0 : i32 to vector<16xi32>
      %add3A_491 = arith.addi %mul3A_489, %add3A_490 : vector<16xi32>
      %swap3A_492 = arith.constant 96 : index
      %swap3A_493 = tpu.vector_load %arg16[%swap3A_492] {strides = array<i32>} : memref<128xi32, #tpu.memory_space<vmem>>, vector<16xi32>,
      %swap3A_494 = vector.shape_cast %swap3A_493 : vector<16xi32> to vector<16xi32>
      %swap3A_495 = vector.shape_cast %add3A_491 : vector<16xi32> to vector<16xi32>
      tpu.vector_store %arg16[%swap3A_492], %swap3A_495 {strides = array<i32>} : memref<128xi32, #tpu.memory_space<vmem>>, vector<16xi32>,
      %get3A_496 = arith.constant 0 : i32
      %get3A_497 = arith.index_cast %get3A_496 : i32 to index
      %get3A_498 = arith.constant 112 : index
      %get3A_499 = tpu.vector_load %arg8[%get3A_497, %get3A_498] {strides = array<i32>} : memref<2x128xi32, #tpu.memory_space<vmem>>, vector<1x16xi32>,
      %get3A_500 = vector.shape_cast %get3A_499 : vector<1x16xi32> to vector<16xi32>
      %mul3A_501 = arith.constant 2 : i32
      %mul3A_502 = vector.broadcast %mul3A_501 : i32 to vector<16xi32>
      %mul3A_503 = arith.muli %get3A_500, %mul3A_502 : vector<16xi32>
      %add3A_504 = vector.broadcast %arg0 : i32 to vector<16xi32>
      %add3A_505 = arith.addi %mul3A_503, %add3A_504 : vector<16xi32>
      %swap3A_506 = arith.constant 112 : index
      %swap3A_507 = tpu.vector_load %arg16[%swap3A_506] {strides = array<i32>} : memref<128xi32, #tpu.memory_space<vmem>>, vector<16xi32>,
      %swap3A_508 = vector.shape_cast %swap3A_507 : vector<16xi32> to vector<16xi32>
      %swap3A_509 = vector.shape_cast %add3A_505 : vector<16xi32> to vector<16xi32>
      tpu.vector_store %arg16[%swap3A_506], %swap3A_509 {strides = array<i32>} : memref<128xi32, #tpu.memory_space<vmem>>, vector<16xi32>,
      %get3A_510 = arith.constant 0 : i32
      %get3A_511 = arith.index_cast %get3A_510 : i32 to index
      %get3A_512 = arith.constant 0 : index
      %get3A_513 = tpu.vector_load %arg9[%get3A_511, %get3A_512] {strides = array<i32>} : memref<2x128xi32, #tpu.memory_space<vmem>>, vector<1x16xi32>,
      %get3A_514 = vector.shape_cast %get3A_513 : vector<1x16xi32> to vector<16xi32>
      %mul3A_515 = arith.constant 2 : i32
      %mul3A_516 = vector.broadcast %mul3A_515 : i32 to vector<16xi32>
      %mul3A_517 = arith.muli %get3A_514, %mul3A_516 : vector<16xi32>
      %add3A_518 = vector.broadcast %arg0 : i32 to vector<16xi32>
      %add3A_519 = arith.addi %mul3A_517, %add3A_518 : vector<16xi32>
      %swap3A_520 = arith.constant 0 : index
      %swap3A_521 = tpu.vector_load %arg17[%swap3A_520] {strides = array<i32>} : memref<128xi32, #tpu.memory_space<vmem>>, vector<16xi32>,
      %swap3A_522 = vector.shape_cast %swap3A_521 : vector<16xi32> to vector<16xi32>
      %swap3A_523 = vector.shape_cast %add3A_519 : vector<16xi32> to vector<16xi32>
      tpu.vector_store %arg17[%swap3A_520], %swap3A_523 {strides = array<i32>} : memref<128xi32, #tpu.memory_space<vmem>>, vector<16xi32>,
      %get3A_524 = arith.constant 0 : i32
      %get3A_525 = arith.index_cast %get3A_524 : i32 to index
      %get3A_526 = arith.constant 16 : index
      %get3A_527 = tpu.vector_load %arg9[%get3A_525, %get3A_526] {strides = array<i32>} : memref<2x128xi32, #tpu.memory_space<vmem>>, vector<1x16xi32>,
      %get3A_528 = vector.shape_cast %get3A_527 : vector<1x16xi32> to vector<16xi32>
      %mul3A_529 = arith.constant 2 : i32
      %mul3A_530 = vector.broadcast %mul3A_529 : i32 to vector<16xi32>
      %mul3A_531 = arith.muli %get3A_528, %mul3A_530 : vector<16xi32>
      %add3A_532 = vector.broadcast %arg0 : i32 to vector<16xi32>
      %add3A_533 = arith.addi %mul3A_531, %add3A_532 : vector<16xi32>
      %swap3A_534 = arith.constant 16 : index
      %swap3A_535 = tpu.vector_load %arg17[%swap3A_534] {strides = array<i32>} : memref<128xi32, #tpu.memory_space<vmem>>, vector<16xi32>,
      %swap3A_536 = vector.shape_cast %swap3A_535 : vector<16xi32> to vector<16xi32>
      %swap3A_537 = vector.shape_cast %add3A_533 : vector<16xi32> to vector<16xi32>
      tpu.vector_store %arg17[%swap3A_534], %swap3A_537 {strides = array<i32>} : memref<128xi32, #tpu.memory_space<vmem>>, vector<16xi32>,
      %get3A_538 = arith.constant 0 : i32
      %get3A_539 = arith.index_cast %get3A_538 : i32 to index
      %get3A_540 = arith.constant 32 : index
      %get3A_541 = tpu.vector_load %arg9[%get3A_539, %get3A_540] {strides = array<i32>} : memref<2x128xi32, #tpu.memory_space<vmem>>, vector<1x16xi32>,
      %get3A_542 = vector.shape_cast %get3A_541 : vector<1x16xi32> to vector<16xi32>
      %mul3A_543 = arith.constant 2 : i32
      %mul3A_544 = vector.broadcast %mul3A_543 : i32 to vector<16xi32>
      %mul3A_545 = arith.muli %get3A_542, %mul3A_544 : vector<16xi32>
      %add3A_546 = vector.broadcast %arg0 : i32 to vector<16xi32>
      %add3A_547 = arith.addi %mul3A_545, %add3A_546 : vector<16xi32>
      %swap3A_548 = arith.constant 32 : index
      %swap3A_549 = tpu.vector_load %arg17[%swap3A_548] {strides = array<i32>} : memref<128xi32, #tpu.memory_space<vmem>>, vector<16xi32>,
      %swap3A_550 = vector.shape_cast %swap3A_549 : vector<16xi32> to vector<16xi32>
      %swap3A_551 = vector.shape_cast %add3A_547 : vector<16xi32> to vector<16xi32>
      tpu.vector_store %arg17[%swap3A_548], %swap3A_551 {strides = array<i32>} : memref<128xi32, #tpu.memory_space<vmem>>, vector<16xi32>,
      %get3A_552 = arith.constant 0 : i32
      %get3A_553 = arith.index_cast %get3A_552 : i32 to index
      %get3A_554 = arith.constant 48 : index
      %get3A_555 = tpu.vector_load %arg9[%get3A_553, %get3A_554] {strides = array<i32>} : memref<2x128xi32, #tpu.memory_space<vmem>>, vector<1x16xi32>,
      %get3A_556 = vector.shape_cast %get3A_555 : vector<1x16xi32> to vector<16xi32>
      %mul3A_557 = arith.constant 2 : i32
      %mul3A_558 = vector.broadcast %mul3A_557 : i32 to vector<16xi32>
      %mul3A_559 = arith.muli %get3A_556, %mul3A_558 : vector<16xi32>
      %add3A_560 = vector.broadcast %arg0 : i32 to vector<16xi32>
      %add3A_561 = arith.addi %mul3A_559, %add3A_560 : vector<16xi32>
      %swap3A_562 = arith.constant 48 : index
      %swap3A_563 = tpu.vector_load %arg17[%swap3A_562] {strides = array<i32>} : memref<128xi32, #tpu.memory_space<vmem>>, vector<16xi32>,
      %swap3A_564 = vector.shape_cast %swap3A_563 : vector<16xi32> to vector<16xi32>
      %swap3A_565 = vector.shape_cast %add3A_561 : vector<16xi32> to vector<16xi32>
      tpu.vector_store %arg17[%swap3A_562], %swap3A_565 {strides = array<i32>} : memref<128xi32, #tpu.memory_space<vmem>>, vector<16xi32>,
      %get3A_566 = arith.constant 0 : i32
      %get3A_567 = arith.index_cast %get3A_566 : i32 to index
      %get3A_568 = arith.constant 64 : index
      %get3A_569 = tpu.vector_load %arg9[%get3A_567, %get3A_568] {strides = array<i32>} : memref<2x128xi32, #tpu.memory_space<vmem>>, vector<1x16xi32>,
      %get3A_570 = vector.shape_cast %get3A_569 : vector<1x16xi32> to vector<16xi32>
      %mul3A_571 = arith.constant 2 : i32
      %mul3A_572 = vector.broadcast %mul3A_571 : i32 to vector<16xi32>
      %mul3A_573 = arith.muli %get3A_570, %mul3A_572 : vector<16xi32>
      %add3A_574 = vector.broadcast %arg0 : i32 to vector<16xi32>
      %add3A_575 = arith.addi %mul3A_573, %add3A_574 : vector<16xi32>
      %swap3A_576 = arith.constant 64 : index
      %swap3A_577 = tpu.vector_load %arg17[%swap3A_576] {strides = array<i32>} : memref<128xi32, #tpu.memory_space<vmem>>, vector<16xi32>,
      %swap3A_578 = vector.shape_cast %swap3A_577 : vector<16xi32> to vector<16xi32>
      %swap3A_579 = vector.shape_cast %add3A_575 : vector<16xi32> to vector<16xi32>
      tpu.vector_store %arg17[%swap3A_576], %swap3A_579 {strides = array<i32>} : memref<128xi32, #tpu.memory_space<vmem>>, vector<16xi32>,
      %get3A_580 = arith.constant 0 : i32
      %get3A_581 = arith.index_cast %get3A_580 : i32 to index
      %get3A_582 = arith.constant 80 : index
      %get3A_583 = tpu.vector_load %arg9[%get3A_581, %get3A_582] {strides = array<i32>} : memref<2x128xi32, #tpu.memory_space<vmem>>, vector<1x16xi32>,
      %get3A_584 = vector.shape_cast %get3A_583 : vector<1x16xi32> to vector<16xi32>
      %mul3A_585 = arith.constant 2 : i32
      %mul3A_586 = vector.broadcast %mul3A_585 : i32 to vector<16xi32>
      %mul3A_587 = arith.muli %get3A_584, %mul3A_586 : vector<16xi32>
      %add3A_588 = vector.broadcast %arg0 : i32 to vector<16xi32>
      %add3A_589 = arith.addi %mul3A_587, %add3A_588 : vector<16xi32>
      %swap3A_590 = arith.constant 80 : index
      %swap3A_591 = tpu.vector_load %arg17[%swap3A_590] {strides = array<i32>} : memref<128xi32, #tpu.memory_space<vmem>>, vector<16xi32>,
      %swap3A_592 = vector.shape_cast %swap3A_591 : vector<16xi32> to vector<16xi32>
      %swap3A_593 = vector.shape_cast %add3A_589 : vector<16xi32> to vector<16xi32>
      tpu.vector_store %arg17[%swap3A_590], %swap3A_593 {strides = array<i32>} : memref<128xi32, #tpu.memory_space<vmem>>, vector<16xi32>,
      %get3A_594 = arith.constant 0 : i32
      %get3A_595 = arith.index_cast %get3A_594 : i32 to index
      %get3A_596 = arith.constant 96 : index
      %get3A_597 = tpu.vector_load %arg9[%get3A_595, %get3A_596] {strides = array<i32>} : memref<2x128xi32, #tpu.memory_space<vmem>>, vector<1x16xi32>,
      %get3A_598 = vector.shape_cast %get3A_597 : vector<1x16xi32> to vector<16xi32>
      %mul3A_599 = arith.constant 2 : i32
      %mul3A_600 = vector.broadcast %mul3A_599 : i32 to vector<16xi32>
      %mul3A_601 = arith.muli %get3A_598, %mul3A_600 : vector<16xi32>
      %add3A_602 = vector.broadcast %arg0 : i32 to vector<16xi32>
      %add3A_603 = arith.addi %mul3A_601, %add3A_602 : vector<16xi32>
      %swap3A_604 = arith.constant 96 : index
      %swap3A_605 = tpu.vector_load %arg17[%swap3A_604] {strides = array<i32>} : memref<128xi32, #tpu.memory_space<vmem>>, vector<16xi32>,
      %swap3A_606 = vector.shape_cast %swap3A_605 : vector<16xi32> to vector<16xi32>
      %swap3A_607 = vector.shape_cast %add3A_603 : vector<16xi32> to vector<16xi32>
      tpu.vector_store %arg17[%swap3A_604], %swap3A_607 {strides = array<i32>} : memref<128xi32, #tpu.memory_space<vmem>>, vector<16xi32>,
      %get3A_608 = arith.constant 0 : i32
      %get3A_609 = arith.index_cast %get3A_608 : i32 to index
      %get3A_610 = arith.constant 112 : index
      %get3A_611 = tpu.vector_load %arg9[%get3A_609, %get3A_610] {strides = array<i32>} : memref<2x128xi32, #tpu.memory_space<vmem>>, vector<1x16xi32>,
      %get3A_612 = vector.shape_cast %get3A_611 : vector<1x16xi32> to vector<16xi32>
      %mul3A_613 = arith.constant 2 : i32
      %mul3A_614 = vector.broadcast %mul3A_613 : i32 to vector<16xi32>
      %mul3A_615 = arith.muli %get3A_612, %mul3A_614 : vector<16xi32>
      %add3A_616 = vector.broadcast %arg0 : i32 to vector<16xi32>
      %add3A_617 = arith.addi %mul3A_615, %add3A_616 : vector<16xi32>
      %swap3A_618 = arith.constant 112 : index
      %swap3A_619 = tpu.vector_load %arg17[%swap3A_618] {strides = array<i32>} : memref<128xi32, #tpu.memory_space<vmem>>, vector<16xi32>,
      %swap3A_620 = vector.shape_cast %swap3A_619 : vector<16xi32> to vector<16xi32>
      %swap3A_621 = vector.shape_cast %add3A_617 : vector<16xi32> to vector<16xi32>
      tpu.vector_store %arg17[%swap3A_618], %swap3A_621 {strides = array<i32>} : memref<128xi32, #tpu.memory_space<vmem>>, vector<16xi32>,
      %get3A_622 = arith.constant 0 : i32
      %get3A_623 = arith.index_cast %get3A_622 : i32 to index
      %get3A_624 = arith.constant 0 : index
      %get3A_625 = tpu.vector_load %arg10[%get3A_623, %get3A_624] {strides = array<i32>} : memref<2x128xi32, #tpu.memory_space<vmem>>, vector<1x16xi32>,
      %get3A_626 = vector.shape_cast %get3A_625 : vector<1x16xi32> to vector<16xi32>
      %mul3A_627 = arith.constant 2 : i32
      %mul3A_628 = vector.broadcast %mul3A_627 : i32 to vector<16xi32>
      %mul3A_629 = arith.muli %get3A_626, %mul3A_628 : vector<16xi32>
      %add3A_630 = vector.broadcast %arg0 : i32 to vector<16xi32>
      %add3A_631 = arith.addi %mul3A_629, %add3A_630 : vector<16xi32>
      %swap3A_632 = arith.constant 0 : index
      %swap3A_633 = tpu.vector_load %arg18[%swap3A_632] {strides = array<i32>} : memref<128xi32, #tpu.memory_space<vmem>>, vector<16xi32>,
      %swap3A_634 = vector.shape_cast %swap3A_633 : vector<16xi32> to vector<16xi32>
      %swap3A_635 = vector.shape_cast %add3A_631 : vector<16xi32> to vector<16xi32>
      tpu.vector_store %arg18[%swap3A_632], %swap3A_635 {strides = array<i32>} : memref<128xi32, #tpu.memory_space<vmem>>, vector<16xi32>,
      %get3A_636 = arith.constant 0 : i32
      %get3A_637 = arith.index_cast %get3A_636 : i32 to index
      %get3A_638 = arith.constant 16 : index
      %get3A_639 = tpu.vector_load %arg10[%get3A_637, %get3A_638] {strides = array<i32>} : memref<2x128xi32, #tpu.memory_space<vmem>>, vector<1x16xi32>,
      %get3A_640 = vector.shape_cast %get3A_639 : vector<1x16xi32> to vector<16xi32>
      %mul3A_641 = arith.constant 2 : i32
      %mul3A_642 = vector.broadcast %mul3A_641 : i32 to vector<16xi32>
      %mul3A_643 = arith.muli %get3A_640, %mul3A_642 : vector<16xi32>
      %add3A_644 = vector.broadcast %arg0 : i32 to vector<16xi32>
      %add3A_645 = arith.addi %mul3A_643, %add3A_644 : vector<16xi32>
      %swap3A_646 = arith.constant 16 : index
      %swap3A_647 = tpu.vector_load %arg18[%swap3A_646] {strides = array<i32>} : memref<128xi32, #tpu.memory_space<vmem>>, vector<16xi32>,
      %swap3A_648 = vector.shape_cast %swap3A_647 : vector<16xi32> to vector<16xi32>
      %swap3A_649 = vector.shape_cast %add3A_645 : vector<16xi32> to vector<16xi32>
      tpu.vector_store %arg18[%swap3A_646], %swap3A_649 {strides = array<i32>} : memref<128xi32, #tpu.memory_space<vmem>>, vector<16xi32>,
      %get3A_650 = arith.constant 0 : i32
      %get3A_651 = arith.index_cast %get3A_650 : i32 to index
      %get3A_652 = arith.constant 32 : index
      %get3A_653 = tpu.vector_load %arg10[%get3A_651, %get3A_652] {strides = array<i32>} : memref<2x128xi32, #tpu.memory_space<vmem>>, vector<1x16xi32>,
      %get3A_654 = vector.shape_cast %get3A_653 : vector<1x16xi32> to vector<16xi32>
      %mul3A_655 = arith.constant 2 : i32
      %mul3A_656 = vector.broadcast %mul3A_655 : i32 to vector<16xi32>
      %mul3A_657 = arith.muli %get3A_654, %mul3A_656 : vector<16xi32>
      %add3A_658 = vector.broadcast %arg0 : i32 to vector<16xi32>
      %add3A_659 = arith.addi %mul3A_657, %add3A_658 : vector<16xi32>
      %swap3A_660 = arith.constant 32 : index
      %swap3A_661 = tpu.vector_load %arg18[%swap3A_660] {strides = array<i32>} : memref<128xi32, #tpu.memory_space<vmem>>, vector<16xi32>,
      %swap3A_662 = vector.shape_cast %swap3A_661 : vector<16xi32> to vector<16xi32>
      %swap3A_663 = vector.shape_cast %add3A_659 : vector<16xi32> to vector<16xi32>
      tpu.vector_store %arg18[%swap3A_660], %swap3A_663 {strides = array<i32>} : memref<128xi32, #tpu.memory_space<vmem>>, vector<16xi32>,
      %get3A_664 = arith.constant 0 : i32
      %get3A_665 = arith.index_cast %get3A_664 : i32 to index
      %get3A_666 = arith.constant 48 : index
      %get3A_667 = tpu.vector_load %arg10[%get3A_665, %get3A_666] {strides = array<i32>} : memref<2x128xi32, #tpu.memory_space<vmem>>, vector<1x16xi32>,
      %get3A_668 = vector.shape_cast %get3A_667 : vector<1x16xi32> to vector<16xi32>
      %mul3A_669 = arith.constant 2 : i32
      %mul3A_670 = vector.broadcast %mul3A_669 : i32 to vector<16xi32>
      %mul3A_671 = arith.muli %get3A_668, %mul3A_670 : vector<16xi32>
      %add3A_672 = vector.broadcast %arg0 : i32 to vector<16xi32>
      %add3A_673 = arith.addi %mul3A_671, %add3A_672 : vector<16xi32>
      %swap3A_674 = arith.constant 48 : index
      %swap3A_675 = tpu.vector_load %arg18[%swap3A_674] {strides = array<i32>} : memref<128xi32, #tpu.memory_space<vmem>>, vector<16xi32>,
      %swap3A_676 = vector.shape_cast %swap3A_675 : vector<16xi32> to vector<16xi32>
      %swap3A_677 = vector.shape_cast %add3A_673 : vector<16xi32> to vector<16xi32>
      tpu.vector_store %arg18[%swap3A_674], %swap3A_677 {strides = array<i32>} : memref<128xi32, #tpu.memory_space<vmem>>, vector<16xi32>,
      %get3A_678 = arith.constant 0 : i32
      %get3A_679 = arith.index_cast %get3A_678 : i32 to index
      %get3A_680 = arith.constant 64 : index
      %get3A_681 = tpu.vector_load %arg10[%get3A_679, %get3A_680] {strides = array<i32>} : memref<2x128xi32, #tpu.memory_space<vmem>>, vector<1x16xi32>,
      %get3A_682 = vector.shape_cast %get3A_681 : vector<1x16xi32> to vector<16xi32>
      %mul3A_683 = arith.constant 2 : i32
      %mul3A_684 = vector.broadcast %mul3A_683 : i32 to vector<16xi32>
      %mul3A_685 = arith.muli %get3A_682, %mul3A_684 : vector<16xi32>
      %add3A_686 = vector.broadcast %arg0 : i32 to vector<16xi32>
      %add3A_687 = arith.addi %mul3A_685, %add3A_686 : vector<16xi32>
      %swap3A_688 = arith.constant 64 : index
      %swap3A_689 = tpu.vector_load %arg18[%swap3A_688] {strides = array<i32>} : memref<128xi32, #tpu.memory_space<vmem>>, vector<16xi32>,
      %swap3A_690 = vector.shape_cast %swap3A_689 : vector<16xi32> to vector<16xi32>
      %swap3A_691 = vector.shape_cast %add3A_687 : vector<16xi32> to vector<16xi32>
      tpu.vector_store %arg18[%swap3A_688], %swap3A_691 {strides = array<i32>} : memref<128xi32, #tpu.memory_space<vmem>>, vector<16xi32>,
      %get3A_692 = arith.constant 0 : i32
      %get3A_693 = arith.index_cast %get3A_692 : i32 to index
      %get3A_694 = arith.constant 80 : index
      %get3A_695 = tpu.vector_load %arg10[%get3A_693, %get3A_694] {strides = array<i32>} : memref<2x128xi32, #tpu.memory_space<vmem>>, vector<1x16xi32>,
      %get3A_696 = vector.shape_cast %get3A_695 : vector<1x16xi32> to vector<16xi32>
      %mul3A_697 = arith.constant 2 : i32
      %mul3A_698 = vector.broadcast %mul3A_697 : i32 to vector<16xi32>
      %mul3A_699 = arith.muli %get3A_696, %mul3A_698 : vector<16xi32>
      %add3A_700 = vector.broadcast %arg0 : i32 to vector<16xi32>
      %add3A_701 = arith.addi %mul3A_699, %add3A_700 : vector<16xi32>
      %swap3A_702 = arith.constant 80 : index
      %swap3A_703 = tpu.vector_load %arg18[%swap3A_702] {strides = array<i32>} : memref<128xi32, #tpu.memory_space<vmem>>, vector<16xi32>,
      %swap3A_704 = vector.shape_cast %swap3A_703 : vector<16xi32> to vector<16xi32>
      %swap3A_705 = vector.shape_cast %add3A_701 : vector<16xi32> to vector<16xi32>
      tpu.vector_store %arg18[%swap3A_702], %swap3A_705 {strides = array<i32>} : memref<128xi32, #tpu.memory_space<vmem>>, vector<16xi32>,
      %get3A_706 = arith.constant 0 : i32
      %get3A_707 = arith.index_cast %get3A_706 : i32 to index
      %get3A_708 = arith.constant 96 : index
      %get3A_709 = tpu.vector_load %arg10[%get3A_707, %get3A_708] {strides = array<i32>} : memref<2x128xi32, #tpu.memory_space<vmem>>, vector<1x16xi32>,
      %get3A_710 = vector.shape_cast %get3A_709 : vector<1x16xi32> to vector<16xi32>
      %mul3A_711 = arith.constant 2 : i32
      %mul3A_712 = vector.broadcast %mul3A_711 : i32 to vector<16xi32>
      %mul3A_713 = arith.muli %get3A_710, %mul3A_712 : vector<16xi32>
      %add3A_714 = vector.broadcast %arg0 : i32 to vector<16xi32>
      %add3A_715 = arith.addi %mul3A_713, %add3A_714 : vector<16xi32>
      %swap3A_716 = arith.constant 96 : index
      %swap3A_717 = tpu.vector_load %arg18[%swap3A_716] {strides = array<i32>} : memref<128xi32, #tpu.memory_space<vmem>>, vector<16xi32>,
      %swap3A_718 = vector.shape_cast %swap3A_717 : vector<16xi32> to vector<16xi32>
      %swap3A_719 = vector.shape_cast %add3A_715 : vector<16xi32> to vector<16xi32>
      tpu.vector_store %arg18[%swap3A_716], %swap3A_719 {strides = array<i32>} : memref<128xi32, #tpu.memory_space<vmem>>, vector<16xi32>,
      %get3A_720 = arith.constant 0 : i32
      %get3A_721 = arith.index_cast %get3A_720 : i32 to index
      %get3A_722 = arith.constant 112 : index
      %get3A_723 = tpu.vector_load %arg10[%get3A_721, %get3A_722] {strides = array<i32>} : memref<2x128xi32, #tpu.memory_space<vmem>>, vector<1x16xi32>,
      %get3A_724 = vector.shape_cast %get3A_723 : vector<1x16xi32> to vector<16xi32>
      %mul3A_725 = arith.constant 2 : i32
      %mul3A_726 = vector.broadcast %mul3A_725 : i32 to vector<16xi32>
      %mul3A_727 = arith.muli %get3A_724, %mul3A_726 : vector<16xi32>
      %add3A_728 = vector.broadcast %arg0 : i32 to vector<16xi32>
      %add3A_729 = arith.addi %mul3A_727, %add3A_728 : vector<16xi32>
      %swap3A_730 = arith.constant 112 : index
      %swap3A_731 = tpu.vector_load %arg18[%swap3A_730] {strides = array<i32>} : memref<128xi32, #tpu.memory_space<vmem>>, vector<16xi32>,
      %swap3A_732 = vector.shape_cast %swap3A_731 : vector<16xi32> to vector<16xi32>
      %swap3A_733 = vector.shape_cast %add3A_729 : vector<16xi32> to vector<16xi32>
      tpu.vector_store %arg18[%swap3A_730], %swap3A_733 {strides = array<i32>} : memref<128xi32, #tpu.memory_space<vmem>>, vector<16xi32>,
      %get3A_734 = arith.constant 0 : i32
      %get3A_735 = arith.index_cast %get3A_734 : i32 to index
      %get3A_736 = arith.constant 0 : index
      %get3A_737 = tpu.vector_load %arg11[%get3A_735, %get3A_736] {strides = array<i32>} : memref<2x128xi32, #tpu.memory_space<vmem>>, vector<1x16xi32>,
      %get3A_738 = vector.shape_cast %get3A_737 : vector<1x16xi32> to vector<16xi32>
      %mul3A_739 = arith.constant 2 : i32
      %mul3A_740 = vector.broadcast %mul3A_739 : i32 to vector<16xi32>
      %mul3A_741 = arith.muli %get3A_738, %mul3A_740 : vector<16xi32>
      %add3A_742 = vector.broadcast %arg0 : i32 to vector<16xi32>
      %add3A_743 = arith.addi %mul3A_741, %add3A_742 : vector<16xi32>
      %swap3A_744 = arith.constant 0 : index
      %swap3A_745 = tpu.vector_load %arg19[%swap3A_744] {strides = array<i32>} : memref<128xi32, #tpu.memory_space<vmem>>, vector<16xi32>,
      %swap3A_746 = vector.shape_cast %swap3A_745 : vector<16xi32> to vector<16xi32>
      %swap3A_747 = vector.shape_cast %add3A_743 : vector<16xi32> to vector<16xi32>
      tpu.vector_store %arg19[%swap3A_744], %swap3A_747 {strides = array<i32>} : memref<128xi32, #tpu.memory_space<vmem>>, vector<16xi32>,
      %get3A_748 = arith.constant 0 : i32
      %get3A_749 = arith.index_cast %get3A_748 : i32 to index
      %get3A_750 = arith.constant 16 : index
      %get3A_751 = tpu.vector_load %arg11[%get3A_749, %get3A_750] {strides = array<i32>} : memref<2x128xi32, #tpu.memory_space<vmem>>, vector<1x16xi32>,
      %get3A_752 = vector.shape_cast %get3A_751 : vector<1x16xi32> to vector<16xi32>
      %mul3A_753 = arith.constant 2 : i32
      %mul3A_754 = vector.broadcast %mul3A_753 : i32 to vector<16xi32>
      %mul3A_755 = arith.muli %get3A_752, %mul3A_754 : vector<16xi32>
      %add3A_756 = vector.broadcast %arg0 : i32 to vector<16xi32>
      %add3A_757 = arith.addi %mul3A_755, %add3A_756 : vector<16xi32>
      %swap3A_758 = arith.constant 16 : index
      %swap3A_759 = tpu.vector_load %arg19[%swap3A_758] {strides = array<i32>} : memref<128xi32, #tpu.memory_space<vmem>>, vector<16xi32>,
      %swap3A_760 = vector.shape_cast %swap3A_759 : vector<16xi32> to vector<16xi32>
      %swap3A_761 = vector.shape_cast %add3A_757 : vector<16xi32> to vector<16xi32>
      tpu.vector_store %arg19[%swap3A_758], %swap3A_761 {strides = array<i32>} : memref<128xi32, #tpu.memory_space<vmem>>, vector<16xi32>,
      %get3A_762 = arith.constant 0 : i32
      %get3A_763 = arith.index_cast %get3A_762 : i32 to index
      %get3A_764 = arith.constant 32 : index
      %get3A_765 = tpu.vector_load %arg11[%get3A_763, %get3A_764] {strides = array<i32>} : memref<2x128xi32, #tpu.memory_space<vmem>>, vector<1x16xi32>,
      %get3A_766 = vector.shape_cast %get3A_765 : vector<1x16xi32> to vector<16xi32>
      %mul3A_767 = arith.constant 2 : i32
      %mul3A_768 = vector.broadcast %mul3A_767 : i32 to vector<16xi32>
      %mul3A_769 = arith.muli %get3A_766, %mul3A_768 : vector<16xi32>
      %add3A_770 = vector.broadcast %arg0 : i32 to vector<16xi32>
      %add3A_771 = arith.addi %mul3A_769, %add3A_770 : vector<16xi32>
      %swap3A_772 = arith.constant 32 : index
      %swap3A_773 = tpu.vector_load %arg19[%swap3A_772] {strides = array<i32>} : memref<128xi32, #tpu.memory_space<vmem>>, vector<16xi32>,
      %swap3A_774 = vector.shape_cast %swap3A_773 : vector<16xi32> to vector<16xi32>
      %swap3A_775 = vector.shape_cast %add3A_771 : vector<16xi32> to vector<16xi32>
      tpu.vector_store %arg19[%swap3A_772], %swap3A_775 {strides = array<i32>} : memref<128xi32, #tpu.memory_space<vmem>>, vector<16xi32>,
      %get3A_776 = arith.constant 0 : i32
      %get3A_777 = arith.index_cast %get3A_776 : i32 to index
      %get3A_778 = arith.constant 48 : index
      %get3A_779 = tpu.vector_load %arg11[%get3A_777, %get3A_778] {strides = array<i32>} : memref<2x128xi32, #tpu.memory_space<vmem>>, vector<1x16xi32>,
      %get3A_780 = vector.shape_cast %get3A_779 : vector<1x16xi32> to vector<16xi32>
      %mul3A_781 = arith.constant 2 : i32
      %mul3A_782 = vector.broadcast %mul3A_781 : i32 to vector<16xi32>
      %mul3A_783 = arith.muli %get3A_780, %mul3A_782 : vector<16xi32>
      %add3A_784 = vector.broadcast %arg0 : i32 to vector<16xi32>
      %add3A_785 = arith.addi %mul3A_783, %add3A_784 : vector<16xi32>
      %swap3A_786 = arith.constant 48 : index
      %swap3A_787 = tpu.vector_load %arg19[%swap3A_786] {strides = array<i32>} : memref<128xi32, #tpu.memory_space<vmem>>, vector<16xi32>,
      %swap3A_788 = vector.shape_cast %swap3A_787 : vector<16xi32> to vector<16xi32>
      %swap3A_789 = vector.shape_cast %add3A_785 : vector<16xi32> to vector<16xi32>
      tpu.vector_store %arg19[%swap3A_786], %swap3A_789 {strides = array<i32>} : memref<128xi32, #tpu.memory_space<vmem>>, vector<16xi32>,
      %get3A_790 = arith.constant 0 : i32
      %get3A_791 = arith.index_cast %get3A_790 : i32 to index
      %get3A_792 = arith.constant 64 : index
      %get3A_793 = tpu.vector_load %arg11[%get3A_791, %get3A_792] {strides = array<i32>} : memref<2x128xi32, #tpu.memory_space<vmem>>, vector<1x16xi32>,
      %get3A_794 = vector.shape_cast %get3A_793 : vector<1x16xi32> to vector<16xi32>
      %mul3A_795 = arith.constant 2 : i32
      %mul3A_796 = vector.broadcast %mul3A_795 : i32 to vector<16xi32>
      %mul3A_797 = arith.muli %get3A_794, %mul3A_796 : vector<16xi32>
      %add3A_798 = vector.broadcast %arg0 : i32 to vector<16xi32>
      %add3A_799 = arith.addi %mul3A_797, %add3A_798 : vector<16xi32>
      %swap3A_800 = arith.constant 64 : index
      %swap3A_801 = tpu.vector_load %arg19[%swap3A_800] {strides = array<i32>} : memref<128xi32, #tpu.memory_space<vmem>>, vector<16xi32>,
      %swap3A_802 = vector.shape_cast %swap3A_801 : vector<16xi32> to vector<16xi32>
      %swap3A_803 = vector.shape_cast %add3A_799 : vector<16xi32> to vector<16xi32>
      tpu.vector_store %arg19[%swap3A_800], %swap3A_803 {strides = array<i32>} : memref<128xi32, #tpu.memory_space<vmem>>, vector<16xi32>,
      %get3A_804 = arith.constant 0 : i32
      %get3A_805 = arith.index_cast %get3A_804 : i32 to index
      %get3A_806 = arith.constant 80 : index
      %get3A_807 = tpu.vector_load %arg11[%get3A_805, %get3A_806] {strides = array<i32>} : memref<2x128xi32, #tpu.memory_space<vmem>>, vector<1x16xi32>,
      %get3A_808 = vector.shape_cast %get3A_807 : vector<1x16xi32> to vector<16xi32>
      %mul3A_809 = arith.constant 2 : i32
      %mul3A_810 = vector.broadcast %mul3A_809 : i32 to vector<16xi32>
      %mul3A_811 = arith.muli %get3A_808, %mul3A_810 : vector<16xi32>
      %add3A_812 = vector.broadcast %arg0 : i32 to vector<16xi32>
      %add3A_813 = arith.addi %mul3A_811, %add3A_812 : vector<16xi32>
      %swap3A_814 = arith.constant 80 : index
      %swap3A_815 = tpu.vector_load %arg19[%swap3A_814] {strides = array<i32>} : memref<128xi32, #tpu.memory_space<vmem>>, vector<16xi32>,
      %swap3A_816 = vector.shape_cast %swap3A_815 : vector<16xi32> to vector<16xi32>
      %swap3A_817 = vector.shape_cast %add3A_813 : vector<16xi32> to vector<16xi32>
      tpu.vector_store %arg19[%swap3A_814], %swap3A_817 {strides = array<i32>} : memref<128xi32, #tpu.memory_space<vmem>>, vector<16xi32>,
      %get3A_818 = arith.constant 0 : i32
      %get3A_819 = arith.index_cast %get3A_818 : i32 to index
      %get3A_820 = arith.constant 96 : index
      %get3A_821 = tpu.vector_load %arg11[%get3A_819, %get3A_820] {strides = array<i32>} : memref<2x128xi32, #tpu.memory_space<vmem>>, vector<1x16xi32>,
      %get3A_822 = vector.shape_cast %get3A_821 : vector<1x16xi32> to vector<16xi32>
      %mul3A_823 = arith.constant 2 : i32
      %mul3A_824 = vector.broadcast %mul3A_823 : i32 to vector<16xi32>
      %mul3A_825 = arith.muli %get3A_822, %mul3A_824 : vector<16xi32>
      %add3A_826 = vector.broadcast %arg0 : i32 to vector<16xi32>
      %add3A_827 = arith.addi %mul3A_825, %add3A_826 : vector<16xi32>
      %swap3A_828 = arith.constant 96 : index
      %swap3A_829 = tpu.vector_load %arg19[%swap3A_828] {strides = array<i32>} : memref<128xi32, #tpu.memory_space<vmem>>, vector<16xi32>,
      %swap3A_830 = vector.shape_cast %swap3A_829 : vector<16xi32> to vector<16xi32>
      %swap3A_831 = vector.shape_cast %add3A_827 : vector<16xi32> to vector<16xi32>
      tpu.vector_store %arg19[%swap3A_828], %swap3A_831 {strides = array<i32>} : memref<128xi32, #tpu.memory_space<vmem>>, vector<16xi32>,
      %get3A_832 = arith.constant 0 : i32
      %get3A_833 = arith.index_cast %get3A_832 : i32 to index
      %get3A_834 = arith.constant 112 : index
      %get3A_835 = tpu.vector_load %arg11[%get3A_833, %get3A_834] {strides = array<i32>} : memref<2x128xi32, #tpu.memory_space<vmem>>, vector<1x16xi32>,
      %get3A_836 = vector.shape_cast %get3A_835 : vector<1x16xi32> to vector<16xi32>
      %mul3A_837 = arith.constant 2 : i32
      %mul3A_838 = vector.broadcast %mul3A_837 : i32 to vector<16xi32>
      %mul3A_839 = arith.muli %get3A_836, %mul3A_838 : vector<16xi32>
      %add3A_840 = vector.broadcast %arg0 : i32 to vector<16xi32>
      %add3A_841 = arith.addi %mul3A_839, %add3A_840 : vector<16xi32>
      %swap3A_842 = arith.constant 112 : index
      %swap3A_843 = tpu.vector_load %arg19[%swap3A_842] {strides = array<i32>} : memref<128xi32, #tpu.memory_space<vmem>>, vector<16xi32>,
      %swap3A_844 = vector.shape_cast %swap3A_843 : vector<16xi32> to vector<16xi32>
      %swap3A_845 = vector.shape_cast %add3A_841 : vector<16xi32> to vector<16xi32>
      tpu.vector_store %arg19[%swap3A_842], %swap3A_845 {strides = array<i32>} : memref<128xi32, #tpu.memory_space<vmem>>, vector<16xi32>,
      %get3A_846 = arith.constant 0 : i32
      %get3A_847 = arith.index_cast %get3A_846 : i32 to index
      %get3A_848 = arith.constant 0 : index
      %get3A_849 = tpu.vector_load %arg12[%get3A_847, %get3A_848] {strides = array<i32>} : memref<2x128xi32, #tpu.memory_space<vmem>>, vector<1x16xi32>,
      %get3A_850 = vector.shape_cast %get3A_849 : vector<1x16xi32> to vector<16xi32>
      %mul3A_851 = arith.constant 2 : i32
      %mul3A_852 = vector.broadcast %mul3A_851 : i32 to vector<16xi32>
      %mul3A_853 = arith.muli %get3A_850, %mul3A_852 : vector<16xi32>
      %add3A_854 = vector.broadcast %arg0 : i32 to vector<16xi32>
      %add3A_855 = arith.addi %mul3A_853, %add3A_854 : vector<16xi32>
      %swap3A_856 = arith.constant 0 : index
      %swap3A_857 = tpu.vector_load %arg20[%swap3A_856] {strides = array<i32>} : memref<128xi32, #tpu.memory_space<vmem>>, vector<16xi32>,
      %swap3A_858 = vector.shape_cast %swap3A_857 : vector<16xi32> to vector<16xi32>
      %swap3A_859 = vector.shape_cast %add3A_855 : vector<16xi32> to vector<16xi32>
      tpu.vector_store %arg20[%swap3A_856], %swap3A_859 {strides = array<i32>} : memref<128xi32, #tpu.memory_space<vmem>>, vector<16xi32>,
      %get3A_860 = arith.constant 0 : i32
      %get3A_861 = arith.index_cast %get3A_860 : i32 to index
      %get3A_862 = arith.constant 16 : index
      %get3A_863 = tpu.vector_load %arg12[%get3A_861, %get3A_862] {strides = array<i32>} : memref<2x128xi32, #tpu.memory_space<vmem>>, vector<1x16xi32>,
      %get3A_864 = vector.shape_cast %get3A_863 : vector<1x16xi32> to vector<16xi32>
      %mul3A_865 = arith.constant 2 : i32
      %mul3A_866 = vector.broadcast %mul3A_865 : i32 to vector<16xi32>
      %mul3A_867 = arith.muli %get3A_864, %mul3A_866 : vector<16xi32>
      %add3A_868 = vector.broadcast %arg0 : i32 to vector<16xi32>
      %add3A_869 = arith.addi %mul3A_867, %add3A_868 : vector<16xi32>
      %swap3A_870 = arith.constant 16 : index
      %swap3A_871 = tpu.vector_load %arg20[%swap3A_870] {strides = array<i32>} : memref<128xi32, #tpu.memory_space<vmem>>, vector<16xi32>,
      %swap3A_872 = vector.shape_cast %swap3A_871 : vector<16xi32> to vector<16xi32>
      %swap3A_873 = vector.shape_cast %add3A_869 : vector<16xi32> to vector<16xi32>
      tpu.vector_store %arg20[%swap3A_870], %swap3A_873 {strides = array<i32>} : memref<128xi32, #tpu.memory_space<vmem>>, vector<16xi32>,
      %get3A_874 = arith.constant 0 : i32
      %get3A_875 = arith.index_cast %get3A_874 : i32 to index
      %get3A_876 = arith.constant 32 : index
      %get3A_877 = tpu.vector_load %arg12[%get3A_875, %get3A_876] {strides = array<i32>} : memref<2x128xi32, #tpu.memory_space<vmem>>, vector<1x16xi32>,
      %get3A_878 = vector.shape_cast %get3A_877 : vector<1x16xi32> to vector<16xi32>
      %mul3A_879 = arith.constant 2 : i32
      %mul3A_880 = vector.broadcast %mul3A_879 : i32 to vector<16xi32>
      %mul3A_881 = arith.muli %get3A_878, %mul3A_880 : vector<16xi32>
      %add3A_882 = vector.broadcast %arg0 : i32 to vector<16xi32>
      %add3A_883 = arith.addi %mul3A_881, %add3A_882 : vector<16xi32>
      %swap3A_884 = arith.constant 32 : index
      %swap3A_885 = tpu.vector_load %arg20[%swap3A_884] {strides = array<i32>} : memref<128xi32, #tpu.memory_space<vmem>>, vector<16xi32>,
      %swap3A_886 = vector.shape_cast %swap3A_885 : vector<16xi32> to vector<16xi32>
      %swap3A_887 = vector.shape_cast %add3A_883 : vector<16xi32> to vector<16xi32>
      tpu.vector_store %arg20[%swap3A_884], %swap3A_887 {strides = array<i32>} : memref<128xi32, #tpu.memory_space<vmem>>, vector<16xi32>,
      %get3A_888 = arith.constant 0 : i32
      %get3A_889 = arith.index_cast %get3A_888 : i32 to index
      %get3A_890 = arith.constant 48 : index
      %get3A_891 = tpu.vector_load %arg12[%get3A_889, %get3A_890] {strides = array<i32>} : memref<2x128xi32, #tpu.memory_space<vmem>>, vector<1x16xi32>,
      %get3A_892 = vector.shape_cast %get3A_891 : vector<1x16xi32> to vector<16xi32>
      %mul3A_893 = arith.constant 2 : i32
      %mul3A_894 = vector.broadcast %mul3A_893 : i32 to vector<16xi32>
      %mul3A_895 = arith.muli %get3A_892, %mul3A_894 : vector<16xi32>
      %add3A_896 = vector.broadcast %arg0 : i32 to vector<16xi32>
      %add3A_897 = arith.addi %mul3A_895, %add3A_896 : vector<16xi32>
      %swap3A_898 = arith.constant 48 : index
      %swap3A_899 = tpu.vector_load %arg20[%swap3A_898] {strides = array<i32>} : memref<128xi32, #tpu.memory_space<vmem>>, vector<16xi32>,
      %swap3A_900 = vector.shape_cast %swap3A_899 : vector<16xi32> to vector<16xi32>
      %swap3A_901 = vector.shape_cast %add3A_897 : vector<16xi32> to vector<16xi32>
      tpu.vector_store %arg20[%swap3A_898], %swap3A_901 {strides = array<i32>} : memref<128xi32, #tpu.memory_space<vmem>>, vector<16xi32>,
      %get3A_902 = arith.constant 0 : i32
      %get3A_903 = arith.index_cast %get3A_902 : i32 to index
      %get3A_904 = arith.constant 64 : index
      %get3A_905 = tpu.vector_load %arg12[%get3A_903, %get3A_904] {strides = array<i32>} : memref<2x128xi32, #tpu.memory_space<vmem>>, vector<1x16xi32>,
      %get3A_906 = vector.shape_cast %get3A_905 : vector<1x16xi32> to vector<16xi32>
      %mul3A_907 = arith.constant 2 : i32
      %mul3A_908 = vector.broadcast %mul3A_907 : i32 to vector<16xi32>
      %mul3A_909 = arith.muli %get3A_906, %mul3A_908 : vector<16xi32>
      %add3A_910 = vector.broadcast %arg0 : i32 to vector<16xi32>
      %add3A_911 = arith.addi %mul3A_909, %add3A_910 : vector<16xi32>
      %swap3A_912 = arith.constant 64 : index
      %swap3A_913 = tpu.vector_load %arg20[%swap3A_912] {strides = array<i32>} : memref<128xi32, #tpu.memory_space<vmem>>, vector<16xi32>,
      %swap3A_914 = vector.shape_cast %swap3A_913 : vector<16xi32> to vector<16xi32>
      %swap3A_915 = vector.shape_cast %add3A_911 : vector<16xi32> to vector<16xi32>
      tpu.vector_store %arg20[%swap3A_912], %swap3A_915 {strides = array<i32>} : memref<128xi32, #tpu.memory_space<vmem>>, vector<16xi32>,
      %get3A_916 = arith.constant 0 : i32
      %get3A_917 = arith.index_cast %get3A_916 : i32 to index
      %get3A_918 = arith.constant 80 : index
      %get3A_919 = tpu.vector_load %arg12[%get3A_917, %get3A_918] {strides = array<i32>} : memref<2x128xi32, #tpu.memory_space<vmem>>, vector<1x16xi32>,
      %get3A_920 = vector.shape_cast %get3A_919 : vector<1x16xi32> to vector<16xi32>
      %mul3A_921 = arith.constant 2 : i32
      %mul3A_922 = vector.broadcast %mul3A_921 : i32 to vector<16xi32>
      %mul3A_923 = arith.muli %get3A_920, %mul3A_922 : vector<16xi32>
      %add3A_924 = vector.broadcast %arg0 : i32 to vector<16xi32>
      %add3A_925 = arith.addi %mul3A_923, %add3A_924 : vector<16xi32>
      %swap3A_926 = arith.constant 80 : index
      %swap3A_927 = tpu.vector_load %arg20[%swap3A_926] {strides = array<i32>} : memref<128xi32, #tpu.memory_space<vmem>>, vector<16xi32>,
      %swap3A_928 = vector.shape_cast %swap3A_927 : vector<16xi32> to vector<16xi32>
      %swap3A_929 = vector.shape_cast %add3A_925 : vector<16xi32> to vector<16xi32>
      tpu.vector_store %arg20[%swap3A_926], %swap3A_929 {strides = array<i32>} : memref<128xi32, #tpu.memory_space<vmem>>, vector<16xi32>,
      %get3A_930 = arith.constant 0 : i32
      %get3A_931 = arith.index_cast %get3A_930 : i32 to index
      %get3A_932 = arith.constant 96 : index
      %get3A_933 = tpu.vector_load %arg12[%get3A_931, %get3A_932] {strides = array<i32>} : memref<2x128xi32, #tpu.memory_space<vmem>>, vector<1x16xi32>,
      %get3A_934 = vector.shape_cast %get3A_933 : vector<1x16xi32> to vector<16xi32>
      %mul3A_935 = arith.constant 2 : i32
      %mul3A_936 = vector.broadcast %mul3A_935 : i32 to vector<16xi32>
      %mul3A_937 = arith.muli %get3A_934, %mul3A_936 : vector<16xi32>
      %add3A_938 = vector.broadcast %arg0 : i32 to vector<16xi32>
      %add3A_939 = arith.addi %mul3A_937, %add3A_938 : vector<16xi32>
      %swap3A_940 = arith.constant 96 : index
      %swap3A_941 = tpu.vector_load %arg20[%swap3A_940] {strides = array<i32>} : memref<128xi32, #tpu.memory_space<vmem>>, vector<16xi32>,
      %swap3A_942 = vector.shape_cast %swap3A_941 : vector<16xi32> to vector<16xi32>
      %swap3A_943 = vector.shape_cast %add3A_939 : vector<16xi32> to vector<16xi32>
      tpu.vector_store %arg20[%swap3A_940], %swap3A_943 {strides = array<i32>} : memref<128xi32, #tpu.memory_space<vmem>>, vector<16xi32>,
      %get3A_944 = arith.constant 0 : i32
      %get3A_945 = arith.index_cast %get3A_944 : i32 to index
      %get3A_946 = arith.constant 112 : index
      %get3A_947 = tpu.vector_load %arg12[%get3A_945, %get3A_946] {strides = array<i32>} : memref<2x128xi32, #tpu.memory_space<vmem>>, vector<1x16xi32>,
      %get3A_948 = vector.shape_cast %get3A_947 : vector<1x16xi32> to vector<16xi32>
      %mul3A_949 = arith.constant 2 : i32
      %mul3A_950 = vector.broadcast %mul3A_949 : i32 to vector<16xi32>
      %mul3A_951 = arith.muli %get3A_948, %mul3A_950 : vector<16xi32>
      %add3A_952 = vector.broadcast %arg0 : i32 to vector<16xi32>
      %add3A_953 = arith.addi %mul3A_951, %add3A_952 : vector<16xi32>
      %swap3A_954 = arith.constant 112 : index
      %swap3A_955 = tpu.vector_load %arg20[%swap3A_954] {strides = array<i32>} : memref<128xi32, #tpu.memory_space<vmem>>, vector<16xi32>,
      %swap3A_956 = vector.shape_cast %swap3A_955 : vector<16xi32> to vector<16xi32>
      %swap3A_957 = vector.shape_cast %add3A_953 : vector<16xi32> to vector<16xi32>
      tpu.vector_store %arg20[%swap3A_954], %swap3A_957 {strides = array<i32>} : memref<128xi32, #tpu.memory_space<vmem>>, vector<16xi32>,
      %get3A_958 = arith.constant 0 : i32
      %get3A_959 = arith.index_cast %get3A_958 : i32 to index
      %get3A_960 = arith.constant 0 : index
      %get3A_961 = tpu.vector_load %arg13[%get3A_959, %get3A_960] {strides = array<i32>} : memref<2x128xi32, #tpu.memory_space<vmem>>, vector<1x16xi32>,
      %get3A_962 = vector.shape_cast %get3A_961 : vector<1x16xi32> to vector<16xi32>
      %mul3A_963 = arith.constant 2 : i32
      %mul3A_964 = vector.broadcast %mul3A_963 : i32 to vector<16xi32>
      %mul3A_965 = arith.muli %get3A_962, %mul3A_964 : vector<16xi32>
      %add3A_966 = vector.broadcast %arg0 : i32 to vector<16xi32>
      %add3A_967 = arith.addi %mul3A_965, %add3A_966 : vector<16xi32>
      %swap3A_968 = arith.constant 0 : index
      %swap3A_969 = tpu.vector_load %arg21[%swap3A_968] {strides = array<i32>} : memref<128xi32, #tpu.memory_space<vmem>>, vector<16xi32>,
      %swap3A_970 = vector.shape_cast %swap3A_969 : vector<16xi32> to vector<16xi32>
      %swap3A_971 = vector.shape_cast %add3A_967 : vector<16xi32> to vector<16xi32>
      tpu.vector_store %arg21[%swap3A_968], %swap3A_971 {strides = array<i32>} : memref<128xi32, #tpu.memory_space<vmem>>, vector<16xi32>,
      %get3A_972 = arith.constant 0 : i32
      %get3A_973 = arith.index_cast %get3A_972 : i32 to index
      %get3A_974 = arith.constant 16 : index
      %get3A_975 = tpu.vector_load %arg13[%get3A_973, %get3A_974] {strides = array<i32>} : memref<2x128xi32, #tpu.memory_space<vmem>>, vector<1x16xi32>,
      %get3A_976 = vector.shape_cast %get3A_975 : vector<1x16xi32> to vector<16xi32>
      %mul3A_977 = arith.constant 2 : i32
      %mul3A_978 = vector.broadcast %mul3A_977 : i32 to vector<16xi32>
      %mul3A_979 = arith.muli %get3A_976, %mul3A_978 : vector<16xi32>
      %add3A_980 = vector.broadcast %arg0 : i32 to vector<16xi32>
      %add3A_981 = arith.addi %mul3A_979, %add3A_980 : vector<16xi32>
      %swap3A_982 = arith.constant 16 : index
      %swap3A_983 = tpu.vector_load %arg21[%swap3A_982] {strides = array<i32>} : memref<128xi32, #tpu.memory_space<vmem>>, vector<16xi32>,
      %swap3A_984 = vector.shape_cast %swap3A_983 : vector<16xi32> to vector<16xi32>
      %swap3A_985 = vector.shape_cast %add3A_981 : vector<16xi32> to vector<16xi32>
      tpu.vector_store %arg21[%swap3A_982], %swap3A_985 {strides = array<i32>} : memref<128xi32, #tpu.memory_space<vmem>>, vector<16xi32>,
      %get3A_986 = arith.constant 0 : i32
      %get3A_987 = arith.index_cast %get3A_986 : i32 to index
      %get3A_988 = arith.constant 32 : index
      %get3A_989 = tpu.vector_load %arg13[%get3A_987, %get3A_988] {strides = array<i32>} : memref<2x128xi32, #tpu.memory_space<vmem>>, vector<1x16xi32>,
      %get3A_990 = vector.shape_cast %get3A_989 : vector<1x16xi32> to vector<16xi32>
      %mul3A_991 = arith.constant 2 : i32
      %mul3A_992 = vector.broadcast %mul3A_991 : i32 to vector<16xi32>
      %mul3A_993 = arith.muli %get3A_990, %mul3A_992 : vector<16xi32>
      %add3A_994 = vector.broadcast %arg0 : i32 to vector<16xi32>
      %add3A_995 = arith.addi %mul3A_993, %add3A_994 : vector<16xi32>
      %swap3A_996 = arith.constant 32 : index
      %swap3A_997 = tpu.vector_load %arg21[%swap3A_996] {strides = array<i32>} : memref<128xi32, #tpu.memory_space<vmem>>, vector<16xi32>,
      %swap3A_998 = vector.shape_cast %swap3A_997 : vector<16xi32> to vector<16xi32>
      %swap3A_999 = vector.shape_cast %add3A_995 : vector<16xi32> to vector<16xi32>
      tpu.vector_store %arg21[%swap3A_996], %swap3A_999 {strides = array<i32>} : memref<128xi32, #tpu.memory_space<vmem>>, vector<16xi32>,
      %get3A_1000 = arith.constant 0 : i32
      %get3A_1001 = arith.index_cast %get3A_1000 : i32 to index
      %get3A_1002 = arith.constant 48 : index
      %get3A_1003 = tpu.vector_load %arg13[%get3A_1001, %get3A_1002] {strides = array<i32>} : memref<2x128xi32, #tpu.memory_space<vmem>>, vector<1x16xi32>,
      %get3A_1004 = vector.shape_cast %get3A_1003 : vector<1x16xi32> to vector<16xi32>
      %mul3A_1005 = arith.constant 2 : i32
      %mul3A_1006 = vector.broadcast %mul3A_1005 : i32 to vector<16xi32>
      %mul3A_1007 = arith.muli %get3A_1004, %mul3A_1006 : vector<16xi32>
      %add3A_1008 = vector.broadcast %arg0 : i32 to vector<16xi32>
      %add3A_1009 = arith.addi %mul3A_1007, %add3A_1008 : vector<16xi32>
      %swap3A_1010 = arith.constant 48 : index
      %swap3A_1011 = tpu.vector_load %arg21[%swap3A_1010] {strides = array<i32>} : memref<128xi32, #tpu.memory_space<vmem>>, vector<16xi32>,
      %swap3A_1012 = vector.shape_cast %swap3A_1011 : vector<16xi32> to vector<16xi32>
      %swap3A_1013 = vector.shape_cast %add3A_1009 : vector<16xi32> to vector<16xi32>
      tpu.vector_store %arg21[%swap3A_1010], %swap3A_1013 {strides = array<i32>} : memref<128xi32, #tpu.memory_space<vmem>>, vector<16xi32>,
      %get3A_1014 = arith.constant 0 : i32
      %get3A_1015 = arith.index_cast %get3A_1014 : i32 to index
      %get3A_1016 = arith.constant 64 : index
      %get3A_1017 = tpu.vector_load %arg13[%get3A_1015, %get3A_1016] {strides = array<i32>} : memref<2x128xi32, #tpu.memory_space<vmem>>, vector<1x16xi32>,
      %get3A_1018 = vector.shape_cast %get3A_1017 : vector<1x16xi32> to vector<16xi32>
      %mul3A_1019 = arith.constant 2 : i32
      %mul3A_1020 = vector.broadcast %mul3A_1019 : i32 to vector<16xi32>
      %mul3A_1021 = arith.muli %get3A_1018, %mul3A_1020 : vector<16xi32>
      %add3A_1022 = vector.broadcast %arg0 : i32 to vector<16xi32>
      %add3A_1023 = arith.addi %mul3A_1021, %add3A_1022 : vector<16xi32>
      %swap3A_1024 = arith.constant 64 : index
      %swap3A_1025 = tpu.vector_load %arg21[%swap3A_1024] {strides = array<i32>} : memref<128xi32, #tpu.memory_space<vmem>>, vector<16xi32>,
      %swap3A_1026 = vector.shape_cast %swap3A_1025 : vector<16xi32> to vector<16xi32>
      %swap3A_1027 = vector.shape_cast %add3A_1023 : vector<16xi32> to vector<16xi32>
      tpu.vector_store %arg21[%swap3A_1024], %swap3A_1027 {strides = array<i32>} : memref<128xi32, #tpu.memory_space<vmem>>, vector<16xi32>,
      %get3A_1028 = arith.constant 0 : i32
      %get3A_1029 = arith.index_cast %get3A_1028 : i32 to index
      %get3A_1030 = arith.constant 80 : index
      %get3A_1031 = tpu.vector_load %arg13[%get3A_1029, %get3A_1030] {strides = array<i32>} : memref<2x128xi32, #tpu.memory_space<vmem>>, vector<1x16xi32>,
      %get3A_1032 = vector.shape_cast %get3A_1031 : vector<1x16xi32> to vector<16xi32>
      %mul3A_1033 = arith.constant 2 : i32
      %mul3A_1034 = vector.broadcast %mul3A_1033 : i32 to vector<16xi32>
      %mul3A_1035 = arith.muli %get3A_1032, %mul3A_1034 : vector<16xi32>
      %add3A_1036 = vector.broadcast %arg0 : i32 to vector<16xi32>
      %add3A_1037 = arith.addi %mul3A_1035, %add3A_1036 : vector<16xi32>
      %swap3A_1038 = arith.constant 80 : index
      %swap3A_1039 = tpu.vector_load %arg21[%swap3A_1038] {strides = array<i32>} : memref<128xi32, #tpu.memory_space<vmem>>, vector<16xi32>,
      %swap3A_1040 = vector.shape_cast %swap3A_1039 : vector<16xi32> to vector<16xi32>
      %swap3A_1041 = vector.shape_cast %add3A_1037 : vector<16xi32> to vector<16xi32>
      tpu.vector_store %arg21[%swap3A_1038], %swap3A_1041 {strides = array<i32>} : memref<128xi32, #tpu.memory_space<vmem>>, vector<16xi32>,
      %get3A_1042 = arith.constant 0 : i32
      %get3A_1043 = arith.index_cast %get3A_1042 : i32 to index
      %get3A_1044 = arith.constant 96 : index
      %get3A_1045 = tpu.vector_load %arg13[%get3A_1043, %get3A_1044] {strides = array<i32>} : memref<2x128xi32, #tpu.memory_space<vmem>>, vector<1x16xi32>,
      %get3A_1046 = vector.shape_cast %get3A_1045 : vector<1x16xi32> to vector<16xi32>
      %mul3A_1047 = arith.constant 2 : i32
      %mul3A_1048 = vector.broadcast %mul3A_1047 : i32 to vector<16xi32>
      %mul3A_1049 = arith.muli %get3A_1046, %mul3A_1048 : vector<16xi32>
      %add3A_1050 = vector.broadcast %arg0 : i32 to vector<16xi32>
      %add3A_1051 = arith.addi %mul3A_1049, %add3A_1050 : vector<16xi32>
      %swap3A_1052 = arith.constant 96 : index
      %swap3A_1053 = tpu.vector_load %arg21[%swap3A_1052] {strides = array<i32>} : memref<128xi32, #tpu.memory_space<vmem>>, vector<16xi32>,
      %swap3A_1054 = vector.shape_cast %swap3A_1053 : vector<16xi32> to vector<16xi32>
      %swap3A_1055 = vector.shape_cast %add3A_1051 : vector<16xi32> to vector<16xi32>
      tpu.vector_store %arg21[%swap3A_1052], %swap3A_1055 {strides = array<i32>} : memref<128xi32, #tpu.memory_space<vmem>>, vector<16xi32>,
      %get3A_1056 = arith.constant 0 : i32
      %get3A_1057 = arith.index_cast %get3A_1056 : i32 to index
      %get3A_1058 = arith.constant 112 : index
      %get3A_1059 = tpu.vector_load %arg13[%get3A_1057, %get3A_1058] {strides = array<i32>} : memref<2x128xi32, #tpu.memory_space<vmem>>, vector<1x16xi32>,
      %get3A_1060 = vector.shape_cast %get3A_1059 : vector<1x16xi32> to vector<16xi32>
      %mul3A_1061 = arith.constant 2 : i32
      %mul3A_1062 = vector.broadcast %mul3A_1061 : i32 to vector<16xi32>
      %mul3A_1063 = arith.muli %get3A_1060, %mul3A_1062 : vector<16xi32>
      %add3A_1064 = vector.broadcast %arg0 : i32 to vector<16xi32>
      %add3A_1065 = arith.addi %mul3A_1063, %add3A_1064 : vector<16xi32>
      %swap3A_1066 = arith.constant 112 : index
      %swap3A_1067 = tpu.vector_load %arg21[%swap3A_1066] {strides = array<i32>} : memref<128xi32, #tpu.memory_space<vmem>>, vector<16xi32>,
      %swap3A_1068 = vector.shape_cast %swap3A_1067 : vector<16xi32> to vector<16xi32>
      %swap3A_1069 = vector.shape_cast %add3A_1065 : vector<16xi32> to vector<16xi32>
      tpu.vector_store %arg21[%swap3A_1066], %swap3A_1069 {strides = array<i32>} : memref<128xi32, #tpu.memory_space<vmem>>, vector<16xi32>,
      %dma_start3A_1070 = arith.constant 0 : i32
      %dma_start3A_1071 = arith.constant 0 : i32
      %dma_start3A_1072 = tpu.memref_slice %arg2[%dma_start3A_1070, %dma_start3A_1071] : memref<20480x64xf32, #tpu.memory_space<hbm>> -> memref<20480x64xf32, #tpu.memory_space<hbm>>
      tpu.enqueue_indirect_dma source(%dma_start3A_1072 : memref<20480x64xf32, #tpu.memory_space<hbm>>) target(%arg22 : memref<128x64xf32, #tpu.memory_space<vmem>>) offsets(%arg14 : memref<128xi32, #tpu.memory_space<vmem>>) semaphore(%arg34 : memref<!tpu.dma_semaphore, #tpu.memory_space<semaphore_mem>>)
      %dma_start3A_1073 = arith.constant 0 : i32
      %dma_start3A_1074 = arith.constant 0 : i32
      %dma_start3A_1075 = tpu.memref_slice %arg2[%dma_start3A_1073, %dma_start3A_1074] : memref<20480x64xf32, #tpu.memory_space<hbm>> -> memref<20480x64xf32, #tpu.memory_space<hbm>>
      tpu.enqueue_indirect_dma source(%dma_start3A_1075 : memref<20480x64xf32, #tpu.memory_space<hbm>>) target(%arg23 : memref<128x64xf32, #tpu.memory_space<vmem>>) offsets(%arg15 : memref<128xi32, #tpu.memory_space<vmem>>) semaphore(%arg35 : memref<!tpu.dma_semaphore, #tpu.memory_space<semaphore_mem>>)
      %dma_start3A_1076 = arith.constant 0 : i32
      %dma_start3A_1077 = arith.constant 0 : i32
      %dma_start3A_1078 = tpu.memref_slice %arg2[%dma_start3A_1076, %dma_start3A_1077] : memref<20480x64xf32, #tpu.memory_space<hbm>> -> memref<20480x64xf32, #tpu.memory_space<hbm>>
      tpu.enqueue_indirect_dma source(%dma_start3A_1078 : memref<20480x64xf32, #tpu.memory_space<hbm>>) target(%arg24 : memref<128x64xf32, #tpu.memory_space<vmem>>) offsets(%arg16 : memref<128xi32, #tpu.memory_space<vmem>>) semaphore(%arg36 : memref<!tpu.dma_semaphore, #tpu.memory_space<semaphore_mem>>)
      %dma_start3A_1079 = arith.constant 0 : i32
      %dma_start3A_1080 = arith.constant 0 : i32
      %dma_start3A_1081 = tpu.memref_slice %arg2[%dma_start3A_1079, %dma_start3A_1080] : memref<20480x64xf32, #tpu.memory_space<hbm>> -> memref<20480x64xf32, #tpu.memory_space<hbm>>
      tpu.enqueue_indirect_dma source(%dma_start3A_1081 : memref<20480x64xf32, #tpu.memory_space<hbm>>) target(%arg25 : memref<128x64xf32, #tpu.memory_space<vmem>>) offsets(%arg17 : memref<128xi32, #tpu.memory_space<vmem>>) semaphore(%arg37 : memref<!tpu.dma_semaphore, #tpu.memory_space<semaphore_mem>>)
      %dma_start3A_1082 = arith.constant 0 : i32
      %dma_start3A_1083 = arith.constant 0 : i32
      %dma_start3A_1084 = tpu.memref_slice %arg2[%dma_start3A_1082, %dma_start3A_1083] : memref<20480x64xf32, #tpu.memory_space<hbm>> -> memref<20480x64xf32, #tpu.memory_space<hbm>>
      tpu.enqueue_indirect_dma source(%dma_start3A_1084 : memref<20480x64xf32, #tpu.memory_space<hbm>>) target(%arg26 : memref<128x64xf32, #tpu.memory_space<vmem>>) offsets(%arg18 : memref<128xi32, #tpu.memory_space<vmem>>) semaphore(%arg38 : memref<!tpu.dma_semaphore, #tpu.memory_space<semaphore_mem>>)
      %dma_start3A_1085 = arith.constant 0 : i32
      %dma_start3A_1086 = arith.constant 0 : i32
      %dma_start3A_1087 = tpu.memref_slice %arg2[%dma_start3A_1085, %dma_start3A_1086] : memref<20480x64xf32, #tpu.memory_space<hbm>> -> memref<20480x64xf32, #tpu.memory_space<hbm>>
      tpu.enqueue_indirect_dma source(%dma_start3A_1087 : memref<20480x64xf32, #tpu.memory_space<hbm>>) target(%arg27 : memref<128x64xf32, #tpu.memory_space<vmem>>) offsets(%arg19 : memref<128xi32, #tpu.memory_space<vmem>>) semaphore(%arg39 : memref<!tpu.dma_semaphore, #tpu.memory_space<semaphore_mem>>)
      %dma_start3A_1088 = arith.constant 0 : i32
      %dma_start3A_1089 = arith.constant 0 : i32
      %dma_start3A_1090 = tpu.memref_slice %arg2[%dma_start3A_1088, %dma_start3A_1089] : memref<20480x64xf32, #tpu.memory_space<hbm>> -> memref<20480x64xf32, #tpu.memory_space<hbm>>
      tpu.enqueue_indirect_dma source(%dma_start3A_1090 : memref<20480x64xf32, #tpu.memory_space<hbm>>) target(%arg28 : memref<128x64xf32, #tpu.memory_space<vmem>>) offsets(%arg20 : memref<128xi32, #tpu.memory_space<vmem>>) semaphore(%arg40 : memref<!tpu.dma_semaphore, #tpu.memory_space<semaphore_mem>>)
      %dma_start3A_1091 = arith.constant 0 : i32
      %dma_start3A_1092 = arith.constant 0 : i32
      %dma_start3A_1093 = tpu.memref_slice %arg2[%dma_start3A_1091, %dma_start3A_1092] : memref<20480x64xf32, #tpu.memory_space<hbm>> -> memref<20480x64xf32, #tpu.memory_space<hbm>>
      tpu.enqueue_indirect_dma source(%dma_start3A_1093 : memref<20480x64xf32, #tpu.memory_space<hbm>>) target(%arg29 : memref<128x64xf32, #tpu.memory_space<vmem>>) offsets(%arg21 : memref<128xi32, #tpu.memory_space<vmem>>) semaphore(%arg41 : memref<!tpu.dma_semaphore, #tpu.memory_space<semaphore_mem>>)
      %dma_wait3A_1094 = arith.constant 0 : i32
      %dma_wait3A_1095 = arith.constant 0 : i32
      %dma_wait3A_1096 = tpu.memref_slice %arg2[%dma_wait3A_1094, %dma_wait3A_1095] : memref<20480x64xf32, #tpu.memory_space<hbm>> -> memref<20480x64xf32, #tpu.memory_space<hbm>>
      tpu.wait_indirect_dma semaphore(%arg34 : memref<!tpu.dma_semaphore, #tpu.memory_space<semaphore_mem>>) src(%dma_wait3A_1096 : memref<20480x64xf32, #tpu.memory_space<hbm>>) dst(%arg22 : memref<128x64xf32, #tpu.memory_space<vmem>>)
      %dma_start3A_1097 = arith.constant 1 : i32
      %dma_start3A_1098 = arith.constant 0 : i32
      %dma_start3A_1099 = tpu.memref_slice %arg6[%dma_start3A_1097, %dma_start3A_1098] : memref<2x128xi32, #tpu.memory_space<vmem>> -> memref<1x128xi32, #tpu.memory_space<vmem>>
      %dma_start3A_1100 = tpu.memref_squeeze %dma_start3A_1099 : memref<1x128xi32, #tpu.memory_space<vmem>> -> memref<128xi32, #tpu.memory_space<vmem>>
      %dma_start3A_1101 = arith.constant 0 : i32
      %dma_start3A_1102 = arith.constant 0 : i32
      %dma_start3A_1103 = tpu.memref_slice %arg31[%dma_start3A_1101, %dma_start3A_1102] : memref<10240x64xf32, #tpu.memory_space<vmem_shared>> -> memref<10240x64xf32, #tpu.memory_space<vmem_shared>>
      tpu.enqueue_indirect_dma source(%arg22 : memref<128x64xf32, #tpu.memory_space<vmem>>) target(%dma_start3A_1103 : memref<10240x64xf32, #tpu.memory_space<vmem_shared>>) offsets(%dma_start3A_1100 : memref<128xi32, #tpu.memory_space<vmem>>) semaphore(%arg33 : memref<!tpu.dma_semaphore, #tpu.memory_space<semaphore_mem>>) {add = true}
      %dma_wait3A_1104 = arith.constant 0 : i32
      %dma_wait3A_1105 = arith.constant 0 : i32
      %dma_wait3A_1106 = tpu.memref_slice %arg2[%dma_wait3A_1104, %dma_wait3A_1105] : memref<20480x64xf32, #tpu.memory_space<hbm>> -> memref<20480x64xf32, #tpu.memory_space<hbm>>
      tpu.wait_indirect_dma semaphore(%arg35 : memref<!tpu.dma_semaphore, #tpu.memory_space<semaphore_mem>>) src(%dma_wait3A_1106 : memref<20480x64xf32, #tpu.memory_space<hbm>>) dst(%arg23 : memref<128x64xf32, #tpu.memory_space<vmem>>)
      %dma_start3A_1107 = arith.constant 1 : i32
      %dma_start3A_1108 = arith.constant 0 : i32
      %dma_start3A_1109 = tpu.memref_slice %arg7[%dma_start3A_1107, %dma_start3A_1108] : memref<2x128xi32, #tpu.memory_space<vmem>> -> memref<1x128xi32, #tpu.memory_space<vmem>>
      %dma_start3A_1110 = tpu.memref_squeeze %dma_start3A_1109 : memref<1x128xi32, #tpu.memory_space<vmem>> -> memref<128xi32, #tpu.memory_space<vmem>>
      %dma_start3A_1111 = arith.constant 0 : i32
      %dma_start3A_1112 = arith.constant 0 : i32
      %dma_start3A_1113 = tpu.memref_slice %arg31[%dma_start3A_1111, %dma_start3A_1112] : memref<10240x64xf32, #tpu.memory_space<vmem_shared>> -> memref<10240x64xf32, #tpu.memory_space<vmem_shared>>
      tpu.enqueue_indirect_dma source(%arg23 : memref<128x64xf32, #tpu.memory_space<vmem>>) target(%dma_start3A_1113 : memref<10240x64xf32, #tpu.memory_space<vmem_shared>>) offsets(%dma_start3A_1110 : memref<128xi32, #tpu.memory_space<vmem>>) semaphore(%arg33 : memref<!tpu.dma_semaphore, #tpu.memory_space<semaphore_mem>>) {add = true}
      %dma_wait3A_1114 = arith.constant 0 : i32
      %dma_wait3A_1115 = arith.constant 0 : i32
      %dma_wait3A_1116 = tpu.memref_slice %arg2[%dma_wait3A_1114, %dma_wait3A_1115] : memref<20480x64xf32, #tpu.memory_space<hbm>> -> memref<20480x64xf32, #tpu.memory_space<hbm>>
      tpu.wait_indirect_dma semaphore(%arg36 : memref<!tpu.dma_semaphore, #tpu.memory_space<semaphore_mem>>) src(%dma_wait3A_1116 : memref<20480x64xf32, #tpu.memory_space<hbm>>) dst(%arg24 : memref<128x64xf32, #tpu.memory_space<vmem>>)
      %dma_start3A_1117 = arith.constant 1 : i32
      %dma_start3A_1118 = arith.constant 0 : i32
      %dma_start3A_1119 = tpu.memref_slice %arg8[%dma_start3A_1117, %dma_start3A_1118] : memref<2x128xi32, #tpu.memory_space<vmem>> -> memref<1x128xi32, #tpu.memory_space<vmem>>
      %dma_start3A_1120 = tpu.memref_squeeze %dma_start3A_1119 : memref<1x128xi32, #tpu.memory_space<vmem>> -> memref<128xi32, #tpu.memory_space<vmem>>
      %dma_start3A_1121 = arith.constant 0 : i32
      %dma_start3A_1122 = arith.constant 0 : i32
      %dma_start3A_1123 = tpu.memref_slice %arg31[%dma_start3A_1121, %dma_start3A_1122] : memref<10240x64xf32, #tpu.memory_space<vmem_shared>> -> memref<10240x64xf32, #tpu.memory_space<vmem_shared>>
      tpu.enqueue_indirect_dma source(%arg24 : memref<128x64xf32, #tpu.memory_space<vmem>>) target(%dma_start3A_1123 : memref<10240x64xf32, #tpu.memory_space<vmem_shared>>) offsets(%dma_start3A_1120 : memref<128xi32, #tpu.memory_space<vmem>>) semaphore(%arg33 : memref<!tpu.dma_semaphore, #tpu.memory_space<semaphore_mem>>) {add = true}
      %dma_wait3A_1124 = arith.constant 0 : i32
      %dma_wait3A_1125 = arith.constant 0 : i32
      %dma_wait3A_1126 = tpu.memref_slice %arg2[%dma_wait3A_1124, %dma_wait3A_1125] : memref<20480x64xf32, #tpu.memory_space<hbm>> -> memref<20480x64xf32, #tpu.memory_space<hbm>>
      tpu.wait_indirect_dma semaphore(%arg37 : memref<!tpu.dma_semaphore, #tpu.memory_space<semaphore_mem>>) src(%dma_wait3A_1126 : memref<20480x64xf32, #tpu.memory_space<hbm>>) dst(%arg25 : memref<128x64xf32, #tpu.memory_space<vmem>>)
      %dma_start3A_1127 = arith.constant 1 : i32
      %dma_start3A_1128 = arith.constant 0 : i32
      %dma_start3A_1129 = tpu.memref_slice %arg9[%dma_start3A_1127, %dma_start3A_1128] : memref<2x128xi32, #tpu.memory_space<vmem>> -> memref<1x128xi32, #tpu.memory_space<vmem>>
      %dma_start3A_1130 = tpu.memref_squeeze %dma_start3A_1129 : memref<1x128xi32, #tpu.memory_space<vmem>> -> memref<128xi32, #tpu.memory_space<vmem>>
      %dma_start3A_1131 = arith.constant 0 : i32
      %dma_start3A_1132 = arith.constant 0 : i32
      %dma_start3A_1133 = tpu.memref_slice %arg31[%dma_start3A_1131, %dma_start3A_1132] : memref<10240x64xf32, #tpu.memory_space<vmem_shared>> -> memref<10240x64xf32, #tpu.memory_space<vmem_shared>>
      tpu.enqueue_indirect_dma source(%arg25 : memref<128x64xf32, #tpu.memory_space<vmem>>) target(%dma_start3A_1133 : memref<10240x64xf32, #tpu.memory_space<vmem_shared>>) offsets(%dma_start3A_1130 : memref<128xi32, #tpu.memory_space<vmem>>) semaphore(%arg33 : memref<!tpu.dma_semaphore, #tpu.memory_space<semaphore_mem>>) {add = true}
      %dma_wait3A_1134 = arith.constant 0 : i32
      %dma_wait3A_1135 = arith.constant 0 : i32
      %dma_wait3A_1136 = tpu.memref_slice %arg2[%dma_wait3A_1134, %dma_wait3A_1135] : memref<20480x64xf32, #tpu.memory_space<hbm>> -> memref<20480x64xf32, #tpu.memory_space<hbm>>
      tpu.wait_indirect_dma semaphore(%arg38 : memref<!tpu.dma_semaphore, #tpu.memory_space<semaphore_mem>>) src(%dma_wait3A_1136 : memref<20480x64xf32, #tpu.memory_space<hbm>>) dst(%arg26 : memref<128x64xf32, #tpu.memory_space<vmem>>)
      %dma_start3A_1137 = arith.constant 1 : i32
      %dma_start3A_1138 = arith.constant 0 : i32
      %dma_start3A_1139 = tpu.memref_slice %arg10[%dma_start3A_1137, %dma_start3A_1138] : memref<2x128xi32, #tpu.memory_space<vmem>> -> memref<1x128xi32, #tpu.memory_space<vmem>>
      %dma_start3A_1140 = tpu.memref_squeeze %dma_start3A_1139 : memref<1x128xi32, #tpu.memory_space<vmem>> -> memref<128xi32, #tpu.memory_space<vmem>>
      %dma_start3A_1141 = arith.constant 0 : i32
      %dma_start3A_1142 = arith.constant 0 : i32
      %dma_start3A_1143 = tpu.memref_slice %arg31[%dma_start3A_1141, %dma_start3A_1142] : memref<10240x64xf32, #tpu.memory_space<vmem_shared>> -> memref<10240x64xf32, #tpu.memory_space<vmem_shared>>
      tpu.enqueue_indirect_dma source(%arg26 : memref<128x64xf32, #tpu.memory_space<vmem>>) target(%dma_start3A_1143 : memref<10240x64xf32, #tpu.memory_space<vmem_shared>>) offsets(%dma_start3A_1140 : memref<128xi32, #tpu.memory_space<vmem>>) semaphore(%arg33 : memref<!tpu.dma_semaphore, #tpu.memory_space<semaphore_mem>>) {add = true}
      %dma_wait3A_1144 = arith.constant 0 : i32
      %dma_wait3A_1145 = arith.constant 0 : i32
      %dma_wait3A_1146 = tpu.memref_slice %arg2[%dma_wait3A_1144, %dma_wait3A_1145] : memref<20480x64xf32, #tpu.memory_space<hbm>> -> memref<20480x64xf32, #tpu.memory_space<hbm>>
      tpu.wait_indirect_dma semaphore(%arg39 : memref<!tpu.dma_semaphore, #tpu.memory_space<semaphore_mem>>) src(%dma_wait3A_1146 : memref<20480x64xf32, #tpu.memory_space<hbm>>) dst(%arg27 : memref<128x64xf32, #tpu.memory_space<vmem>>)
      %dma_start3A_1147 = arith.constant 1 : i32
      %dma_start3A_1148 = arith.constant 0 : i32
      %dma_start3A_1149 = tpu.memref_slice %arg11[%dma_start3A_1147, %dma_start3A_1148] : memref<2x128xi32, #tpu.memory_space<vmem>> -> memref<1x128xi32, #tpu.memory_space<vmem>>
      %dma_start3A_1150 = tpu.memref_squeeze %dma_start3A_1149 : memref<1x128xi32, #tpu.memory_space<vmem>> -> memref<128xi32, #tpu.memory_space<vmem>>
      %dma_start3A_1151 = arith.constant 0 : i32
      %dma_start3A_1152 = arith.constant 0 : i32
      %dma_start3A_1153 = tpu.memref_slice %arg31[%dma_start3A_1151, %dma_start3A_1152] : memref<10240x64xf32, #tpu.memory_space<vmem_shared>> -> memref<10240x64xf32, #tpu.memory_space<vmem_shared>>
      tpu.enqueue_indirect_dma source(%arg27 : memref<128x64xf32, #tpu.memory_space<vmem>>) target(%dma_start3A_1153 : memref<10240x64xf32, #tpu.memory_space<vmem_shared>>) offsets(%dma_start3A_1150 : memref<128xi32, #tpu.memory_space<vmem>>) semaphore(%arg33 : memref<!tpu.dma_semaphore, #tpu.memory_space<semaphore_mem>>) {add = true}
      %dma_wait3A_1154 = arith.constant 0 : i32
      %dma_wait3A_1155 = arith.constant 0 : i32
      %dma_wait3A_1156 = tpu.memref_slice %arg2[%dma_wait3A_1154, %dma_wait3A_1155] : memref<20480x64xf32, #tpu.memory_space<hbm>> -> memref<20480x64xf32, #tpu.memory_space<hbm>>
      tpu.wait_indirect_dma semaphore(%arg40 : memref<!tpu.dma_semaphore, #tpu.memory_space<semaphore_mem>>) src(%dma_wait3A_1156 : memref<20480x64xf32, #tpu.memory_space<hbm>>) dst(%arg28 : memref<128x64xf32, #tpu.memory_space<vmem>>)
      %dma_start3A_1157 = arith.constant 1 : i32
      %dma_start3A_1158 = arith.constant 0 : i32
      %dma_start3A_1159 = tpu.memref_slice %arg12[%dma_start3A_1157, %dma_start3A_1158] : memref<2x128xi32, #tpu.memory_space<vmem>> -> memref<1x128xi32, #tpu.memory_space<vmem>>
      %dma_start3A_1160 = tpu.memref_squeeze %dma_start3A_1159 : memref<1x128xi32, #tpu.memory_space<vmem>> -> memref<128xi32, #tpu.memory_space<vmem>>
      %dma_start3A_1161 = arith.constant 0 : i32
      %dma_start3A_1162 = arith.constant 0 : i32
      %dma_start3A_1163 = tpu.memref_slice %arg31[%dma_start3A_1161, %dma_start3A_1162] : memref<10240x64xf32, #tpu.memory_space<vmem_shared>> -> memref<10240x64xf32, #tpu.memory_space<vmem_shared>>
      tpu.enqueue_indirect_dma source(%arg28 : memref<128x64xf32, #tpu.memory_space<vmem>>) target(%dma_start3A_1163 : memref<10240x64xf32, #tpu.memory_space<vmem_shared>>) offsets(%dma_start3A_1160 : memref<128xi32, #tpu.memory_space<vmem>>) semaphore(%arg33 : memref<!tpu.dma_semaphore, #tpu.memory_space<semaphore_mem>>) {add = true}
      %dma_wait3A_1164 = arith.constant 0 : i32
      %dma_wait3A_1165 = arith.constant 0 : i32
      %dma_wait3A_1166 = tpu.memref_slice %arg2[%dma_wait3A_1164, %dma_wait3A_1165] : memref<20480x64xf32, #tpu.memory_space<hbm>> -> memref<20480x64xf32, #tpu.memory_space<hbm>>
      tpu.wait_indirect_dma semaphore(%arg41 : memref<!tpu.dma_semaphore, #tpu.memory_space<semaphore_mem>>) src(%dma_wait3A_1166 : memref<20480x64xf32, #tpu.memory_space<hbm>>) dst(%arg29 : memref<128x64xf32, #tpu.memory_space<vmem>>)
      %dma_start3A_1167 = arith.constant 1 : i32
      %dma_start3A_1168 = arith.constant 0 : i32
      %dma_start3A_1169 = tpu.memref_slice %arg13[%dma_start3A_1167, %dma_start3A_1168] : memref<2x128xi32, #tpu.memory_space<vmem>> -> memref<1x128xi32, #tpu.memory_space<vmem>>
      %dma_start3A_1170 = tpu.memref_squeeze %dma_start3A_1169 : memref<1x128xi32, #tpu.memory_space<vmem>> -> memref<128xi32, #tpu.memory_space<vmem>>
      %dma_start3A_1171 = arith.constant 0 : i32
      %dma_start3A_1172 = arith.constant 0 : i32
      %dma_start3A_1173 = tpu.memref_slice %arg31[%dma_start3A_1171, %dma_start3A_1172] : memref<10240x64xf32, #tpu.memory_space<vmem_shared>> -> memref<10240x64xf32, #tpu.memory_space<vmem_shared>>
      tpu.enqueue_indirect_dma source(%arg29 : memref<128x64xf32, #tpu.memory_space<vmem>>) target(%dma_start3A_1173 : memref<10240x64xf32, #tpu.memory_space<vmem_shared>>) offsets(%dma_start3A_1170 : memref<128xi32, #tpu.memory_space<vmem>>) semaphore(%arg33 : memref<!tpu.dma_semaphore, #tpu.memory_space<semaphore_mem>>) {add = true}
      %dma_wait3A_1174 = arith.constant 1 : i32
      %dma_wait3A_1175 = arith.constant 0 : i32
      %dma_wait3A_1176 = tpu.memref_slice %arg6[%dma_wait3A_1174, %dma_wait3A_1175] : memref<2x128xi32, #tpu.memory_space<vmem>> -> memref<1x128xi32, #tpu.memory_space<vmem>>
      %dma_wait3A_1177 = tpu.memref_squeeze %dma_wait3A_1176 : memref<1x128xi32, #tpu.memory_space<vmem>> -> memref<128xi32, #tpu.memory_space<vmem>>
      %dma_wait3A_1178 = arith.constant 0 : i32
      %dma_wait3A_1179 = arith.constant 0 : i32
      %dma_wait3A_1180 = tpu.memref_slice %arg31[%dma_wait3A_1178, %dma_wait3A_1179] : memref<10240x64xf32, #tpu.memory_space<vmem_shared>> -> memref<10240x64xf32, #tpu.memory_space<vmem_shared>>
      tpu.wait_indirect_dma semaphore(%arg33 : memref<!tpu.dma_semaphore, #tpu.memory_space<semaphore_mem>>) src(%arg22 : memref<128x64xf32, #tpu.memory_space<vmem>>) dst(%dma_wait3A_1180 : memref<10240x64xf32, #tpu.memory_space<vmem_shared>>)
      %dma_wait3A_1181 = arith.constant 1 : i32
      %dma_wait3A_1182 = arith.constant 0 : i32
      %dma_wait3A_1183 = tpu.memref_slice %arg7[%dma_wait3A_1181, %dma_wait3A_1182] : memref<2x128xi32, #tpu.memory_space<vmem>> -> memref<1x128xi32, #tpu.memory_space<vmem>>
      %dma_wait3A_1184 = tpu.memref_squeeze %dma_wait3A_1183 : memref<1x128xi32, #tpu.memory_space<vmem>> -> memref<128xi32, #tpu.memory_space<vmem>>
      %dma_wait3A_1185 = arith.constant 0 : i32
      %dma_wait3A_1186 = arith.constant 0 : i32
      %dma_wait3A_1187 = tpu.memref_slice %arg31[%dma_wait3A_1185, %dma_wait3A_1186] : memref<10240x64xf32, #tpu.memory_space<vmem_shared>> -> memref<10240x64xf32, #tpu.memory_space<vmem_shared>>
      tpu.wait_indirect_dma semaphore(%arg33 : memref<!tpu.dma_semaphore, #tpu.memory_space<semaphore_mem>>) src(%arg23 : memref<128x64xf32, #tpu.memory_space<vmem>>) dst(%dma_wait3A_1187 : memref<10240x64xf32, #tpu.memory_space<vmem_shared>>)
      %dma_wait3A_1188 = arith.constant 1 : i32
      %dma_wait3A_1189 = arith.constant 0 : i32
      %dma_wait3A_1190 = tpu.memref_slice %arg8[%dma_wait3A_1188, %dma_wait3A_1189] : memref<2x128xi32, #tpu.memory_space<vmem>> -> memref<1x128xi32, #tpu.memory_space<vmem>>
      %dma_wait3A_1191 = tpu.memref_squeeze %dma_wait3A_1190 : memref<1x128xi32, #tpu.memory_space<vmem>> -> memref<128xi32, #tpu.memory_space<vmem>>
      %dma_wait3A_1192 = arith.constant 0 : i32
      %dma_wait3A_1193 = arith.constant 0 : i32
      %dma_wait3A_1194 = tpu.memref_slice %arg31[%dma_wait3A_1192, %dma_wait3A_1193] : memref<10240x64xf32, #tpu.memory_space<vmem_shared>> -> memref<10240x64xf32, #tpu.memory_space<vmem_shared>>
      tpu.wait_indirect_dma semaphore(%arg33 : memref<!tpu.dma_semaphore, #tpu.memory_space<semaphore_mem>>) src(%arg24 : memref<128x64xf32, #tpu.memory_space<vmem>>) dst(%dma_wait3A_1194 : memref<10240x64xf32, #tpu.memory_space<vmem_shared>>)
      %dma_wait3A_1195 = arith.constant 1 : i32
      %dma_wait3A_1196 = arith.constant 0 : i32
      %dma_wait3A_1197 = tpu.memref_slice %arg9[%dma_wait3A_1195, %dma_wait3A_1196] : memref<2x128xi32, #tpu.memory_space<vmem>> -> memref<1x128xi32, #tpu.memory_space<vmem>>
      %dma_wait3A_1198 = tpu.memref_squeeze %dma_wait3A_1197 : memref<1x128xi32, #tpu.memory_space<vmem>> -> memref<128xi32, #tpu.memory_space<vmem>>
      %dma_wait3A_1199 = arith.constant 0 : i32
      %dma_wait3A_1200 = arith.constant 0 : i32
      %dma_wait3A_1201 = tpu.memref_slice %arg31[%dma_wait3A_1199, %dma_wait3A_1200] : memref<10240x64xf32, #tpu.memory_space<vmem_shared>> -> memref<10240x64xf32, #tpu.memory_space<vmem_shared>>
      tpu.wait_indirect_dma semaphore(%arg33 : memref<!tpu.dma_semaphore, #tpu.memory_space<semaphore_mem>>) src(%arg25 : memref<128x64xf32, #tpu.memory_space<vmem>>) dst(%dma_wait3A_1201 : memref<10240x64xf32, #tpu.memory_space<vmem_shared>>)
      %dma_wait3A_1202 = arith.constant 1 : i32
      %dma_wait3A_1203 = arith.constant 0 : i32
      %dma_wait3A_1204 = tpu.memref_slice %arg10[%dma_wait3A_1202, %dma_wait3A_1203] : memref<2x128xi32, #tpu.memory_space<vmem>> -> memref<1x128xi32, #tpu.memory_space<vmem>>
      %dma_wait3A_1205 = tpu.memref_squeeze %dma_wait3A_1204 : memref<1x128xi32, #tpu.memory_space<vmem>> -> memref<128xi32, #tpu.memory_space<vmem>>
      %dma_wait3A_1206 = arith.constant 0 : i32
      %dma_wait3A_1207 = arith.constant 0 : i32
      %dma_wait3A_1208 = tpu.memref_slice %arg31[%dma_wait3A_1206, %dma_wait3A_1207] : memref<10240x64xf32, #tpu.memory_space<vmem_shared>> -> memref<10240x64xf32, #tpu.memory_space<vmem_shared>>
      tpu.wait_indirect_dma semaphore(%arg33 : memref<!tpu.dma_semaphore, #tpu.memory_space<semaphore_mem>>) src(%arg26 : memref<128x64xf32, #tpu.memory_space<vmem>>) dst(%dma_wait3A_1208 : memref<10240x64xf32, #tpu.memory_space<vmem_shared>>)
      %dma_wait3A_1209 = arith.constant 1 : i32
      %dma_wait3A_1210 = arith.constant 0 : i32
      %dma_wait3A_1211 = tpu.memref_slice %arg11[%dma_wait3A_1209, %dma_wait3A_1210] : memref<2x128xi32, #tpu.memory_space<vmem>> -> memref<1x128xi32, #tpu.memory_space<vmem>>
      %dma_wait3A_1212 = tpu.memref_squeeze %dma_wait3A_1211 : memref<1x128xi32, #tpu.memory_space<vmem>> -> memref<128xi32, #tpu.memory_space<vmem>>
      %dma_wait3A_1213 = arith.constant 0 : i32
      %dma_wait3A_1214 = arith.constant 0 : i32
      %dma_wait3A_1215 = tpu.memref_slice %arg31[%dma_wait3A_1213, %dma_wait3A_1214] : memref<10240x64xf32, #tpu.memory_space<vmem_shared>> -> memref<10240x64xf32, #tpu.memory_space<vmem_shared>>
      tpu.wait_indirect_dma semaphore(%arg33 : memref<!tpu.dma_semaphore, #tpu.memory_space<semaphore_mem>>) src(%arg27 : memref<128x64xf32, #tpu.memory_space<vmem>>) dst(%dma_wait3A_1215 : memref<10240x64xf32, #tpu.memory_space<vmem_shared>>)
      %dma_wait3A_1216 = arith.constant 1 : i32
      %dma_wait3A_1217 = arith.constant 0 : i32
      %dma_wait3A_1218 = tpu.memref_slice %arg12[%dma_wait3A_1216, %dma_wait3A_1217] : memref<2x128xi32, #tpu.memory_space<vmem>> -> memref<1x128xi32, #tpu.memory_space<vmem>>
      %dma_wait3A_1219 = tpu.memref_squeeze %dma_wait3A_1218 : memref<1x128xi32, #tpu.memory_space<vmem>> -> memref<128xi32, #tpu.memory_space<vmem>>
      %dma_wait3A_1220 = arith.constant 0 : i32
      %dma_wait3A_1221 = arith.constant 0 : i32
      %dma_wait3A_1222 = tpu.memref_slice %arg31[%dma_wait3A_1220, %dma_wait3A_1221] : memref<10240x64xf32, #tpu.memory_space<vmem_shared>> -> memref<10240x64xf32, #tpu.memory_space<vmem_shared>>
      tpu.wait_indirect_dma semaphore(%arg33 : memref<!tpu.dma_semaphore, #tpu.memory_space<semaphore_mem>>) src(%arg28 : memref<128x64xf32, #tpu.memory_space<vmem>>) dst(%dma_wait3A_1222 : memref<10240x64xf32, #tpu.memory_space<vmem_shared>>)
      %dma_wait3A_1223 = arith.constant 1 : i32
      %dma_wait3A_1224 = arith.constant 0 : i32
      %dma_wait3A_1225 = tpu.memref_slice %arg13[%dma_wait3A_1223, %dma_wait3A_1224] : memref<2x128xi32, #tpu.memory_space<vmem>> -> memref<1x128xi32, #tpu.memory_space<vmem>>
      %dma_wait3A_1226 = tpu.memref_squeeze %dma_wait3A_1225 : memref<1x128xi32, #tpu.memory_space<vmem>> -> memref<128xi32, #tpu.memory_space<vmem>>
      %dma_wait3A_1227 = arith.constant 0 : i32
      %dma_wait3A_1228 = arith.constant 0 : i32
      %dma_wait3A_1229 = tpu.memref_slice %arg31[%dma_wait3A_1227, %dma_wait3A_1228] : memref<10240x64xf32, #tpu.memory_space<vmem_shared>> -> memref<10240x64xf32, #tpu.memory_space<vmem_shared>>
      tpu.wait_indirect_dma semaphore(%arg33 : memref<!tpu.dma_semaphore, #tpu.memory_space<semaphore_mem>>) src(%arg29 : memref<128x64xf32, #tpu.memory_space<vmem>>) dst(%dma_wait3A_1229 : memref<10240x64xf32, #tpu.memory_space<vmem_shared>>)
    }
    %scan3A_22 = arith.constant 20 : i32
    %barrier3A_23 = arith.constant 0 : index
    tpu.barrier barrier_id(%barrier3A_23)
    %mul3A_24 = arith.constant 640 : i32
    %mul3A_25 = arith.muli %arg1, %mul3A_24 : i32
    %mul3A_26 = arith.constant 64 : i32
    %mul3A_27 = arith.muli %arg0, %mul3A_26 : i32
    "tpu.region"() ({
      %run_scoped3A = tpu.sem_alloc : memref<!tpu.dma_semaphore, #tpu.memory_space<semaphore_mem>>
      %dma_start3A = tpu.memref_slice %arg5[%mul3A_25, %mul3A_27] : memref<10240x128xf32, #tpu.memory_space<hbm>> -> memref<640x64xf32, #tpu.memory_space<hbm>>
      %dma_start3A_28 = arith.constant 0 : i32
      %dma_start3A_29 = tpu.memref_slice %arg31[%mul3A_25, %dma_start3A_28] : memref<10240x64xf32, #tpu.memory_space<vmem_shared>> -> memref<640x64xf32, #tpu.memory_space<vmem_shared>>
      tpu.enqueue_dma source(%dma_start3A_29 : memref<640x64xf32, #tpu.memory_space<vmem_shared>>) target(%dma_start3A : memref<640x64xf32, #tpu.memory_space<hbm>>) target_semaphore(%run_scoped3A : memref<!tpu.dma_semaphore, #tpu.memory_space<semaphore_mem>>)
      %dma_wait3A = tpu.memref_slice %arg5[%mul3A_25, %mul3A_27] : memref<10240x128xf32, #tpu.memory_space<hbm>> -> memref<640x64xf32, #tpu.memory_space<hbm>>
      %dma_wait3A_30 = arith.constant 0 : i32
      %dma_wait3A_31 = tpu.memref_slice %arg31[%mul3A_25, %dma_wait3A_30] : memref<10240x64xf32, #tpu.memory_space<vmem_shared>> -> memref<640x64xf32, #tpu.memory_space<vmem_shared>>
      tpu.wait_dma2 semaphore(%run_scoped3A : memref<!tpu.dma_semaphore, #tpu.memory_space<semaphore_mem>>) src(%dma_wait3A_31 : memref<640x64xf32, #tpu.memory_space<vmem_shared>>) dst(%dma_wait3A : memref<640x64xf32, #tpu.memory_space<hbm>>)
      tpu.yield
    }) : () -> ()
    return
  }
}

module attributes {stable_mosaic.version = 14 : i64} {
  func.func @body(%arg0: i32, %arg1: memref<1024x128xf32, #tpu.memory_space<vmem>>, %arg2: memref<2x2x1024x8xf32, #tpu.memory_space<vmem>>, %arg3: memref<1024x128xf32, #tpu.memory_space<vmem>>, %arg4: memref<1024x128xf32, #tpu.memory_space<vmem>>, %arg5: memref<1024x128xf32, #tpu.memory_space<vmem>>) attributes {dimension_semantics = [#tpu.dimension_semantics<arbitrary>], iteration_bounds = array<i64: 10>, scalar_prefetch = 0 : i64, scratch_operands = 0 : i64, tpu.core_type = #tpu.core_type<tc>, window_params = [{transform_indices = @transform_0, window_bounds = array<i64: 1024, 128>}, {transform_indices = @transform_1, window_bounds = array<i64: 2, 2, 1024, 8>}, {transform_indices = @transform_2, window_bounds = array<i64: 1024, 128>}, {transform_indices = @transform_3, window_bounds = array<i64: 1024, 128>}, {transform_indices = @transform_4, window_bounds = array<i64: 1024, 128>}]} {
    %get3A = arith.constant 0 : index
    %get3A_0 = arith.constant 0 : index
    %get3A_1 = arith.constant 0 : index
    %get3A_2 = arith.constant 0 : index
    %get3A_3 = vector.load %arg2[%get3A, %get3A_0, %get3A_1, %get3A_2] : memref<2x2x1024x8xf32, #tpu.memory_space<vmem>>, vector<2x2x1024x8xf32>
    %slice3A = vector.extract_strided_slice %get3A_3 {offsets = [0, 0, 0, 0], sizes = [1, 1, 1024, 8], strides = [1, 1, 1, 1]} : vector<2x2x1024x8xf32> to vector<1x1x1024x8xf32>
    %squeeze3A = vector.shape_cast %slice3A : vector<1x1x1024x8xf32> to vector<1024x8xf32>
    %slice3A_4 = vector.extract_strided_slice %get3A_3 {offsets = [1, 0, 0, 0], sizes = [1, 1, 1024, 8], strides = [1, 1, 1, 1]} : vector<2x2x1024x8xf32> to vector<1x1x1024x8xf32>
    %squeeze3A_5 = vector.shape_cast %slice3A_4 : vector<1x1x1024x8xf32> to vector<1024x8xf32>
    %add3A = arith.addf %squeeze3A, %squeeze3A_5 : vector<1024x8xf32>
    %slice3A_6 = vector.extract_strided_slice %get3A_3 {offsets = [0, 1, 0, 0], sizes = [1, 1, 1024, 8], strides = [1, 1, 1, 1]} : vector<2x2x1024x8xf32> to vector<1x1x1024x8xf32>
    %squeeze3A_7 = vector.shape_cast %slice3A_6 : vector<1x1x1024x8xf32> to vector<1024x8xf32>
    %slice3A_8 = vector.extract_strided_slice %get3A_3 {offsets = [1, 1, 0, 0], sizes = [1, 1, 1024, 8], strides = [1, 1, 1, 1]} : vector<2x2x1024x8xf32> to vector<1x1x1024x8xf32>
    %squeeze3A_9 = vector.shape_cast %slice3A_8 : vector<1x1x1024x8xf32> to vector<1024x8xf32>
    %add3A_10 = arith.addf %squeeze3A_7, %squeeze3A_9 : vector<1024x8xf32>
    %gt3A = arith.constant 0.000000e+00 : f32
    %gt3A_11 = vector.broadcast %gt3A : f32 to vector<1024x8xf32>
    %gt3A_12 = arith.cmpf ogt, %add3A, %gt3A_11 : vector<1024x8xf32>
    %jit3A = arith.constant 1.000000e+00 : f32
    %broadcast_in_dim3A = vector.broadcast %jit3A : f32 to vector<1024x8xf32>
    %select_n3A = arith.select %gt3A_12, %add3A, %broadcast_in_dim3A : vector<1024x8xi1>, vector<1024x8xf32>
    %rsqrt3A = math.rsqrt %select_n3A : vector<1024x8xf32>
    %slice3A_13 = vector.extract_strided_slice %rsqrt3A {offsets = [0, 0], sizes = [1024, 1], strides = [1, 1]} : vector<1024x8xf32> to vector<1024x1xf32>
    %gt3A_14 = arith.constant 0.000000e+00 : f32
    %gt3A_15 = vector.broadcast %gt3A_14 : f32 to vector<1024x8xf32>
    %gt3A_16 = arith.cmpf ogt, %add3A_10, %gt3A_15 : vector<1024x8xf32>
    %jit3A_17 = arith.constant 1.000000e+00 : f32
    %broadcast_in_dim3A_18 = vector.broadcast %jit3A_17 : f32 to vector<1024x8xf32>
    %select_n3A_19 = arith.select %gt3A_16, %add3A_10, %broadcast_in_dim3A_18 : vector<1024x8xi1>, vector<1024x8xf32>
    %rsqrt3A_20 = math.rsqrt %select_n3A_19 : vector<1024x8xf32>
    %slice3A_21 = vector.extract_strided_slice %rsqrt3A_20 {offsets = [0, 0], sizes = [1024, 1], strides = [1, 1]} : vector<1024x8xf32> to vector<1024x1xf32>
    %get3A_22 = arith.constant 0 : index
    %get3A_23 = arith.constant 0 : index
    %get3A_24 = vector.load %arg1[%get3A_22, %get3A_23] : memref<1024x128xf32, #tpu.memory_space<vmem>>, vector<1024x128xf32>
    %mul3A = vector.broadcast %slice3A_13 : vector<1024x1xf32> to vector<1024x128xf32>
    %mul3A_25 = arith.mulf %get3A_24, %mul3A : vector<1024x128xf32>
    %swap3A = arith.constant 0 : index
    %swap3A_26 = arith.constant 0 : index
    %swap3A_27 = vector.load %arg3[%swap3A, %swap3A_26] : memref<1024x128xf32, #tpu.memory_space<vmem>>, vector<1024x128xf32>
    tpu.vector_store %arg3[%swap3A, %swap3A_26], %mul3A_25 {strides = array<i32>} : memref<1024x128xf32, #tpu.memory_space<vmem>>, vector<1024x128xf32>,
    %broadcast_in_dim3A_28 = vector.shape_cast %slice3A_13 : vector<1024x1xf32> to vector<1024x1xf32>
    %broadcast_in_dim3A_29 = vector.broadcast %broadcast_in_dim3A_28 : vector<1024x1xf32> to vector<1024x128xf32>
    %swap3A_30 = arith.constant 0 : index
    %swap3A_31 = arith.constant 0 : index
    %swap3A_32 = vector.load %arg4[%swap3A_30, %swap3A_31] : memref<1024x128xf32, #tpu.memory_space<vmem>>, vector<1024x128xf32>
    tpu.vector_store %arg4[%swap3A_30, %swap3A_31], %broadcast_in_dim3A_29 {strides = array<i32>} : memref<1024x128xf32, #tpu.memory_space<vmem>>, vector<1024x128xf32>,
    %broadcast_in_dim3A_33 = vector.shape_cast %slice3A_21 : vector<1024x1xf32> to vector<1024x1xf32>
    %broadcast_in_dim3A_34 = vector.broadcast %broadcast_in_dim3A_33 : vector<1024x1xf32> to vector<1024x128xf32>
    %swap3A_35 = arith.constant 0 : index
    %swap3A_36 = arith.constant 0 : index
    %swap3A_37 = vector.load %arg5[%swap3A_35, %swap3A_36] : memref<1024x128xf32, #tpu.memory_space<vmem>>, vector<1024x128xf32>
    tpu.vector_store %arg5[%swap3A_35, %swap3A_36], %broadcast_in_dim3A_34 {strides = array<i32>} : memref<1024x128xf32, #tpu.memory_space<vmem>>, vector<1024x128xf32>,
    return
  }
  func.func @transform_0(%arg0: i32) -> (i32, i32) {
    %c0_i32 = arith.constant 0 : i32
    %c0_i32_0 = arith.constant 0 : i32
    return %arg0, %c0_i32 : i32, i32
  }
  func.func @transform_1(%arg0: i32) -> (i32, i32, i32, i32) {
    %c0_i32 = arith.constant 0 : i32
    %c0_i32_0 = arith.constant 0 : i32
    %c0_i32_1 = arith.constant 0 : i32
    %c0_i32_2 = arith.constant 0 : i32
    return %c0_i32, %c0_i32_0, %arg0, %c0_i32_1 : i32, i32, i32, i32
  }
  func.func @transform_2(%arg0: i32) -> (i32, i32) {
    %c0_i32 = arith.constant 0 : i32
    %c0_i32_0 = arith.constant 0 : i32
    return %arg0, %c0_i32 : i32, i32
  }
  func.func @transform_3(%arg0: i32) -> (i32, i32) {
    %c0_i32 = arith.constant 0 : i32
    %c0_i32_0 = arith.constant 0 : i32
    return %arg0, %c0_i32 : i32, i32
  }
  func.func @transform_4(%arg0: i32) -> (i32, i32) {
    %c0_i32 = arith.constant 0 : i32
    %c0_i32_0 = arith.constant 0 : i32
    return %arg0, %c0_i32 : i32, i32
  }
}

module attributes {stable_mosaic.version = 14 : i64} {
  func.func @body(%arg0: i32, %arg1: memref<1024x128xf32, #tpu.memory_space<vmem>>, %arg2: memref<1024x128xf32, #tpu.memory_space<vmem>>, %arg3: memref<1024x128xf32, #tpu.memory_space<vmem>>, %arg4: memref<128x128xf32, #tpu.memory_space<vmem>>, %arg5: memref<1x128xf32, #tpu.memory_space<vmem>>, %arg6: memref<1024x128xf32, #tpu.memory_space<vmem>>) attributes {dimension_semantics = [#tpu.dimension_semantics<arbitrary>], iteration_bounds = array<i64: 10>, scalar_prefetch = 0 : i64, scratch_operands = 0 : i64, tpu.core_type = #tpu.core_type<tc>, window_params = [{transform_indices = @transform_0, window_bounds = array<i64: 1024, 128>}, {transform_indices = @transform_1, window_bounds = array<i64: 1024, 128>}, {transform_indices = @transform_2, window_bounds = array<i64: 1024, 128>}, {pipeline_mode = #tpu.pipeline_mode<synchronous>, transform_indices = @transform_3, window_bounds = array<i64: 128, 128>}, {pipeline_mode = #tpu.pipeline_mode<synchronous>, transform_indices = @transform_4, window_bounds = array<i64: 1, 128>}, {transform_indices = @transform_5, window_bounds = array<i64: 1024, 128>}]} {
    %get3A = arith.constant 0 : index
    %get3A_0 = arith.constant 0 : index
    %get3A_1 = vector.load %arg1[%get3A, %get3A_0] : memref<1024x128xf32, #tpu.memory_space<vmem>>, vector<1024x128xf32>
    %get3A_2 = arith.constant 0 : index
    %get3A_3 = arith.constant 0 : index
    %get3A_4 = vector.load %arg3[%get3A_2, %get3A_3] : memref<1024x128xf32, #tpu.memory_space<vmem>>, vector<1024x128xf32>
    %mul3A = arith.mulf %get3A_1, %get3A_4 : vector<1024x128xf32>
    %get3A_5 = arith.constant 0 : index
    %get3A_6 = arith.constant 0 : index
    %get3A_7 = vector.load %arg4[%get3A_5, %get3A_6] : memref<128x128xf32, #tpu.memory_space<vmem>>, vector<128x128xf32>
    %dot_general3A = arith.constant dense<0.000000e+00> : vector<1024x128xf32>
    %dot_general3A_8 = tpu.matmul %mul3A, %get3A_7, %dot_general3A {dimension_numbers = #tpu.dot_dimension_numbers<[1], [0], [0], [1], [0, 0, 1, 1], [], []>, transpose_lhs_hint = false} : vector<1024x128xf32>, vector<128x128xf32>, vector<1024x128xf32> -> vector<1024x128xf32>
    %get3A_9 = arith.constant 0 : index
    %get3A_10 = arith.constant 0 : index
    %get3A_11 = vector.load %arg5[%get3A_9, %get3A_10] : memref<1x128xf32, #tpu.memory_space<vmem>>, vector<1x128xf32>
    %add3A = vector.broadcast %get3A_11 : vector<1x128xf32> to vector<1024x128xf32>
    %add3A_12 = arith.addf %dot_general3A_8, %add3A : vector<1024x128xf32>
    %max3A = arith.constant 0.000000e+00 : f32
    %max3A_13 = vector.broadcast %max3A : f32 to vector<1024x128xf32>
    %max3A_14 = arith.maximumf %add3A_12, %max3A_13 : vector<1024x128xf32>
    %mul3A_15 = arith.constant 1024 : i32
    %mul3A_16 = arith.muli %arg0, %mul3A_15 : i32
    %iota3A = tpu.iota {dimensions = array<i32: 0>} : vector<1024x1xi32>
    %add3A_17 = vector.broadcast %mul3A_16 : i32 to vector<1024x1xi32>
    %add3A_18 = arith.addi %add3A_17, %iota3A : vector<1024x1xi32>
    %lt3A = arith.constant 10000 : i32
    %lt3A_19 = vector.broadcast %lt3A : i32 to vector<1024x1xi32>
    %lt3A_20 = arith.cmpi slt, %add3A_18, %lt3A_19 : vector<1024x1xi32>
    %jit3A = arith.constant 0.000000e+00 : f32
    %broadcast_in_dim3A = vector.shape_cast %lt3A_20 : vector<1024x1xi1> to vector<1024x1xi1>
    %broadcast_in_dim3A_21 = vector.broadcast %broadcast_in_dim3A : vector<1024x1xi1> to vector<1024x128xi1>
    %broadcast_in_dim3A_22 = vector.broadcast %jit3A : f32 to vector<1024x128xf32>
    %select_n3A = arith.select %broadcast_in_dim3A_21, %max3A_14, %broadcast_in_dim3A_22 : vector<1024x128xi1>, vector<1024x128xf32>
    %get3A_23 = arith.constant 0 : index
    %get3A_24 = arith.constant 0 : index
    %get3A_25 = vector.load %arg2[%get3A_23, %get3A_24] : memref<1024x128xf32, #tpu.memory_space<vmem>>, vector<1024x128xf32>
    %mul3A_26 = arith.mulf %select_n3A, %get3A_25 : vector<1024x128xf32>
    %swap3A = arith.constant 0 : index
    %swap3A_27 = arith.constant 0 : index
    %swap3A_28 = vector.load %arg6[%swap3A, %swap3A_27] : memref<1024x128xf32, #tpu.memory_space<vmem>>, vector<1024x128xf32>
    tpu.vector_store %arg6[%swap3A, %swap3A_27], %mul3A_26 {strides = array<i32>} : memref<1024x128xf32, #tpu.memory_space<vmem>>, vector<1024x128xf32>,
    return
  }
  func.func @transform_0(%arg0: i32) -> (i32, i32) {
    %c0_i32 = arith.constant 0 : i32
    %c0_i32_0 = arith.constant 0 : i32
    return %arg0, %c0_i32 : i32, i32
  }
  func.func @transform_1(%arg0: i32) -> (i32, i32) {
    %c0_i32 = arith.constant 0 : i32
    %c0_i32_0 = arith.constant 0 : i32
    return %arg0, %c0_i32 : i32, i32
  }
  func.func @transform_2(%arg0: i32) -> (i32, i32) {
    %c0_i32 = arith.constant 0 : i32
    %c0_i32_0 = arith.constant 0 : i32
    return %arg0, %c0_i32 : i32, i32
  }
  func.func @transform_3(%arg0: i32) -> (i32, i32) {
    %c0_i32 = arith.constant 0 : i32
    %c0_i32_0 = arith.constant 0 : i32
    %c0_i32_1 = arith.constant 0 : i32
    return %c0_i32, %c0_i32_0 : i32, i32
  }
  func.func @transform_4(%arg0: i32) -> (i32, i32) {
    %c0_i32 = arith.constant 0 : i32
    %c0_i32_0 = arith.constant 0 : i32
    %c0_i32_1 = arith.constant 0 : i32
    return %c0_i32, %c0_i32_0 : i32, i32
  }
  func.func @transform_5(%arg0: i32) -> (i32, i32) {
    %c0_i32 = arith.constant 0 : i32
    %c0_i32_0 = arith.constant 0 : i32
    return %arg0, %c0_i32 : i32, i32
  }
}

module attributes {stable_mosaic.version = 14 : i64} {
  func.func @body(%arg0: i32, %arg1: memref<1024x128xf32, #tpu.memory_space<vmem>>, %arg2: memref<1024x128xf32, #tpu.memory_space<vmem>>, %arg3: memref<128x128xf32, #tpu.memory_space<vmem>>, %arg4: memref<1x128xf32, #tpu.memory_space<vmem>>, %arg5: memref<128x10xf32, #tpu.memory_space<vmem>>, %arg6: memref<1x10xf32, #tpu.memory_space<vmem>>, %arg7: memref<10x10xf32, #tpu.memory_space<vmem>>, %arg8: memref<1x10xf32, #tpu.memory_space<vmem>>, %arg9: memref<1x10xf32, #tpu.memory_space<vmem>>, %arg10: memref<1x128xf32, #tpu.memory_space<vmem>>) attributes {dimension_semantics = [#tpu.dimension_semantics<arbitrary>], iteration_bounds = array<i64: 10>, scalar_prefetch = 0 : i64, scratch_operands = 1 : i64, tpu.core_type = #tpu.core_type<tc>, window_params = [{transform_indices = @transform_0, window_bounds = array<i64: 1024, 128>}, {transform_indices = @transform_1, window_bounds = array<i64: 1024, 128>}, {pipeline_mode = #tpu.pipeline_mode<synchronous>, transform_indices = @transform_2, window_bounds = array<i64: 128, 128>}, {pipeline_mode = #tpu.pipeline_mode<synchronous>, transform_indices = @transform_3, window_bounds = array<i64: 1, 128>}, {pipeline_mode = #tpu.pipeline_mode<synchronous>, transform_indices = @transform_4, window_bounds = array<i64: 128, 10>}, {pipeline_mode = #tpu.pipeline_mode<synchronous>, transform_indices = @transform_5, window_bounds = array<i64: 1, 10>}, {pipeline_mode = #tpu.pipeline_mode<synchronous>, transform_indices = @transform_6, window_bounds = array<i64: 10, 10>}, {pipeline_mode = #tpu.pipeline_mode<synchronous>, transform_indices = @transform_7, window_bounds = array<i64: 1, 10>}, {pipeline_mode = #tpu.pipeline_mode<synchronous>, transform_indices = @transform_8, window_bounds = array<i64: 1, 10>}]} {
    %get3A = arith.constant 0 : index
    %get3A_0 = arith.constant 0 : index
    %get3A_1 = vector.load %arg1[%get3A, %get3A_0] : memref<1024x128xf32, #tpu.memory_space<vmem>>, vector<1024x128xf32>
    %get3A_2 = arith.constant 0 : index
    %get3A_3 = arith.constant 0 : index
    %get3A_4 = vector.load %arg2[%get3A_2, %get3A_3] : memref<1024x128xf32, #tpu.memory_space<vmem>>, vector<1024x128xf32>
    %mul3A = arith.mulf %get3A_1, %get3A_4 : vector<1024x128xf32>
    %get3A_5 = arith.constant 0 : index
    %get3A_6 = arith.constant 0 : index
    %get3A_7 = vector.load %arg3[%get3A_5, %get3A_6] : memref<128x128xf32, #tpu.memory_space<vmem>>, vector<128x128xf32>
    %dot_general3A = arith.constant dense<0.000000e+00> : vector<1024x128xf32>
    %dot_general3A_8 = tpu.matmul %mul3A, %get3A_7, %dot_general3A {dimension_numbers = #tpu.dot_dimension_numbers<[1], [0], [0], [1], [0, 0, 1, 1], [], []>, transpose_lhs_hint = false} : vector<1024x128xf32>, vector<128x128xf32>, vector<1024x128xf32> -> vector<1024x128xf32>
    %get3A_9 = arith.constant 0 : index
    %get3A_10 = arith.constant 0 : index
    %get3A_11 = vector.load %arg4[%get3A_9, %get3A_10] : memref<1x128xf32, #tpu.memory_space<vmem>>, vector<1x128xf32>
    %add3A = vector.broadcast %get3A_11 : vector<1x128xf32> to vector<1024x128xf32>
    %add3A_12 = arith.addf %dot_general3A_8, %add3A : vector<1024x128xf32>
    %max3A = arith.constant 0.000000e+00 : f32
    %max3A_13 = vector.broadcast %max3A : f32 to vector<1024x128xf32>
    %max3A_14 = arith.maximumf %add3A_12, %max3A_13 : vector<1024x128xf32>
    %mul3A_15 = arith.constant 1024 : i32
    %mul3A_16 = arith.muli %arg0, %mul3A_15 : i32
    %iota3A = tpu.iota {dimensions = array<i32: 0>} : vector<1024x1xi32>
    %add3A_17 = vector.broadcast %mul3A_16 : i32 to vector<1024x1xi32>
    %add3A_18 = arith.addi %add3A_17, %iota3A : vector<1024x1xi32>
    %lt3A = arith.constant 10000 : i32
    %lt3A_19 = vector.broadcast %lt3A : i32 to vector<1024x1xi32>
    %lt3A_20 = arith.cmpi slt, %add3A_18, %lt3A_19 : vector<1024x1xi32>
    %jit3A = arith.constant 0.000000e+00 : f32
    %broadcast_in_dim3A = vector.shape_cast %lt3A_20 : vector<1024x1xi1> to vector<1024x1xi1>
    %broadcast_in_dim3A_21 = vector.broadcast %broadcast_in_dim3A : vector<1024x1xi1> to vector<1024x128xi1>
    %broadcast_in_dim3A_22 = vector.broadcast %jit3A : f32 to vector<1024x128xf32>
    %select_n3A = arith.select %broadcast_in_dim3A_21, %max3A_14, %broadcast_in_dim3A_22 : vector<1024x128xi1>, vector<1024x128xf32>
    %eq3A = arith.constant 0 : i32
    %eq3A_23 = arith.cmpi eq, %arg0, %eq3A : i32
    %convert_element_type3A = arith.extui %eq3A_23 : i1 to i32
    %cond3A = arith.constant 0 : i32
    %cond3A_24 = arith.cmpi ne, %convert_element_type3A, %cond3A : i32
    scf.if %cond3A_24 {
      %broadcast_in_dim3A_38 = arith.constant 0.000000e+00 : f32
      %broadcast_in_dim3A_39 = vector.broadcast %broadcast_in_dim3A_38 : f32 to vector<1x128xf32>
      %swap3A_40 = arith.constant 0 : index
      %swap3A_41 = arith.constant 0 : index
      %swap3A_42 = vector.load %arg10[%swap3A_40, %swap3A_41] : memref<1x128xf32, #tpu.memory_space<vmem>>, vector<1x128xf32>
      tpu.vector_store %arg10[%swap3A_40, %swap3A_41], %broadcast_in_dim3A_39 {strides = array<i32>} : memref<1x128xf32, #tpu.memory_space<vmem>>, vector<1x128xf32>,
      %broadcast_in_dim3A_43 = arith.constant 0.000000e+00 : f32
      %broadcast_in_dim3A_44 = vector.broadcast %broadcast_in_dim3A_43 : f32 to vector<1x10xf32>
      %swap3A_45 = arith.constant 0 : index
      %swap3A_46 = arith.constant 0 : index
      %swap3A_47 = vector.load %arg9[%swap3A_45, %swap3A_46] : memref<1x10xf32, #tpu.memory_space<vmem>>, vector<1x10xf32>
      tpu.vector_store %arg9[%swap3A_45, %swap3A_46], %broadcast_in_dim3A_44 {strides = array<i32>} : memref<1x10xf32, #tpu.memory_space<vmem>>, vector<1x10xf32>,
    } else {
    }
    %get3A_25 = arith.constant 0 : index
    %get3A_26 = arith.constant 0 : index
    %get3A_27 = vector.load %arg10[%get3A_25, %get3A_26] : memref<1x128xf32, #tpu.memory_space<vmem>>, vector<1x128xf32>
    %reduce_sum3A = arith.constant dense<0.000000e+00> : vector<128xf32>
    %reduce_sum3A_28 = vector.multi_reduction <add>, %select_n3A, %reduce_sum3A [0] : vector<1024x128xf32> to vector<128xf32>
    %broadcast_in_dim3A_29 = vector.shape_cast %reduce_sum3A_28 : vector<128xf32> to vector<1x128xf32>
    %add3A_30 = arith.addf %get3A_27, %broadcast_in_dim3A_29 : vector<1x128xf32>
    %swap3A = arith.constant 0 : index
    %swap3A_31 = arith.constant 0 : index
    %swap3A_32 = vector.load %arg10[%swap3A, %swap3A_31] : memref<1x128xf32, #tpu.memory_space<vmem>>, vector<1x128xf32>
    tpu.vector_store %arg10[%swap3A, %swap3A_31], %add3A_30 {strides = array<i32>} : memref<1x128xf32, #tpu.memory_space<vmem>>, vector<1x128xf32>,
    %eq3A_33 = arith.constant 9 : i32
    %eq3A_34 = arith.cmpi eq, %arg0, %eq3A_33 : i32
    %convert_element_type3A_35 = arith.extui %eq3A_34 : i1 to i32
    %cond3A_36 = arith.constant 0 : i32
    %cond3A_37 = arith.cmpi ne, %convert_element_type3A_35, %cond3A_36 : i32
    scf.if %cond3A_37 {
      %get3A_38 = arith.constant 0 : index
      %get3A_39 = arith.constant 0 : index
      %get3A_40 = vector.load %arg10[%get3A_38, %get3A_39] : memref<1x128xf32, #tpu.memory_space<vmem>>, vector<1x128xf32>
      %mul3A_41 = arith.constant 9.99999974E-5 : f32
      %mul3A_42 = vector.broadcast %mul3A_41 : f32 to vector<1x128xf32>
      %mul3A_43 = arith.mulf %get3A_40, %mul3A_42 : vector<1x128xf32>
      %get3A_44 = arith.constant 0 : index
      %get3A_45 = arith.constant 0 : index
      %get3A_46 = vector.load %arg5[%get3A_44, %get3A_45] : memref<128x10xf32, #tpu.memory_space<vmem>>, vector<128x10xf32>
      %dot_general3A_47 = arith.constant dense<0.000000e+00> : vector<1x10xf32>
      %dot_general3A_48 = tpu.matmul %mul3A_43, %get3A_46, %dot_general3A_47 {dimension_numbers = #tpu.dot_dimension_numbers<[1], [0], [0], [1], [0, 0, 1, 1], [], []>, transpose_lhs_hint = false} : vector<1x128xf32>, vector<128x10xf32>, vector<1x10xf32> -> vector<1x10xf32>
      %get3A_49 = arith.constant 0 : index
      %get3A_50 = arith.constant 0 : index
      %get3A_51 = vector.load %arg6[%get3A_49, %get3A_50] : memref<1x10xf32, #tpu.memory_space<vmem>>, vector<1x10xf32>
      %add3A_52 = arith.addf %dot_general3A_48, %get3A_51 : vector<1x10xf32>
      %max3A_53 = arith.constant 0.000000e+00 : f32
      %max3A_54 = vector.broadcast %max3A_53 : f32 to vector<1x10xf32>
      %max3A_55 = arith.maximumf %add3A_52, %max3A_54 : vector<1x10xf32>
      %get3A_56 = arith.constant 0 : index
      %get3A_57 = arith.constant 0 : index
      %get3A_58 = vector.load %arg7[%get3A_56, %get3A_57] : memref<10x10xf32, #tpu.memory_space<vmem>>, vector<10x10xf32>
      %dot_general3A_59 = arith.constant dense<0.000000e+00> : vector<1x10xf32>
      %dot_general3A_60 = tpu.matmul %max3A_55, %get3A_58, %dot_general3A_59 {dimension_numbers = #tpu.dot_dimension_numbers<[1], [0], [0], [1], [0, 0, 1, 1], [], []>, transpose_lhs_hint = false} : vector<1x10xf32>, vector<10x10xf32>, vector<1x10xf32> -> vector<1x10xf32>
      %get3A_61 = arith.constant 0 : index
      %get3A_62 = arith.constant 0 : index
      %get3A_63 = vector.load %arg8[%get3A_61, %get3A_62] : memref<1x10xf32, #tpu.memory_space<vmem>>, vector<1x10xf32>
      %add3A_64 = arith.addf %dot_general3A_60, %get3A_63 : vector<1x10xf32>
      %reduce_max3A = arith.constant dense<0xFF800000> : vector<1xf32>
      %reduce_max3A_65 = vector.multi_reduction <maximumf>, %add3A_64, %reduce_max3A [1] : vector<1x10xf32> to vector<1xf32>
      %broadcast_in_dim3A_66 = vector.shape_cast %reduce_max3A_65 : vector<1xf32> to vector<1x1xf32>
      %sub3A = vector.broadcast %broadcast_in_dim3A_66 : vector<1x1xf32> to vector<1x10xf32>
      %sub3A_67 = arith.subf %add3A_64, %sub3A : vector<1x10xf32>
      %exp3A = math.exp %sub3A_67 : vector<1x10xf32>
      %reduce_sum3A_68 = arith.constant dense<0.000000e+00> : vector<1xf32>
      %reduce_sum3A_69 = vector.multi_reduction <add>, %exp3A, %reduce_sum3A_68 [1] : vector<1x10xf32> to vector<1xf32>
      %broadcast_in_dim3A_70 = vector.shape_cast %reduce_sum3A_69 : vector<1xf32> to vector<1x1xf32>
      %div3A = vector.broadcast %broadcast_in_dim3A_70 : vector<1x1xf32> to vector<1x10xf32>
      %div3A_71 = arith.divf %exp3A, %div3A : vector<1x10xf32>
      %swap3A_72 = arith.constant 0 : index
      %swap3A_73 = arith.constant 0 : index
      %swap3A_74 = vector.load %arg9[%swap3A_72, %swap3A_73] : memref<1x10xf32, #tpu.memory_space<vmem>>, vector<1x10xf32>
      tpu.vector_store %arg9[%swap3A_72, %swap3A_73], %div3A_71 {strides = array<i32>} : memref<1x10xf32, #tpu.memory_space<vmem>>, vector<1x10xf32>,
    } else {
    }
    return
  }
  func.func @transform_0(%arg0: i32) -> (i32, i32) {
    %c0_i32 = arith.constant 0 : i32
    %c0_i32_0 = arith.constant 0 : i32
    return %arg0, %c0_i32 : i32, i32
  }
  func.func @transform_1(%arg0: i32) -> (i32, i32) {
    %c0_i32 = arith.constant 0 : i32
    %c0_i32_0 = arith.constant 0 : i32
    return %arg0, %c0_i32 : i32, i32
  }
  func.func @transform_2(%arg0: i32) -> (i32, i32) {
    %c0_i32 = arith.constant 0 : i32
    %c0_i32_0 = arith.constant 0 : i32
    %c0_i32_1 = arith.constant 0 : i32
    return %c0_i32, %c0_i32_0 : i32, i32
  }
  func.func @transform_3(%arg0: i32) -> (i32, i32) {
    %c0_i32 = arith.constant 0 : i32
    %c0_i32_0 = arith.constant 0 : i32
    %c0_i32_1 = arith.constant 0 : i32
    return %c0_i32, %c0_i32_0 : i32, i32
  }
  func.func @transform_4(%arg0: i32) -> (i32, i32) {
    %c0_i32 = arith.constant 0 : i32
    %c0_i32_0 = arith.constant 0 : i32
    %c0_i32_1 = arith.constant 0 : i32
    return %c0_i32, %c0_i32_0 : i32, i32
  }
  func.func @transform_5(%arg0: i32) -> (i32, i32) {
    %c0_i32 = arith.constant 0 : i32
    %c0_i32_0 = arith.constant 0 : i32
    %c0_i32_1 = arith.constant 0 : i32
    return %c0_i32, %c0_i32_0 : i32, i32
  }
  func.func @transform_6(%arg0: i32) -> (i32, i32) {
    %c0_i32 = arith.constant 0 : i32
    %c0_i32_0 = arith.constant 0 : i32
    %c0_i32_1 = arith.constant 0 : i32
    return %c0_i32, %c0_i32_0 : i32, i32
  }
  func.func @transform_7(%arg0: i32) -> (i32, i32) {
    %c0_i32 = arith.constant 0 : i32
    %c0_i32_0 = arith.constant 0 : i32
    %c0_i32_1 = arith.constant 0 : i32
    return %c0_i32, %c0_i32_0 : i32, i32
  }
  func.func @transform_8(%arg0: i32) -> (i32, i32) {
    %c0_i32 = arith.constant 0 : i32
    %c0_i32_0 = arith.constant 0 : i32
    %c0_i32_1 = arith.constant 0 : i32
    return %c0_i32, %c0_i32_0 : i32, i32
  }
}

</mosaic_0001>

<sc_bundles>
// kernel: kernel.11.cloned.1.call-start
scs
__scs_entry_jumppad:
0x0: {  	(pc) =	sbr.rel $0x88, $3  }
0x1: {  	(tag) =	ssettag $0x0;
	lr =	simm.s32 $0x1  }
0x2: {  	[smem:$0x3F97] =	sst lr;
	_ =	strace $0xD0000000  }
0x3: {  	_ = 	snop  }
0x4: {  	_ = 	snop  }
0x5: {  	_ = 	snop  }
0x6: {  	_ = 	snop  }
0x7: {  	_ = 	snop  }
__scs_overlays_trampoline_lowered:
0x8: {  	[smem:$0x3FA6] =	sst s0  }
0x9: {  	[smem:$0x3FA7] =	sst s1  }
0xa: {  	[smem:$0x3FA8] =	sst s2  }
0xb: {  	[smem:$0x3FA9] =	sst s3  }
0xc: {  	[smem:$0x3FAA] =	sst s4  }
0xd: {  	[smem:$0x3FAB] =	sst s5  }
0xe: {  	[smem:$0x3FAC] =	sst s6  }
0xf: {  	[smem:$0x3FAD] =	sst s7  }
0x10: {  	[smem:$0x3FAE] =	sst s8  }
0x11: {  	[smem:$0x3FAF] =	sst s9;
	s0 =	simm.s32 @!p0 $0x0  }
0x12: {  	s1 =	sld [smem:$0x3F95];
	s0 =	simm.s32 @p0 $0x1  }
0x13: {  	[smem:$0x3FB0] =	sst s0;
	s0 =	simm.s32 @!p1 $0x0  }
0x14: {  	s2 =	sld [smem:$0x3F94];
	s0 =	simm.s32 @p1 $0x1  }
0x15: {  	[smem:$0x3FB1] =	sst s0;
	s0 =	simm.s32 @!p2 $0x0  }
0x16: {  	s3 =	sld [smem:$0x3FDB];
	s0 =	simm.s32 @p2 $0x1  }
0x17: {  	s4 =	simm.s32 $0x1BF5;
	[smem:$0x3FB3] =	sst s0  }
0x18: {  	s0 =	sld [smem:$0x3F96];
	_ =	swait.ge [sflag:s4], $0x0  }
0x19: {  	s7 =	sld [smem:$0x3F97]  }
0x1a: {  	s8 =	sadd.s32 $0xFFFFE003, lr  }
0x1b: {  	s9 =	sadd.s32 $0xFFFFFEF7, lr;
	s5 =	simm.s32 $0xFFFFFFFF;
	p2 =	slt.u32 s8, $0xFFFFF086  }
0x1c: {  	p1 =	slt.u32 s9, $0xF7A;
	s5 =	simm.s32 @!p2 $0x0  }
0x1d: {  	s5 =	simm.s32 @p1 $0x1;
	p0 =	seq.s32 s7, s2  }
0x1e: {  	s7 =	smul.u32 @!p0 $0xF7A, s2;
	p2 =	seq.s32 @!p0 s5, $0x0  }
0x1f: {  	s9 =	smul.u32 $0xF7A, s1;
	s8 =	simm.s32 @!p0 $0x1BF5;
	p2 =	por !p2, p0  }
0x20: {  	[sflag:s8] =	ssyncset.s32 @!p0 $0xFFFFF086;
	s6 =	sadd.s32 @!p0 s3, s7;
	s7 =	simm.s32 @!p0 $0x108  }
0x21: {  	s3 =	sadd.s32 s3, s9;
	s6 =	sadd.s32 @!p0 $0x88, s6;
	s7 =	simm.s32 @p2 $0x1082  }
0x22: {  	[simem:s7], [sflag:s8] =	dma.local @!p0 [hbm:s6], $0xF7A  }
0x23: {  	s9 =	sor.u32 $0xD0000000, s2;
	s6 =	simm.s32 $0x108;
	_ =	swait.ge @!p0 [sflag:s8], $0x0  }
0x24: {  	s3 =	sadd.s32 $0x88, s3;
	s6 =	simm.s32 @!p1 $0x1082;
	[sflag:s4] =	ssyncset.s32 $0xFFFFF086  }
0x25: {  	[simem:s6], [sflag:s4] =	dma.local [hbm:s3], $0xF7A  }
0x26: {  	[smem:$0x3F97] =	sst s1;
	(tag) =	ssettag s2;
	_ =	strace s9  }
0x27: {  	s1 =	sld [smem:$0x3FA7]  }
0x28: {  	s2 =	sld [smem:$0x3FA8]  }
0x29: {  	s4 =	sld [smem:$0x3FAA]  }
0x2a: {  	p0 =	seq.s32 s5, $0x0;
	s5 =	sld [smem:$0x3FAB]  }
0x2b: {  	s6 =	sld [smem:$0x3FAC]  }
0x2c: {  	s7 =	sld [smem:$0x3FAD]  }
0x2d: {  	s3 =	simm.s32 $0x108;
	s8 =	sld [smem:$0x3FAE]  }
0x2e: {  	s3 =	simm.s32 @!p0 $0x1082;
	s9 =	sld [smem:$0x3FAF]  }
0x2f: {  	lr =	sadd.s32 s0, s3;
	s0 =	sld [smem:$0x3FA6]  }
0x30: {  	s3 =	sld [smem:$0x3FA9]  }
0x31: {  	[smem:$0x3FB2] =	sst s10  }
0x32: {  	s10 =	sld [smem:$0x3FB0];
	_ =	sdelay $0x3  }
0x33: {  	p0 =	seq.s32 s10, $0x1;
	s10 =	sld [smem:$0x3FB2];
	_ =	sdelay $0x3  }
0x34: {  	[smem:$0x3FB2] =	sst s10  }
0x35: {  	s10 =	sld [smem:$0x3FB1];
	_ =	sdelay $0x3  }
0x36: {  	p1 =	seq.s32 s10, $0x1;
	s10 =	sld [smem:$0x3FB2];
	_ =	sdelay $0x3  }
0x37: {  	[smem:$0x3FB2] =	sst s10  }
0x38: {  	s10 =	sld [smem:$0x3FB3]  }
0x39: {  	_ = 	snop;
	(pc) =	sbr.ind lr, $3  }
0x3a: {  	_ = 	snop  }
0x3b: {  	_ = 	snop  }
0x3c: {  	p2 =	seq.s32 s10, $0x1;
	s10 =	sld [smem:$0x3FB2]  }
0x3d: {  	_ =	shalt  }
0x3e: {  	_ =	shalt  }
0x3f: {  	_ =	shalt  }
0x40: {  	_ =	shalt  }
0x41: {  	_ =	shalt  }
0x42: {  	_ =	shalt  }
0x43: {  	_ =	shalt  }
0x44: {  	_ =	shalt  }
0x45: {  	_ =	shalt  }
0x46: {  	_ =	shalt  }
0x47: {  	_ =	shalt  }
0x48: {  	_ =	shalt  }
0x49: {  	_ =	shalt  }
0x4a: {  	_ =	shalt  }
0x4b: {  	_ =	shalt  }
0x4c: {  	_ =	shalt  }
0x4d: {  	_ =	shalt  }
0x4e: {  	_ =	shalt  }
0x4f: {  	_ =	shalt  }
0x50: {  	_ =	shalt  }
0x51: {  	_ =	shalt  }
0x52: {  	_ =	shalt  }
0x53: {  	_ =	shalt  }
0x54: {  	_ =	shalt  }
0x55: {  	_ =	shalt  }
0x56: {  	_ =	shalt  }
0x57: {  	_ =	shalt  }
0x58: {  	_ =	shalt  }
0x59: {  	_ =	shalt  }
0x5a: {  	_ =	shalt  }
0x5b: {  	_ =	shalt  }
0x5c: {  	_ =	shalt  }
0x5d: {  	_ =	shalt  }
0x5e: {  	_ =	shalt  }
0x5f: {  	_ =	shalt  }
0x60: {  	_ =	shalt  }
0x61: {  	_ =	shalt  }
0x62: {  	_ =	shalt  }
0x63: {  	_ =	shalt  }
0x64: {  	_ =	shalt  }
0x65: {  	_ =	shalt  }
0x66: {  	_ =	shalt  }
0x67: {  	_ =	shalt  }
0x68: {  	_ =	shalt  }
0x69: {  	_ =	shalt  }
0x6a: {  	_ =	shalt  }
0x6b: {  	_ =	shalt  }
0x6c: {  	_ =	shalt  }
0x6d: {  	_ =	shalt  }
0x6e: {  	_ =	shalt  }
0x6f: {  	_ =	shalt  }
0x70: {  	_ =	shalt  }
0x71: {  	_ =	shalt  }
0x72: {  	_ =	shalt  }
0x73: {  	_ =	shalt  }
0x74: {  	_ =	shalt  }
0x75: {  	_ =	shalt  }
0x76: {  	_ =	shalt  }
0x77: {  	_ =	shalt  }
0x78: {  	_ =	shalt  }
0x79: {  	_ =	shalt  }
0x7a: {  	_ =	shalt  }
0x7b: {  	_ =	shalt  }
0x7c: {  	_ =	shalt  }
0x7d: {  	_ =	shalt  }
0x7e: {  	_ =	shalt  }
0x7f: {  	_ =	shalt  }
0x80: {  	_ =	shalt  }
0x81: {  	_ =	shalt  }
0x82: {  	_ =	shalt  }
0x83: {  	_ =	shalt  }
0x84: {  	_ =	shalt  }
0x85: {  	_ =	shalt  }
0x86: {  	_ =	shalt  }
0x87: {  	_ =	shalt  }
.Lfunc_end0:
.L_simem_size_0:
called_computation.1_lowered:
.L_overlay_start_0:
0x88: {  	s2 =	sld [smem:$0x3FD9]  }
0x89: {  	s3 =	sld [smem:$0x3FFE];
	_ =	sdelay $0x1  }
0x8a: {  	s1 =	srdreg.scid  }
0x8b: {  	s0 =	sand.u32 $0x1, s1  }
0x8c: {  	s16 =	sshll.u32 s0, $0xA;
	s2 =	sadd.s32 s3, s2  }
0x8d: {  	s2 =	sadd.s32 s2, s16  }
0x8e: {  	[smem:$0x3FBE] =	sst s2  }
0x8f: {  	_ = 	snop  }
0x90: {  	(tm) =	ssettm $0x1  }
0x91: {  	s17 =	sld [smem:$0x3FFB];
	_ =	sdelay $0x3  }
0x92: {  	_ =	strace s17  }
0x93: {  	s2 =	sld [smem:$0x3FFC];
	_ =	sdelay $0x3  }
0x94: {  	_ =	strace s2  }
0x95: {  	s2 =	sld [smem:$0x3FFD];
	_ =	sdelay $0x3  }
0x96: {  	_ =	strace s2  }
0x97: {  	_ =	strace $0x8FFFFFFF  }
0x98: {  	s18 =	sld [smem:$0x3FDB];
	_ =	sdelay $0x1  }
0x99: {  	s19 =	simm.s32 $_scs_section_size  }
0x9a: {  	s4 =	simm.s32 $_size__tile_overlayer_lowered;
	s5 =	simm.s32 $_tile_overlayer_lowered  }
0x9b: {  	s22 =	simm.s32 $0x1BFF;
	s21 =	sshll.u32 s5, $0x1;
	s2 =	sadd.s32 s19, s18  }
0x9c: {  	s6 =	simm.s32 $0x0;
	s20 =	sshll.u32 s4, $0x1;
	s4 =	sadd.s32 s21, s2  }
0x9d: {  	[timem:s6], [sflag:s22] =	dma.local [hbm:s4], s20  }
0x9e: {  	_ =	swait.ge [sflag:s22], s20  }
0x9f: {  	s3 =	ssub.s32 $0x0, s20;
	[sflag:s22] =	ssyncset.done $0x0  }
0xa0: {  	[sflag:s22] =	ssyncadd.s32 s3;
	_ =	sdelay $0x1  }
0xa1: {  	s23 =	simm.s32 $0x1B8B  }
0xa2: {  	_ =	swait.ge [sflag:s23], $0x1  }
0xa3: {  	[sflag:s23] =	ssyncset.done $0x0  }
0xa4: {  	s25 =	simm.s32 $0x1B8E;
	s24 =	sld [smem:$0x3FFE];
	[sflag:s23] =	ssyncadd.s32 $0xFFFFFFFF  }
0xa5: {  	s26 =	simm.s32 $execute0_lowered;
	[smem:$0x3FD2] =	sst s25  }
0xa6: {  	s4 =	sshll.u32 s26, $0x1;
	_ =	strace $0x80000049;
	[dreg:$0x1] =	wrdreg $0xFFFFFFFF  }
0xa7: {  	s28 =	simm.s32 $_size_execute0_lowered;
	s2 =	sadd.s32 s2, s4;
	[dreg:$0x0] =	wrdreg $0x0  }
0xa8: {  	s4 =	sshll.u32 s28, $0x1;
	[dreg:$0x2] =	wrdreg s2  }
0xa9: {  	[dreg:$0x3] =	wrdreg s4  }
0xaa: {  	[dreg:$0x4] =	wrdreg $0xC0  }
0xab: {  	_ =	task [dreg:s6], $0x5FFFF  }
0xac: {  	[dreg:$0x1] =	wrdreg $0xFFFFFFFF  }
0xad: {  	[dreg:$0x0] =	wrdreg $0x60  }
0xae: {  	[dreg:$0x2] =	wrdreg s24  }
0xaf: {  	[dreg:$0x3] =	wrdreg $0x12C000  }
0xb0: {  	[dreg:$0x4] =	wrdreg $0x9  }
0xb1: {  	_ =	task.clear_ibuf [dreg:s6], $0x5FFFF;
	_ =	strace $0x90000049  }
0xb2: {  	s29 =	simm.s32 $0x9;
	_ =	strace $0x8000004B  }
0xb3: {  	_ =	swait.ge [sflag:s29], $0x1  }
0xb4: {  	[sflag:s29] =	ssyncadd.s32 $0xFFFFFFFF  }
0xb5: {  	_ =	strace $0x9000004B  }
0xb6: {  	_ =	sfence  }
0xb7: {  	s30 =	sld [smem:$0x0];
	_ =	sdelay $0x2  }
0xb8: {  	s31 =	sshll.u32 s1, $0xD;
	s1 =	sshrl.u32 s1, $0x2  }
0xb9: {  	s3 =	sand.u32 $0x4000, s31;
	s1 =	sadd.s32 s1, s30  }
0xba: {  	s0 =	sor.u32 s3, s0;
	s1 =	sshll.u32 s1, $0x11  }
0xbb: {  	s0 =	sor.u32 s1, s0  }
0xbc: {  	s0 =	sadd.s32 $0x8F2B, s0  }
0xbd: {  	[sflag:s0] =	ssyncadd.remote.s32 $0x1  }
0xbe: {  	_ =	sfence.sel $0xFFFF  }
0xbf: {  	[dreg:$0x0] =	wrdreg $0xFFFFFFFF;
	(pc) =	sbr.abs _section_cstart, $3  }
0xc0: {  	[dreg:$0x1] =	wrdreg $0xFFFFFFFF  }
0xc1: {  	_ =	task.clear_ibuf [dreg:s6], $0x2FFFF;
	_ =	strace $0x9FFFFFFF  }
0xc2: {  	(tm) =	ssettm $0x7FFFFFFF  }
0xc3: {  	_ =	shalt  }
tec
execute0_lowered:
.L_overlay_start_1:
0x0: {  	(tag) =	ssettag $0x1  }
0x1: {  	s0 =	rddreg [dreg:$0x0]  }
0x2: {  	s2 =	rddreg [dreg:$0x1]  }
0x3: {  	s8 =	stileid.u32;
	s3 =	simm.s32 $0x0;
	s4 =	srdreg.scid  }
0x4: {  	s15 =	simm.s32 $0x100;
	[smem:$0x7FF] =	sst s3;
	s14 =	sadd.s32 $0x3E800, s0  }
0x5: {  	s17 =	simm.s32 $0x200;
	_ =	strace $0x8000004A;
	[dreg:$0x1a] =	wrdreg s14  }
0x6: {  	s19 =	simm.s32 $0x300;
	s20 =	simm.s32 $0x400;
	[dreg:$0x4] =	wrdreg s15  }
0x7: {  	s21 =	simm.s32 $0x500;
	s23 =	simm.s32 $0x600;
	[dreg:$0x5] =	wrdreg s17  }
0x8: {  	s24 =	simm.s32 $0x700;
	s26 =	simm.s32 $0x800;
	[dreg:$0x6] =	wrdreg s19  }
0x9: {  	s10 =	simm.s32 $0x880;
	s12 =	simm.s32 $0x900;
	[dreg:$0x7] =	wrdreg s20  }
0xa: {  	s28 =	simm.s32 $0x5;
	s29 =	simm.s32 $0x6;
	[dreg:$0x8] =	wrdreg s21  }
0xb: {  	s30 =	simm.s32 $0x7;
	s31 =	simm.s32 $0x8;
	[dreg:$0x9] =	wrdreg s23  }
0xc: {  	s1 =	smul.u32 $0x1400, s8;
	s5 =	sand.u32 $0x1, s4;
	[dreg:$0xa] =	wrdreg s24  }
0xd: {  	s6 =	smul.u32 $0x14000, s8;
	s4 =	sadd.s32 $0x16800, s0;
	[dreg:$0xb] =	wrdreg s26  }
0xe: {  	s8 =	smul.u32 $0x28000, s8;
	s7 =	sshll.u32 s5, $0x6;
	[dreg:$0xc] =	wrdreg s10  }
0xf: {  	s16 =	ssub.s32 $0x2, s5;
	[dreg:$0xd] =	wrdreg s12;
	s14 =	simm.s32 $0x980  }
0x10: {  	s15 =	simm.s32 $0xA00;
	s17 =	simm.s32 $0xA80;
	s19 =	simm.s32 $0xB80  }
0x11: {  	s20 =	simm.s32 $0x180;
	s21 =	simm.s32 $0x280;
	[dreg:$0xe] =	wrdreg s14  }
0x12: {  	s23 =	simm.s32 $0x480;
	s24 =	simm.s32 $0x580;
	[dreg:$0xf] =	wrdreg s15  }
0x13: {  	s26 =	simm.s32 $0x780;
	v0 =	vmov s5;
	s5 =	simm.s32 $0x2;
	[dreg:$0x10] =	wrdreg s17  }
0x14: {  	s1 =	sadd.s32 s1, s0;
	s6 =	sor.u32 s7, s6;
	[dreg:$0x12] =	wrdreg s19  }
0x15: {  	s18 =	sshrl.u32 s16, $0x1;
	s22 =	sshrl.u32 s8, $0x2;
	[dreg:$0x13] =	wrdreg s20  }
0x16: {  	s14 =	simm.s32 $0xB;
	s15 =	simm.s32 $0x1;
	[dreg:$0x14] =	wrdreg s21  }
0x17: {  	s17 =	simm.s32 $0xC00;
	s19 =	simm.s32 $0x4C00;
	[dreg:$0x16] =	wrdreg s23  }
0x18: {  	s20 =	simm.s32 $0x6C00;
	[dreg:$0x17] =	wrdreg s24;
	s21 =	simm.s32 $0x8C00  }
0x19: {  	s23 =	simm.s32 $0xCC00;
	[dreg:$0x19] =	wrdreg s26;
	s24 =	simm.s32 $0xEC00  }
0x1a: {  	s26 =	simm.s32 $0x4;
	s6 =	sshrl.u32 s6, $0x3;
	s1 =	sadd.s32 $0x2800, s1  }
0x1b: {  	s7 =	ssub.s32 s16, s18;
	s18 =	simm.s32 $0xB00;
	[dreg:$0x3] =	wrdreg s1  }
0x1c: {  	s0 =	sadd.s32 s6, s0;
	s16 =	smax.u32 s7, $0x1;
	[dreg:$0x11] =	wrdreg s18  }
0x1d: {  	s6 =	sadd.s32 s22, s2;
	s22 =	simm.s32 $0x380;
	[smem:$0x7FD] =	sst s16  }
0x1e: {  	s18 =	simm.s32 $0x2C00;
	s25 =	sadd.s32 $0x2000, s6;
	[dreg:$0x15] =	wrdreg s22  }
0x1f: {  	s1 =	simm.s32 $0xA;
	s9 =	sadd.s32 $0x4000, s6;
	[dreg:$0x1b] =	wrdreg s25  }
0x20: {  	s7 =	simm.s32 $0x0;
	s11 =	sadd.s32 $0x6000, s6;
	[dreg:$0x1c] =	wrdreg s9  }
0x21: {  	s13 =	sadd.s32 $0x8000, s6;
	s0 =	sadd.s32 $0x3EC00, s0;
	[dreg:$0x1d] =	wrdreg s11  }
0x22: {  	s16 =	simm.s32 $0x80;
	s22 =	simm.s32 $0xAC00;
	[dreg:$0x1e] =	wrdreg s13  }
0x23: {  	[dreg:$0x1f] =	wrdreg s0;
	s13 =	simm.s32 $0x10C00;
	s25 =	simm.s32 $0x680  }
0x24: {  	s0 =	simm.s32 $0x9;
	[dreg:$0x18] =	wrdreg s25;
	s25 =	simm.s32 $0x3  }
.LBB2_1:
0x25: {  	s8 =	rddreg [dreg:$0x1a]  }
0x26: {  	[tilespmem:s13], [sflag:$0xB] =	stream.linear.gather [hbm4b:s8+s3], $0x2000, $0x38;
	[tilespmem:$0x1CC00] =	vst v63  }
0x27: {  	_ =	swait.ge [sflag:s14], $0x2000  }
0x28: {  	[sflag:s14] =	ssyncset.done $0x0  }
0x29: {  	[sflag:s14] =	ssyncadd.s32 $0xFFFFE000  }
0x2a: {  	[spmem:s6] =	stream.linear.scatter [tilespmem:s13], [sflag:$0xB], $0x2000, $0x38;
	[tilespmem:$0x1CC00] =	vst v63  }
0x2b: {  	_ =	swait.ge [sflag:s14], $0x2000  }
0x2c: {  	[sflag:s14] =	ssyncset.done $0x0  }
0x2d: {  	s9 =	rddreg [dreg:$0x1b];
	[sflag:s14] =	ssyncadd.s32 $0xFFFFE000  }
0x2e: {  	[spmem:s9] =	stream.linear.scatter [tilespmem:s13], [sflag:$0xB], $0x2000, $0x38;
	[tilespmem:$0x1CC00] =	vst v63  }
0x2f: {  	_ =	swait.ge [sflag:s14], $0x2000  }
0x30: {  	[sflag:s14] =	ssyncset.done $0x0  }
0x31: {  	s10 =	rddreg [dreg:$0x1c];
	[sflag:s14] =	ssyncadd.s32 $0xFFFFE000  }
0x32: {  	[spmem:s10] =	stream.linear.scatter [tilespmem:s13], [sflag:$0xB], $0x2000, $0x38;
	[tilespmem:$0x1CC00] =	vst v63  }
0x33: {  	_ =	swait.ge [sflag:s14], $0x2000  }
0x34: {  	[sflag:s14] =	ssyncset.done $0x0  }
0x35: {  	s11 =	rddreg [dreg:$0x1d];
	[sflag:s14] =	ssyncadd.s32 $0xFFFFE000  }
0x36: {  	[spmem:s11] =	stream.linear.scatter [tilespmem:s13], [sflag:$0xB], $0x2000, $0x38;
	[tilespmem:$0x1CC00] =	vst v63  }
0x37: {  	_ =	swait.ge [sflag:s14], $0x2000  }
0x38: {  	[sflag:s14] =	ssyncset.done $0x0  }
0x39: {  	s12 =	rddreg [dreg:$0x1e];
	[sflag:s14] =	ssyncadd.s32 $0xFFFFE000  }
0x3a: {  	[spmem:s12] =	stream.linear.scatter [tilespmem:s13], [sflag:$0xB], $0x2000, $0x38;
	[tilespmem:$0x1CC00] =	vst v63  }
0x3b: {  	_ =	swait.ge [sflag:s14], $0x2000  }
0x3c: {  	[sflag:s14] =	ssyncset.done $0x0  }
0x3d: {  	[sflag:s14] =	ssyncadd.s32 $0xFFFFE000  }
0x3e: {  	s8 =	simm.s32 $0x0;
	[bflag:$0x0] =	sbarrier.arrive $0xFFFF  }
.LBB2_2:
0x3f: {  	s9 =	rddreg [dreg:$0x3]  }
0x40: {  	s9 =	sadd.s32 s8, s9  }
0x41: {  	[tilespmem:s3], [sflag:$0x1] =	stream.linear.gather [hbm4b:s9+s3], $0x100, $0x38;
	[tilespmem:$0x1CC00] =	vst v63  }
0x42: {  	s10 =	rddreg [dreg:$0x4];
	s11 =	sadd.s32 $0x20, s9  }
0x43: {  	[tilespmem:s10], [sflag:$0x1] =	stream.linear.gather [hbm4b:s11+s3], $0x100, $0x38;
	[tilespmem:$0x1CC00] =	vst v63  }
0x44: {  	s12 =	rddreg [dreg:$0x5];
	s10 =	sadd.s32 $0x40, s9  }
0x45: {  	[tilespmem:s12], [sflag:$0x1] =	stream.linear.gather [hbm4b:s10+s3], $0x100, $0x38;
	[tilespmem:$0x1CC00] =	vst v63  }
0x46: {  	s11 =	rddreg [dreg:$0x6];
	s10 =	sadd.s32 $0x60, s9  }
0x47: {  	[tilespmem:s11], [sflag:$0x1] =	stream.linear.gather [hbm4b:s10+s3], $0x100, $0x38;
	[tilespmem:$0x1CC00] =	vst v63  }
0x48: {  	s12 =	rddreg [dreg:$0x7];
	s10 =	sadd.s32 $0x80, s9  }
0x49: {  	[tilespmem:s12], [sflag:$0x1] =	stream.linear.gather [hbm4b:s10+s3], $0x100, $0x38;
	[tilespmem:$0x1CC00] =	vst v63  }
0x4a: {  	s11 =	rddreg [dreg:$0x8];
	s10 =	sadd.s32 $0xA0, s9  }
0x4b: {  	[tilespmem:s11], [sflag:$0x1] =	stream.linear.gather [hbm4b:s10+s3], $0x100, $0x38;
	[tilespmem:$0x1CC00] =	vst v63  }
0x4c: {  	s12 =	rddreg [dreg:$0x9];
	s10 =	sadd.s32 $0xC0, s9  }
0x4d: {  	[tilespmem:s12], [sflag:$0x1] =	stream.linear.gather [hbm4b:s10+s3], $0x100, $0x38;
	[tilespmem:$0x1CC00] =	vst v63  }
0x4e: {  	s11 =	rddreg [dreg:$0xa];
	s9 =	sadd.s32 $0xE0, s9  }
0x4f: {  	[tilespmem:s11], [sflag:$0x1] =	stream.linear.gather [hbm4b:s9+s3], $0x100, $0x38;
	[tilespmem:$0x1CC00] =	vst v63  }
0x50: {  	_ =	swait.ge [sflag:s15], $0x100  }
0x51: {  	[sflag:s15] =	ssyncset.done $0x0  }
0x52: {  	[sflag:s15] =	ssyncadd.s32 $0xFFFFFF00  }
0x53: {  	_ =	swait.ge [sflag:s15], $0x100  }
0x54: {  	[sflag:s15] =	ssyncset.done $0x0  }
0x55: {  	[sflag:s15] =	ssyncadd.s32 $0xFFFFFF00  }
0x56: {  	_ =	swait.ge [sflag:s15], $0x100  }
0x57: {  	[sflag:s15] =	ssyncset.done $0x0  }
0x58: {  	[sflag:s15] =	ssyncadd.s32 $0xFFFFFF00  }
0x59: {  	_ =	swait.ge [sflag:s15], $0x100  }
0x5a: {  	[sflag:s15] =	ssyncset.done $0x0  }
0x5b: {  	[sflag:s15] =	ssyncadd.s32 $0xFFFFFF00  }
0x5c: {  	_ =	swait.ge [sflag:s15], $0x100  }
0x5d: {  	[sflag:s15] =	ssyncset.done $0x0  }
0x5e: {  	[sflag:s15] =	ssyncadd.s32 $0xFFFFFF00  }
0x5f: {  	_ =	swait.ge [sflag:s15], $0x100  }
0x60: {  	[sflag:s15] =	ssyncset.done $0x0  }
0x61: {  	[sflag:s15] =	ssyncadd.s32 $0xFFFFFF00  }
0x62: {  	_ =	swait.ge [sflag:s15], $0x100  }
0x63: {  	[sflag:s15] =	ssyncset.done $0x0  }
0x64: {  	[sflag:s15] =	ssyncadd.s32 $0xFFFFFF00  }
0x65: {  	_ =	swait.ge [sflag:s15], $0x100  }
0x66: {  	[sflag:s15] =	ssyncset.done $0x0  }
0x67: {  	[sflag:s15] =	ssyncadd.s32 $0xFFFFFF00  }
0x68: {  	v1 =	vld [tilespmem:$0x0]  }
0x69: {  	v2 =	vld [tilespmem:$0x10]  }
0x6a: {  	v3 =	vld [tilespmem:$0x20]  }
0x6b: {  	v4 =	vld [tilespmem:$0x30]  }
0x6c: {  	v5 =	vld [tilespmem:$0x40]  }
0x6d: {  	v6 =	vld [tilespmem:$0x50];
	v1 =	vshll.u32 v1, $0x1  }
0x6e: {  	v7 =	vld [tilespmem:$0x60];
	v2 =	vshll.u32 v2, $0x1;
	v1 =	vor.u32 v0, v1  }
0x6f: {  	[tilespmem:$0x800] =	vst v1;
	v1 =	vor.u32 v0, v2;
	v2 =	vshll.u32 v3, $0x1;
	v3 =	vld [tilespmem:$0x70]  }
0x70: {  	v19 =	vld [tilespmem:$0x100];
	[tilespmem:$0x810] =	vst v1;
	v1 =	vor.u32 v0, v2;
	v2 =	vshll.u32 v4, $0x1  }
0x71: {  	v20 =	vld [tilespmem:$0x110];
	[tilespmem:$0x820] =	vst v1;
	v1 =	vor.u32 v0, v2;
	v2 =	vshll.u32 v5, $0x1  }
0x72: {  	v21 =	vld [tilespmem:$0x120];
	[tilespmem:$0x830] =	vst v1;
	v1 =	vor.u32 v0, v2;
	v2 =	vshll.u32 v6, $0x1  }
0x73: {  	v22 =	vld [tilespmem:$0x130];
	[tilespmem:$0x840] =	vst v1;
	v1 =	vor.u32 v0, v2;
	v2 =	vshll.u32 v7, $0x1  }
0x74: {  	[tilespmem:$0x850] =	vst v1;
	v1 =	vor.u32 v0, v2;
	v2 =	vshll.u32 v3, $0x1;
	v3 =	vld [tilespmem:$0x140]  }
0x75: {  	v23 =	vld [tilespmem:$0x150];
	[tilespmem:$0x860] =	vst v1;
	v1 =	vor.u32 v0, v2;
	v2 =	vshll.u32 v19, $0x1  }
0x76: {  	v24 =	vld [tilespmem:$0x160];
	[tilespmem:$0x870] =	vst v1;
	v1 =	vor.u32 v0, v2;
	v2 =	vshll.u32 v20, $0x1  }
0x77: {  	v25 =	vld [tilespmem:$0x170];
	[tilespmem:$0x880] =	vst v1;
	v1 =	vor.u32 v0, v2;
	v2 =	vshll.u32 v21, $0x1  }
0x78: {  	v26 =	vld [tilespmem:$0x200];
	[tilespmem:$0x890] =	vst v1;
	v1 =	vor.u32 v0, v2;
	v2 =	vshll.u32 v22, $0x1  }
0x79: {  	[tilespmem:$0x8A0] =	vst v1;
	v1 =	vor.u32 v0, v2;
	v2 =	vshll.u32 v3, $0x1;
	v3 =	vld [tilespmem:$0x210]  }
0x7a: {  	v27 =	vld [tilespmem:$0x220];
	[tilespmem:$0x8B0] =	vst v1;
	v1 =	vor.u32 v0, v2;
	v2 =	vshll.u32 v23, $0x1  }
0x7b: {  	v28 =	vld [tilespmem:$0x230];
	[tilespmem:$0x8C0] =	vst v1;
	v1 =	vor.u32 v0, v2;
	v2 =	vshll.u32 v24, $0x1  }
0x7c: {  	v29 =	vld [tilespmem:$0x240];
	[tilespmem:$0x8D0] =	vst v1;
	v1 =	vor.u32 v0, v2;
	v2 =	vshll.u32 v25, $0x1  }
0x7d: {  	v30 =	vld [tilespmem:$0x250];
	[tilespmem:$0x8E0] =	vst v1;
	v1 =	vor.u32 v0, v2;
	v2 =	vshll.u32 v26, $0x1  }
0x7e: {  	[tilespmem:$0x8F0] =	vst v1;
	v1 =	vor.u32 v0, v2;
	v2 =	vshll.u32 v3, $0x1;
	v3 =	vld [tilespmem:$0x260]  }
0x7f: {  	v31 =	vld [tilespmem:$0x270];
	[tilespmem:$0x900] =	vst v1;
	v1 =	vor.u32 v0, v2;
	v2 =	vshll.u32 v27, $0x1  }
0x80: {  	v32 =	vld [tilespmem:$0x300];
	[tilespmem:$0x910] =	vst v1;
	v1 =	vor.u32 v0, v2;
	v2 =	vshll.u32 v28, $0x1  }
0x81: {  	v33 =	vld [tilespmem:$0x310];
	[tilespmem:$0x920] =	vst v1;
	v1 =	vor.u32 v0, v2;
	v2 =	vshll.u32 v29, $0x1  }
0x82: {  	v34 =	vld [tilespmem:$0x320];
	[tilespmem:$0x930] =	vst v1;
	v1 =	vor.u32 v0, v2;
	v2 =	vshll.u32 v30, $0x1  }
0x83: {  	[tilespmem:$0x940] =	vst v1;
	v1 =	vor.u32 v0, v2;
	v2 =	vshll.u32 v3, $0x1;
	v3 =	vld [tilespmem:$0x330]  }
0x84: {  	v35 =	vld [tilespmem:$0x340];
	[tilespmem:$0x950] =	vst v1;
	v1 =	vor.u32 v0, v2;
	v2 =	vshll.u32 v31, $0x1  }
0x85: {  	v36 =	vld [tilespmem:$0x350];
	[tilespmem:$0x960] =	vst v1;
	v1 =	vor.u32 v0, v2;
	v2 =	vshll.u32 v32, $0x1  }
0x86: {  	v37 =	vld [tilespmem:$0x360];
	[tilespmem:$0x970] =	vst v1;
	v1 =	vor.u32 v0, v2;
	v2 =	vshll.u32 v33, $0x1  }
0x87: {  	v38 =	vld [tilespmem:$0x370];
	[tilespmem:$0x980] =	vst v1;
	v1 =	vor.u32 v0, v2;
	v2 =	vshll.u32 v34, $0x1  }
0x88: {  	[tilespmem:$0x990] =	vst v1;
	v1 =	vor.u32 v0, v2;
	v2 =	vshll.u32 v3, $0x1;
	v3 =	vld [tilespmem:$0x400]  }
0x89: {  	v39 =	vld [tilespmem:$0x410];
	[tilespmem:$0x9A0] =	vst v1;
	v1 =	vor.u32 v0, v2;
	v2 =	vshll.u32 v35, $0x1  }
0x8a: {  	v40 =	vld [tilespmem:$0x420];
	[tilespmem:$0x9B0] =	vst v1;
	v1 =	vor.u32 v0, v2;
	v2 =	vshll.u32 v36, $0x1  }
0x8b: {  	v41 =	vld [tilespmem:$0x430];
	[tilespmem:$0x9C0] =	vst v1;
	v1 =	vor.u32 v0, v2;
	v2 =	vshll.u32 v37, $0x1  }
0x8c: {  	v42 =	vld [tilespmem:$0x440];
	[tilespmem:$0x9D0] =	vst v1;
	v1 =	vor.u32 v0, v2;
	v2 =	vshll.u32 v38, $0x1  }
0x8d: {  	[tilespmem:$0x9E0] =	vst v1;
	v1 =	vor.u32 v0, v2;
	v2 =	vshll.u32 v3, $0x1;
	v3 =	vld [tilespmem:$0x450]  }
0x8e: {  	v43 =	vld [tilespmem:$0x460];
	[tilespmem:$0x9F0] =	vst v1;
	v1 =	vor.u32 v0, v2;
	v2 =	vshll.u32 v39, $0x1  }
0x8f: {  	v44 =	vld [tilespmem:$0x470];
	[tilespmem:$0xA00] =	vst v1;
	v1 =	vor.u32 v0, v2;
	v2 =	vshll.u32 v40, $0x1  }
0x90: {  	v45 =	vld [tilespmem:$0x500];
	[tilespmem:$0xA10] =	vst v1;
	v1 =	vor.u32 v0, v2;
	v2 =	vshll.u32 v41, $0x1  }
0x91: {  	v46 =	vld [tilespmem:$0x510];
	[tilespmem:$0xA20] =	vst v1;
	v1 =	vor.u32 v0, v2;
	v2 =	vshll.u32 v42, $0x1  }
0x92: {  	[tilespmem:$0xA30] =	vst v1;
	v1 =	vor.u32 v0, v2;
	v2 =	vshll.u32 v3, $0x1;
	v3 =	vld [tilespmem:$0x520]  }
0x93: {  	v47 =	vld [tilespmem:$0x530];
	[tilespmem:$0xA40] =	vst v1;
	v1 =	vor.u32 v0, v2;
	v2 =	vshll.u32 v43, $0x1  }
0x94: {  	v48 =	vld [tilespmem:$0x540];
	[tilespmem:$0xA50] =	vst v1;
	v1 =	vor.u32 v0, v2;
	v2 =	vshll.u32 v44, $0x1  }
0x95: {  	v49 =	vld [tilespmem:$0x550];
	[tilespmem:$0xA60] =	vst v1;
	v1 =	vor.u32 v0, v2;
	v2 =	vshll.u32 v45, $0x1  }
0x96: {  	v50 =	vld [tilespmem:$0x560];
	[tilespmem:$0xA70] =	vst v1;
	v1 =	vor.u32 v0, v2;
	v2 =	vshll.u32 v46, $0x1  }
0x97: {  	[tilespmem:$0xA80] =	vst v1;
	v1 =	vor.u32 v0, v2;
	v2 =	vshll.u32 v3, $0x1;
	v3 =	vld [tilespmem:$0x570]  }
0x98: {  	v51 =	vld [tilespmem:$0x600];
	[tilespmem:$0xA90] =	vst v1;
	v1 =	vor.u32 v0, v2;
	v2 =	vshll.u32 v47, $0x1  }
0x99: {  	v52 =	vld [tilespmem:$0x610];
	[tilespmem:$0xAA0] =	vst v1;
	v1 =	vor.u32 v0, v2;
	v2 =	vshll.u32 v48, $0x1  }
0x9a: {  	v53 =	vld [tilespmem:$0x620];
	[tilespmem:$0xAB0] =	vst v1;
	v1 =	vor.u32 v0, v2;
	v2 =	vshll.u32 v49, $0x1  }
0x9b: {  	v54 =	vld [tilespmem:$0x630];
	[tilespmem:$0xAC0] =	vst v1;
	v1 =	vor.u32 v0, v2;
	v2 =	vshll.u32 v50, $0x1  }
0x9c: {  	[tilespmem:$0xAD0] =	vst v1;
	v1 =	vor.u32 v0, v2;
	v2 =	vshll.u32 v3, $0x1;
	v3 =	vld [tilespmem:$0x640]  }
0x9d: {  	v55 =	vld [tilespmem:$0x650];
	[tilespmem:$0xAE0] =	vst v1;
	v1 =	vor.u32 v0, v2;
	v2 =	vshll.u32 v51, $0x1  }
0x9e: {  	v56 =	vld [tilespmem:$0x660];
	[tilespmem:$0xAF0] =	vst v1;
	v1 =	vor.u32 v0, v2;
	v2 =	vshll.u32 v52, $0x1  }
0x9f: {  	v57 =	vld [tilespmem:$0x670];
	[tilespmem:$0xB00] =	vst v1;
	v1 =	vor.u32 v0, v2;
	v2 =	vshll.u32 v53, $0x1  }
0xa0: {  	v58 =	vld [tilespmem:$0x700];
	[tilespmem:$0xB10] =	vst v1;
	v1 =	vor.u32 v0, v2;
	v2 =	vshll.u32 v54, $0x1  }
0xa1: {  	[tilespmem:$0xB20] =	vst v1;
	v1 =	vor.u32 v0, v2;
	v2 =	vshll.u32 v3, $0x1;
	v3 =	vld [tilespmem:$0x710]  }
0xa2: {  	v59 =	vld [tilespmem:$0x720];
	[tilespmem:$0xB30] =	vst v1;
	v1 =	vor.u32 v0, v2;
	v2 =	vshll.u32 v55, $0x1  }
0xa3: {  	v60 =	vld [tilespmem:$0x730];
	[tilespmem:$0xB40] =	vst v1;
	v1 =	vor.u32 v0, v2;
	v2 =	vshll.u32 v56, $0x1  }
0xa4: {  	v61 =	vld [tilespmem:$0x740];
	[tilespmem:$0xB50] =	vst v1;
	v1 =	vor.u32 v0, v2;
	v2 =	vshll.u32 v57, $0x1  }
0xa5: {  	v62 =	vld [tilespmem:$0x750];
	[tilespmem:$0xB60] =	vst v1;
	v1 =	vor.u32 v0, v2;
	v2 =	vshll.u32 v58, $0x1  }
0xa6: {  	[tilespmem:$0xB70] =	vst v1;
	v1 =	vor.u32 v0, v2;
	v2 =	vshll.u32 v3, $0x1;
	v3 =	vld [tilespmem:$0x760]  }
0xa7: {  	v63 =	vld [tilespmem:$0x770];
	[tilespmem:$0xB80] =	vst v1;
	v1 =	vor.u32 v0, v2;
	v2 =	vshll.u32 v59, $0x1  }
0xa8: {  	[tilespmem:$0xB90] =	vst v1;
	v1 =	vor.u32 v0, v2;
	v2 =	vshll.u32 v60, $0x1  }
0xa9: {  	[tilespmem:$0xBA0] =	vst v1;
	v1 =	vor.u32 v0, v2;
	v2 =	vshll.u32 v61, $0x1  }
0xaa: {  	[tilespmem:$0xBB0] =	vst v1;
	v1 =	vor.u32 v0, v2;
	v2 =	vshll.u32 v62, $0x1  }
0xab: {  	[tilespmem:$0xBC0] =	vst v1;
	v1 =	vor.u32 v0, v2;
	v2 =	vshll.u32 v3, $0x1  }
0xac: {  	[tilespmem:$0xBD0] =	vst v1;
	v1 =	vor.u32 v0, v2;
	v2 =	vshll.u32 v63, $0x1  }
0xad: {  	[tilespmem:$0xBE0] =	vst v1;
	v1 =	vor.u32 v0, v2  }
0xae: {  	s10 =	rddreg [dreg:$0xb];
	[tilespmem:$0xBF0] =	vst v1  }
0xaf: {  	[tilespmem:s17], [sflag:$0x3] =	stream.indirect.gather [hbm4b:s4+s16], $0x40, s10, s16, $0xb8;
	[tilespmem:$0x1CC00] =	vst v63  }
0xb0: {  	s11 =	rddreg [dreg:$0xc]  }
0xb1: {  	[tilespmem:s18], [sflag:$0x4] =	stream.indirect.gather [hbm4b:s4+s16], $0x40, s11, s16, $0xb8;
	[tilespmem:$0x1CC00] =	vst v63  }
0xb2: {  	s12 =	rddreg [dreg:$0xd]  }
0xb3: {  	[tilespmem:s19], [sflag:$0x5] =	stream.indirect.gather [hbm4b:s4+s16], $0x40, s12, s16, $0xb8;
	[tilespmem:$0x1CC00] =	vst v63  }
0xb4: {  	s11 =	rddreg [dreg:$0xe]  }
0xb5: {  	[tilespmem:s20], [sflag:$0x6] =	stream.indirect.gather [hbm4b:s4+s16], $0x40, s11, s16, $0xb8;
	[tilespmem:$0x1CC00] =	vst v63  }
0xb6: {  	s12 =	rddreg [dreg:$0xf]  }
0xb7: {  	[tilespmem:s21], [sflag:$0x7] =	stream.indirect.gather [hbm4b:s4+s16], $0x40, s12, s16, $0xb8;
	[tilespmem:$0x1CC00] =	vst v63  }
0xb8: {  	s11 =	rddreg [dreg:$0x10]  }
0xb9: {  	[tilespmem:s22], [sflag:$0x8] =	stream.indirect.gather [hbm4b:s4+s16], $0x40, s11, s16, $0xb8;
	[tilespmem:$0x1CC00] =	vst v63  }
0xba: {  	s12 =	rddreg [dreg:$0x11]  }
0xbb: {  	[tilespmem:s23], [sflag:$0x9] =	stream.indirect.gather [hbm4b:s4+s16], $0x40, s12, s16, $0xb8;
	[tilespmem:$0x1CC00] =	vst v63  }
0xbc: {  	s11 =	rddreg [dreg:$0x12]  }
0xbd: {  	[tilespmem:s24], [sflag:$0xA] =	stream.indirect.gather [hbm4b:s4+s16], $0x40, s11, s16, $0xb8;
	[tilespmem:$0x1CC00] =	vst v63  }
0xbe: {  	_ =	swait.ge [sflag:s25], $0x2000  }
0xbf: {  	[sflag:s25] =	ssyncset.done $0x0  }
0xc0: {  	[sflag:s25] =	ssyncadd.s32 $0xFFFFE000  }
0xc1: {  	[spmem:s2] =	stream.indirect.scatter.add.f32 [tilespmem:s17], [sflag:$0x2], $0x40, s16, s16, $0xb8;
	[tilespmem:$0x1CC00] =	vst v63  }
0xc2: {  	_ =	swait.ge [sflag:s26], $0x2000  }
0xc3: {  	[sflag:s26] =	ssyncset.done $0x0  }
0xc4: {  	s12 =	rddreg [dreg:$0x13];
	[sflag:s26] =	ssyncadd.s32 $0xFFFFE000  }
0xc5: {  	[spmem:s2] =	stream.indirect.scatter.add.f32 [tilespmem:s18], [sflag:$0x2], $0x40, s12, s16, $0xb8;
	[tilespmem:$0x1CC00] =	vst v63  }
0xc6: {  	_ =	swait.ge [sflag:s28], $0x2000  }
0xc7: {  	[sflag:s28] =	ssyncset.done $0x0  }
0xc8: {  	s10 =	rddreg [dreg:$0x14];
	[sflag:s28] =	ssyncadd.s32 $0xFFFFE000  }
0xc9: {  	[spmem:s2] =	stream.indirect.scatter.add.f32 [tilespmem:s19], [sflag:$0x2], $0x40, s10, s16, $0xb8;
	[tilespmem:$0x1CC00] =	vst v63  }
0xca: {  	_ =	swait.ge [sflag:s29], $0x2000  }
0xcb: {  	[sflag:s29] =	ssyncset.done $0x0  }
0xcc: {  	s11 =	rddreg [dreg:$0x15];
	[sflag:s29] =	ssyncadd.s32 $0xFFFFE000  }
0xcd: {  	[spmem:s2] =	stream.indirect.scatter.add.f32 [tilespmem:s20], [sflag:$0x2], $0x40, s11, s16, $0xb8;
	[tilespmem:$0x1CC00] =	vst v63  }
0xce: {  	_ =	swait.ge [sflag:s30], $0x2000  }
0xcf: {  	[sflag:s30] =	ssyncset.done $0x0  }
0xd0: {  	s12 =	rddreg [dreg:$0x16];
	[sflag:s30] =	ssyncadd.s32 $0xFFFFE000  }
0xd1: {  	[spmem:s2] =	stream.indirect.scatter.add.f32 [tilespmem:s21], [sflag:$0x2], $0x40, s12, s16, $0xb8;
	[tilespmem:$0x1CC00] =	vst v63  }
0xd2: {  	_ =	swait.ge [sflag:s31], $0x2000  }
0xd3: {  	[sflag:s31] =	ssyncset.done $0x0  }
0xd4: {  	s10 =	rddreg [dreg:$0x17];
	[sflag:s31] =	ssyncadd.s32 $0xFFFFE000  }
0xd5: {  	[spmem:s2] =	stream.indirect.scatter.add.f32 [tilespmem:s22], [sflag:$0x2], $0x40, s10, s16, $0xb8;
	[tilespmem:$0x1CC00] =	vst v63  }
0xd6: {  	_ =	swait.ge [sflag:s0], $0x2000  }
0xd7: {  	[sflag:s0] =	ssyncset.done $0x0  }
0xd8: {  	s11 =	rddreg [dreg:$0x18];
	[sflag:s0] =	ssyncadd.s32 $0xFFFFE000  }
0xd9: {  	[spmem:s2] =	stream.indirect.scatter.add.f32 [tilespmem:s23], [sflag:$0x2], $0x40, s11, s16, $0xb8;
	[tilespmem:$0x1CC00] =	vst v63  }
0xda: {  	_ =	swait.ge [sflag:s1], $0x2000  }
0xdb: {  	[sflag:s1] =	ssyncset.done $0x0  }
0xdc: {  	s12 =	rddreg [dreg:$0x19];
	[sflag:s1] =	ssyncadd.s32 $0xFFFFE000  }
0xdd: {  	[spmem:s2] =	stream.indirect.scatter.add.f32 [tilespmem:s24], [sflag:$0x2], $0x40, s12, s16, $0xb8;
	[tilespmem:$0x1CC00] =	vst v63  }
0xde: {  	_ =	swait.ge [sflag:s5], $0x2000  }
0xdf: {  	[sflag:s5] =	ssyncset.done $0x0  }
0xe0: {  	[sflag:s5] =	ssyncadd.s32 $0xFFFFE000  }
0xe1: {  	_ =	swait.ge [sflag:s5], $0x2000  }
0xe2: {  	[sflag:s5] =	ssyncset.done $0x0  }
0xe3: {  	[sflag:s5] =	ssyncadd.s32 $0xFFFFE000  }
0xe4: {  	_ =	swait.ge [sflag:s5], $0x2000  }
0xe5: {  	[sflag:s5] =	ssyncset.done $0x0  }
0xe6: {  	[sflag:s5] =	ssyncadd.s32 $0xFFFFE000  }
0xe7: {  	_ =	swait.ge [sflag:s5], $0x2000  }
0xe8: {  	[sflag:s5] =	ssyncset.done $0x0  }
0xe9: {  	[sflag:s5] =	ssyncadd.s32 $0xFFFFE000  }
0xea: {  	_ =	swait.ge [sflag:s5], $0x2000  }
0xeb: {  	[sflag:s5] =	ssyncset.done $0x0  }
0xec: {  	[sflag:s5] =	ssyncadd.s32 $0xFFFFE000  }
0xed: {  	_ =	swait.ge [sflag:s5], $0x2000  }
0xee: {  	[sflag:s5] =	ssyncset.done $0x0  }
0xef: {  	[sflag:s5] =	ssyncadd.s32 $0xFFFFE000  }
0xf0: {  	p0 =	sne.s32 s8, $0x1300;
	_ =	swait.ge [sflag:s5], $0x2000  }
.Ltmp0:
0xf1: {  	[sflag:s5] =	ssyncset.done $0x0;
	(pc) =	sbr.rel @p0 .LBB2_2-.Ltmp0, $4  }
0xf2: {  	[sflag:s5] =	ssyncadd.s32 $0xFFFFE000  }
0xf3: {  	_ =	swait.ge [sflag:s5], $0x2000  }
0xf4: {  	[sflag:s5] =	ssyncset.done $0x0  }
0xf5: {  	s8 =	sadd.s32 $0x100, s8;
	[sflag:s5] =	ssyncadd.s32 $0xFFFFE000  }
0xf6: {  	s8 =	stileid.u32  }
0xf7: {  	[bflag:$0x0] =	sbarrier.arrive $0xFFFF;
	s9 =	sshrl.u32 s6, $0x3;
	s8 =	sshll.u32 s8, $0x6  }
0xf8: {  	s11 =	simm.s32 $0x10;
	s10 =	rddreg [dreg:$0x1f];
	s8 =	sor.u32 $0x1C0B, s8  }
0xf9: {  	[hbm:s10@s11], [sflag:s8] =	dma.strided [spmem:s9@s31], $0x1400, s15, $0x8   }
0xfa: {  	_ =	swait.ge [sflag:s14], $0x1400  }
0xfb: {  	s12 =	sld [smem:$0x7FD];
	_ =	sdelay $0x1  }
0xfc: {  	s7 =	sadd.s32 $0x1, s7  }
0xfd: {  	p0 =	sne.s32 s7, s12  }
.Ltmp1:
0xfe: {  	_ = 	snop;
	(pc) =	sbr.rel @p0 .LBB2_1-.Ltmp1, $3  }
0xff: {  	_ =	sdelay $0x1  }
0x100: {  	[sflag:s14] =	ssyncset.done $0x0  }
0x101: {  	[sflag:s14] =	ssyncadd.s32 $0xFFFFEC00  }
0x102: {  	_ =	sfence.sel $0x180000  }
0x103: {  	[bflag:$0x0] =	sbarrier.arrive $0xFFFF  }
0x104: {  	_ =	strace $0x9000004A  }
0x105: {  	s0 =	stileid.u32;
	[bflag:$0x2] =	sbarrier.arrive $0xFFFF  }
0x106: {  	p0 =	sne.s32 s0, $0x0;
	s0 =	rddreg [dreg:$0x2]  }
0x107: {  	s0 =	sadd.s32 @!p0 $0x100000, s0  }
0x108: {  	[sflag:s0] =	ssyncadd.tile.s32 @!p0 $0x1;
	_ =	shalt  }
.Lfunc_end2:
_tile_overlayer_lowered:
.L_overlay_start_2:
0x109: {  	(tag) =	ssettag $0x2  }
0x10a: {  	s0 =	rddreg [dreg:$0x0];
	s2 =	stileid.u32  }
0x10b: {  	s1 =	rddreg [dreg:$0x1];
	p0 =	sne.s32 s2, $0x0  }
0x10c: {  	s3 =	rddreg [dreg:$0x2];
	[bflag:$0x3] =	sbarrier.arrive $0xFFFF;
	s2 =	simm.s32 @!p0 $0x1C0B  }
0x10d: {  	[timem:s3], [sflag:s2] =	dma.local @!p0 [hbm:s0], s1  }
0x10e: {  	s0 =	simm.s32 @!p0 $0xB  }
0x10f: {  	_ =	swait.ge @!p0 [sflag:s0], s1  }
0x110: {  	s1 =	ssub.s32 @!p0 $0x0, s1;
	[sflag:s0] =	ssyncset.done @!p0 $0x0  }
0x111: {  	[sflag:s0] =	ssyncadd.s32 @!p0 s1  }
0x112: {  	[bflag:$0x3] =	sbarrier.arrive $0xFFFF  }
0x113: {  	_ =	shalt  }

// kernel: kernel.14.cloned.1.call-start
scs
__scs_entry_jumppad:
0x0: {  	(pc) =	sbr.rel $0x88, $3  }
0x1: {  	(tag) =	ssettag $0x0;
	lr =	simm.s32 $0x1  }
0x2: {  	[smem:$0x3F97] =	sst lr;
	_ =	strace $0xD0000000  }
0x3: {  	_ = 	snop  }
0x4: {  	_ = 	snop  }
0x5: {  	_ = 	snop  }
0x6: {  	_ = 	snop  }
0x7: {  	_ = 	snop  }
__scs_overlays_trampoline_lowered:
0x8: {  	[smem:$0x3FA6] =	sst s0  }
0x9: {  	[smem:$0x3FA7] =	sst s1  }
0xa: {  	[smem:$0x3FA8] =	sst s2  }
0xb: {  	[smem:$0x3FA9] =	sst s3  }
0xc: {  	[smem:$0x3FAA] =	sst s4  }
0xd: {  	[smem:$0x3FAB] =	sst s5  }
0xe: {  	[smem:$0x3FAC] =	sst s6  }
0xf: {  	[smem:$0x3FAD] =	sst s7  }
0x10: {  	[smem:$0x3FAE] =	sst s8  }
0x11: {  	[smem:$0x3FAF] =	sst s9;
	s0 =	simm.s32 @!p0 $0x0  }
0x12: {  	s1 =	sld [smem:$0x3F95];
	s0 =	simm.s32 @p0 $0x1  }
0x13: {  	[smem:$0x3FB0] =	sst s0;
	s0 =	simm.s32 @!p1 $0x0  }
0x14: {  	s2 =	sld [smem:$0x3F94];
	s0 =	simm.s32 @p1 $0x1  }
0x15: {  	[smem:$0x3FB1] =	sst s0;
	s0 =	simm.s32 @!p2 $0x0  }
0x16: {  	s3 =	sld [smem:$0x3FDB];
	s0 =	simm.s32 @p2 $0x1  }
0x17: {  	s4 =	simm.s32 $0x1BF5;
	[smem:$0x3FB3] =	sst s0  }
0x18: {  	s0 =	sld [smem:$0x3F96];
	_ =	swait.ge [sflag:s4], $0x0  }
0x19: {  	s7 =	sld [smem:$0x3F97]  }
0x1a: {  	s8 =	sadd.s32 $0xFFFFE003, lr  }
0x1b: {  	s9 =	sadd.s32 $0xFFFFFEF7, lr;
	s5 =	simm.s32 $0xFFFFFFFF;
	p2 =	slt.u32 s8, $0xFFFFF086  }
0x1c: {  	p1 =	slt.u32 s9, $0xF7A;
	s5 =	simm.s32 @!p2 $0x0  }
0x1d: {  	s5 =	simm.s32 @p1 $0x1;
	p0 =	seq.s32 s7, s2  }
0x1e: {  	s7 =	smul.u32 @!p0 $0xF7A, s2;
	p2 =	seq.s32 @!p0 s5, $0x0  }
0x1f: {  	s9 =	smul.u32 $0xF7A, s1;
	s8 =	simm.s32 @!p0 $0x1BF5;
	p2 =	por !p2, p0  }
0x20: {  	[sflag:s8] =	ssyncset.s32 @!p0 $0xFFFFF086;
	s6 =	sadd.s32 @!p0 s3, s7;
	s7 =	simm.s32 @!p0 $0x108  }
0x21: {  	s3 =	sadd.s32 s3, s9;
	s6 =	sadd.s32 @!p0 $0x88, s6;
	s7 =	simm.s32 @p2 $0x1082  }
0x22: {  	[simem:s7], [sflag:s8] =	dma.local @!p0 [hbm:s6], $0xF7A  }
0x23: {  	s9 =	sor.u32 $0xD0000000, s2;
	s6 =	simm.s32 $0x108;
	_ =	swait.ge @!p0 [sflag:s8], $0x0  }
0x24: {  	s3 =	sadd.s32 $0x88, s3;
	s6 =	simm.s32 @!p1 $0x1082;
	[sflag:s4] =	ssyncset.s32 $0xFFFFF086  }
0x25: {  	[simem:s6], [sflag:s4] =	dma.local [hbm:s3], $0xF7A  }
0x26: {  	[smem:$0x3F97] =	sst s1;
	(tag) =	ssettag s2;
	_ =	strace s9  }
0x27: {  	s1 =	sld [smem:$0x3FA7]  }
0x28: {  	s2 =	sld [smem:$0x3FA8]  }
0x29: {  	s4 =	sld [smem:$0x3FAA]  }
0x2a: {  	p0 =	seq.s32 s5, $0x0;
	s5 =	sld [smem:$0x3FAB]  }
0x2b: {  	s6 =	sld [smem:$0x3FAC]  }
0x2c: {  	s7 =	sld [smem:$0x3FAD]  }
0x2d: {  	s3 =	simm.s32 $0x108;
	s8 =	sld [smem:$0x3FAE]  }
0x2e: {  	s3 =	simm.s32 @!p0 $0x1082;
	s9 =	sld [smem:$0x3FAF]  }
0x2f: {  	lr =	sadd.s32 s0, s3;
	s0 =	sld [smem:$0x3FA6]  }
0x30: {  	s3 =	sld [smem:$0x3FA9]  }
0x31: {  	[smem:$0x3FB2] =	sst s10  }
0x32: {  	s10 =	sld [smem:$0x3FB0];
	_ =	sdelay $0x3  }
0x33: {  	p0 =	seq.s32 s10, $0x1;
	s10 =	sld [smem:$0x3FB2];
	_ =	sdelay $0x3  }
0x34: {  	[smem:$0x3FB2] =	sst s10  }
0x35: {  	s10 =	sld [smem:$0x3FB1];
	_ =	sdelay $0x3  }
0x36: {  	p1 =	seq.s32 s10, $0x1;
	s10 =	sld [smem:$0x3FB2];
	_ =	sdelay $0x3  }
0x37: {  	[smem:$0x3FB2] =	sst s10  }
0x38: {  	s10 =	sld [smem:$0x3FB3]  }
0x39: {  	_ = 	snop;
	(pc) =	sbr.ind lr, $3  }
0x3a: {  	_ = 	snop  }
0x3b: {  	_ = 	snop  }
0x3c: {  	p2 =	seq.s32 s10, $0x1;
	s10 =	sld [smem:$0x3FB2]  }
0x3d: {  	_ =	shalt  }
0x3e: {  	_ =	shalt  }
0x3f: {  	_ =	shalt  }
0x40: {  	_ =	shalt  }
0x41: {  	_ =	shalt  }
0x42: {  	_ =	shalt  }
0x43: {  	_ =	shalt  }
0x44: {  	_ =	shalt  }
0x45: {  	_ =	shalt  }
0x46: {  	_ =	shalt  }
0x47: {  	_ =	shalt  }
0x48: {  	_ =	shalt  }
0x49: {  	_ =	shalt  }
0x4a: {  	_ =	shalt  }
0x4b: {  	_ =	shalt  }
0x4c: {  	_ =	shalt  }
0x4d: {  	_ =	shalt  }
0x4e: {  	_ =	shalt  }
0x4f: {  	_ =	shalt  }
0x50: {  	_ =	shalt  }
0x51: {  	_ =	shalt  }
0x52: {  	_ =	shalt  }
0x53: {  	_ =	shalt  }
0x54: {  	_ =	shalt  }
0x55: {  	_ =	shalt  }
0x56: {  	_ =	shalt  }
0x57: {  	_ =	shalt  }
0x58: {  	_ =	shalt  }
0x59: {  	_ =	shalt  }
0x5a: {  	_ =	shalt  }
0x5b: {  	_ =	shalt  }
0x5c: {  	_ =	shalt  }
0x5d: {  	_ =	shalt  }
0x5e: {  	_ =	shalt  }
0x5f: {  	_ =	shalt  }
0x60: {  	_ =	shalt  }
0x61: {  	_ =	shalt  }
0x62: {  	_ =	shalt  }
0x63: {  	_ =	shalt  }
0x64: {  	_ =	shalt  }
0x65: {  	_ =	shalt  }
0x66: {  	_ =	shalt  }
0x67: {  	_ =	shalt  }
0x68: {  	_ =	shalt  }
0x69: {  	_ =	shalt  }
0x6a: {  	_ =	shalt  }
0x6b: {  	_ =	shalt  }
0x6c: {  	_ =	shalt  }
0x6d: {  	_ =	shalt  }
0x6e: {  	_ =	shalt  }
0x6f: {  	_ =	shalt  }
0x70: {  	_ =	shalt  }
0x71: {  	_ =	shalt  }
0x72: {  	_ =	shalt  }
0x73: {  	_ =	shalt  }
0x74: {  	_ =	shalt  }
0x75: {  	_ =	shalt  }
0x76: {  	_ =	shalt  }
0x77: {  	_ =	shalt  }
0x78: {  	_ =	shalt  }
0x79: {  	_ =	shalt  }
0x7a: {  	_ =	shalt  }
0x7b: {  	_ =	shalt  }
0x7c: {  	_ =	shalt  }
0x7d: {  	_ =	shalt  }
0x7e: {  	_ =	shalt  }
0x7f: {  	_ =	shalt  }
0x80: {  	_ =	shalt  }
0x81: {  	_ =	shalt  }
0x82: {  	_ =	shalt  }
0x83: {  	_ =	shalt  }
0x84: {  	_ =	shalt  }
0x85: {  	_ =	shalt  }
0x86: {  	_ =	shalt  }
0x87: {  	_ =	shalt  }
.Lfunc_end0:
.L_simem_size_0:
called_computation.2_lowered:
.L_overlay_start_0:
0x88: {  	s2 =	sld [smem:$0x3FD9]  }
0x89: {  	s3 =	sld [smem:$0x3FFE];
	_ =	sdelay $0x1  }
0x8a: {  	s1 =	srdreg.scid  }
0x8b: {  	s0 =	sand.u32 $0x1, s1  }
0x8c: {  	s16 =	sshll.u32 s0, $0xA;
	s2 =	sadd.s32 s3, s2  }
0x8d: {  	s2 =	sadd.s32 s2, s16  }
0x8e: {  	[smem:$0x3FBE] =	sst s2  }
0x8f: {  	_ = 	snop  }
0x90: {  	(tm) =	ssettm $0x1  }
0x91: {  	s17 =	sld [smem:$0x3FFB];
	_ =	sdelay $0x3  }
0x92: {  	_ =	strace s17  }
0x93: {  	s2 =	sld [smem:$0x3FFC];
	_ =	sdelay $0x3  }
0x94: {  	_ =	strace s2  }
0x95: {  	s2 =	sld [smem:$0x3FFD];
	_ =	sdelay $0x3  }
0x96: {  	_ =	strace s2  }
0x97: {  	_ =	strace $0x8FFFFFFF  }
0x98: {  	s18 =	sld [smem:$0x3FDB];
	_ =	sdelay $0x1  }
0x99: {  	s19 =	simm.s32 $_scs_section_size  }
0x9a: {  	s4 =	simm.s32 $_size__tile_overlayer_lowered;
	s5 =	simm.s32 $_tile_overlayer_lowered  }
0x9b: {  	s22 =	simm.s32 $0x1BFF;
	s21 =	sshll.u32 s5, $0x1;
	s2 =	sadd.s32 s19, s18  }
0x9c: {  	s6 =	simm.s32 $0x0;
	s20 =	sshll.u32 s4, $0x1;
	s4 =	sadd.s32 s21, s2  }
0x9d: {  	[timem:s6], [sflag:s22] =	dma.local [hbm:s4], s20  }
0x9e: {  	_ =	swait.ge [sflag:s22], s20  }
0x9f: {  	s3 =	ssub.s32 $0x0, s20;
	[sflag:s22] =	ssyncset.done $0x0  }
0xa0: {  	[sflag:s22] =	ssyncadd.s32 s3;
	_ =	sdelay $0x1  }
0xa1: {  	s23 =	simm.s32 $0x1B8B  }
0xa2: {  	_ =	swait.ge [sflag:s23], $0x1  }
0xa3: {  	[sflag:s23] =	ssyncset.done $0x0  }
0xa4: {  	s25 =	simm.s32 $0x1B8E;
	s24 =	sld [smem:$0x3FFE];
	[sflag:s23] =	ssyncadd.s32 $0xFFFFFFFF  }
0xa5: {  	s26 =	simm.s32 $execute0_lowered;
	[smem:$0x3FD2] =	sst s25  }
0xa6: {  	s4 =	sshll.u32 s26, $0x1;
	_ =	strace $0x8000004C;
	[dreg:$0x1] =	wrdreg $0xFFFFFFFF  }
0xa7: {  	s28 =	simm.s32 $_size_execute0_lowered;
	s2 =	sadd.s32 s2, s4;
	[dreg:$0x0] =	wrdreg $0x0  }
0xa8: {  	s4 =	sshll.u32 s28, $0x1;
	[dreg:$0x2] =	wrdreg s2  }
0xa9: {  	[dreg:$0x3] =	wrdreg s4  }
0xaa: {  	[dreg:$0x4] =	wrdreg $0xC0  }
0xab: {  	_ =	task [dreg:s6], $0x5FFFF  }
0xac: {  	[dreg:$0x1] =	wrdreg $0xFFFFFFFF  }
0xad: {  	[dreg:$0x0] =	wrdreg $0x60  }
0xae: {  	[dreg:$0x2] =	wrdreg s24  }
0xaf: {  	[dreg:$0x3] =	wrdreg $0x12C000  }
0xb0: {  	[dreg:$0x4] =	wrdreg $0x9  }
0xb1: {  	_ =	task.clear_ibuf [dreg:s6], $0x5FFFF;
	_ =	strace $0x9000004C  }
0xb2: {  	s29 =	simm.s32 $0x9;
	_ =	strace $0x8000004E  }
0xb3: {  	_ =	swait.ge [sflag:s29], $0x1  }
0xb4: {  	[sflag:s29] =	ssyncadd.s32 $0xFFFFFFFF  }
0xb5: {  	_ =	strace $0x9000004E  }
0xb6: {  	_ =	sfence  }
0xb7: {  	s30 =	sld [smem:$0x0];
	_ =	sdelay $0x2  }
0xb8: {  	s31 =	sshll.u32 s1, $0xD;
	s1 =	sshrl.u32 s1, $0x2  }
0xb9: {  	s3 =	sand.u32 $0x4000, s31;
	s1 =	sadd.s32 s1, s30  }
0xba: {  	s0 =	sor.u32 s3, s0;
	s1 =	sshll.u32 s1, $0x11  }
0xbb: {  	s0 =	sor.u32 s1, s0  }
0xbc: {  	s0 =	sadd.s32 $0x8F2B, s0  }
0xbd: {  	[sflag:s0] =	ssyncadd.remote.s32 $0x1  }
0xbe: {  	_ =	sfence.sel $0xFFFF  }
0xbf: {  	[dreg:$0x0] =	wrdreg $0xFFFFFFFF;
	(pc) =	sbr.abs _section_cstart, $3  }
0xc0: {  	[dreg:$0x1] =	wrdreg $0xFFFFFFFF  }
0xc1: {  	_ =	task.clear_ibuf [dreg:s6], $0x2FFFF;
	_ =	strace $0x9FFFFFFF  }
0xc2: {  	(tm) =	ssettm $0x7FFFFFFF  }
0xc3: {  	_ =	shalt  }
tec
execute0_lowered:
.L_overlay_start_1:
0x0: {  	(tag) =	ssettag $0x1  }
0x1: {  	s0 =	rddreg [dreg:$0x0]  }
0x2: {  	s2 =	rddreg [dreg:$0x1]  }
0x3: {  	s8 =	stileid.u32;
	s3 =	simm.s32 $0x0;
	s4 =	srdreg.scid  }
0x4: {  	s15 =	simm.s32 $0x100;
	[smem:$0x7FF] =	sst s3;
	s14 =	sadd.s32 $0x3E800, s0  }
0x5: {  	s17 =	simm.s32 $0x200;
	_ =	strace $0x8000004D;
	[dreg:$0x1a] =	wrdreg s14  }
0x6: {  	s19 =	simm.s32 $0x300;
	s20 =	simm.s32 $0x400;
	[dreg:$0x4] =	wrdreg s15  }
0x7: {  	s21 =	simm.s32 $0x500;
	s23 =	simm.s32 $0x600;
	[dreg:$0x5] =	wrdreg s17  }
0x8: {  	s24 =	simm.s32 $0x700;
	s26 =	simm.s32 $0x800;
	[dreg:$0x6] =	wrdreg s19  }
0x9: {  	s10 =	simm.s32 $0x880;
	s12 =	simm.s32 $0x900;
	[dreg:$0x7] =	wrdreg s20  }
0xa: {  	s28 =	simm.s32 $0x5;
	s29 =	simm.s32 $0x6;
	[dreg:$0x8] =	wrdreg s21  }
0xb: {  	s30 =	simm.s32 $0x7;
	s31 =	simm.s32 $0x8;
	[dreg:$0x9] =	wrdreg s23  }
0xc: {  	s1 =	smul.u32 $0x1400, s8;
	s5 =	sand.u32 $0x1, s4;
	[dreg:$0xa] =	wrdreg s24  }
0xd: {  	s6 =	smul.u32 $0x14000, s8;
	s4 =	sadd.s32 $0x16800, s0;
	[dreg:$0xb] =	wrdreg s26  }
0xe: {  	s8 =	smul.u32 $0x28000, s8;
	s7 =	sshll.u32 s5, $0x6;
	[dreg:$0xc] =	wrdreg s10  }
0xf: {  	s16 =	ssub.s32 $0x2, s5;
	[dreg:$0xd] =	wrdreg s12;
	s14 =	simm.s32 $0x980  }
0x10: {  	s15 =	simm.s32 $0xA00;
	s17 =	simm.s32 $0xA80;
	s19 =	simm.s32 $0xB80  }
0x11: {  	s20 =	simm.s32 $0x180;
	s21 =	simm.s32 $0x280;
	[dreg:$0xe] =	wrdreg s14  }
0x12: {  	s23 =	simm.s32 $0x480;
	s24 =	simm.s32 $0x580;
	[dreg:$0xf] =	wrdreg s15  }
0x13: {  	s26 =	simm.s32 $0x780;
	v0 =	vmov s5;
	s5 =	simm.s32 $0x2;
	[dreg:$0x10] =	wrdreg s17  }
0x14: {  	s1 =	sadd.s32 s1, s0;
	s6 =	sor.u32 s7, s6;
	[dreg:$0x12] =	wrdreg s19  }
0x15: {  	s18 =	sshrl.u32 s16, $0x1;
	s22 =	sshrl.u32 s8, $0x2;
	[dreg:$0x13] =	wrdreg s20  }
0x16: {  	s14 =	simm.s32 $0xB;
	s15 =	simm.s32 $0x1;
	[dreg:$0x14] =	wrdreg s21  }
0x17: {  	s17 =	simm.s32 $0xC00;
	s19 =	simm.s32 $0x4C00;
	[dreg:$0x16] =	wrdreg s23  }
0x18: {  	s20 =	simm.s32 $0x6C00;
	[dreg:$0x17] =	wrdreg s24;
	s21 =	simm.s32 $0x8C00  }
0x19: {  	s23 =	simm.s32 $0xCC00;
	[dreg:$0x19] =	wrdreg s26;
	s24 =	simm.s32 $0xEC00  }
0x1a: {  	s26 =	simm.s32 $0x4;
	s6 =	sshrl.u32 s6, $0x3;
	s1 =	sadd.s32 $0x2800, s1  }
0x1b: {  	s7 =	ssub.s32 s16, s18;
	s18 =	simm.s32 $0xB00;
	[dreg:$0x3] =	wrdreg s1  }
0x1c: {  	s0 =	sadd.s32 s6, s0;
	s16 =	smax.u32 s7, $0x1;
	[dreg:$0x11] =	wrdreg s18  }
0x1d: {  	s6 =	sadd.s32 s22, s2;
	s22 =	simm.s32 $0x380;
	[smem:$0x7FD] =	sst s16  }
0x1e: {  	s18 =	simm.s32 $0x2C00;
	s25 =	sadd.s32 $0x2000, s6;
	[dreg:$0x15] =	wrdreg s22  }
0x1f: {  	s1 =	simm.s32 $0xA;
	s9 =	sadd.s32 $0x4000, s6;
	[dreg:$0x1b] =	wrdreg s25  }
0x20: {  	s7 =	simm.s32 $0x0;
	s11 =	sadd.s32 $0x6000, s6;
	[dreg:$0x1c] =	wrdreg s9  }
0x21: {  	s13 =	sadd.s32 $0x8000, s6;
	s0 =	sadd.s32 $0x3EC00, s0;
	[dreg:$0x1d] =	wrdreg s11  }
0x22: {  	s16 =	simm.s32 $0x80;
	s22 =	simm.s32 $0xAC00;
	[dreg:$0x1e] =	wrdreg s13  }
0x23: {  	[dreg:$0x1f] =	wrdreg s0;
	s13 =	simm.s32 $0x10C00;
	s25 =	simm.s32 $0x680  }
0x24: {  	s0 =	simm.s32 $0x9;
	[dreg:$0x18] =	wrdreg s25;
	s25 =	simm.s32 $0x3  }
.LBB2_1:
0x25: {  	s8 =	rddreg [dreg:$0x1a]  }
0x26: {  	[tilespmem:s13], [sflag:$0xB] =	stream.linear.gather [hbm4b:s8+s3], $0x2000, $0x38;
	[tilespmem:$0x1CC00] =	vst v63  }
0x27: {  	_ =	swait.ge [sflag:s14], $0x2000  }
0x28: {  	[sflag:s14] =	ssyncset.done $0x0  }
0x29: {  	[sflag:s14] =	ssyncadd.s32 $0xFFFFE000  }
0x2a: {  	[spmem:s6] =	stream.linear.scatter [tilespmem:s13], [sflag:$0xB], $0x2000, $0x38;
	[tilespmem:$0x1CC00] =	vst v63  }
0x2b: {  	_ =	swait.ge [sflag:s14], $0x2000  }
0x2c: {  	[sflag:s14] =	ssyncset.done $0x0  }
0x2d: {  	s9 =	rddreg [dreg:$0x1b];
	[sflag:s14] =	ssyncadd.s32 $0xFFFFE000  }
0x2e: {  	[spmem:s9] =	stream.linear.scatter [tilespmem:s13], [sflag:$0xB], $0x2000, $0x38;
	[tilespmem:$0x1CC00] =	vst v63  }
0x2f: {  	_ =	swait.ge [sflag:s14], $0x2000  }
0x30: {  	[sflag:s14] =	ssyncset.done $0x0  }
0x31: {  	s10 =	rddreg [dreg:$0x1c];
	[sflag:s14] =	ssyncadd.s32 $0xFFFFE000  }
0x32: {  	[spmem:s10] =	stream.linear.scatter [tilespmem:s13], [sflag:$0xB], $0x2000, $0x38;
	[tilespmem:$0x1CC00] =	vst v63  }
0x33: {  	_ =	swait.ge [sflag:s14], $0x2000  }
0x34: {  	[sflag:s14] =	ssyncset.done $0x0  }
0x35: {  	s11 =	rddreg [dreg:$0x1d];
	[sflag:s14] =	ssyncadd.s32 $0xFFFFE000  }
0x36: {  	[spmem:s11] =	stream.linear.scatter [tilespmem:s13], [sflag:$0xB], $0x2000, $0x38;
	[tilespmem:$0x1CC00] =	vst v63  }
0x37: {  	_ =	swait.ge [sflag:s14], $0x2000  }
0x38: {  	[sflag:s14] =	ssyncset.done $0x0  }
0x39: {  	s12 =	rddreg [dreg:$0x1e];
	[sflag:s14] =	ssyncadd.s32 $0xFFFFE000  }
0x3a: {  	[spmem:s12] =	stream.linear.scatter [tilespmem:s13], [sflag:$0xB], $0x2000, $0x38;
	[tilespmem:$0x1CC00] =	vst v63  }
0x3b: {  	_ =	swait.ge [sflag:s14], $0x2000  }
0x3c: {  	[sflag:s14] =	ssyncset.done $0x0  }
0x3d: {  	[sflag:s14] =	ssyncadd.s32 $0xFFFFE000  }
0x3e: {  	s8 =	simm.s32 $0x0;
	[bflag:$0x0] =	sbarrier.arrive $0xFFFF  }
.LBB2_2:
0x3f: {  	s9 =	rddreg [dreg:$0x3]  }
0x40: {  	s9 =	sadd.s32 s8, s9  }
0x41: {  	[tilespmem:s3], [sflag:$0x1] =	stream.linear.gather [hbm4b:s9+s3], $0x100, $0x38;
	[tilespmem:$0x1CC00] =	vst v63  }
0x42: {  	s10 =	rddreg [dreg:$0x4];
	s11 =	sadd.s32 $0x20, s9  }
0x43: {  	[tilespmem:s10], [sflag:$0x1] =	stream.linear.gather [hbm4b:s11+s3], $0x100, $0x38;
	[tilespmem:$0x1CC00] =	vst v63  }
0x44: {  	s12 =	rddreg [dreg:$0x5];
	s10 =	sadd.s32 $0x40, s9  }
0x45: {  	[tilespmem:s12], [sflag:$0x1] =	stream.linear.gather [hbm4b:s10+s3], $0x100, $0x38;
	[tilespmem:$0x1CC00] =	vst v63  }
0x46: {  	s11 =	rddreg [dreg:$0x6];
	s10 =	sadd.s32 $0x60, s9  }
0x47: {  	[tilespmem:s11], [sflag:$0x1] =	stream.linear.gather [hbm4b:s10+s3], $0x100, $0x38;
	[tilespmem:$0x1CC00] =	vst v63  }
0x48: {  	s12 =	rddreg [dreg:$0x7];
	s10 =	sadd.s32 $0x80, s9  }
0x49: {  	[tilespmem:s12], [sflag:$0x1] =	stream.linear.gather [hbm4b:s10+s3], $0x100, $0x38;
	[tilespmem:$0x1CC00] =	vst v63  }
0x4a: {  	s11 =	rddreg [dreg:$0x8];
	s10 =	sadd.s32 $0xA0, s9  }
0x4b: {  	[tilespmem:s11], [sflag:$0x1] =	stream.linear.gather [hbm4b:s10+s3], $0x100, $0x38;
	[tilespmem:$0x1CC00] =	vst v63  }
0x4c: {  	s12 =	rddreg [dreg:$0x9];
	s10 =	sadd.s32 $0xC0, s9  }
0x4d: {  	[tilespmem:s12], [sflag:$0x1] =	stream.linear.gather [hbm4b:s10+s3], $0x100, $0x38;
	[tilespmem:$0x1CC00] =	vst v63  }
0x4e: {  	s11 =	rddreg [dreg:$0xa];
	s9 =	sadd.s32 $0xE0, s9  }
0x4f: {  	[tilespmem:s11], [sflag:$0x1] =	stream.linear.gather [hbm4b:s9+s3], $0x100, $0x38;
	[tilespmem:$0x1CC00] =	vst v63  }
0x50: {  	_ =	swait.ge [sflag:s15], $0x100  }
0x51: {  	[sflag:s15] =	ssyncset.done $0x0  }
0x52: {  	[sflag:s15] =	ssyncadd.s32 $0xFFFFFF00  }
0x53: {  	_ =	swait.ge [sflag:s15], $0x100  }
0x54: {  	[sflag:s15] =	ssyncset.done $0x0  }
0x55: {  	[sflag:s15] =	ssyncadd.s32 $0xFFFFFF00  }
0x56: {  	_ =	swait.ge [sflag:s15], $0x100  }
0x57: {  	[sflag:s15] =	ssyncset.done $0x0  }
0x58: {  	[sflag:s15] =	ssyncadd.s32 $0xFFFFFF00  }
0x59: {  	_ =	swait.ge [sflag:s15], $0x100  }
0x5a: {  	[sflag:s15] =	ssyncset.done $0x0  }
0x5b: {  	[sflag:s15] =	ssyncadd.s32 $0xFFFFFF00  }
0x5c: {  	_ =	swait.ge [sflag:s15], $0x100  }
0x5d: {  	[sflag:s15] =	ssyncset.done $0x0  }
0x5e: {  	[sflag:s15] =	ssyncadd.s32 $0xFFFFFF00  }
0x5f: {  	_ =	swait.ge [sflag:s15], $0x100  }
0x60: {  	[sflag:s15] =	ssyncset.done $0x0  }
0x61: {  	[sflag:s15] =	ssyncadd.s32 $0xFFFFFF00  }
0x62: {  	_ =	swait.ge [sflag:s15], $0x100  }
0x63: {  	[sflag:s15] =	ssyncset.done $0x0  }
0x64: {  	[sflag:s15] =	ssyncadd.s32 $0xFFFFFF00  }
0x65: {  	_ =	swait.ge [sflag:s15], $0x100  }
0x66: {  	[sflag:s15] =	ssyncset.done $0x0  }
0x67: {  	[sflag:s15] =	ssyncadd.s32 $0xFFFFFF00  }
0x68: {  	v1 =	vld [tilespmem:$0x0]  }
0x69: {  	v2 =	vld [tilespmem:$0x10]  }
0x6a: {  	v3 =	vld [tilespmem:$0x20]  }
0x6b: {  	v4 =	vld [tilespmem:$0x30]  }
0x6c: {  	v5 =	vld [tilespmem:$0x40]  }
0x6d: {  	v6 =	vld [tilespmem:$0x50];
	v1 =	vshll.u32 v1, $0x1  }
0x6e: {  	v7 =	vld [tilespmem:$0x60];
	v2 =	vshll.u32 v2, $0x1;
	v1 =	vor.u32 v0, v1  }
0x6f: {  	[tilespmem:$0x800] =	vst v1;
	v1 =	vor.u32 v0, v2;
	v2 =	vshll.u32 v3, $0x1;
	v3 =	vld [tilespmem:$0x70]  }
0x70: {  	v19 =	vld [tilespmem:$0x100];
	[tilespmem:$0x810] =	vst v1;
	v1 =	vor.u32 v0, v2;
	v2 =	vshll.u32 v4, $0x1  }
0x71: {  	v20 =	vld [tilespmem:$0x110];
	[tilespmem:$0x820] =	vst v1;
	v1 =	vor.u32 v0, v2;
	v2 =	vshll.u32 v5, $0x1  }
0x72: {  	v21 =	vld [tilespmem:$0x120];
	[tilespmem:$0x830] =	vst v1;
	v1 =	vor.u32 v0, v2;
	v2 =	vshll.u32 v6, $0x1  }
0x73: {  	v22 =	vld [tilespmem:$0x130];
	[tilespmem:$0x840] =	vst v1;
	v1 =	vor.u32 v0, v2;
	v2 =	vshll.u32 v7, $0x1  }
0x74: {  	[tilespmem:$0x850] =	vst v1;
	v1 =	vor.u32 v0, v2;
	v2 =	vshll.u32 v3, $0x1;
	v3 =	vld [tilespmem:$0x140]  }
0x75: {  	v23 =	vld [tilespmem:$0x150];
	[tilespmem:$0x860] =	vst v1;
	v1 =	vor.u32 v0, v2;
	v2 =	vshll.u32 v19, $0x1  }
0x76: {  	v24 =	vld [tilespmem:$0x160];
	[tilespmem:$0x870] =	vst v1;
	v1 =	vor.u32 v0, v2;
	v2 =	vshll.u32 v20, $0x1  }
0x77: {  	v25 =	vld [tilespmem:$0x170];
	[tilespmem:$0x880] =	vst v1;
	v1 =	vor.u32 v0, v2;
	v2 =	vshll.u32 v21, $0x1  }
0x78: {  	v26 =	vld [tilespmem:$0x200];
	[tilespmem:$0x890] =	vst v1;
	v1 =	vor.u32 v0, v2;
	v2 =	vshll.u32 v22, $0x1  }
0x79: {  	[tilespmem:$0x8A0] =	vst v1;
	v1 =	vor.u32 v0, v2;
	v2 =	vshll.u32 v3, $0x1;
	v3 =	vld [tilespmem:$0x210]  }
0x7a: {  	v27 =	vld [tilespmem:$0x220];
	[tilespmem:$0x8B0] =	vst v1;
	v1 =	vor.u32 v0, v2;
	v2 =	vshll.u32 v23, $0x1  }
0x7b: {  	v28 =	vld [tilespmem:$0x230];
	[tilespmem:$0x8C0] =	vst v1;
	v1 =	vor.u32 v0, v2;
	v2 =	vshll.u32 v24, $0x1  }
0x7c: {  	v29 =	vld [tilespmem:$0x240];
	[tilespmem:$0x8D0] =	vst v1;
	v1 =	vor.u32 v0, v2;
	v2 =	vshll.u32 v25, $0x1  }
0x7d: {  	v30 =	vld [tilespmem:$0x250];
	[tilespmem:$0x8E0] =	vst v1;
	v1 =	vor.u32 v0, v2;
	v2 =	vshll.u32 v26, $0x1  }
0x7e: {  	[tilespmem:$0x8F0] =	vst v1;
	v1 =	vor.u32 v0, v2;
	v2 =	vshll.u32 v3, $0x1;
	v3 =	vld [tilespmem:$0x260]  }
0x7f: {  	v31 =	vld [tilespmem:$0x270];
	[tilespmem:$0x900] =	vst v1;
	v1 =	vor.u32 v0, v2;
	v2 =	vshll.u32 v27, $0x1  }
0x80: {  	v32 =	vld [tilespmem:$0x300];
	[tilespmem:$0x910] =	vst v1;
	v1 =	vor.u32 v0, v2;
	v2 =	vshll.u32 v28, $0x1  }
0x81: {  	v33 =	vld [tilespmem:$0x310];
	[tilespmem:$0x920] =	vst v1;
	v1 =	vor.u32 v0, v2;
	v2 =	vshll.u32 v29, $0x1  }
0x82: {  	v34 =	vld [tilespmem:$0x320];
	[tilespmem:$0x930] =	vst v1;
	v1 =	vor.u32 v0, v2;
	v2 =	vshll.u32 v30, $0x1  }
0x83: {  	[tilespmem:$0x940] =	vst v1;
	v1 =	vor.u32 v0, v2;
	v2 =	vshll.u32 v3, $0x1;
	v3 =	vld [tilespmem:$0x330]  }
0x84: {  	v35 =	vld [tilespmem:$0x340];
	[tilespmem:$0x950] =	vst v1;
	v1 =	vor.u32 v0, v2;
	v2 =	vshll.u32 v31, $0x1  }
0x85: {  	v36 =	vld [tilespmem:$0x350];
	[tilespmem:$0x960] =	vst v1;
	v1 =	vor.u32 v0, v2;
	v2 =	vshll.u32 v32, $0x1  }
0x86: {  	v37 =	vld [tilespmem:$0x360];
	[tilespmem:$0x970] =	vst v1;
	v1 =	vor.u32 v0, v2;
	v2 =	vshll.u32 v33, $0x1  }
0x87: {  	v38 =	vld [tilespmem:$0x370];
	[tilespmem:$0x980] =	vst v1;
	v1 =	vor.u32 v0, v2;
	v2 =	vshll.u32 v34, $0x1  }
0x88: {  	[tilespmem:$0x990] =	vst v1;
	v1 =	vor.u32 v0, v2;
	v2 =	vshll.u32 v3, $0x1;
	v3 =	vld [tilespmem:$0x400]  }
0x89: {  	v39 =	vld [tilespmem:$0x410];
	[tilespmem:$0x9A0] =	vst v1;
	v1 =	vor.u32 v0, v2;
	v2 =	vshll.u32 v35, $0x1  }
0x8a: {  	v40 =	vld [tilespmem:$0x420];
	[tilespmem:$0x9B0] =	vst v1;
	v1 =	vor.u32 v0, v2;
	v2 =	vshll.u32 v36, $0x1  }
0x8b: {  	v41 =	vld [tilespmem:$0x430];
	[tilespmem:$0x9C0] =	vst v1;
	v1 =	vor.u32 v0, v2;
	v2 =	vshll.u32 v37, $0x1  }
0x8c: {  	v42 =	vld [tilespmem:$0x440];
	[tilespmem:$0x9D0] =	vst v1;
	v1 =	vor.u32 v0, v2;
	v2 =	vshll.u32 v38, $0x1  }
0x8d: {  	[tilespmem:$0x9E0] =	vst v1;
	v1 =	vor.u32 v0, v2;
	v2 =	vshll.u32 v3, $0x1;
	v3 =	vld [tilespmem:$0x450]  }
0x8e: {  	v43 =	vld [tilespmem:$0x460];
	[tilespmem:$0x9F0] =	vst v1;
	v1 =	vor.u32 v0, v2;
	v2 =	vshll.u32 v39, $0x1  }
0x8f: {  	v44 =	vld [tilespmem:$0x470];
	[tilespmem:$0xA00] =	vst v1;
	v1 =	vor.u32 v0, v2;
	v2 =	vshll.u32 v40, $0x1  }
0x90: {  	v45 =	vld [tilespmem:$0x500];
	[tilespmem:$0xA10] =	vst v1;
	v1 =	vor.u32 v0, v2;
	v2 =	vshll.u32 v41, $0x1  }
0x91: {  	v46 =	vld [tilespmem:$0x510];
	[tilespmem:$0xA20] =	vst v1;
	v1 =	vor.u32 v0, v2;
	v2 =	vshll.u32 v42, $0x1  }
0x92: {  	[tilespmem:$0xA30] =	vst v1;
	v1 =	vor.u32 v0, v2;
	v2 =	vshll.u32 v3, $0x1;
	v3 =	vld [tilespmem:$0x520]  }
0x93: {  	v47 =	vld [tilespmem:$0x530];
	[tilespmem:$0xA40] =	vst v1;
	v1 =	vor.u32 v0, v2;
	v2 =	vshll.u32 v43, $0x1  }
0x94: {  	v48 =	vld [tilespmem:$0x540];
	[tilespmem:$0xA50] =	vst v1;
	v1 =	vor.u32 v0, v2;
	v2 =	vshll.u32 v44, $0x1  }
0x95: {  	v49 =	vld [tilespmem:$0x550];
	[tilespmem:$0xA60] =	vst v1;
	v1 =	vor.u32 v0, v2;
	v2 =	vshll.u32 v45, $0x1  }
0x96: {  	v50 =	vld [tilespmem:$0x560];
	[tilespmem:$0xA70] =	vst v1;
	v1 =	vor.u32 v0, v2;
	v2 =	vshll.u32 v46, $0x1  }
0x97: {  	[tilespmem:$0xA80] =	vst v1;
	v1 =	vor.u32 v0, v2;
	v2 =	vshll.u32 v3, $0x1;
	v3 =	vld [tilespmem:$0x570]  }
0x98: {  	v51 =	vld [tilespmem:$0x600];
	[tilespmem:$0xA90] =	vst v1;
	v1 =	vor.u32 v0, v2;
	v2 =	vshll.u32 v47, $0x1  }
0x99: {  	v52 =	vld [tilespmem:$0x610];
	[tilespmem:$0xAA0] =	vst v1;
	v1 =	vor.u32 v0, v2;
	v2 =	vshll.u32 v48, $0x1  }
0x9a: {  	v53 =	vld [tilespmem:$0x620];
	[tilespmem:$0xAB0] =	vst v1;
	v1 =	vor.u32 v0, v2;
	v2 =	vshll.u32 v49, $0x1  }
0x9b: {  	v54 =	vld [tilespmem:$0x630];
	[tilespmem:$0xAC0] =	vst v1;
	v1 =	vor.u32 v0, v2;
	v2 =	vshll.u32 v50, $0x1  }
0x9c: {  	[tilespmem:$0xAD0] =	vst v1;
	v1 =	vor.u32 v0, v2;
	v2 =	vshll.u32 v3, $0x1;
	v3 =	vld [tilespmem:$0x640]  }
0x9d: {  	v55 =	vld [tilespmem:$0x650];
	[tilespmem:$0xAE0] =	vst v1;
	v1 =	vor.u32 v0, v2;
	v2 =	vshll.u32 v51, $0x1  }
0x9e: {  	v56 =	vld [tilespmem:$0x660];
	[tilespmem:$0xAF0] =	vst v1;
	v1 =	vor.u32 v0, v2;
	v2 =	vshll.u32 v52, $0x1  }
0x9f: {  	v57 =	vld [tilespmem:$0x670];
	[tilespmem:$0xB00] =	vst v1;
	v1 =	vor.u32 v0, v2;
	v2 =	vshll.u32 v53, $0x1  }
0xa0: {  	v58 =	vld [tilespmem:$0x700];
	[tilespmem:$0xB10] =	vst v1;
	v1 =	vor.u32 v0, v2;
	v2 =	vshll.u32 v54, $0x1  }
0xa1: {  	[tilespmem:$0xB20] =	vst v1;
	v1 =	vor.u32 v0, v2;
	v2 =	vshll.u32 v3, $0x1;
	v3 =	vld [tilespmem:$0x710]  }
0xa2: {  	v59 =	vld [tilespmem:$0x720];
	[tilespmem:$0xB30] =	vst v1;
	v1 =	vor.u32 v0, v2;
	v2 =	vshll.u32 v55, $0x1  }
0xa3: {  	v60 =	vld [tilespmem:$0x730];
	[tilespmem:$0xB40] =	vst v1;
	v1 =	vor.u32 v0, v2;
	v2 =	vshll.u32 v56, $0x1  }
0xa4: {  	v61 =	vld [tilespmem:$0x740];
	[tilespmem:$0xB50] =	vst v1;
	v1 =	vor.u32 v0, v2;
	v2 =	vshll.u32 v57, $0x1  }
0xa5: {  	v62 =	vld [tilespmem:$0x750];
	[tilespmem:$0xB60] =	vst v1;
	v1 =	vor.u32 v0, v2;
	v2 =	vshll.u32 v58, $0x1  }
0xa6: {  	[tilespmem:$0xB70] =	vst v1;
	v1 =	vor.u32 v0, v2;
	v2 =	vshll.u32 v3, $0x1;
	v3 =	vld [tilespmem:$0x760]  }
0xa7: {  	v63 =	vld [tilespmem:$0x770];
	[tilespmem:$0xB80] =	vst v1;
	v1 =	vor.u32 v0, v2;
	v2 =	vshll.u32 v59, $0x1  }
0xa8: {  	[tilespmem:$0xB90] =	vst v1;
	v1 =	vor.u32 v0, v2;
	v2 =	vshll.u32 v60, $0x1  }
0xa9: {  	[tilespmem:$0xBA0] =	vst v1;
	v1 =	vor.u32 v0, v2;
	v2 =	vshll.u32 v61, $0x1  }
0xaa: {  	[tilespmem:$0xBB0] =	vst v1;
	v1 =	vor.u32 v0, v2;
	v2 =	vshll.u32 v62, $0x1  }
0xab: {  	[tilespmem:$0xBC0] =	vst v1;
	v1 =	vor.u32 v0, v2;
	v2 =	vshll.u32 v3, $0x1  }
0xac: {  	[tilespmem:$0xBD0] =	vst v1;
	v1 =	vor.u32 v0, v2;
	v2 =	vshll.u32 v63, $0x1  }
0xad: {  	[tilespmem:$0xBE0] =	vst v1;
	v1 =	vor.u32 v0, v2  }
0xae: {  	s10 =	rddreg [dreg:$0xb];
	[tilespmem:$0xBF0] =	vst v1  }
0xaf: {  	[tilespmem:s17], [sflag:$0x3] =	stream.indirect.gather [hbm4b:s4+s16], $0x40, s10, s16, $0xb8;
	[tilespmem:$0x1CC00] =	vst v63  }
0xb0: {  	s11 =	rddreg [dreg:$0xc]  }
0xb1: {  	[tilespmem:s18], [sflag:$0x4] =	stream.indirect.gather [hbm4b:s4+s16], $0x40, s11, s16, $0xb8;
	[tilespmem:$0x1CC00] =	vst v63  }
0xb2: {  	s12 =	rddreg [dreg:$0xd]  }
0xb3: {  	[tilespmem:s19], [sflag:$0x5] =	stream.indirect.gather [hbm4b:s4+s16], $0x40, s12, s16, $0xb8;
	[tilespmem:$0x1CC00] =	vst v63  }
0xb4: {  	s11 =	rddreg [dreg:$0xe]  }
0xb5: {  	[tilespmem:s20], [sflag:$0x6] =	stream.indirect.gather [hbm4b:s4+s16], $0x40, s11, s16, $0xb8;
	[tilespmem:$0x1CC00] =	vst v63  }
0xb6: {  	s12 =	rddreg [dreg:$0xf]  }
0xb7: {  	[tilespmem:s21], [sflag:$0x7] =	stream.indirect.gather [hbm4b:s4+s16], $0x40, s12, s16, $0xb8;
	[tilespmem:$0x1CC00] =	vst v63  }
0xb8: {  	s11 =	rddreg [dreg:$0x10]  }
0xb9: {  	[tilespmem:s22], [sflag:$0x8] =	stream.indirect.gather [hbm4b:s4+s16], $0x40, s11, s16, $0xb8;
	[tilespmem:$0x1CC00] =	vst v63  }
0xba: {  	s12 =	rddreg [dreg:$0x11]  }
0xbb: {  	[tilespmem:s23], [sflag:$0x9] =	stream.indirect.gather [hbm4b:s4+s16], $0x40, s12, s16, $0xb8;
	[tilespmem:$0x1CC00] =	vst v63  }
0xbc: {  	s11 =	rddreg [dreg:$0x12]  }
0xbd: {  	[tilespmem:s24], [sflag:$0xA] =	stream.indirect.gather [hbm4b:s4+s16], $0x40, s11, s16, $0xb8;
	[tilespmem:$0x1CC00] =	vst v63  }
0xbe: {  	_ =	swait.ge [sflag:s25], $0x2000  }
0xbf: {  	[sflag:s25] =	ssyncset.done $0x0  }
0xc0: {  	[sflag:s25] =	ssyncadd.s32 $0xFFFFE000  }
0xc1: {  	[spmem:s2] =	stream.indirect.scatter.add.f32 [tilespmem:s17], [sflag:$0x2], $0x40, s16, s16, $0xb8;
	[tilespmem:$0x1CC00] =	vst v63  }
0xc2: {  	_ =	swait.ge [sflag:s26], $0x2000  }
0xc3: {  	[sflag:s26] =	ssyncset.done $0x0  }
0xc4: {  	s12 =	rddreg [dreg:$0x13];
	[sflag:s26] =	ssyncadd.s32 $0xFFFFE000  }
0xc5: {  	[spmem:s2] =	stream.indirect.scatter.add.f32 [tilespmem:s18], [sflag:$0x2], $0x40, s12, s16, $0xb8;
	[tilespmem:$0x1CC00] =	vst v63  }
0xc6: {  	_ =	swait.ge [sflag:s28], $0x2000  }
0xc7: {  	[sflag:s28] =	ssyncset.done $0x0  }
0xc8: {  	s10 =	rddreg [dreg:$0x14];
	[sflag:s28] =	ssyncadd.s32 $0xFFFFE000  }
0xc9: {  	[spmem:s2] =	stream.indirect.scatter.add.f32 [tilespmem:s19], [sflag:$0x2], $0x40, s10, s16, $0xb8;
	[tilespmem:$0x1CC00] =	vst v63  }
0xca: {  	_ =	swait.ge [sflag:s29], $0x2000  }
0xcb: {  	[sflag:s29] =	ssyncset.done $0x0  }
0xcc: {  	s11 =	rddreg [dreg:$0x15];
	[sflag:s29] =	ssyncadd.s32 $0xFFFFE000  }
0xcd: {  	[spmem:s2] =	stream.indirect.scatter.add.f32 [tilespmem:s20], [sflag:$0x2], $0x40, s11, s16, $0xb8;
	[tilespmem:$0x1CC00] =	vst v63  }
0xce: {  	_ =	swait.ge [sflag:s30], $0x2000  }
0xcf: {  	[sflag:s30] =	ssyncset.done $0x0  }
0xd0: {  	s12 =	rddreg [dreg:$0x16];
	[sflag:s30] =	ssyncadd.s32 $0xFFFFE000  }
0xd1: {  	[spmem:s2] =	stream.indirect.scatter.add.f32 [tilespmem:s21], [sflag:$0x2], $0x40, s12, s16, $0xb8;
	[tilespmem:$0x1CC00] =	vst v63  }
0xd2: {  	_ =	swait.ge [sflag:s31], $0x2000  }
0xd3: {  	[sflag:s31] =	ssyncset.done $0x0  }
0xd4: {  	s10 =	rddreg [dreg:$0x17];
	[sflag:s31] =	ssyncadd.s32 $0xFFFFE000  }
0xd5: {  	[spmem:s2] =	stream.indirect.scatter.add.f32 [tilespmem:s22], [sflag:$0x2], $0x40, s10, s16, $0xb8;
	[tilespmem:$0x1CC00] =	vst v63  }
0xd6: {  	_ =	swait.ge [sflag:s0], $0x2000  }
0xd7: {  	[sflag:s0] =	ssyncset.done $0x0  }
0xd8: {  	s11 =	rddreg [dreg:$0x18];
	[sflag:s0] =	ssyncadd.s32 $0xFFFFE000  }
0xd9: {  	[spmem:s2] =	stream.indirect.scatter.add.f32 [tilespmem:s23], [sflag:$0x2], $0x40, s11, s16, $0xb8;
	[tilespmem:$0x1CC00] =	vst v63  }
0xda: {  	_ =	swait.ge [sflag:s1], $0x2000  }
0xdb: {  	[sflag:s1] =	ssyncset.done $0x0  }
0xdc: {  	s12 =	rddreg [dreg:$0x19];
	[sflag:s1] =	ssyncadd.s32 $0xFFFFE000  }
0xdd: {  	[spmem:s2] =	stream.indirect.scatter.add.f32 [tilespmem:s24], [sflag:$0x2], $0x40, s12, s16, $0xb8;
	[tilespmem:$0x1CC00] =	vst v63  }
0xde: {  	_ =	swait.ge [sflag:s5], $0x2000  }
0xdf: {  	[sflag:s5] =	ssyncset.done $0x0  }
0xe0: {  	[sflag:s5] =	ssyncadd.s32 $0xFFFFE000  }
0xe1: {  	_ =	swait.ge [sflag:s5], $0x2000  }
0xe2: {  	[sflag:s5] =	ssyncset.done $0x0  }
0xe3: {  	[sflag:s5] =	ssyncadd.s32 $0xFFFFE000  }
0xe4: {  	_ =	swait.ge [sflag:s5], $0x2000  }
0xe5: {  	[sflag:s5] =	ssyncset.done $0x0  }
0xe6: {  	[sflag:s5] =	ssyncadd.s32 $0xFFFFE000  }
0xe7: {  	_ =	swait.ge [sflag:s5], $0x2000  }
0xe8: {  	[sflag:s5] =	ssyncset.done $0x0  }
0xe9: {  	[sflag:s5] =	ssyncadd.s32 $0xFFFFE000  }
0xea: {  	_ =	swait.ge [sflag:s5], $0x2000  }
0xeb: {  	[sflag:s5] =	ssyncset.done $0x0  }
0xec: {  	[sflag:s5] =	ssyncadd.s32 $0xFFFFE000  }
0xed: {  	_ =	swait.ge [sflag:s5], $0x2000  }
0xee: {  	[sflag:s5] =	ssyncset.done $0x0  }
0xef: {  	[sflag:s5] =	ssyncadd.s32 $0xFFFFE000  }
0xf0: {  	p0 =	sne.s32 s8, $0x1300;
	_ =	swait.ge [sflag:s5], $0x2000  }
.Ltmp0:
0xf1: {  	[sflag:s5] =	ssyncset.done $0x0;
	(pc) =	sbr.rel @p0 .LBB2_2-.Ltmp0, $4  }
0xf2: {  	[sflag:s5] =	ssyncadd.s32 $0xFFFFE000  }
0xf3: {  	_ =	swait.ge [sflag:s5], $0x2000  }
0xf4: {  	[sflag:s5] =	ssyncset.done $0x0  }
0xf5: {  	s8 =	sadd.s32 $0x100, s8;
	[sflag:s5] =	ssyncadd.s32 $0xFFFFE000  }
0xf6: {  	s8 =	stileid.u32  }
0xf7: {  	[bflag:$0x0] =	sbarrier.arrive $0xFFFF;
	s9 =	sshrl.u32 s6, $0x3;
	s8 =	sshll.u32 s8, $0x6  }
0xf8: {  	s11 =	simm.s32 $0x10;
	s10 =	rddreg [dreg:$0x1f];
	s8 =	sor.u32 $0x1C0B, s8  }
0xf9: {  	[hbm:s10@s11], [sflag:s8] =	dma.strided [spmem:s9@s31], $0x1400, s15, $0x8   }
0xfa: {  	_ =	swait.ge [sflag:s14], $0x1400  }
0xfb: {  	s12 =	sld [smem:$0x7FD];
	_ =	sdelay $0x1  }
0xfc: {  	s7 =	sadd.s32 $0x1, s7  }
0xfd: {  	p0 =	sne.s32 s7, s12  }
.Ltmp1:
0xfe: {  	_ = 	snop;
	(pc) =	sbr.rel @p0 .LBB2_1-.Ltmp1, $3  }
0xff: {  	_ =	sdelay $0x1  }
0x100: {  	[sflag:s14] =	ssyncset.done $0x0  }
0x101: {  	[sflag:s14] =	ssyncadd.s32 $0xFFFFEC00  }
0x102: {  	_ =	sfence.sel $0x180000  }
0x103: {  	[bflag:$0x0] =	sbarrier.arrive $0xFFFF  }
0x104: {  	_ =	strace $0x9000004D  }
0x105: {  	s0 =	stileid.u32;
	[bflag:$0x2] =	sbarrier.arrive $0xFFFF  }
0x106: {  	p0 =	sne.s32 s0, $0x0;
	s0 =	rddreg [dreg:$0x2]  }
0x107: {  	s0 =	sadd.s32 @!p0 $0x100000, s0  }
0x108: {  	[sflag:s0] =	ssyncadd.tile.s32 @!p0 $0x1;
	_ =	shalt  }
.Lfunc_end2:
_tile_overlayer_lowered:
.L_overlay_start_2:
0x109: {  	(tag) =	ssettag $0x2  }
0x10a: {  	s0 =	rddreg [dreg:$0x0];
	s2 =	stileid.u32  }
0x10b: {  	s1 =	rddreg [dreg:$0x1];
	p0 =	sne.s32 s2, $0x0  }
0x10c: {  	s3 =	rddreg [dreg:$0x2];
	[bflag:$0x3] =	sbarrier.arrive $0xFFFF;
	s2 =	simm.s32 @!p0 $0x1C0B  }
0x10d: {  	[timem:s3], [sflag:s2] =	dma.local @!p0 [hbm:s0], s1  }
0x10e: {  	s0 =	simm.s32 @!p0 $0xB  }
0x10f: {  	_ =	swait.ge @!p0 [sflag:s0], s1  }
0x110: {  	s1 =	ssub.s32 @!p0 $0x0, s1;
	[sflag:s0] =	ssyncset.done @!p0 $0x0  }
0x111: {  	[sflag:s0] =	ssyncadd.s32 @!p0 s1  }
0x112: {  	[bflag:$0x3] =	sbarrier.arrive $0xFFFF  }
0x113: {  	_ =	shalt  }

// kernel: kernel.8.cloned.1.call-start
scs
__scs_entry_jumppad:
0x0: {  	(pc) =	sbr.rel $0x88, $3  }
0x1: {  	(tag) =	ssettag $0x0;
	lr =	simm.s32 $0x1  }
0x2: {  	[smem:$0x3F97] =	sst lr;
	_ =	strace $0xD0000000  }
0x3: {  	_ = 	snop  }
0x4: {  	_ = 	snop  }
0x5: {  	_ = 	snop  }
0x6: {  	_ = 	snop  }
0x7: {  	_ = 	snop  }
__scs_overlays_trampoline_lowered:
0x8: {  	[smem:$0x3FA6] =	sst s0  }
0x9: {  	[smem:$0x3FA7] =	sst s1  }
0xa: {  	[smem:$0x3FA8] =	sst s2  }
0xb: {  	[smem:$0x3FA9] =	sst s3  }
0xc: {  	[smem:$0x3FAA] =	sst s4  }
0xd: {  	[smem:$0x3FAB] =	sst s5  }
0xe: {  	[smem:$0x3FAC] =	sst s6  }
0xf: {  	[smem:$0x3FAD] =	sst s7  }
0x10: {  	[smem:$0x3FAE] =	sst s8  }
0x11: {  	[smem:$0x3FAF] =	sst s9;
	s0 =	simm.s32 @!p0 $0x0  }
0x12: {  	s1 =	sld [smem:$0x3F95];
	s0 =	simm.s32 @p0 $0x1  }
0x13: {  	[smem:$0x3FB0] =	sst s0;
	s0 =	simm.s32 @!p1 $0x0  }
0x14: {  	s2 =	sld [smem:$0x3F94];
	s0 =	simm.s32 @p1 $0x1  }
0x15: {  	[smem:$0x3FB1] =	sst s0;
	s0 =	simm.s32 @!p2 $0x0  }
0x16: {  	s3 =	sld [smem:$0x3FDB];
	s0 =	simm.s32 @p2 $0x1  }
0x17: {  	s4 =	simm.s32 $0x1BF5;
	[smem:$0x3FB3] =	sst s0  }
0x18: {  	s0 =	sld [smem:$0x3F96];
	_ =	swait.ge [sflag:s4], $0x0  }
0x19: {  	s7 =	sld [smem:$0x3F97]  }
0x1a: {  	s8 =	sadd.s32 $0xFFFFE003, lr  }
0x1b: {  	s9 =	sadd.s32 $0xFFFFFEF7, lr;
	s5 =	simm.s32 $0xFFFFFFFF;
	p2 =	slt.u32 s8, $0xFFFFF086  }
0x1c: {  	p1 =	slt.u32 s9, $0xF7A;
	s5 =	simm.s32 @!p2 $0x0  }
0x1d: {  	s5 =	simm.s32 @p1 $0x1;
	p0 =	seq.s32 s7, s2  }
0x1e: {  	s7 =	smul.u32 @!p0 $0xF7A, s2;
	p2 =	seq.s32 @!p0 s5, $0x0  }
0x1f: {  	s9 =	smul.u32 $0xF7A, s1;
	s8 =	simm.s32 @!p0 $0x1BF5;
	p2 =	por !p2, p0  }
0x20: {  	[sflag:s8] =	ssyncset.s32 @!p0 $0xFFFFF086;
	s6 =	sadd.s32 @!p0 s3, s7;
	s7 =	simm.s32 @!p0 $0x108  }
0x21: {  	s3 =	sadd.s32 s3, s9;
	s6 =	sadd.s32 @!p0 $0x88, s6;
	s7 =	simm.s32 @p2 $0x1082  }
0x22: {  	[simem:s7], [sflag:s8] =	dma.local @!p0 [hbm:s6], $0xF7A  }
0x23: {  	s9 =	sor.u32 $0xD0000000, s2;
	s6 =	simm.s32 $0x108;
	_ =	swait.ge @!p0 [sflag:s8], $0x0  }
0x24: {  	s3 =	sadd.s32 $0x88, s3;
	s6 =	simm.s32 @!p1 $0x1082;
	[sflag:s4] =	ssyncset.s32 $0xFFFFF086  }
0x25: {  	[simem:s6], [sflag:s4] =	dma.local [hbm:s3], $0xF7A  }
0x26: {  	[smem:$0x3F97] =	sst s1;
	(tag) =	ssettag s2;
	_ =	strace s9  }
0x27: {  	s1 =	sld [smem:$0x3FA7]  }
0x28: {  	s2 =	sld [smem:$0x3FA8]  }
0x29: {  	s4 =	sld [smem:$0x3FAA]  }
0x2a: {  	p0 =	seq.s32 s5, $0x0;
	s5 =	sld [smem:$0x3FAB]  }
0x2b: {  	s6 =	sld [smem:$0x3FAC]  }
0x2c: {  	s7 =	sld [smem:$0x3FAD]  }
0x2d: {  	s3 =	simm.s32 $0x108;
	s8 =	sld [smem:$0x3FAE]  }
0x2e: {  	s3 =	simm.s32 @!p0 $0x1082;
	s9 =	sld [smem:$0x3FAF]  }
0x2f: {  	lr =	sadd.s32 s0, s3;
	s0 =	sld [smem:$0x3FA6]  }
0x30: {  	s3 =	sld [smem:$0x3FA9]  }
0x31: {  	[smem:$0x3FB2] =	sst s10  }
0x32: {  	s10 =	sld [smem:$0x3FB0];
	_ =	sdelay $0x3  }
0x33: {  	p0 =	seq.s32 s10, $0x1;
	s10 =	sld [smem:$0x3FB2];
	_ =	sdelay $0x3  }
0x34: {  	[smem:$0x3FB2] =	sst s10  }
0x35: {  	s10 =	sld [smem:$0x3FB1];
	_ =	sdelay $0x3  }
0x36: {  	p1 =	seq.s32 s10, $0x1;
	s10 =	sld [smem:$0x3FB2];
	_ =	sdelay $0x3  }
0x37: {  	[smem:$0x3FB2] =	sst s10  }
0x38: {  	s10 =	sld [smem:$0x3FB3]  }
0x39: {  	_ = 	snop;
	(pc) =	sbr.ind lr, $3  }
0x3a: {  	_ = 	snop  }
0x3b: {  	_ = 	snop  }
0x3c: {  	p2 =	seq.s32 s10, $0x1;
	s10 =	sld [smem:$0x3FB2]  }
0x3d: {  	_ =	shalt  }
0x3e: {  	_ =	shalt  }
0x3f: {  	_ =	shalt  }
0x40: {  	_ =	shalt  }
0x41: {  	_ =	shalt  }
0x42: {  	_ =	shalt  }
0x43: {  	_ =	shalt  }
0x44: {  	_ =	shalt  }
0x45: {  	_ =	shalt  }
0x46: {  	_ =	shalt  }
0x47: {  	_ =	shalt  }
0x48: {  	_ =	shalt  }
0x49: {  	_ =	shalt  }
0x4a: {  	_ =	shalt  }
0x4b: {  	_ =	shalt  }
0x4c: {  	_ =	shalt  }
0x4d: {  	_ =	shalt  }
0x4e: {  	_ =	shalt  }
0x4f: {  	_ =	shalt  }
0x50: {  	_ =	shalt  }
0x51: {  	_ =	shalt  }
0x52: {  	_ =	shalt  }
0x53: {  	_ =	shalt  }
0x54: {  	_ =	shalt  }
0x55: {  	_ =	shalt  }
0x56: {  	_ =	shalt  }
0x57: {  	_ =	shalt  }
0x58: {  	_ =	shalt  }
0x59: {  	_ =	shalt  }
0x5a: {  	_ =	shalt  }
0x5b: {  	_ =	shalt  }
0x5c: {  	_ =	shalt  }
0x5d: {  	_ =	shalt  }
0x5e: {  	_ =	shalt  }
0x5f: {  	_ =	shalt  }
0x60: {  	_ =	shalt  }
0x61: {  	_ =	shalt  }
0x62: {  	_ =	shalt  }
0x63: {  	_ =	shalt  }
0x64: {  	_ =	shalt  }
0x65: {  	_ =	shalt  }
0x66: {  	_ =	shalt  }
0x67: {  	_ =	shalt  }
0x68: {  	_ =	shalt  }
0x69: {  	_ =	shalt  }
0x6a: {  	_ =	shalt  }
0x6b: {  	_ =	shalt  }
0x6c: {  	_ =	shalt  }
0x6d: {  	_ =	shalt  }
0x6e: {  	_ =	shalt  }
0x6f: {  	_ =	shalt  }
0x70: {  	_ =	shalt  }
0x71: {  	_ =	shalt  }
0x72: {  	_ =	shalt  }
0x73: {  	_ =	shalt  }
0x74: {  	_ =	shalt  }
0x75: {  	_ =	shalt  }
0x76: {  	_ =	shalt  }
0x77: {  	_ =	shalt  }
0x78: {  	_ =	shalt  }
0x79: {  	_ =	shalt  }
0x7a: {  	_ =	shalt  }
0x7b: {  	_ =	shalt  }
0x7c: {  	_ =	shalt  }
0x7d: {  	_ =	shalt  }
0x7e: {  	_ =	shalt  }
0x7f: {  	_ =	shalt  }
0x80: {  	_ =	shalt  }
0x81: {  	_ =	shalt  }
0x82: {  	_ =	shalt  }
0x83: {  	_ =	shalt  }
0x84: {  	_ =	shalt  }
0x85: {  	_ =	shalt  }
0x86: {  	_ =	shalt  }
0x87: {  	_ =	shalt  }
.Lfunc_end0:
.L_simem_size_0:
called_computation_lowered:
.L_overlay_start_0:
0x88: {  	s2 =	sld [smem:$0x3FD9]  }
0x89: {  	s3 =	sld [smem:$0x3FFE];
	_ =	sdelay $0x1  }
0x8a: {  	s1 =	srdreg.scid  }
0x8b: {  	s0 =	sand.u32 $0x1, s1  }
0x8c: {  	s16 =	sshll.u32 s0, $0xA;
	s2 =	sadd.s32 s3, s2  }
0x8d: {  	s2 =	sadd.s32 s2, s16  }
0x8e: {  	[smem:$0x3FBE] =	sst s2  }
0x8f: {  	_ = 	snop  }
0x90: {  	(tm) =	ssettm $0x1  }
0x91: {  	s17 =	sld [smem:$0x3FFB];
	_ =	sdelay $0x3  }
0x92: {  	_ =	strace s17  }
0x93: {  	s2 =	sld [smem:$0x3FFC];
	_ =	sdelay $0x3  }
0x94: {  	_ =	strace s2  }
0x95: {  	s2 =	sld [smem:$0x3FFD];
	_ =	sdelay $0x3  }
0x96: {  	_ =	strace s2  }
0x97: {  	_ =	strace $0x8FFFFFFF  }
0x98: {  	s18 =	sld [smem:$0x3FDB];
	_ =	sdelay $0x1  }
0x99: {  	s19 =	simm.s32 $_scs_section_size  }
0x9a: {  	s4 =	simm.s32 $_size__tile_overlayer_lowered;
	s5 =	simm.s32 $_tile_overlayer_lowered  }
0x9b: {  	s22 =	simm.s32 $0x1BFF;
	s21 =	sshll.u32 s5, $0x1;
	s2 =	sadd.s32 s19, s18  }
0x9c: {  	s6 =	simm.s32 $0x0;
	s20 =	sshll.u32 s4, $0x1;
	s4 =	sadd.s32 s21, s2  }
0x9d: {  	[timem:s6], [sflag:s22] =	dma.local [hbm:s4], s20  }
0x9e: {  	_ =	swait.ge [sflag:s22], s20  }
0x9f: {  	s3 =	ssub.s32 $0x0, s20;
	[sflag:s22] =	ssyncset.done $0x0  }
0xa0: {  	[sflag:s22] =	ssyncadd.s32 s3;
	_ =	sdelay $0x1  }
0xa1: {  	s23 =	simm.s32 $0x1B8B  }
0xa2: {  	_ =	swait.ge [sflag:s23], $0x1  }
0xa3: {  	[sflag:s23] =	ssyncset.done $0x0  }
0xa4: {  	s25 =	simm.s32 $0x1B8E;
	s24 =	sld [smem:$0x3FFE];
	[sflag:s23] =	ssyncadd.s32 $0xFFFFFFFF  }
0xa5: {  	s26 =	simm.s32 $execute0_lowered;
	[smem:$0x3FD2] =	sst s25  }
0xa6: {  	s4 =	sshll.u32 s26, $0x1;
	_ =	strace $0x80000046;
	[dreg:$0x1] =	wrdreg $0xFFFFFFFF  }
0xa7: {  	s28 =	simm.s32 $_size_execute0_lowered;
	s2 =	sadd.s32 s2, s4;
	[dreg:$0x0] =	wrdreg $0x0  }
0xa8: {  	s4 =	sshll.u32 s28, $0x1;
	[dreg:$0x2] =	wrdreg s2  }
0xa9: {  	[dreg:$0x3] =	wrdreg s4  }
0xaa: {  	[dreg:$0x4] =	wrdreg $0xC0  }
0xab: {  	_ =	task [dreg:s6], $0x5FFFF  }
0xac: {  	[dreg:$0x1] =	wrdreg $0xFFFFFFFF  }
0xad: {  	[dreg:$0x0] =	wrdreg $0x60  }
0xae: {  	[dreg:$0x2] =	wrdreg s24  }
0xaf: {  	[dreg:$0x3] =	wrdreg $0x20000  }
0xb0: {  	[dreg:$0x4] =	wrdreg $0x34000  }
0xb1: {  	[dreg:$0x5] =	wrdreg $0x9  }
0xb2: {  	_ =	task.clear_ibuf [dreg:s6], $0x6FFFF;
	_ =	strace $0x90000046  }
0xb3: {  	s29 =	simm.s32 $0x9;
	_ =	strace $0x80000048  }
0xb4: {  	_ =	swait.ge [sflag:s29], $0x1  }
0xb5: {  	[sflag:s29] =	ssyncadd.s32 $0xFFFFFFFF  }
0xb6: {  	_ =	strace $0x90000048  }
0xb7: {  	_ =	sfence  }
0xb8: {  	s30 =	sld [smem:$0x0];
	_ =	sdelay $0x2  }
0xb9: {  	s31 =	sshll.u32 s1, $0xD;
	s1 =	sshrl.u32 s1, $0x2  }
0xba: {  	s3 =	sand.u32 $0x4000, s31;
	s1 =	sadd.s32 s1, s30  }
0xbb: {  	s0 =	sor.u32 s3, s0;
	s1 =	sshll.u32 s1, $0x11  }
0xbc: {  	s0 =	sor.u32 s1, s0  }
0xbd: {  	s0 =	sadd.s32 $0x8F2B, s0  }
0xbe: {  	[sflag:s0] =	ssyncadd.remote.s32 $0x1  }
0xbf: {  	_ =	sfence.sel $0xFFFF  }
0xc0: {  	[dreg:$0x0] =	wrdreg $0xFFFFFFFF;
	(pc) =	sbr.abs _section_cstart, $3  }
0xc1: {  	[dreg:$0x1] =	wrdreg $0xFFFFFFFF  }
0xc2: {  	_ =	task.clear_ibuf [dreg:s6], $0x2FFFF;
	_ =	strace $0x9FFFFFFF  }
0xc3: {  	(tm) =	ssettm $0x7FFFFFFF  }
tec
execute0_lowered:
.L_overlay_start_1:
0x0: {  	(tag) =	ssettag $0x1  }
0x1: {  	s0 =	rddreg [dreg:$0x0]  }
0x2: {  	s2 =	rddreg [dreg:$0x1]  }
0x3: {  	s3 =	rddreg [dreg:$0x2]  }
0x4: {  	s5 =	stileid.u32;
	s1 =	srdreg.scid;
	s4 =	simm.s32 $0x0  }
0x5: {  	s12 =	simm.s32 $0xC00;
	s13 =	simm.s32 $0x3;
	s14 =	simm.s32 $0x800  }
0x6: {  	s15 =	simm.s32 $0x100;
	s16 =	simm.s32 $0x200;
	s17 =	simm.s32 $0x300  }
0x7: {  	s18 =	simm.s32 $0x400;
	s19 =	simm.s32 $0x500;
	s20 =	simm.s32 $0x600  }
0x8: {  	s21 =	simm.s32 $0x700;
	s22 =	simm.s32 $0x1;
	s23 =	simm.s32 $0x80  }
0x9: {  	s28 =	simm.s32 $0x480;
	s29 =	simm.s32 $0x580;
	s30 =	simm.s32 $0x680  }
0xa: {  	s31 =	simm.s32 $0x780;
	s5 =	smul.u32 $0x1400, s5;
	s1 =	sand.u32 $0x1, s1  }
0xb: {  	[smem:$0x7FF] =	sst s4;
	s7 =	sadd.s32 $0x16C00, s0;
	s9 =	sadd.s32 $0x16800, s0  }
0xc: {  	s6 =	smul.u32 $0x28000, s1;
	_ =	strace $0x80000047;
	[dreg:$0x5] =	wrdreg s7  }
0xd: {  	s24 =	ssub.s32 $0x2, s1;
	s1 =	smul.u32 $0xA00, s1;
	[dreg:$0x6] =	wrdreg s9  }
0xe: {  	s8 =	sadd.s32 s5, s0;
	s25 =	sshrl.u32 s24, $0x1;
	s6 =	sadd.s32 s5, s6  }
0xf: {  	s7 =	sadd.s32 s5, s2;
	s1 =	sadd.s32 s1, s8;
	s6 =	sshrl.u32 s6, $0x3  }
0x10: {  	s8 =	sadd.s32 s5, s3;
	s1 =	sadd.s32 $0x2800, s1;
	s0 =	sadd.s32 s6, s0  }
0x11: {  	s6 =	ssub.s32 s24, s25;
	[dreg:$0x4] =	wrdreg s1;
	s24 =	simm.s32 $0x180  }
0x12: {  	s25 =	simm.s32 $0x280;
	s1 =	simm.s32 $0x0;
	s26 =	sadd.s32 $0x16E00, s0  }
0x13: {  	s0 =	sadd.s32 $0x19600, s0;
	s11 =	smax.u32 s6, $0x1;
	[dreg:$0x7] =	wrdreg s26  }
0x14: {  	[dreg:$0x8] =	wrdreg s0;
	s26 =	simm.s32 $0x380;
	s0 =	simm.s32 $0x2  }
.LBB2_1:
0x15: {  	s5 =	rddreg [dreg:$0x6]  }
0x16: {  	[tilespmem:s12], [sflag:$0x3] =	stream.linear.gather [hbm4b:s5+s4], $0x1400, $0x38;
	[tilespmem:$0x4800] =	vst v63  }
0x17: {  	_ =	swait.ge [sflag:s13], $0x1400  }
0x18: {  	[sflag:s13] =	ssyncset.done $0x0  }
0x19: {  	[sflag:s13] =	ssyncadd.s32 $0xFFFFEC00  }
0x1a: {  	[spmem:s7] =	stream.linear.scatter [tilespmem:s12], [sflag:$0x3], $0x1400, $0x38;
	[tilespmem:$0x4800] =	vst v63  }
0x1b: {  	_ =	swait.ge [sflag:s13], $0x1400  }
0x1c: {  	[sflag:s13] =	ssyncset.done $0x0  }
0x1d: {  	[sflag:s13] =	ssyncadd.s32 $0xFFFFEC00  }
0x1e: {  	[spmem:s8] =	stream.linear.scatter [tilespmem:s12], [sflag:$0x3], $0x1400, $0x38;
	[tilespmem:$0x4800] =	vst v63  }
0x1f: {  	_ =	swait.ge [sflag:s13], $0x1400  }
0x20: {  	[sflag:s13] =	ssyncset.done $0x0  }
0x21: {  	s6 =	rddreg [dreg:$0x5];
	[sflag:s13] =	ssyncadd.s32 $0xFFFFEC00  }
0x22: {  	[tilespmem:s14], [sflag:$0x3] =	stream.linear.gather [hbm4b:s6+s4], $0x400, $0x38;
	[tilespmem:$0x4800] =	vst v63  }
0x23: {  	_ =	swait.ge [sflag:s13], $0x400  }
0x24: {  	[sflag:s13] =	ssyncset.done $0x0  }
0x25: {  	[sflag:s13] =	ssyncadd.s32 $0xFFFFFC00  }
0x26: {  	[bflag:$0x0] =	sbarrier.arrive $0xFFFF  }
0x27: {  	s9 =	rddreg [dreg:$0x4]  }
0x28: {  	s5 =	sadd.s32 $0x0, s9  }
0x29: {  	[tilespmem:s4], [sflag:$0x1] =	stream.linear.gather [hbm4b:s5+s4], $0x100, $0x38;
	[tilespmem:$0x4800] =	vst v63  }
0x2a: {  	s6 =	sadd.s32 $0x20, s5  }
0x2b: {  	[tilespmem:s15], [sflag:$0x1] =	stream.linear.gather [hbm4b:s6+s4], $0x100, $0x38;
	[tilespmem:$0x4800] =	vst v63  }
0x2c: {  	s10 =	sadd.s32 $0x40, s5  }
0x2d: {  	[tilespmem:s16], [sflag:$0x1] =	stream.linear.gather [hbm4b:s10+s4], $0x100, $0x38;
	[tilespmem:$0x4800] =	vst v63  }
0x2e: {  	s9 =	sadd.s32 $0x60, s5  }
0x2f: {  	[tilespmem:s17], [sflag:$0x1] =	stream.linear.gather [hbm4b:s9+s4], $0x100, $0x38;
	[tilespmem:$0x4800] =	vst v63  }
0x30: {  	s10 =	sadd.s32 $0x80, s5  }
0x31: {  	[tilespmem:s18], [sflag:$0x1] =	stream.linear.gather [hbm4b:s10+s4], $0x100, $0x38;
	[tilespmem:$0x4800] =	vst v63  }
0x32: {  	s9 =	sadd.s32 $0xA0, s5  }
0x33: {  	[tilespmem:s19], [sflag:$0x1] =	stream.linear.gather [hbm4b:s9+s4], $0x100, $0x38;
	[tilespmem:$0x4800] =	vst v63  }
0x34: {  	s10 =	sadd.s32 $0xC0, s5  }
0x35: {  	[tilespmem:s20], [sflag:$0x1] =	stream.linear.gather [hbm4b:s10+s4], $0x100, $0x38;
	[tilespmem:$0x4800] =	vst v63  }
0x36: {  	s5 =	sadd.s32 $0xE0, s5  }
0x37: {  	[tilespmem:s21], [sflag:$0x1] =	stream.linear.gather [hbm4b:s5+s4], $0x100, $0x38;
	[tilespmem:$0x4800] =	vst v63  }
0x38: {  	_ =	swait.ge [sflag:s22], $0x100  }
0x39: {  	[sflag:s22] =	ssyncset.done $0x0  }
0x3a: {  	[sflag:s22] =	ssyncadd.s32 $0xFFFFFF00  }
0x3b: {  	_ =	swait.ge [sflag:s22], $0x100  }
0x3c: {  	[sflag:s22] =	ssyncset.done $0x0  }
0x3d: {  	[sflag:s22] =	ssyncadd.s32 $0xFFFFFF00  }
0x3e: {  	_ =	swait.ge [sflag:s22], $0x100  }
0x3f: {  	[sflag:s22] =	ssyncset.done $0x0  }
0x40: {  	[sflag:s22] =	ssyncadd.s32 $0xFFFFFF00  }
0x41: {  	_ =	swait.ge [sflag:s22], $0x100  }
0x42: {  	[sflag:s22] =	ssyncset.done $0x0  }
0x43: {  	[sflag:s22] =	ssyncadd.s32 $0xFFFFFF00  }
0x44: {  	_ =	swait.ge [sflag:s22], $0x100  }
0x45: {  	[sflag:s22] =	ssyncset.done $0x0  }
0x46: {  	[sflag:s22] =	ssyncadd.s32 $0xFFFFFF00  }
0x47: {  	_ =	swait.ge [sflag:s22], $0x100  }
0x48: {  	[sflag:s22] =	ssyncset.done $0x0  }
0x49: {  	[sflag:s22] =	ssyncadd.s32 $0xFFFFFF00  }
0x4a: {  	_ =	swait.ge [sflag:s22], $0x100  }
0x4b: {  	[sflag:s22] =	ssyncset.done $0x0  }
0x4c: {  	[sflag:s22] =	ssyncadd.s32 $0xFFFFFF00  }
0x4d: {  	_ =	swait.ge [sflag:s22], $0x100  }
0x4e: {  	[sflag:s22] =	ssyncset.done $0x0  }
0x4f: {  	[sflag:s22] =	ssyncadd.s32 $0xFFFFFF00  }
0x50: {  	[spmem:s2] =	stream.indirect.scatter.add.f32 [tilespmem:s14], [sflag:$0x2], $0x8, s4, s23, $0xb8;
	[tilespmem:$0x4800] =	vst v63  }
0x51: {  	_ = 	snop  }
0x52: {  	[spmem:s3] =	stream.indirect.scatter.add.f32 [tilespmem:s14], [sflag:$0x2], $0x8, s23, s23, $0xb8;
	[tilespmem:$0x4800] =	vst v63  }
0x53: {  	_ = 	snop  }
0x54: {  	[spmem:s2] =	stream.indirect.scatter.add.f32 [tilespmem:s14], [sflag:$0x2], $0x8, s15, s23, $0xb8;
	[tilespmem:$0x4800] =	vst v63  }
0x55: {  	_ = 	snop  }
0x56: {  	[spmem:s3] =	stream.indirect.scatter.add.f32 [tilespmem:s14], [sflag:$0x2], $0x8, s24, s23, $0xb8;
	[tilespmem:$0x4800] =	vst v63  }
0x57: {  	_ = 	snop  }
0x58: {  	[spmem:s2] =	stream.indirect.scatter.add.f32 [tilespmem:s14], [sflag:$0x2], $0x8, s16, s23, $0xb8;
	[tilespmem:$0x4800] =	vst v63  }
0x59: {  	_ = 	snop  }
0x5a: {  	[spmem:s3] =	stream.indirect.scatter.add.f32 [tilespmem:s14], [sflag:$0x2], $0x8, s25, s23, $0xb8;
	[tilespmem:$0x4800] =	vst v63  }
0x5b: {  	_ = 	snop  }
0x5c: {  	[spmem:s2] =	stream.indirect.scatter.add.f32 [tilespmem:s14], [sflag:$0x2], $0x8, s17, s23, $0xb8;
	[tilespmem:$0x4800] =	vst v63  }
0x5d: {  	_ = 	snop  }
0x5e: {  	[spmem:s3] =	stream.indirect.scatter.add.f32 [tilespmem:s14], [sflag:$0x2], $0x8, s26, s23, $0xb8;
	[tilespmem:$0x4800] =	vst v63  }
0x5f: {  	_ = 	snop  }
0x60: {  	[spmem:s2] =	stream.indirect.scatter.add.f32 [tilespmem:s14], [sflag:$0x2], $0x8, s18, s23, $0xb8;
	[tilespmem:$0x4800] =	vst v63  }
0x61: {  	_ = 	snop  }
0x62: {  	[spmem:s3] =	stream.indirect.scatter.add.f32 [tilespmem:s14], [sflag:$0x2], $0x8, s28, s23, $0xb8;
	[tilespmem:$0x4800] =	vst v63  }
0x63: {  	_ = 	snop  }
0x64: {  	[spmem:s2] =	stream.indirect.scatter.add.f32 [tilespmem:s14], [sflag:$0x2], $0x8, s19, s23, $0xb8;
	[tilespmem:$0x4800] =	vst v63  }
0x65: {  	_ = 	snop  }
0x66: {  	[spmem:s3] =	stream.indirect.scatter.add.f32 [tilespmem:s14], [sflag:$0x2], $0x8, s29, s23, $0xb8;
	[tilespmem:$0x4800] =	vst v63  }
0x67: {  	_ = 	snop  }
0x68: {  	[spmem:s2] =	stream.indirect.scatter.add.f32 [tilespmem:s14], [sflag:$0x2], $0x8, s20, s23, $0xb8;
	[tilespmem:$0x4800] =	vst v63  }
0x69: {  	_ = 	snop  }
0x6a: {  	[spmem:s3] =	stream.indirect.scatter.add.f32 [tilespmem:s14], [sflag:$0x2], $0x8, s30, s23, $0xb8;
	[tilespmem:$0x4800] =	vst v63  }
0x6b: {  	_ = 	snop  }
0x6c: {  	[spmem:s2] =	stream.indirect.scatter.add.f32 [tilespmem:s14], [sflag:$0x2], $0x8, s21, s23, $0xb8;
	[tilespmem:$0x4800] =	vst v63  }
0x6d: {  	_ = 	snop  }
0x6e: {  	[spmem:s3] =	stream.indirect.scatter.add.f32 [tilespmem:s14], [sflag:$0x2], $0x8, s31, s23, $0xb8;
	[tilespmem:$0x4800] =	vst v63  }
0x6f: {  	_ =	swait.ge [sflag:s0], $0x400  }
0x70: {  	[sflag:s0] =	ssyncset.done $0x0  }
0x71: {  	[sflag:s0] =	ssyncadd.s32 $0xFFFFFC00  }
0x72: {  	_ =	swait.ge [sflag:s0], $0x400  }
0x73: {  	[sflag:s0] =	ssyncset.done $0x0  }
0x74: {  	[sflag:s0] =	ssyncadd.s32 $0xFFFFFC00  }
0x75: {  	_ =	swait.ge [sflag:s0], $0x400  }
0x76: {  	[sflag:s0] =	ssyncset.done $0x0  }
0x77: {  	[sflag:s0] =	ssyncadd.s32 $0xFFFFFC00  }
0x78: {  	_ =	swait.ge [sflag:s0], $0x400  }
0x79: {  	[sflag:s0] =	ssyncset.done $0x0  }
0x7a: {  	[sflag:s0] =	ssyncadd.s32 $0xFFFFFC00  }
0x7b: {  	_ =	swait.ge [sflag:s0], $0x400  }
0x7c: {  	[sflag:s0] =	ssyncset.done $0x0  }
0x7d: {  	[sflag:s0] =	ssyncadd.s32 $0xFFFFFC00  }
0x7e: {  	_ =	swait.ge [sflag:s0], $0x400  }
0x7f: {  	[sflag:s0] =	ssyncset.done $0x0  }
0x80: {  	[sflag:s0] =	ssyncadd.s32 $0xFFFFFC00  }
0x81: {  	_ =	swait.ge [sflag:s0], $0x400  }
0x82: {  	[sflag:s0] =	ssyncset.done $0x0  }
0x83: {  	[sflag:s0] =	ssyncadd.s32 $0xFFFFFC00  }
0x84: {  	_ =	swait.ge [sflag:s0], $0x400  }
0x85: {  	[sflag:s0] =	ssyncset.done $0x0  }
0x86: {  	[sflag:s0] =	ssyncadd.s32 $0xFFFFFC00  }
0x87: {  	_ =	swait.ge [sflag:s0], $0x400  }
0x88: {  	[sflag:s0] =	ssyncset.done $0x0  }
0x89: {  	[sflag:s0] =	ssyncadd.s32 $0xFFFFFC00  }
0x8a: {  	_ =	swait.ge [sflag:s0], $0x400  }
0x8b: {  	[sflag:s0] =	ssyncset.done $0x0  }
0x8c: {  	[sflag:s0] =	ssyncadd.s32 $0xFFFFFC00  }
0x8d: {  	_ =	swait.ge [sflag:s0], $0x400  }
0x8e: {  	[sflag:s0] =	ssyncset.done $0x0  }
0x8f: {  	[sflag:s0] =	ssyncadd.s32 $0xFFFFFC00  }
0x90: {  	_ =	swait.ge [sflag:s0], $0x400  }
0x91: {  	[sflag:s0] =	ssyncset.done $0x0  }
0x92: {  	[sflag:s0] =	ssyncadd.s32 $0xFFFFFC00  }
0x93: {  	_ =	swait.ge [sflag:s0], $0x400  }
0x94: {  	[sflag:s0] =	ssyncset.done $0x0  }
0x95: {  	[sflag:s0] =	ssyncadd.s32 $0xFFFFFC00  }
0x96: {  	_ =	swait.ge [sflag:s0], $0x400  }
0x97: {  	[sflag:s0] =	ssyncset.done $0x0  }
0x98: {  	[sflag:s0] =	ssyncadd.s32 $0xFFFFFC00  }
0x99: {  	_ =	swait.ge [sflag:s0], $0x400  }
0x9a: {  	[sflag:s0] =	ssyncset.done $0x0  }
0x9b: {  	[sflag:s0] =	ssyncadd.s32 $0xFFFFFC00  }
0x9c: {  	s6 =	simm.s32 $0x200;
	_ =	swait.ge [sflag:s0], $0x400  }
0x9d: {  	s5 =	simm.s32 $0x100;
	s9 =	rddreg [dreg:$0x4];
	[sflag:s0] =	ssyncset.done $0x0  }
.LBB2_2:
0x9e: {  	[sflag:s0] =	ssyncadd.s32 $0xFFFFFC00;
	s10 =	smov.u32 s6;
	s9 =	sadd.s32 s5, s9  }
0x9f: {  	[tilespmem:s4], [sflag:$0x1] =	stream.linear.gather [hbm4b:s9+s4], $0x100, $0x38;
	[tilespmem:$0x4800] =	vst v63  }
0xa0: {  	s5 =	smov.u32 s10;
	s10 =	sadd.s32 $0x20, s9  }
0xa1: {  	[tilespmem:s15], [sflag:$0x1] =	stream.linear.gather [hbm4b:s10+s4], $0x100, $0x38;
	[tilespmem:$0x4800] =	vst v63  }
0xa2: {  	s10 =	sadd.s32 $0x40, s9  }
0xa3: {  	[tilespmem:s16], [sflag:$0x1] =	stream.linear.gather [hbm4b:s10+s4], $0x100, $0x38;
	[tilespmem:$0x4800] =	vst v63  }
0xa4: {  	s10 =	sadd.s32 $0x60, s9  }
0xa5: {  	[tilespmem:s17], [sflag:$0x1] =	stream.linear.gather [hbm4b:s10+s4], $0x100, $0x38;
	[tilespmem:$0x4800] =	vst v63  }
0xa6: {  	s10 =	sadd.s32 $0x80, s9  }
0xa7: {  	[tilespmem:s18], [sflag:$0x1] =	stream.linear.gather [hbm4b:s10+s4], $0x100, $0x38;
	[tilespmem:$0x4800] =	vst v63  }
0xa8: {  	s10 =	sadd.s32 $0xA0, s9  }
0xa9: {  	[tilespmem:s19], [sflag:$0x1] =	stream.linear.gather [hbm4b:s10+s4], $0x100, $0x38;
	[tilespmem:$0x4800] =	vst v63  }
0xaa: {  	s10 =	sadd.s32 $0xC0, s9  }
0xab: {  	[tilespmem:s20], [sflag:$0x1] =	stream.linear.gather [hbm4b:s10+s4], $0x100, $0x38;
	[tilespmem:$0x4800] =	vst v63  }
0xac: {  	s9 =	sadd.s32 $0xE0, s9  }
0xad: {  	[tilespmem:s21], [sflag:$0x1] =	stream.linear.gather [hbm4b:s9+s4], $0x100, $0x38;
	[tilespmem:$0x4800] =	vst v63  }
0xae: {  	_ =	swait.ge [sflag:s22], $0x100  }
0xaf: {  	[sflag:s22] =	ssyncset.done $0x0  }
0xb0: {  	[sflag:s22] =	ssyncadd.s32 $0xFFFFFF00  }
0xb1: {  	_ =	swait.ge [sflag:s22], $0x100  }
0xb2: {  	[sflag:s22] =	ssyncset.done $0x0  }
0xb3: {  	[sflag:s22] =	ssyncadd.s32 $0xFFFFFF00  }
0xb4: {  	_ =	swait.ge [sflag:s22], $0x100  }
0xb5: {  	[sflag:s22] =	ssyncset.done $0x0  }
0xb6: {  	[sflag:s22] =	ssyncadd.s32 $0xFFFFFF00  }
0xb7: {  	_ =	swait.ge [sflag:s22], $0x100  }
0xb8: {  	[sflag:s22] =	ssyncset.done $0x0  }
0xb9: {  	[sflag:s22] =	ssyncadd.s32 $0xFFFFFF00  }
0xba: {  	_ =	swait.ge [sflag:s22], $0x100  }
0xbb: {  	[sflag:s22] =	ssyncset.done $0x0  }
0xbc: {  	[sflag:s22] =	ssyncadd.s32 $0xFFFFFF00  }
0xbd: {  	_ =	swait.ge [sflag:s22], $0x100  }
0xbe: {  	[sflag:s22] =	ssyncset.done $0x0  }
0xbf: {  	[sflag:s22] =	ssyncadd.s32 $0xFFFFFF00  }
0xc0: {  	_ =	swait.ge [sflag:s22], $0x100  }
0xc1: {  	[sflag:s22] =	ssyncset.done $0x0  }
0xc2: {  	[sflag:s22] =	ssyncadd.s32 $0xFFFFFF00  }
0xc3: {  	_ =	swait.ge [sflag:s22], $0x100  }
0xc4: {  	[sflag:s22] =	ssyncset.done $0x0  }
0xc5: {  	[sflag:s22] =	ssyncadd.s32 $0xFFFFFF00  }
0xc6: {  	[spmem:s2] =	stream.indirect.scatter.add.f32 [tilespmem:s14], [sflag:$0x2], $0x8, s4, s23, $0xb8;
	[tilespmem:$0x4800] =	vst v63  }
0xc7: {  	_ = 	snop  }
0xc8: {  	[spmem:s3] =	stream.indirect.scatter.add.f32 [tilespmem:s14], [sflag:$0x2], $0x8, s23, s23, $0xb8;
	[tilespmem:$0x4800] =	vst v63  }
0xc9: {  	_ = 	snop  }
0xca: {  	[spmem:s2] =	stream.indirect.scatter.add.f32 [tilespmem:s14], [sflag:$0x2], $0x8, s15, s23, $0xb8;
	[tilespmem:$0x4800] =	vst v63  }
0xcb: {  	_ = 	snop  }
0xcc: {  	[spmem:s3] =	stream.indirect.scatter.add.f32 [tilespmem:s14], [sflag:$0x2], $0x8, s24, s23, $0xb8;
	[tilespmem:$0x4800] =	vst v63  }
0xcd: {  	_ = 	snop  }
0xce: {  	[spmem:s2] =	stream.indirect.scatter.add.f32 [tilespmem:s14], [sflag:$0x2], $0x8, s16, s23, $0xb8;
	[tilespmem:$0x4800] =	vst v63  }
0xcf: {  	_ = 	snop  }
0xd0: {  	[spmem:s3] =	stream.indirect.scatter.add.f32 [tilespmem:s14], [sflag:$0x2], $0x8, s25, s23, $0xb8;
	[tilespmem:$0x4800] =	vst v63  }
0xd1: {  	_ = 	snop  }
0xd2: {  	[spmem:s2] =	stream.indirect.scatter.add.f32 [tilespmem:s14], [sflag:$0x2], $0x8, s17, s23, $0xb8;
	[tilespmem:$0x4800] =	vst v63  }
0xd3: {  	_ = 	snop  }
0xd4: {  	[spmem:s3] =	stream.indirect.scatter.add.f32 [tilespmem:s14], [sflag:$0x2], $0x8, s26, s23, $0xb8;
	[tilespmem:$0x4800] =	vst v63  }
0xd5: {  	_ = 	snop  }
0xd6: {  	[spmem:s2] =	stream.indirect.scatter.add.f32 [tilespmem:s14], [sflag:$0x2], $0x8, s18, s23, $0xb8;
	[tilespmem:$0x4800] =	vst v63  }
0xd7: {  	_ = 	snop  }
0xd8: {  	[spmem:s3] =	stream.indirect.scatter.add.f32 [tilespmem:s14], [sflag:$0x2], $0x8, s28, s23, $0xb8;
	[tilespmem:$0x4800] =	vst v63  }
0xd9: {  	_ = 	snop  }
0xda: {  	[spmem:s2] =	stream.indirect.scatter.add.f32 [tilespmem:s14], [sflag:$0x2], $0x8, s19, s23, $0xb8;
	[tilespmem:$0x4800] =	vst v63  }
0xdb: {  	_ = 	snop  }
0xdc: {  	[spmem:s3] =	stream.indirect.scatter.add.f32 [tilespmem:s14], [sflag:$0x2], $0x8, s29, s23, $0xb8;
	[tilespmem:$0x4800] =	vst v63  }
0xdd: {  	_ = 	snop  }
0xde: {  	[spmem:s2] =	stream.indirect.scatter.add.f32 [tilespmem:s14], [sflag:$0x2], $0x8, s20, s23, $0xb8;
	[tilespmem:$0x4800] =	vst v63  }
0xdf: {  	_ = 	snop  }
0xe0: {  	[spmem:s3] =	stream.indirect.scatter.add.f32 [tilespmem:s14], [sflag:$0x2], $0x8, s30, s23, $0xb8;
	[tilespmem:$0x4800] =	vst v63  }
0xe1: {  	_ = 	snop  }
0xe2: {  	[spmem:s2] =	stream.indirect.scatter.add.f32 [tilespmem:s14], [sflag:$0x2], $0x8, s21, s23, $0xb8;
	[tilespmem:$0x4800] =	vst v63  }
0xe3: {  	_ = 	snop  }
0xe4: {  	[spmem:s3] =	stream.indirect.scatter.add.f32 [tilespmem:s14], [sflag:$0x2], $0x8, s31, s23, $0xb8;
	[tilespmem:$0x4800] =	vst v63  }
0xe5: {  	_ =	swait.ge [sflag:s0], $0x400  }
0xe6: {  	[sflag:s0] =	ssyncset.done $0x0  }
0xe7: {  	[sflag:s0] =	ssyncadd.s32 $0xFFFFFC00  }
0xe8: {  	_ =	swait.ge [sflag:s0], $0x400  }
0xe9: {  	[sflag:s0] =	ssyncset.done $0x0  }
0xea: {  	[sflag:s0] =	ssyncadd.s32 $0xFFFFFC00  }
0xeb: {  	_ =	swait.ge [sflag:s0], $0x400  }
0xec: {  	[sflag:s0] =	ssyncset.done $0x0  }
0xed: {  	[sflag:s0] =	ssyncadd.s32 $0xFFFFFC00  }
0xee: {  	_ =	swait.ge [sflag:s0], $0x400  }
0xef: {  	[sflag:s0] =	ssyncset.done $0x0  }
0xf0: {  	[sflag:s0] =	ssyncadd.s32 $0xFFFFFC00  }
0xf1: {  	_ =	swait.ge [sflag:s0], $0x400  }
0xf2: {  	[sflag:s0] =	ssyncset.done $0x0  }
0xf3: {  	[sflag:s0] =	ssyncadd.s32 $0xFFFFFC00  }
0xf4: {  	_ =	swait.ge [sflag:s0], $0x400  }
0xf5: {  	[sflag:s0] =	ssyncset.done $0x0  }
0xf6: {  	[sflag:s0] =	ssyncadd.s32 $0xFFFFFC00  }
0xf7: {  	_ =	swait.ge [sflag:s0], $0x400  }
0xf8: {  	[sflag:s0] =	ssyncset.done $0x0  }
0xf9: {  	[sflag:s0] =	ssyncadd.s32 $0xFFFFFC00  }
0xfa: {  	_ =	swait.ge [sflag:s0], $0x400  }
0xfb: {  	[sflag:s0] =	ssyncset.done $0x0  }
0xfc: {  	[sflag:s0] =	ssyncadd.s32 $0xFFFFFC00  }
0xfd: {  	_ =	swait.ge [sflag:s0], $0x400  }
0xfe: {  	[sflag:s0] =	ssyncset.done $0x0  }
0xff: {  	[sflag:s0] =	ssyncadd.s32 $0xFFFFFC00  }
0x100: {  	_ =	swait.ge [sflag:s0], $0x400  }
0x101: {  	[sflag:s0] =	ssyncset.done $0x0  }
0x102: {  	[sflag:s0] =	ssyncadd.s32 $0xFFFFFC00  }
0x103: {  	_ =	swait.ge [sflag:s0], $0x400  }
0x104: {  	[sflag:s0] =	ssyncset.done $0x0  }
0x105: {  	[sflag:s0] =	ssyncadd.s32 $0xFFFFFC00  }
0x106: {  	_ =	swait.ge [sflag:s0], $0x400  }
0x107: {  	[sflag:s0] =	ssyncset.done $0x0  }
0x108: {  	[sflag:s0] =	ssyncadd.s32 $0xFFFFFC00  }
0x109: {  	_ =	swait.ge [sflag:s0], $0x400  }
0x10a: {  	[sflag:s0] =	ssyncset.done $0x0  }
0x10b: {  	[sflag:s0] =	ssyncadd.s32 $0xFFFFFC00  }
0x10c: {  	_ =	swait.ge [sflag:s0], $0x400  }
0x10d: {  	[sflag:s0] =	ssyncset.done $0x0  }
0x10e: {  	p0 =	sne.s32 s6, $0x900;
	[sflag:s0] =	ssyncadd.s32 $0xFFFFFC00  }
.Ltmp0:
0x10f: {  	_ =	swait.ge [sflag:s0], $0x400;
	(pc) =	sbr.rel @p0 .LBB2_2-.Ltmp0, $4  }
0x110: {  	[sflag:s0] =	ssyncset.done $0x0  }
0x111: {  	[sflag:s0] =	ssyncadd.s32 $0xFFFFFC00  }
0x112: {  	_ =	swait.ge [sflag:s0], $0x400  }
0x113: {  	s6 =	sadd.s32 $0x100, s6;
	s9 =	rddreg [dreg:$0x4];
	[sflag:s0] =	ssyncset.done $0x0  }
0x114: {  	[sflag:s0] =	ssyncadd.s32 $0xFFFFFC00;
	s5 =	sadd.s32 s5, s9  }
0x115: {  	[tilespmem:s4], [sflag:$0x1] =	stream.linear.gather [hbm4b:s5+s4], $0x100, $0x38;
	[tilespmem:$0x4800] =	vst v63  }
0x116: {  	s6 =	sadd.s32 $0x20, s5  }
0x117: {  	[tilespmem:s15], [sflag:$0x1] =	stream.linear.gather [hbm4b:s6+s4], $0x100, $0x38;
	[tilespmem:$0x4800] =	vst v63  }
0x118: {  	s10 =	sadd.s32 $0x40, s5  }
0x119: {  	[tilespmem:s16], [sflag:$0x1] =	stream.linear.gather [hbm4b:s10+s4], $0x100, $0x38;
	[tilespmem:$0x4800] =	vst v63  }
0x11a: {  	s9 =	sadd.s32 $0x60, s5  }
0x11b: {  	[tilespmem:s17], [sflag:$0x1] =	stream.linear.gather [hbm4b:s9+s4], $0x100, $0x38;
	[tilespmem:$0x4800] =	vst v63  }
0x11c: {  	s10 =	sadd.s32 $0x80, s5  }
0x11d: {  	[tilespmem:s18], [sflag:$0x1] =	stream.linear.gather [hbm4b:s10+s4], $0x100, $0x38;
	[tilespmem:$0x4800] =	vst v63  }
0x11e: {  	s9 =	sadd.s32 $0xA0, s5  }
0x11f: {  	[tilespmem:s19], [sflag:$0x1] =	stream.linear.gather [hbm4b:s9+s4], $0x100, $0x38;
	[tilespmem:$0x4800] =	vst v63  }
0x120: {  	s10 =	sadd.s32 $0xC0, s5  }
0x121: {  	[tilespmem:s20], [sflag:$0x1] =	stream.linear.gather [hbm4b:s10+s4], $0x100, $0x38;
	[tilespmem:$0x4800] =	vst v63  }
0x122: {  	s5 =	sadd.s32 $0xE0, s5  }
0x123: {  	[tilespmem:s21], [sflag:$0x1] =	stream.linear.gather [hbm4b:s5+s4], $0x100, $0x38;
	[tilespmem:$0x4800] =	vst v63  }
0x124: {  	_ =	swait.ge [sflag:s22], $0x100  }
0x125: {  	[sflag:s22] =	ssyncset.done $0x0  }
0x126: {  	[sflag:s22] =	ssyncadd.s32 $0xFFFFFF00  }
0x127: {  	_ =	swait.ge [sflag:s22], $0x100  }
0x128: {  	[sflag:s22] =	ssyncset.done $0x0  }
0x129: {  	[sflag:s22] =	ssyncadd.s32 $0xFFFFFF00  }
0x12a: {  	_ =	swait.ge [sflag:s22], $0x100  }
0x12b: {  	[sflag:s22] =	ssyncset.done $0x0  }
0x12c: {  	[sflag:s22] =	ssyncadd.s32 $0xFFFFFF00  }
0x12d: {  	_ =	swait.ge [sflag:s22], $0x100  }
0x12e: {  	[sflag:s22] =	ssyncset.done $0x0  }
0x12f: {  	[sflag:s22] =	ssyncadd.s32 $0xFFFFFF00  }
0x130: {  	_ =	swait.ge [sflag:s22], $0x100  }
0x131: {  	[sflag:s22] =	ssyncset.done $0x0  }
0x132: {  	[sflag:s22] =	ssyncadd.s32 $0xFFFFFF00  }
0x133: {  	_ =	swait.ge [sflag:s22], $0x100  }
0x134: {  	[sflag:s22] =	ssyncset.done $0x0  }
0x135: {  	[sflag:s22] =	ssyncadd.s32 $0xFFFFFF00  }
0x136: {  	_ =	swait.ge [sflag:s22], $0x100  }
0x137: {  	[sflag:s22] =	ssyncset.done $0x0  }
0x138: {  	[sflag:s22] =	ssyncadd.s32 $0xFFFFFF00  }
0x139: {  	_ =	swait.ge [sflag:s22], $0x100  }
0x13a: {  	[sflag:s22] =	ssyncset.done $0x0  }
0x13b: {  	[sflag:s22] =	ssyncadd.s32 $0xFFFFFF00  }
0x13c: {  	[spmem:s2] =	stream.indirect.scatter.add.f32 [tilespmem:s14], [sflag:$0x2], $0x8, s4, s23, $0xb8;
	[tilespmem:$0x4800] =	vst v63  }
0x13d: {  	_ = 	snop  }
0x13e: {  	[spmem:s3] =	stream.indirect.scatter.add.f32 [tilespmem:s14], [sflag:$0x2], $0x8, s23, s23, $0xb8;
	[tilespmem:$0x4800] =	vst v63  }
0x13f: {  	_ = 	snop  }
0x140: {  	[spmem:s2] =	stream.indirect.scatter.add.f32 [tilespmem:s14], [sflag:$0x2], $0x8, s15, s23, $0xb8;
	[tilespmem:$0x4800] =	vst v63  }
0x141: {  	_ = 	snop  }
0x142: {  	[spmem:s3] =	stream.indirect.scatter.add.f32 [tilespmem:s14], [sflag:$0x2], $0x8, s24, s23, $0xb8;
	[tilespmem:$0x4800] =	vst v63  }
0x143: {  	_ = 	snop  }
0x144: {  	[spmem:s2] =	stream.indirect.scatter.add.f32 [tilespmem:s14], [sflag:$0x2], $0x8, s16, s23, $0xb8;
	[tilespmem:$0x4800] =	vst v63  }
0x145: {  	_ = 	snop  }
0x146: {  	[spmem:s3] =	stream.indirect.scatter.add.f32 [tilespmem:s14], [sflag:$0x2], $0x8, s25, s23, $0xb8;
	[tilespmem:$0x4800] =	vst v63  }
0x147: {  	_ = 	snop  }
0x148: {  	[spmem:s2] =	stream.indirect.scatter.add.f32 [tilespmem:s14], [sflag:$0x2], $0x8, s17, s23, $0xb8;
	[tilespmem:$0x4800] =	vst v63  }
0x149: {  	_ = 	snop  }
0x14a: {  	[spmem:s3] =	stream.indirect.scatter.add.f32 [tilespmem:s14], [sflag:$0x2], $0x8, s26, s23, $0xb8;
	[tilespmem:$0x4800] =	vst v63  }
0x14b: {  	_ = 	snop  }
0x14c: {  	[spmem:s2] =	stream.indirect.scatter.add.f32 [tilespmem:s14], [sflag:$0x2], $0x8, s18, s23, $0xb8;
	[tilespmem:$0x4800] =	vst v63  }
0x14d: {  	_ = 	snop  }
0x14e: {  	[spmem:s3] =	stream.indirect.scatter.add.f32 [tilespmem:s14], [sflag:$0x2], $0x8, s28, s23, $0xb8;
	[tilespmem:$0x4800] =	vst v63  }
0x14f: {  	_ = 	snop  }
0x150: {  	[spmem:s2] =	stream.indirect.scatter.add.f32 [tilespmem:s14], [sflag:$0x2], $0x8, s19, s23, $0xb8;
	[tilespmem:$0x4800] =	vst v63  }
0x151: {  	_ = 	snop  }
0x152: {  	[spmem:s3] =	stream.indirect.scatter.add.f32 [tilespmem:s14], [sflag:$0x2], $0x8, s29, s23, $0xb8;
	[tilespmem:$0x4800] =	vst v63  }
0x153: {  	_ = 	snop  }
0x154: {  	[spmem:s2] =	stream.indirect.scatter.add.f32 [tilespmem:s14], [sflag:$0x2], $0x8, s20, s23, $0xb8;
	[tilespmem:$0x4800] =	vst v63  }
0x155: {  	_ = 	snop  }
0x156: {  	[spmem:s3] =	stream.indirect.scatter.add.f32 [tilespmem:s14], [sflag:$0x2], $0x8, s30, s23, $0xb8;
	[tilespmem:$0x4800] =	vst v63  }
0x157: {  	_ = 	snop  }
0x158: {  	[spmem:s2] =	stream.indirect.scatter.add.f32 [tilespmem:s14], [sflag:$0x2], $0x8, s21, s23, $0xb8;
	[tilespmem:$0x4800] =	vst v63  }
0x159: {  	_ = 	snop  }
0x15a: {  	[spmem:s3] =	stream.indirect.scatter.add.f32 [tilespmem:s14], [sflag:$0x2], $0x8, s31, s23, $0xb8;
	[tilespmem:$0x4800] =	vst v63  }
0x15b: {  	_ =	swait.ge [sflag:s0], $0x400  }
0x15c: {  	[sflag:s0] =	ssyncset.done $0x0  }
0x15d: {  	[sflag:s0] =	ssyncadd.s32 $0xFFFFFC00  }
0x15e: {  	_ =	swait.ge [sflag:s0], $0x400  }
0x15f: {  	[sflag:s0] =	ssyncset.done $0x0  }
0x160: {  	[sflag:s0] =	ssyncadd.s32 $0xFFFFFC00  }
0x161: {  	_ =	swait.ge [sflag:s0], $0x400  }
0x162: {  	[sflag:s0] =	ssyncset.done $0x0  }
0x163: {  	[sflag:s0] =	ssyncadd.s32 $0xFFFFFC00  }
0x164: {  	_ =	swait.ge [sflag:s0], $0x400  }
0x165: {  	[sflag:s0] =	ssyncset.done $0x0  }
0x166: {  	[sflag:s0] =	ssyncadd.s32 $0xFFFFFC00  }
0x167: {  	_ =	swait.ge [sflag:s0], $0x400  }
0x168: {  	[sflag:s0] =	ssyncset.done $0x0  }
0x169: {  	[sflag:s0] =	ssyncadd.s32 $0xFFFFFC00  }
0x16a: {  	_ =	swait.ge [sflag:s0], $0x400  }
0x16b: {  	[sflag:s0] =	ssyncset.done $0x0  }
0x16c: {  	[sflag:s0] =	ssyncadd.s32 $0xFFFFFC00  }
0x16d: {  	_ =	swait.ge [sflag:s0], $0x400  }
0x16e: {  	[sflag:s0] =	ssyncset.done $0x0  }
0x16f: {  	[sflag:s0] =	ssyncadd.s32 $0xFFFFFC00  }
0x170: {  	_ =	swait.ge [sflag:s0], $0x400  }
0x171: {  	[sflag:s0] =	ssyncset.done $0x0  }
0x172: {  	[sflag:s0] =	ssyncadd.s32 $0xFFFFFC00  }
0x173: {  	_ =	swait.ge [sflag:s0], $0x400  }
0x174: {  	[sflag:s0] =	ssyncset.done $0x0  }
0x175: {  	[sflag:s0] =	ssyncadd.s32 $0xFFFFFC00  }
0x176: {  	_ =	swait.ge [sflag:s0], $0x400  }
0x177: {  	[sflag:s0] =	ssyncset.done $0x0  }
0x178: {  	[sflag:s0] =	ssyncadd.s32 $0xFFFFFC00  }
0x179: {  	_ =	swait.ge [sflag:s0], $0x400  }
0x17a: {  	[sflag:s0] =	ssyncset.done $0x0  }
0x17b: {  	[sflag:s0] =	ssyncadd.s32 $0xFFFFFC00  }
0x17c: {  	_ =	swait.ge [sflag:s0], $0x400  }
0x17d: {  	[sflag:s0] =	ssyncset.done $0x0  }
0x17e: {  	[sflag:s0] =	ssyncadd.s32 $0xFFFFFC00  }
0x17f: {  	_ =	swait.ge [sflag:s0], $0x400  }
0x180: {  	[sflag:s0] =	ssyncset.done $0x0  }
0x181: {  	[sflag:s0] =	ssyncadd.s32 $0xFFFFFC00  }
0x182: {  	_ =	swait.ge [sflag:s0], $0x400  }
0x183: {  	[sflag:s0] =	ssyncset.done $0x0  }
0x184: {  	[sflag:s0] =	ssyncadd.s32 $0xFFFFFC00  }
0x185: {  	_ =	swait.ge [sflag:s0], $0x400  }
0x186: {  	[sflag:s0] =	ssyncset.done $0x0  }
0x187: {  	[sflag:s0] =	ssyncadd.s32 $0xFFFFFC00  }
0x188: {  	_ =	swait.ge [sflag:s0], $0x400  }
0x189: {  	[sflag:s0] =	ssyncset.done $0x0  }
0x18a: {  	s6 =	stileid.u32;
	[sflag:s0] =	ssyncadd.s32 $0xFFFFFC00  }
0x18b: {  	s5 =	sshll.u32 s6, $0x6;
	[bflag:$0x0] =	sbarrier.arrive $0xFFFF  }
0x18c: {  	s9 =	sshrl.u32 s7, $0x3;
	s5 =	sor.u32 $0x1C03, s5;
	s10 =	rddreg [dreg:$0x7]  }
0x18d: {  	[hbm:s10], [sflag:s5] =	dma.local [spmem:s9], $0x280  }
0x18e: {  	s1 =	sadd.s32 $0x1, s1;
	_ =	swait.ge [sflag:s13], $0x280  }
0x18f: {  	p0 =	sne.s32 s1, s11;
	s9 =	sshrl.u32 s8, $0x3;
	[sflag:s13] =	ssyncset.done $0x0  }
.Ltmp1:
0x190: {  	s10 =	rddreg [dreg:$0x8];
	[sflag:s13] =	ssyncadd.s32 $0xFFFFFD80;
	(pc) =	sbr.rel @p0 .LBB2_1-.Ltmp1, $4  }
0x191: {  	[hbm:s10], [sflag:s5] =	dma.local [spmem:s9], $0x280  }
0x192: {  	_ =	swait.ge [sflag:s13], $0x280  }
0x193: {  	[sflag:s13] =	ssyncset.done $0x0  }
0x194: {  	[sflag:s13] =	ssyncadd.s32 $0xFFFFFD80  }
0x195: {  	_ =	sfence.sel $0x180000  }
0x196: {  	[bflag:$0x0] =	sbarrier.arrive $0xFFFF  }
0x197: {  	_ =	strace $0x90000047  }
0x198: {  	s0 =	stileid.u32;
	[bflag:$0x2] =	sbarrier.arrive $0xFFFF  }
0x199: {  	p0 =	sne.s32 s0, $0x0;
	s0 =	rddreg [dreg:$0x3]  }
0x19a: {  	s0 =	sadd.s32 @!p0 $0x100000, s0  }
0x19b: {  	[sflag:s0] =	ssyncadd.tile.s32 @!p0 $0x1;
	_ =	shalt  }
.Lfunc_end2:
_tile_overlayer_lowered:
.L_overlay_start_2:
0x19c: {  	(tag) =	ssettag $0x2  }
0x19d: {  	s0 =	rddreg [dreg:$0x0];
	s2 =	stileid.u32  }
0x19e: {  	s1 =	rddreg [dreg:$0x1];
	p0 =	sne.s32 s2, $0x0  }
0x19f: {  	s3 =	rddreg [dreg:$0x2];
	[bflag:$0x3] =	sbarrier.arrive $0xFFFF;
	s2 =	simm.s32 @!p0 $0x1C03  }
0x1a0: {  	[timem:s3], [sflag:s2] =	dma.local @!p0 [hbm:s0], s1  }
0x1a1: {  	s0 =	simm.s32 @!p0 $0x3  }
0x1a2: {  	_ =	swait.ge @!p0 [sflag:s0], s1  }
0x1a3: {  	s1 =	ssub.s32 @!p0 $0x0, s1;
	[sflag:s0] =	ssyncset.done @!p0 $0x0  }
0x1a4: {  	[sflag:s0] =	ssyncadd.s32 @!p0 s1  }
0x1a5: {  	[bflag:$0x3] =	sbarrier.arrive $0xFFFF  }
0x1a6: {  	_ =	shalt  }

</sc_bundles>
